<compile_context>
chip_gen: v7x
topology: tpu7x:2x2x1
jax: 0.10.2.dev20260603
libtpu: 0.0.44.dev20260713+nightly
codegen_flags: <defaults>
</compile_context>

<pallas_src>
import functools

import jax
import jax.numpy as jnp
from jax import lax
from jax.experimental import pallas as pl
from jax.experimental.pallas import tpu as pltpu
from jax.experimental.pallas import tpu_sc as plsc

NC = 2
NS = 16
NW = NC * NS
LANES = 16
CHUNK = 80


@functools.lru_cache(maxsize=None)
def _make_stage1(E, N, H):
    EP = E // NW
    nch = EP // CHUNK
    RPT = (N // NS) & ~7
    tail = N - RPT * NS
    zrows = 48
    assert EP % CHUNK == 0 and RPT % zrows == 0 and tail % 8 == 0
    assert tail <= zrows

    mesh = plsc.VectorSubcoreMesh(core_axis_name="c", subcore_axis_name="s")

    def body(e_hbm, start_hbm, end_hbm, vol_hbm,
             msgp_hbm, combo_hbm, idx1_hbm, idx2_hbm,
             vol_v, erows, sidx, eidx, combo_v, i1_v, i2_v, zblk, msg_sh,
             lsem, ssem, wsem):
        cid = lax.axis_index("c")
        sid = lax.axis_index("s")
        wid = cid * NS + sid

        zero16 = jnp.zeros((LANES,), jnp.float32)
        for i in range(zrows):
            for j in range(H // LANES):
                zblk[i, pl.ds(j * LANES, LANES)] = zero16
        r0 = pl.multiple_of(sid * RPT, 8)
        for k in range(RPT // zrows):
            pltpu.sync_copy(zblk, msg_sh.at[pl.ds(r0 + k * zrows, zrows)])
        if tail:
            @pl.when(sid == 0)
            def _():
                pltpu.sync_copy(zblk.at[pl.ds(0, tail)],
                                msg_sh.at[pl.ds(RPT * NS, tail)])

        pltpu.sync_copy(vol_hbm, vol_v)
        plsc.subcore_barrier()

        def chunk_base(t):
            return pl.multiple_of(wid * EP + t * CHUNK, 8)

        def start_loads(t, b):
            base = chunk_base(t)
            pltpu.async_copy(start_hbm.at[pl.ds(base, CHUNK)], sidx.at[b], lsem)
            pltpu.async_copy(end_hbm.at[pl.ds(base, CHUNK)], eidx.at[b], lsem)
            pltpu.async_copy(e_hbm.at[pl.ds(base, CHUNK)], erows.at[b], lsem)

        def wait_loads(t, b):
            base = chunk_base(t)
            pltpu.make_async_copy(start_hbm.at[pl.ds(base, CHUNK)],
                                  sidx.at[b], lsem).wait()
            pltpu.make_async_copy(end_hbm.at[pl.ds(base, CHUNK)],
                                  eidx.at[b], lsem).wait()
            pltpu.make_async_copy(e_hbm.at[pl.ds(base, CHUNK)],
                                  erows.at[b], lsem).wait()

        def wait_scatter(b):
            pltpu.make_async_copy(erows.at[b], msg_sh.at[eidx.at[b]],
                                  ssem).wait()

        def wait_writes(t, b):
            base = chunk_base(t)
            pltpu.make_async_copy(combo_v.at[b],
                                  combo_hbm.at[pl.ds(base, CHUNK)], wsem).wait()
            pltpu.make_async_copy(i1_v.at[b],
                                  idx1_hbm.at[pl.ds(base, CHUNK)], wsem).wait()
            pltpu.make_async_copy(i2_v.at[b],
                                  idx2_hbm.at[pl.ds(base, CHUNK)], wsem).wait()

        start_loads(0, 0)

        @pl.loop(0, (nch + 1) // 2)
        def _(p):
            for b in range(2):
                t = p * 2 + b

                @pl.when(t < nch)
                def _():
                    base = chunk_base(t)
                    wait_loads(t, b)
                    pltpu.async_copy(erows.at[b], msg_sh.at[eidx.at[b]], ssem,
                                     add=True)

                    @pl.when(t >= 1)
                    def _():
                        wait_scatter(1 - b)

                    @pl.when(t + 1 < nch)
                    def _():
                        start_loads(t + 1, 1 - b)

                    @pl.when(t >= 2)
                    def _():
                        wait_writes(t - 2, b)

                    for j in range(CHUNK // LANES):
                        sl = (b, pl.ds(j * LANES, LANES))
                        s = sidx[sl]
                        d = eidx[sl]
                        vs = plsc.load_gather(vol_v, [s])
                        ve = plsc.load_gather(vol_v, [d])
                        code = vs * 2 + ve
                        c = jnp.where(code == 3, 2,
                                      jnp.where(code == 2, 3, code))
                        cc = jnp.where(c == 3, 0, c)
                        combo_v[sl] = c
                        i1_v[sl] = cc * N + s
                        i2_v[sl] = cc * N + d
                    pltpu.async_copy(combo_v.at[b],
                                     combo_hbm.at[pl.ds(base, CHUNK)], wsem)
                    pltpu.async_copy(i1_v.at[b],
                                     idx1_hbm.at[pl.ds(base, CHUNK)], wsem)
                    pltpu.async_copy(i2_v.at[b],
                                     idx2_hbm.at[pl.ds(base, CHUNK)], wsem)

        wait_scatter((nch - 1) % 2)
        for t in (nch - 2, nch - 1):
            wait_writes(t, t % 2)
        plsc.subcore_barrier()
        pltpu.sync_copy(msg_sh.at[pl.ds(r0, RPT)],
                        msgp_hbm.at[cid, pl.ds(r0, RPT)])
        if tail:
            @pl.when(sid == 0)
            def _():
                pltpu.sync_copy(msg_sh.at[pl.ds(RPT * NS, tail)],
                                msgp_hbm.at[cid, pl.ds(RPT * NS, tail)])

    return pl.kernel(
        body,
        compiler_params=pltpu.CompilerParams(needs_layout_passes=False),
        out_type=[
            jax.ShapeDtypeStruct((NC, N, H), jnp.float32),
            jax.ShapeDtypeStruct((E,), jnp.int32),
            jax.ShapeDtypeStruct((E,), jnp.int32),
            jax.ShapeDtypeStruct((E,), jnp.int32),
        ],
        mesh=mesh,
        scratch_types=[
            pltpu.VMEM((N,), jnp.int32),
            pltpu.VMEM((2, CHUNK, H), jnp.float32),
            pltpu.VMEM((2, CHUNK), jnp.int32),
            pltpu.VMEM((2, CHUNK), jnp.int32),
            pltpu.VMEM((2, CHUNK), jnp.int32),
            pltpu.VMEM((2, CHUNK), jnp.int32),
            pltpu.VMEM((2, CHUNK), jnp.int32),
            pltpu.VMEM((48, H), jnp.float32),
            pltpu.VMEM_SHARED((N, H), jnp.float32),
            pltpu.SemaphoreType.DMA,
            pltpu.SemaphoreType.DMA,
            pltpu.SemaphoreType.DMA,
        ],
    )


@functools.lru_cache(maxsize=None)
def _make_stage3(E, N, H):
    EP = E // NW
    nch = EP // CHUNK
    HW = H // 2

    mesh = plsc.VectorSubcoreMesh(core_axis_name="c", subcore_axis_name="s")

    def body(pa_hbm, qb_hbm, idx1_hbm, idx2_hbm, g_hbm,
             i1_v, i2_v, r1, g1sem, g2sem, isem, osem):
        cid = lax.axis_index("c")
        sid = lax.axis_index("s")
        wid = cid * NS + sid

        def chunk_base(t):
            return pl.multiple_of(wid * EP + t * CHUNK, 8)

        def load_idx(t, b):
            base = chunk_base(t)
            pltpu.async_copy(idx1_hbm.at[pl.ds(base, CHUNK)], i1_v.at[b], isem)
            pltpu.async_copy(idx2_hbm.at[pl.ds(base, CHUNK)], i2_v.at[b], isem)

        def wait_idx(t, b):
            base = chunk_base(t)
            pltpu.make_async_copy(idx1_hbm.at[pl.ds(base, CHUNK)],
                                  i1_v.at[b], isem).wait()
            pltpu.make_async_copy(idx2_hbm.at[pl.ds(base, CHUNK)],
                                  i2_v.at[b], isem).wait()

        def gather1(b):
            pltpu.async_copy(pa_hbm.at[i1_v.at[b]], r1.at[b], g1sem)

        def wait_gather1(b):
            pltpu.make_async_copy(pa_hbm.at[i1_v.at[b]], r1.at[b],
                                  g1sem).wait()

        def gather2(b):
            pltpu.async_copy(qb_hbm.at[i2_v.at[b]], r1.at[b], g2sem, add=True)

        def wait_gather2(b):
            pltpu.make_async_copy(qb_hbm.at[i2_v.at[b]], r1.at[b],
                                  g2sem).wait()

        def wait_write(t, b):
            pltpu.make_async_copy(r1.at[b],
                                  g_hbm.at[pl.ds(chunk_base(t), CHUNK)],
                                  osem).wait()

        load_idx(0, 0)
        wait_idx(0, 0)
        gather1(0)
        load_idx(1, 1)

        @pl.loop(0, (nch + 1) // 2)
        def _(p):
            for b in range(2):
                t = p * 2 + b

                @pl.when(t < nch)
                def _():
                    wait_gather1(b)
                    gather2(b)

                    @pl.when(t + 1 < nch)
                    def _():
                        wait_idx(t + 1, 1 - b)

                        @pl.when(t >= 1)
                        def _():
                            wait_write(t - 1, 1 - b)
                        gather1(1 - b)

                    wait_gather2(b)

                    @pl.when(t + 2 < nch)
                    def _():
                        load_idx(t + 2, b)

                    pltpu.async_copy(r1.at[b],
                                     g_hbm.at[pl.ds(chunk_base(t), CHUNK)],
                                     osem)

        for t in (nch - 2, nch - 1):
            wait_write(t, t % 2)

    return pl.kernel(
        body,
        compiler_params=pltpu.CompilerParams(needs_layout_passes=False),
        out_type=jax.ShapeDtypeStruct((E, H), jnp.float32),
        mesh=mesh,
        scratch_types=[
            pltpu.VMEM((2, CHUNK), jnp.int32),
            pltpu.VMEM((2, CHUNK), jnp.int32),
            pltpu.VMEM((2, CHUNK, H), jnp.float32),
            pltpu.SemaphoreType.DMA,
            pltpu.SemaphoreType.DMA,
            pltpu.SemaphoreType.DMA,
            pltpu.SemaphoreType.DMA,
        ],
    )


def _node_body(x_ref, msgp_ref, vol_ref, w0_ref, b0_ref, w1_ref, b1_ref,
               p_ref, q_ref, eb_ref, xout_ref, pa_ref, qb_ref):
    x = x_ref[...]
    m = msgp_ref[0] + msgp_ref[1]
    ni = jnp.concatenate([x, m], axis=1)
    f0 = jnp.dot(ni, w0_ref[...], preferred_element_type=jnp.float32) + b0_ref[...]
    f1 = jnp.dot(ni, w1_ref[...], preferred_element_type=jnp.float32) + b1_ref[...]
    vol = vol_ref[...]
    xo = jnp.where(vol == 0, f0, f1) + x
    xout_ref[...] = xo
    for c in range(3):
        pa_ref[c] = jnp.dot(xo, p_ref[c], preferred_element_type=jnp.float32) + eb_ref[c]
        qb_ref[c] = jnp.dot(xo, q_ref[c], preferred_element_type=jnp.float32)


@functools.lru_cache(maxsize=None)
def _make_stage2(N, H, BN=2000):
    grid = N // BN
    f32 = jnp.float32
    return pl.pallas_call(
        _node_body,
        grid=(grid,),
        in_specs=[
            pl.BlockSpec((BN, H), lambda i: (i, 0)),
            pl.BlockSpec((NC, BN, H), lambda i: (0, i, 0)),
            pl.BlockSpec((BN, 1), lambda i: (i, 0)),
            pl.BlockSpec((2 * H, H), lambda i: (0, 0)),
            pl.BlockSpec((1, H), lambda i: (0, 0)),
            pl.BlockSpec((2 * H, H), lambda i: (0, 0)),
            pl.BlockSpec((1, H), lambda i: (0, 0)),
            pl.BlockSpec((3, H, H), lambda i: (0, 0, 0)),
            pl.BlockSpec((3, H, H), lambda i: (0, 0, 0)),
            pl.BlockSpec((3, 1, H), lambda i: (0, 0, 0)),
        ],
        out_specs=[
            pl.BlockSpec((BN, H), lambda i: (i, 0)),
            pl.BlockSpec((3, BN, H), lambda i: (0, i, 0)),
            pl.BlockSpec((3, BN, H), lambda i: (0, i, 0)),
        ],
        out_shape=[
            jax.ShapeDtypeStruct((N, H), f32),
            jax.ShapeDtypeStruct((3, N, H), f32),
            jax.ShapeDtypeStruct((3, N, H), f32),
        ],
    )


def _edge_body(e_ref, g_ref, combo_ref, r_ref, out_ref):
    eb = e_ref[...]
    eh = eb.astype(jnp.bfloat16)
    r = r_ref[...].astype(jnp.bfloat16)
    m0 = jnp.dot(eh, r[0], preferred_element_type=jnp.float32)
    m1 = jnp.dot(eh, r[1], preferred_element_type=jnp.float32)
    m2 = jnp.dot(eh, r[2], preferred_element_type=jnp.float32)
    c = combo_ref[...]
    sel = jnp.where(c == 0, m0, jnp.where(c == 1, m1, m2))
    out_ref[...] = eb + jnp.where(c <= 2, g_ref[...] + sel, 0.0)


@functools.lru_cache(maxsize=None)
def _make_stage4(E, H, BE=4000):
    grid = E // BE
    return pl.pallas_call(
        _edge_body,
        grid=(grid,),
        in_specs=[
            pl.BlockSpec((BE, H), lambda i: (i, 0)),
            pl.BlockSpec((BE, H), lambda i: (i, 0)),
            pl.BlockSpec((BE, 1), lambda i: (i, 0)),
            pl.BlockSpec((3, H, H), lambda i: (0, 0, 0)),
        ],
        out_specs=pl.BlockSpec((BE, H), lambda i: (i, 0)),
        out_shape=jax.ShapeDtypeStruct((E, H), jnp.float32),
    )


def kernel(x, edge_index, e, volume_id, ne0_W, ne0_b, ne1_W, ne1_b,
           ee0_W, ee0_b, ee1_W, ee1_b, ee2_W, ee2_b):
    N, H = x.shape
    E = e.shape[0]
    start = edge_index[0]
    end = edge_index[1]

    msgp, combo, idx1, idx2 = _make_stage1(E, N, H)(e, start, end, volume_id)

    P = jnp.stack([ee0_W[:H], ee1_W[:H], ee2_W[:H]])
    Q = jnp.stack([ee0_W[H:2 * H], ee1_W[H:2 * H], ee2_W[H:2 * H]])
    R = jnp.stack([ee0_W[2 * H:], ee1_W[2 * H:], ee2_W[2 * H:]])
    ebias = jnp.stack([ee0_b, ee1_b, ee2_b])[:, None, :]

    x_out, PA, QB = _make_stage2(N, H)(
        x, msgp, volume_id[:, None], ne0_W, ne0_b[None], ne1_W, ne1_b[None],
        P, Q, ebias)

    Gv = _make_stage3(E, N, H)(
        PA.reshape(3 * N, H), QB.reshape(3 * N, H), idx1, idx2)

    e_out = _make_stage4(E, H)(e, Gv, combo[:, None], R)
    return (x_out, e_out)

# --- scband reference (transcript-rebuilt; emitter-appended) ---
"""Pipeline reference for scband-hetero-conv-19490561589641 (READ-ONLY COPY).

The authoritative reference and input builder live on the scoring server;
editing this copy changes nothing except your own understanding.
"""

import jax, jax.numpy as jnp
import numpy as np

N = 10000
E = 320000
H = 128

def _lin(h, W, b):
    return h @ W + b

def setup_inputs(seed: int = 0):
    key = jax.random.key(seed)
    ks = jax.random.split(key, 16)
    s = 0.05
    x = jax.random.normal(ks[0], (N, H), dtype=jnp.float32)
    edge_index = jax.random.randint(ks[1], (2, E), 0, N, dtype=jnp.int32)
    e = jax.random.normal(ks[2], (E, H), dtype=jnp.float32)
    volume_id = jax.random.randint(ks[3], (N,), 0, 2, dtype=jnp.int32)
    ne0_W = jax.random.normal(ks[4], (2 * H, H), dtype=jnp.float32) * s
    ne0_b = jnp.zeros((H,), jnp.float32)
    ne1_W = jax.random.normal(ks[5], (2 * H, H), dtype=jnp.float32) * s
    ne1_b = jnp.zeros((H,), jnp.float32)
    ee0_W = jax.random.normal(ks[6], (3 * H, H), dtype=jnp.float32) * s
    ee0_b = jnp.zeros((H,), jnp.float32)
    ee1_W = jax.random.normal(ks[7], (3 * H, H), dtype=jnp.float32) * s
    ee1_b = jnp.zeros((H,), jnp.float32)
    ee2_W = jax.random.normal(ks[8], (3 * H, H), dtype=jnp.float32) * s
    ee2_b = jnp.zeros((H,), jnp.float32)
    return {"x": x, "edge_index": edge_index, "e": e, "volume_id": volume_id,
            "ne0_W": ne0_W, "ne0_b": ne0_b, "ne1_W": ne1_W, "ne1_b": ne1_b,
            "ee0_W": ee0_W, "ee0_b": ee0_b, "ee1_W": ee1_W, "ee1_b": ee1_b,
            "ee2_W": ee2_W, "ee2_b": ee2_b}

def reference(x, edge_index, e, volume_id, ne0_W, ne0_b, ne1_W, ne1_b, ee0_W, ee0_b, ee1_W, ee1_b, ee2_W, ee2_b):
    start, end = edge_index[0], edge_index[1]
    # aggregation 'sum' -> scatter_add over destination nodes
    msg = jax.ops.segment_sum(e, end, num_segments=x.shape[0])
    node_in = jnp.concatenate([x, msg], axis=-1)
    # fill_hetero_nodes: per-model encoder, selected by volume_id mask
    fill = jnp.zeros((x.shape[0], H), x.dtype)
    for m, (W, b) in enumerate([(ne0_W, ne0_b), (ne1_W, ne1_b)]):
        mask = volume_id == m
        fill = jnp.where(mask[:, None], _lin(node_in, W, b), fill)
    x_out = fill + x
    # fill_hetero_edges: per-combo encoder over (vol[start], vol[end]) pairs
    vs = volume_id[start]
    ve = volume_id[end]
    feats = jnp.concatenate([x_out[start], x_out[end], e], axis=-1)
    efill = jnp.zeros((e.shape[0], H), e.dtype)
    for (c0, c1), (W, b) in zip([(0, 0), (0, 1), (1, 1)], [(ee0_W, ee0_b), (ee1_W, ee1_b), (ee2_W, ee2_b)]):
        mask = (vs == c0) & (ve == c1)
        efill = jnp.where(mask[:, None], _lin(feats, W, b), efill)
    e_out = efill + e
    return (x_out, e_out)

if __name__ == "__main__":
    import jax
    _d = setup_inputs()
    print(jax.jit(kernel)(*tuple(_d.values())))

</pallas_src>

<mosaic_0001>
#map = affine_map<(d0, d1) -> (0, 0)>
#map1 = affine_map<(d0, d1) -> (0)>
#map2 = affine_map<(d0, d1) -> (0, 0, 0)>
module attributes {stable_mosaic.version = 14 : i64} {
  func.func @body(%arg0: i32, %arg1: i32, %arg2: memref<320000x128xf32, #tpu.memory_space<hbm>>, %arg3: memref<320000xi32, #tpu.memory_space<hbm>>, %arg4: memref<320000xi32, #tpu.memory_space<hbm>>, %arg5: memref<10000xi32, #tpu.memory_space<hbm>>, %arg6: memref<2x10000x128xf32, #tpu.memory_space<hbm>>, %arg7: memref<320000xi32, #tpu.memory_space<hbm>>, %arg8: memref<320000xi32, #tpu.memory_space<hbm>>, %arg9: memref<320000xi32, #tpu.memory_space<hbm>>, %arg10: memref<10000xi32, #tpu.memory_space<vmem>>, %arg11: memref<2x80x128xf32, #tpu.memory_space<vmem>>, %arg12: memref<2x80xi32, #tpu.memory_space<vmem>>, %arg13: memref<2x80xi32, #tpu.memory_space<vmem>>, %arg14: memref<2x80xi32, #tpu.memory_space<vmem>>, %arg15: memref<2x80xi32, #tpu.memory_space<vmem>>, %arg16: memref<2x80xi32, #tpu.memory_space<vmem>>, %arg17: memref<48x128xf32, #tpu.memory_space<vmem>>, %arg18: memref<10000x128xf32, #tpu.memory_space<vmem_shared>>, %arg19: memref<!tpu.dma_semaphore, #tpu.memory_space<semaphore_mem>>, %arg20: memref<!tpu.dma_semaphore, #tpu.memory_space<semaphore_mem>>, %arg21: memref<!tpu.dma_semaphore, #tpu.memory_space<semaphore_mem>>) attributes {dimension_semantics = [#tpu.dimension_semantics<core_parallel>, #tpu.dimension_semantics<subcore_parallel>], iteration_bounds = array<i64: 2, 16>, scalar_prefetch = 0 : i64, scratch_operands = 12 : i64, tpu.core_type = #tpu.core_type<sc_vector_subcore>, window_params = [{transform_indices = #map}, {transform_indices = #map1}, {transform_indices = #map1}, {transform_indices = #map1}, {transform_indices = #map2}, {transform_indices = #map1}, {transform_indices = #map1}, {transform_indices = #map1}]} {
    %mul3A = arith.constant 16 : i32
    %mul3A_0 = arith.muli %arg0, %mul3A : i32
    %add3A = arith.addi %mul3A_0, %arg1 : i32
    %broadcast_in_dim3A = arith.constant 0.000000e+00 : f32
    %broadcast_in_dim3A_1 = vector.broadcast %broadcast_in_dim3A : f32 to vector<16xf32>
    %swap3A = arith.constant 0 : i32
    %swap3A_2 = arith.index_cast %swap3A : i32 to index
    %swap3A_3 = arith.constant 0 : index
    %swap3A_4 = tpu.vector_load %arg17[%swap3A_2, %swap3A_3] {strides = array<i32>} : memref<48x128xf32, #tpu.memory_space<vmem>>, vector<16xf32>,
    tpu.vector_store %arg17[%swap3A_2, %swap3A_3], %broadcast_in_dim3A_1 {strides = array<i32>} : memref<48x128xf32, #tpu.memory_space<vmem>>, vector<16xf32>,
    %swap3A_5 = arith.constant 0 : i32
    %swap3A_6 = arith.index_cast %swap3A_5 : i32 to index
    %swap3A_7 = arith.constant 16 : index
    %swap3A_8 = tpu.vector_load %arg17[%swap3A_6, %swap3A_7] {strides = array<i32>} : memref<48x128xf32, #tpu.memory_space<vmem>>, vector<16xf32>,
    tpu.vector_store %arg17[%swap3A_6, %swap3A_7], %broadcast_in_dim3A_1 {strides = array<i32>} : memref<48x128xf32, #tpu.memory_space<vmem>>, vector<16xf32>,
    %swap3A_9 = arith.constant 0 : i32
    %swap3A_10 = arith.index_cast %swap3A_9 : i32 to index
    %swap3A_11 = arith.constant 32 : index
    %swap3A_12 = tpu.vector_load %arg17[%swap3A_10, %swap3A_11] {strides = array<i32>} : memref<48x128xf32, #tpu.memory_space<vmem>>, vector<16xf32>,
    tpu.vector_store %arg17[%swap3A_10, %swap3A_11], %broadcast_in_dim3A_1 {strides = array<i32>} : memref<48x128xf32, #tpu.memory_space<vmem>>, vector<16xf32>,
    %swap3A_13 = arith.constant 0 : i32
    %swap3A_14 = arith.index_cast %swap3A_13 : i32 to index
    %swap3A_15 = arith.constant 48 : index
    %swap3A_16 = tpu.vector_load %arg17[%swap3A_14, %swap3A_15] {strides = array<i32>} : memref<48x128xf32, #tpu.memory_space<vmem>>, vector<16xf32>,
    tpu.vector_store %arg17[%swap3A_14, %swap3A_15], %broadcast_in_dim3A_1 {strides = array<i32>} : memref<48x128xf32, #tpu.memory_space<vmem>>, vector<16xf32>,
    %swap3A_17 = arith.constant 0 : i32
    %swap3A_18 = arith.index_cast %swap3A_17 : i32 to index
    %swap3A_19 = arith.constant 64 : index
    %swap3A_20 = tpu.vector_load %arg17[%swap3A_18, %swap3A_19] {strides = array<i32>} : memref<48x128xf32, #tpu.memory_space<vmem>>, vector<16xf32>,
    tpu.vector_store %arg17[%swap3A_18, %swap3A_19], %broadcast_in_dim3A_1 {strides = array<i32>} : memref<48x128xf32, #tpu.memory_space<vmem>>, vector<16xf32>,
    %swap3A_21 = arith.constant 0 : i32
    %swap3A_22 = arith.index_cast %swap3A_21 : i32 to index
    %swap3A_23 = arith.constant 80 : index
    %swap3A_24 = tpu.vector_load %arg17[%swap3A_22, %swap3A_23] {strides = array<i32>} : memref<48x128xf32, #tpu.memory_space<vmem>>, vector<16xf32>,
    tpu.vector_store %arg17[%swap3A_22, %swap3A_23], %broadcast_in_dim3A_1 {strides = array<i32>} : memref<48x128xf32, #tpu.memory_space<vmem>>, vector<16xf32>,
    %swap3A_25 = arith.constant 0 : i32
    %swap3A_26 = arith.index_cast %swap3A_25 : i32 to index
    %swap3A_27 = arith.constant 96 : index
    %swap3A_28 = tpu.vector_load %arg17[%swap3A_26, %swap3A_27] {strides = array<i32>} : memref<48x128xf32, #tpu.memory_space<vmem>>, vector<16xf32>,
    tpu.vector_store %arg17[%swap3A_26, %swap3A_27], %broadcast_in_dim3A_1 {strides = array<i32>} : memref<48x128xf32, #tpu.memory_space<vmem>>, vector<16xf32>,
    %swap3A_29 = arith.constant 0 : i32
    %swap3A_30 = arith.index_cast %swap3A_29 : i32 to index
    %swap3A_31 = arith.constant 112 : index
    %swap3A_32 = tpu.vector_load %arg17[%swap3A_30, %swap3A_31] {strides = array<i32>} : memref<48x128xf32, #tpu.memory_space<vmem>>, vector<16xf32>,
    tpu.vector_store %arg17[%swap3A_30, %swap3A_31], %broadcast_in_dim3A_1 {strides = array<i32>} : memref<48x128xf32, #tpu.memory_space<vmem>>, vector<16xf32>,
    %swap3A_33 = arith.constant 1 : i32
    %swap3A_34 = arith.index_cast %swap3A_33 : i32 to index
    %swap3A_35 = arith.constant 0 : index
    %swap3A_36 = tpu.vector_load %arg17[%swap3A_34, %swap3A_35] {strides = array<i32>} : memref<48x128xf32, #tpu.memory_space<vmem>>, vector<16xf32>,
    tpu.vector_store %arg17[%swap3A_34, %swap3A_35], %broadcast_in_dim3A_1 {strides = array<i32>} : memref<48x128xf32, #tpu.memory_space<vmem>>, vector<16xf32>,
    %swap3A_37 = arith.constant 1 : i32
    %swap3A_38 = arith.index_cast %swap3A_37 : i32 to index
    %swap3A_39 = arith.constant 16 : index
    %swap3A_40 = tpu.vector_load %arg17[%swap3A_38, %swap3A_39] {strides = array<i32>} : memref<48x128xf32, #tpu.memory_space<vmem>>, vector<16xf32>,
    tpu.vector_store %arg17[%swap3A_38, %swap3A_39], %broadcast_in_dim3A_1 {strides = array<i32>} : memref<48x128xf32, #tpu.memory_space<vmem>>, vector<16xf32>,
    %swap3A_41 = arith.constant 1 : i32
    %swap3A_42 = arith.index_cast %swap3A_41 : i32 to index
    %swap3A_43 = arith.constant 32 : index
    %swap3A_44 = tpu.vector_load %arg17[%swap3A_42, %swap3A_43] {strides = array<i32>} : memref<48x128xf32, #tpu.memory_space<vmem>>, vector<16xf32>,
    tpu.vector_store %arg17[%swap3A_42, %swap3A_43], %broadcast_in_dim3A_1 {strides = array<i32>} : memref<48x128xf32, #tpu.memory_space<vmem>>, vector<16xf32>,
    %swap3A_45 = arith.constant 1 : i32
    %swap3A_46 = arith.index_cast %swap3A_45 : i32 to index
    %swap3A_47 = arith.constant 48 : index
    %swap3A_48 = tpu.vector_load %arg17[%swap3A_46, %swap3A_47] {strides = array<i32>} : memref<48x128xf32, #tpu.memory_space<vmem>>, vector<16xf32>,
    tpu.vector_store %arg17[%swap3A_46, %swap3A_47], %broadcast_in_dim3A_1 {strides = array<i32>} : memref<48x128xf32, #tpu.memory_space<vmem>>, vector<16xf32>,
    %swap3A_49 = arith.constant 1 : i32
    %swap3A_50 = arith.index_cast %swap3A_49 : i32 to index
    %swap3A_51 = arith.constant 64 : index
    %swap3A_52 = tpu.vector_load %arg17[%swap3A_50, %swap3A_51] {strides = array<i32>} : memref<48x128xf32, #tpu.memory_space<vmem>>, vector<16xf32>,
    tpu.vector_store %arg17[%swap3A_50, %swap3A_51], %broadcast_in_dim3A_1 {strides = array<i32>} : memref<48x128xf32, #tpu.memory_space<vmem>>, vector<16xf32>,
    %swap3A_53 = arith.constant 1 : i32
    %swap3A_54 = arith.index_cast %swap3A_53 : i32 to index
    %swap3A_55 = arith.constant 80 : index
    %swap3A_56 = tpu.vector_load %arg17[%swap3A_54, %swap3A_55] {strides = array<i32>} : memref<48x128xf32, #tpu.memory_space<vmem>>, vector<16xf32>,
    tpu.vector_store %arg17[%swap3A_54, %swap3A_55], %broadcast_in_dim3A_1 {strides = array<i32>} : memref<48x128xf32, #tpu.memory_space<vmem>>, vector<16xf32>,
    %swap3A_57 = arith.constant 1 : i32
    %swap3A_58 = arith.index_cast %swap3A_57 : i32 to index
    %swap3A_59 = arith.constant 96 : index
    %swap3A_60 = tpu.vector_load %arg17[%swap3A_58, %swap3A_59] {strides = array<i32>} : memref<48x128xf32, #tpu.memory_space<vmem>>, vector<16xf32>,
    tpu.vector_store %arg17[%swap3A_58, %swap3A_59], %broadcast_in_dim3A_1 {strides = array<i32>} : memref<48x128xf32, #tpu.memory_space<vmem>>, vector<16xf32>,
    %swap3A_61 = arith.constant 1 : i32
    %swap3A_62 = arith.index_cast %swap3A_61 : i32 to index
    %swap3A_63 = arith.constant 112 : index
    %swap3A_64 = tpu.vector_load %arg17[%swap3A_62, %swap3A_63] {strides = array<i32>} : memref<48x128xf32, #tpu.memory_space<vmem>>, vector<16xf32>,
    tpu.vector_store %arg17[%swap3A_62, %swap3A_63], %broadcast_in_dim3A_1 {strides = array<i32>} : memref<48x128xf32, #tpu.memory_space<vmem>>, vector<16xf32>,
    %swap3A_65 = arith.constant 2 : i32
    %swap3A_66 = arith.index_cast %swap3A_65 : i32 to index
    %swap3A_67 = arith.constant 0 : index
    %swap3A_68 = tpu.vector_load %arg17[%swap3A_66, %swap3A_67] {strides = array<i32>} : memref<48x128xf32, #tpu.memory_space<vmem>>, vector<16xf32>,
    tpu.vector_store %arg17[%swap3A_66, %swap3A_67], %broadcast_in_dim3A_1 {strides = array<i32>} : memref<48x128xf32, #tpu.memory_space<vmem>>, vector<16xf32>,
    %swap3A_69 = arith.constant 2 : i32
    %swap3A_70 = arith.index_cast %swap3A_69 : i32 to index
    %swap3A_71 = arith.constant 16 : index
    %swap3A_72 = tpu.vector_load %arg17[%swap3A_70, %swap3A_71] {strides = array<i32>} : memref<48x128xf32, #tpu.memory_space<vmem>>, vector<16xf32>,
    tpu.vector_store %arg17[%swap3A_70, %swap3A_71], %broadcast_in_dim3A_1 {strides = array<i32>} : memref<48x128xf32, #tpu.memory_space<vmem>>, vector<16xf32>,
    %swap3A_73 = arith.constant 2 : i32
    %swap3A_74 = arith.index_cast %swap3A_73 : i32 to index
    %swap3A_75 = arith.constant 32 : index
    %swap3A_76 = tpu.vector_load %arg17[%swap3A_74, %swap3A_75] {strides = array<i32>} : memref<48x128xf32, #tpu.memory_space<vmem>>, vector<16xf32>,
    tpu.vector_store %arg17[%swap3A_74, %swap3A_75], %broadcast_in_dim3A_1 {strides = array<i32>} : memref<48x128xf32, #tpu.memory_space<vmem>>, vector<16xf32>,
    %swap3A_77 = arith.constant 2 : i32
    %swap3A_78 = arith.index_cast %swap3A_77 : i32 to index
    %swap3A_79 = arith.constant 48 : index
    %swap3A_80 = tpu.vector_load %arg17[%swap3A_78, %swap3A_79] {strides = array<i32>} : memref<48x128xf32, #tpu.memory_space<vmem>>, vector<16xf32>,
    tpu.vector_store %arg17[%swap3A_78, %swap3A_79], %broadcast_in_dim3A_1 {strides = array<i32>} : memref<48x128xf32, #tpu.memory_space<vmem>>, vector<16xf32>,
    %swap3A_81 = arith.constant 2 : i32
    %swap3A_82 = arith.index_cast %swap3A_81 : i32 to index
    %swap3A_83 = arith.constant 64 : index
    %swap3A_84 = tpu.vector_load %arg17[%swap3A_82, %swap3A_83] {strides = array<i32>} : memref<48x128xf32, #tpu.memory_space<vmem>>, vector<16xf32>,
    tpu.vector_store %arg17[%swap3A_82, %swap3A_83], %broadcast_in_dim3A_1 {strides = array<i32>} : memref<48x128xf32, #tpu.memory_space<vmem>>, vector<16xf32>,
    %swap3A_85 = arith.constant 2 : i32
    %swap3A_86 = arith.index_cast %swap3A_85 : i32 to index
    %swap3A_87 = arith.constant 80 : index
    %swap3A_88 = tpu.vector_load %arg17[%swap3A_86, %swap3A_87] {strides = array<i32>} : memref<48x128xf32, #tpu.memory_space<vmem>>, vector<16xf32>,
    tpu.vector_store %arg17[%swap3A_86, %swap3A_87], %broadcast_in_dim3A_1 {strides = array<i32>} : memref<48x128xf32, #tpu.memory_space<vmem>>, vector<16xf32>,
    %swap3A_89 = arith.constant 2 : i32
    %swap3A_90 = arith.index_cast %swap3A_89 : i32 to index
    %swap3A_91 = arith.constant 96 : index
    %swap3A_92 = tpu.vector_load %arg17[%swap3A_90, %swap3A_91] {strides = array<i32>} : memref<48x128xf32, #tpu.memory_space<vmem>>, vector<16xf32>,
    tpu.vector_store %arg17[%swap3A_90, %swap3A_91], %broadcast_in_dim3A_1 {strides = array<i32>} : memref<48x128xf32, #tpu.memory_space<vmem>>, vector<16xf32>,
    %swap3A_93 = arith.constant 2 : i32
    %swap3A_94 = arith.index_cast %swap3A_93 : i32 to index
    %swap3A_95 = arith.constant 112 : index
    %swap3A_96 = tpu.vector_load %arg17[%swap3A_94, %swap3A_95] {strides = array<i32>} : memref<48x128xf32, #tpu.memory_space<vmem>>, vector<16xf32>,
    tpu.vector_store %arg17[%swap3A_94, %swap3A_95], %broadcast_in_dim3A_1 {strides = array<i32>} : memref<48x128xf32, #tpu.memory_space<vmem>>, vector<16xf32>,
    %swap3A_97 = arith.constant 3 : i32
    %swap3A_98 = arith.index_cast %swap3A_97 : i32 to index
    %swap3A_99 = arith.constant 0 : index
    %swap3A_100 = tpu.vector_load %arg17[%swap3A_98, %swap3A_99] {strides = array<i32>} : memref<48x128xf32, #tpu.memory_space<vmem>>, vector<16xf32>,
    tpu.vector_store %arg17[%swap3A_98, %swap3A_99], %broadcast_in_dim3A_1 {strides = array<i32>} : memref<48x128xf32, #tpu.memory_space<vmem>>, vector<16xf32>,
    %swap3A_101 = arith.constant 3 : i32
    %swap3A_102 = arith.index_cast %swap3A_101 : i32 to index
    %swap3A_103 = arith.constant 16 : index
    %swap3A_104 = tpu.vector_load %arg17[%swap3A_102, %swap3A_103] {strides = array<i32>} : memref<48x128xf32, #tpu.memory_space<vmem>>, vector<16xf32>,
    tpu.vector_store %arg17[%swap3A_102, %swap3A_103], %broadcast_in_dim3A_1 {strides = array<i32>} : memref<48x128xf32, #tpu.memory_space<vmem>>, vector<16xf32>,
    %swap3A_105 = arith.constant 3 : i32
    %swap3A_106 = arith.index_cast %swap3A_105 : i32 to index
    %swap3A_107 = arith.constant 32 : index
    %swap3A_108 = tpu.vector_load %arg17[%swap3A_106, %swap3A_107] {strides = array<i32>} : memref<48x128xf32, #tpu.memory_space<vmem>>, vector<16xf32>,
    tpu.vector_store %arg17[%swap3A_106, %swap3A_107], %broadcast_in_dim3A_1 {strides = array<i32>} : memref<48x128xf32, #tpu.memory_space<vmem>>, vector<16xf32>,
    %swap3A_109 = arith.constant 3 : i32
    %swap3A_110 = arith.index_cast %swap3A_109 : i32 to index
    %swap3A_111 = arith.constant 48 : index
    %swap3A_112 = tpu.vector_load %arg17[%swap3A_110, %swap3A_111] {strides = array<i32>} : memref<48x128xf32, #tpu.memory_space<vmem>>, vector<16xf32>,
    tpu.vector_store %arg17[%swap3A_110, %swap3A_111], %broadcast_in_dim3A_1 {strides = array<i32>} : memref<48x128xf32, #tpu.memory_space<vmem>>, vector<16xf32>,
    %swap3A_113 = arith.constant 3 : i32
    %swap3A_114 = arith.index_cast %swap3A_113 : i32 to index
    %swap3A_115 = arith.constant 64 : index
    %swap3A_116 = tpu.vector_load %arg17[%swap3A_114, %swap3A_115] {strides = array<i32>} : memref<48x128xf32, #tpu.memory_space<vmem>>, vector<16xf32>,
    tpu.vector_store %arg17[%swap3A_114, %swap3A_115], %broadcast_in_dim3A_1 {strides = array<i32>} : memref<48x128xf32, #tpu.memory_space<vmem>>, vector<16xf32>,
    %swap3A_117 = arith.constant 3 : i32
    %swap3A_118 = arith.index_cast %swap3A_117 : i32 to index
    %swap3A_119 = arith.constant 80 : index
    %swap3A_120 = tpu.vector_load %arg17[%swap3A_118, %swap3A_119] {strides = array<i32>} : memref<48x128xf32, #tpu.memory_space<vmem>>, vector<16xf32>,
    tpu.vector_store %arg17[%swap3A_118, %swap3A_119], %broadcast_in_dim3A_1 {strides = array<i32>} : memref<48x128xf32, #tpu.memory_space<vmem>>, vector<16xf32>,
    %swap3A_121 = arith.constant 3 : i32
    %swap3A_122 = arith.index_cast %swap3A_121 : i32 to index
    %swap3A_123 = arith.constant 96 : index
    %swap3A_124 = tpu.vector_load %arg17[%swap3A_122, %swap3A_123] {strides = array<i32>} : memref<48x128xf32, #tpu.memory_space<vmem>>, vector<16xf32>,
    tpu.vector_store %arg17[%swap3A_122, %swap3A_123], %broadcast_in_dim3A_1 {strides = array<i32>} : memref<48x128xf32, #tpu.memory_space<vmem>>, vector<16xf32>,
    %swap3A_125 = arith.constant 3 : i32
    %swap3A_126 = arith.index_cast %swap3A_125 : i32 to index
    %swap3A_127 = arith.constant 112 : index
    %swap3A_128 = tpu.vector_load %arg17[%swap3A_126, %swap3A_127] {strides = array<i32>} : memref<48x128xf32, #tpu.memory_space<vmem>>, vector<16xf32>,
    tpu.vector_store %arg17[%swap3A_126, %swap3A_127], %broadcast_in_dim3A_1 {strides = array<i32>} : memref<48x128xf32, #tpu.memory_space<vmem>>, vector<16xf32>,
    %swap3A_129 = arith.constant 4 : i32
    %swap3A_130 = arith.index_cast %swap3A_129 : i32 to index
    %swap3A_131 = arith.constant 0 : index
    %swap3A_132 = tpu.vector_load %arg17[%swap3A_130, %swap3A_131] {strides = array<i32>} : memref<48x128xf32, #tpu.memory_space<vmem>>, vector<16xf32>,
    tpu.vector_store %arg17[%swap3A_130, %swap3A_131], %broadcast_in_dim3A_1 {strides = array<i32>} : memref<48x128xf32, #tpu.memory_space<vmem>>, vector<16xf32>,
    %swap3A_133 = arith.constant 4 : i32
    %swap3A_134 = arith.index_cast %swap3A_133 : i32 to index
    %swap3A_135 = arith.constant 16 : index
    %swap3A_136 = tpu.vector_load %arg17[%swap3A_134, %swap3A_135] {strides = array<i32>} : memref<48x128xf32, #tpu.memory_space<vmem>>, vector<16xf32>,
    tpu.vector_store %arg17[%swap3A_134, %swap3A_135], %broadcast_in_dim3A_1 {strides = array<i32>} : memref<48x128xf32, #tpu.memory_space<vmem>>, vector<16xf32>,
    %swap3A_137 = arith.constant 4 : i32
    %swap3A_138 = arith.index_cast %swap3A_137 : i32 to index
    %swap3A_139 = arith.constant 32 : index
    %swap3A_140 = tpu.vector_load %arg17[%swap3A_138, %swap3A_139] {strides = array<i32>} : memref<48x128xf32, #tpu.memory_space<vmem>>, vector<16xf32>,
    tpu.vector_store %arg17[%swap3A_138, %swap3A_139], %broadcast_in_dim3A_1 {strides = array<i32>} : memref<48x128xf32, #tpu.memory_space<vmem>>, vector<16xf32>,
    %swap3A_141 = arith.constant 4 : i32
    %swap3A_142 = arith.index_cast %swap3A_141 : i32 to index
    %swap3A_143 = arith.constant 48 : index
    %swap3A_144 = tpu.vector_load %arg17[%swap3A_142, %swap3A_143] {strides = array<i32>} : memref<48x128xf32, #tpu.memory_space<vmem>>, vector<16xf32>,
    tpu.vector_store %arg17[%swap3A_142, %swap3A_143], %broadcast_in_dim3A_1 {strides = array<i32>} : memref<48x128xf32, #tpu.memory_space<vmem>>, vector<16xf32>,
    %swap3A_145 = arith.constant 4 : i32
    %swap3A_146 = arith.index_cast %swap3A_145 : i32 to index
    %swap3A_147 = arith.constant 64 : index
    %swap3A_148 = tpu.vector_load %arg17[%swap3A_146, %swap3A_147] {strides = array<i32>} : memref<48x128xf32, #tpu.memory_space<vmem>>, vector<16xf32>,
    tpu.vector_store %arg17[%swap3A_146, %swap3A_147], %broadcast_in_dim3A_1 {strides = array<i32>} : memref<48x128xf32, #tpu.memory_space<vmem>>, vector<16xf32>,
    %swap3A_149 = arith.constant 4 : i32
    %swap3A_150 = arith.index_cast %swap3A_149 : i32 to index
    %swap3A_151 = arith.constant 80 : index
    %swap3A_152 = tpu.vector_load %arg17[%swap3A_150, %swap3A_151] {strides = array<i32>} : memref<48x128xf32, #tpu.memory_space<vmem>>, vector<16xf32>,
    tpu.vector_store %arg17[%swap3A_150, %swap3A_151], %broadcast_in_dim3A_1 {strides = array<i32>} : memref<48x128xf32, #tpu.memory_space<vmem>>, vector<16xf32>,
    %swap3A_153 = arith.constant 4 : i32
    %swap3A_154 = arith.index_cast %swap3A_153 : i32 to index
    %swap3A_155 = arith.constant 96 : index
    %swap3A_156 = tpu.vector_load %arg17[%swap3A_154, %swap3A_155] {strides = array<i32>} : memref<48x128xf32, #tpu.memory_space<vmem>>, vector<16xf32>,
    tpu.vector_store %arg17[%swap3A_154, %swap3A_155], %broadcast_in_dim3A_1 {strides = array<i32>} : memref<48x128xf32, #tpu.memory_space<vmem>>, vector<16xf32>,
    %swap3A_157 = arith.constant 4 : i32
    %swap3A_158 = arith.index_cast %swap3A_157 : i32 to index
    %swap3A_159 = arith.constant 112 : index
    %swap3A_160 = tpu.vector_load %arg17[%swap3A_158, %swap3A_159] {strides = array<i32>} : memref<48x128xf32, #tpu.memory_space<vmem>>, vector<16xf32>,
    tpu.vector_store %arg17[%swap3A_158, %swap3A_159], %broadcast_in_dim3A_1 {strides = array<i32>} : memref<48x128xf32, #tpu.memory_space<vmem>>, vector<16xf32>,
    %swap3A_161 = arith.constant 5 : i32
    %swap3A_162 = arith.index_cast %swap3A_161 : i32 to index
    %swap3A_163 = arith.constant 0 : index
    %swap3A_164 = tpu.vector_load %arg17[%swap3A_162, %swap3A_163] {strides = array<i32>} : memref<48x128xf32, #tpu.memory_space<vmem>>, vector<16xf32>,
    tpu.vector_store %arg17[%swap3A_162, %swap3A_163], %broadcast_in_dim3A_1 {strides = array<i32>} : memref<48x128xf32, #tpu.memory_space<vmem>>, vector<16xf32>,
    %swap3A_165 = arith.constant 5 : i32
    %swap3A_166 = arith.index_cast %swap3A_165 : i32 to index
    %swap3A_167 = arith.constant 16 : index
    %swap3A_168 = tpu.vector_load %arg17[%swap3A_166, %swap3A_167] {strides = array<i32>} : memref<48x128xf32, #tpu.memory_space<vmem>>, vector<16xf32>,
    tpu.vector_store %arg17[%swap3A_166, %swap3A_167], %broadcast_in_dim3A_1 {strides = array<i32>} : memref<48x128xf32, #tpu.memory_space<vmem>>, vector<16xf32>,
    %swap3A_169 = arith.constant 5 : i32
    %swap3A_170 = arith.index_cast %swap3A_169 : i32 to index
    %swap3A_171 = arith.constant 32 : index
    %swap3A_172 = tpu.vector_load %arg17[%swap3A_170, %swap3A_171] {strides = array<i32>} : memref<48x128xf32, #tpu.memory_space<vmem>>, vector<16xf32>,
    tpu.vector_store %arg17[%swap3A_170, %swap3A_171], %broadcast_in_dim3A_1 {strides = array<i32>} : memref<48x128xf32, #tpu.memory_space<vmem>>, vector<16xf32>,
    %swap3A_173 = arith.constant 5 : i32
    %swap3A_174 = arith.index_cast %swap3A_173 : i32 to index
    %swap3A_175 = arith.constant 48 : index
    %swap3A_176 = tpu.vector_load %arg17[%swap3A_174, %swap3A_175] {strides = array<i32>} : memref<48x128xf32, #tpu.memory_space<vmem>>, vector<16xf32>,
    tpu.vector_store %arg17[%swap3A_174, %swap3A_175], %broadcast_in_dim3A_1 {strides = array<i32>} : memref<48x128xf32, #tpu.memory_space<vmem>>, vector<16xf32>,
    %swap3A_177 = arith.constant 5 : i32
    %swap3A_178 = arith.index_cast %swap3A_177 : i32 to index
    %swap3A_179 = arith.constant 64 : index
    %swap3A_180 = tpu.vector_load %arg17[%swap3A_178, %swap3A_179] {strides = array<i32>} : memref<48x128xf32, #tpu.memory_space<vmem>>, vector<16xf32>,
    tpu.vector_store %arg17[%swap3A_178, %swap3A_179], %broadcast_in_dim3A_1 {strides = array<i32>} : memref<48x128xf32, #tpu.memory_space<vmem>>, vector<16xf32>,
    %swap3A_181 = arith.constant 5 : i32
    %swap3A_182 = arith.index_cast %swap3A_181 : i32 to index
    %swap3A_183 = arith.constant 80 : index
    %swap3A_184 = tpu.vector_load %arg17[%swap3A_182, %swap3A_183] {strides = array<i32>} : memref<48x128xf32, #tpu.memory_space<vmem>>, vector<16xf32>,
    tpu.vector_store %arg17[%swap3A_182, %swap3A_183], %broadcast_in_dim3A_1 {strides = array<i32>} : memref<48x128xf32, #tpu.memory_space<vmem>>, vector<16xf32>,
    %swap3A_185 = arith.constant 5 : i32
    %swap3A_186 = arith.index_cast %swap3A_185 : i32 to index
    %swap3A_187 = arith.constant 96 : index
    %swap3A_188 = tpu.vector_load %arg17[%swap3A_186, %swap3A_187] {strides = array<i32>} : memref<48x128xf32, #tpu.memory_space<vmem>>, vector<16xf32>,
    tpu.vector_store %arg17[%swap3A_186, %swap3A_187], %broadcast_in_dim3A_1 {strides = array<i32>} : memref<48x128xf32, #tpu.memory_space<vmem>>, vector<16xf32>,
    %swap3A_189 = arith.constant 5 : i32
    %swap3A_190 = arith.index_cast %swap3A_189 : i32 to index
    %swap3A_191 = arith.constant 112 : index
    %swap3A_192 = tpu.vector_load %arg17[%swap3A_190, %swap3A_191] {strides = array<i32>} : memref<48x128xf32, #tpu.memory_space<vmem>>, vector<16xf32>,
    tpu.vector_store %arg17[%swap3A_190, %swap3A_191], %broadcast_in_dim3A_1 {strides = array<i32>} : memref<48x128xf32, #tpu.memory_space<vmem>>, vector<16xf32>,
    %swap3A_193 = arith.constant 6 : i32
    %swap3A_194 = arith.index_cast %swap3A_193 : i32 to index
    %swap3A_195 = arith.constant 0 : index
    %swap3A_196 = tpu.vector_load %arg17[%swap3A_194, %swap3A_195] {strides = array<i32>} : memref<48x128xf32, #tpu.memory_space<vmem>>, vector<16xf32>,
    tpu.vector_store %arg17[%swap3A_194, %swap3A_195], %broadcast_in_dim3A_1 {strides = array<i32>} : memref<48x128xf32, #tpu.memory_space<vmem>>, vector<16xf32>,
    %swap3A_197 = arith.constant 6 : i32
    %swap3A_198 = arith.index_cast %swap3A_197 : i32 to index
    %swap3A_199 = arith.constant 16 : index
    %swap3A_200 = tpu.vector_load %arg17[%swap3A_198, %swap3A_199] {strides = array<i32>} : memref<48x128xf32, #tpu.memory_space<vmem>>, vector<16xf32>,
    tpu.vector_store %arg17[%swap3A_198, %swap3A_199], %broadcast_in_dim3A_1 {strides = array<i32>} : memref<48x128xf32, #tpu.memory_space<vmem>>, vector<16xf32>,
    %swap3A_201 = arith.constant 6 : i32
    %swap3A_202 = arith.index_cast %swap3A_201 : i32 to index
    %swap3A_203 = arith.constant 32 : index
    %swap3A_204 = tpu.vector_load %arg17[%swap3A_202, %swap3A_203] {strides = array<i32>} : memref<48x128xf32, #tpu.memory_space<vmem>>, vector<16xf32>,
    tpu.vector_store %arg17[%swap3A_202, %swap3A_203], %broadcast_in_dim3A_1 {strides = array<i32>} : memref<48x128xf32, #tpu.memory_space<vmem>>, vector<16xf32>,
    %swap3A_205 = arith.constant 6 : i32
    %swap3A_206 = arith.index_cast %swap3A_205 : i32 to index
    %swap3A_207 = arith.constant 48 : index
    %swap3A_208 = tpu.vector_load %arg17[%swap3A_206, %swap3A_207] {strides = array<i32>} : memref<48x128xf32, #tpu.memory_space<vmem>>, vector<16xf32>,
    tpu.vector_store %arg17[%swap3A_206, %swap3A_207], %broadcast_in_dim3A_1 {strides = array<i32>} : memref<48x128xf32, #tpu.memory_space<vmem>>, vector<16xf32>,
    %swap3A_209 = arith.constant 6 : i32
    %swap3A_210 = arith.index_cast %swap3A_209 : i32 to index
    %swap3A_211 = arith.constant 64 : index
    %swap3A_212 = tpu.vector_load %arg17[%swap3A_210, %swap3A_211] {strides = array<i32>} : memref<48x128xf32, #tpu.memory_space<vmem>>, vector<16xf32>,
    tpu.vector_store %arg17[%swap3A_210, %swap3A_211], %broadcast_in_dim3A_1 {strides = array<i32>} : memref<48x128xf32, #tpu.memory_space<vmem>>, vector<16xf32>,
    %swap3A_213 = arith.constant 6 : i32
    %swap3A_214 = arith.index_cast %swap3A_213 : i32 to index
    %swap3A_215 = arith.constant 80 : index
    %swap3A_216 = tpu.vector_load %arg17[%swap3A_214, %swap3A_215] {strides = array<i32>} : memref<48x128xf32, #tpu.memory_space<vmem>>, vector<16xf32>,
    tpu.vector_store %arg17[%swap3A_214, %swap3A_215], %broadcast_in_dim3A_1 {strides = array<i32>} : memref<48x128xf32, #tpu.memory_space<vmem>>, vector<16xf32>,
    %swap3A_217 = arith.constant 6 : i32
    %swap3A_218 = arith.index_cast %swap3A_217 : i32 to index
    %swap3A_219 = arith.constant 96 : index
    %swap3A_220 = tpu.vector_load %arg17[%swap3A_218, %swap3A_219] {strides = array<i32>} : memref<48x128xf32, #tpu.memory_space<vmem>>, vector<16xf32>,
    tpu.vector_store %arg17[%swap3A_218, %swap3A_219], %broadcast_in_dim3A_1 {strides = array<i32>} : memref<48x128xf32, #tpu.memory_space<vmem>>, vector<16xf32>,
    %swap3A_221 = arith.constant 6 : i32
    %swap3A_222 = arith.index_cast %swap3A_221 : i32 to index
    %swap3A_223 = arith.constant 112 : index
    %swap3A_224 = tpu.vector_load %arg17[%swap3A_222, %swap3A_223] {strides = array<i32>} : memref<48x128xf32, #tpu.memory_space<vmem>>, vector<16xf32>,
    tpu.vector_store %arg17[%swap3A_222, %swap3A_223], %broadcast_in_dim3A_1 {strides = array<i32>} : memref<48x128xf32, #tpu.memory_space<vmem>>, vector<16xf32>,
    %swap3A_225 = arith.constant 7 : i32
    %swap3A_226 = arith.index_cast %swap3A_225 : i32 to index
    %swap3A_227 = arith.constant 0 : index
    %swap3A_228 = tpu.vector_load %arg17[%swap3A_226, %swap3A_227] {strides = array<i32>} : memref<48x128xf32, #tpu.memory_space<vmem>>, vector<16xf32>,
    tpu.vector_store %arg17[%swap3A_226, %swap3A_227], %broadcast_in_dim3A_1 {strides = array<i32>} : memref<48x128xf32, #tpu.memory_space<vmem>>, vector<16xf32>,
    %swap3A_229 = arith.constant 7 : i32
    %swap3A_230 = arith.index_cast %swap3A_229 : i32 to index
    %swap3A_231 = arith.constant 16 : index
    %swap3A_232 = tpu.vector_load %arg17[%swap3A_230, %swap3A_231] {strides = array<i32>} : memref<48x128xf32, #tpu.memory_space<vmem>>, vector<16xf32>,
    tpu.vector_store %arg17[%swap3A_230, %swap3A_231], %broadcast_in_dim3A_1 {strides = array<i32>} : memref<48x128xf32, #tpu.memory_space<vmem>>, vector<16xf32>,
    %swap3A_233 = arith.constant 7 : i32
    %swap3A_234 = arith.index_cast %swap3A_233 : i32 to index
    %swap3A_235 = arith.constant 32 : index
    %swap3A_236 = tpu.vector_load %arg17[%swap3A_234, %swap3A_235] {strides = array<i32>} : memref<48x128xf32, #tpu.memory_space<vmem>>, vector<16xf32>,
    tpu.vector_store %arg17[%swap3A_234, %swap3A_235], %broadcast_in_dim3A_1 {strides = array<i32>} : memref<48x128xf32, #tpu.memory_space<vmem>>, vector<16xf32>,
    %swap3A_237 = arith.constant 7 : i32
    %swap3A_238 = arith.index_cast %swap3A_237 : i32 to index
    %swap3A_239 = arith.constant 48 : index
    %swap3A_240 = tpu.vector_load %arg17[%swap3A_238, %swap3A_239] {strides = array<i32>} : memref<48x128xf32, #tpu.memory_space<vmem>>, vector<16xf32>,
    tpu.vector_store %arg17[%swap3A_238, %swap3A_239], %broadcast_in_dim3A_1 {strides = array<i32>} : memref<48x128xf32, #tpu.memory_space<vmem>>, vector<16xf32>,
    %swap3A_241 = arith.constant 7 : i32
    %swap3A_242 = arith.index_cast %swap3A_241 : i32 to index
    %swap3A_243 = arith.constant 64 : index
    %swap3A_244 = tpu.vector_load %arg17[%swap3A_242, %swap3A_243] {strides = array<i32>} : memref<48x128xf32, #tpu.memory_space<vmem>>, vector<16xf32>,
    tpu.vector_store %arg17[%swap3A_242, %swap3A_243], %broadcast_in_dim3A_1 {strides = array<i32>} : memref<48x128xf32, #tpu.memory_space<vmem>>, vector<16xf32>,
    %swap3A_245 = arith.constant 7 : i32
    %swap3A_246 = arith.index_cast %swap3A_245 : i32 to index
    %swap3A_247 = arith.constant 80 : index
    %swap3A_248 = tpu.vector_load %arg17[%swap3A_246, %swap3A_247] {strides = array<i32>} : memref<48x128xf32, #tpu.memory_space<vmem>>, vector<16xf32>,
    tpu.vector_store %arg17[%swap3A_246, %swap3A_247], %broadcast_in_dim3A_1 {strides = array<i32>} : memref<48x128xf32, #tpu.memory_space<vmem>>, vector<16xf32>,
    %swap3A_249 = arith.constant 7 : i32
    %swap3A_250 = arith.index_cast %swap3A_249 : i32 to index
    %swap3A_251 = arith.constant 96 : index
    %swap3A_252 = tpu.vector_load %arg17[%swap3A_250, %swap3A_251] {strides = array<i32>} : memref<48x128xf32, #tpu.memory_space<vmem>>, vector<16xf32>,
    tpu.vector_store %arg17[%swap3A_250, %swap3A_251], %broadcast_in_dim3A_1 {strides = array<i32>} : memref<48x128xf32, #tpu.memory_space<vmem>>, vector<16xf32>,
    %swap3A_253 = arith.constant 7 : i32
    %swap3A_254 = arith.index_cast %swap3A_253 : i32 to index
    %swap3A_255 = arith.constant 112 : index
    %swap3A_256 = tpu.vector_load %arg17[%swap3A_254, %swap3A_255] {strides = array<i32>} : memref<48x128xf32, #tpu.memory_space<vmem>>, vector<16xf32>,
    tpu.vector_store %arg17[%swap3A_254, %swap3A_255], %broadcast_in_dim3A_1 {strides = array<i32>} : memref<48x128xf32, #tpu.memory_space<vmem>>, vector<16xf32>,
    %swap3A_257 = arith.constant 8 : i32
    %swap3A_258 = arith.index_cast %swap3A_257 : i32 to index
    %swap3A_259 = arith.constant 0 : index
    %swap3A_260 = tpu.vector_load %arg17[%swap3A_258, %swap3A_259] {strides = array<i32>} : memref<48x128xf32, #tpu.memory_space<vmem>>, vector<16xf32>,
    tpu.vector_store %arg17[%swap3A_258, %swap3A_259], %broadcast_in_dim3A_1 {strides = array<i32>} : memref<48x128xf32, #tpu.memory_space<vmem>>, vector<16xf32>,
    %swap3A_261 = arith.constant 8 : i32
    %swap3A_262 = arith.index_cast %swap3A_261 : i32 to index
    %swap3A_263 = arith.constant 16 : index
    %swap3A_264 = tpu.vector_load %arg17[%swap3A_262, %swap3A_263] {strides = array<i32>} : memref<48x128xf32, #tpu.memory_space<vmem>>, vector<16xf32>,
    tpu.vector_store %arg17[%swap3A_262, %swap3A_263], %broadcast_in_dim3A_1 {strides = array<i32>} : memref<48x128xf32, #tpu.memory_space<vmem>>, vector<16xf32>,
    %swap3A_265 = arith.constant 8 : i32
    %swap3A_266 = arith.index_cast %swap3A_265 : i32 to index
    %swap3A_267 = arith.constant 32 : index
    %swap3A_268 = tpu.vector_load %arg17[%swap3A_266, %swap3A_267] {strides = array<i32>} : memref<48x128xf32, #tpu.memory_space<vmem>>, vector<16xf32>,
    tpu.vector_store %arg17[%swap3A_266, %swap3A_267], %broadcast_in_dim3A_1 {strides = array<i32>} : memref<48x128xf32, #tpu.memory_space<vmem>>, vector<16xf32>,
    %swap3A_269 = arith.constant 8 : i32
    %swap3A_270 = arith.index_cast %swap3A_269 : i32 to index
    %swap3A_271 = arith.constant 48 : index
    %swap3A_272 = tpu.vector_load %arg17[%swap3A_270, %swap3A_271] {strides = array<i32>} : memref<48x128xf32, #tpu.memory_space<vmem>>, vector<16xf32>,
    tpu.vector_store %arg17[%swap3A_270, %swap3A_271], %broadcast_in_dim3A_1 {strides = array<i32>} : memref<48x128xf32, #tpu.memory_space<vmem>>, vector<16xf32>,
    %swap3A_273 = arith.constant 8 : i32
    %swap3A_274 = arith.index_cast %swap3A_273 : i32 to index
    %swap3A_275 = arith.constant 64 : index
    %swap3A_276 = tpu.vector_load %arg17[%swap3A_274, %swap3A_275] {strides = array<i32>} : memref<48x128xf32, #tpu.memory_space<vmem>>, vector<16xf32>,
    tpu.vector_store %arg17[%swap3A_274, %swap3A_275], %broadcast_in_dim3A_1 {strides = array<i32>} : memref<48x128xf32, #tpu.memory_space<vmem>>, vector<16xf32>,
    %swap3A_277 = arith.constant 8 : i32
    %swap3A_278 = arith.index_cast %swap3A_277 : i32 to index
    %swap3A_279 = arith.constant 80 : index
    %swap3A_280 = tpu.vector_load %arg17[%swap3A_278, %swap3A_279] {strides = array<i32>} : memref<48x128xf32, #tpu.memory_space<vmem>>, vector<16xf32>,
    tpu.vector_store %arg17[%swap3A_278, %swap3A_279], %broadcast_in_dim3A_1 {strides = array<i32>} : memref<48x128xf32, #tpu.memory_space<vmem>>, vector<16xf32>,
    %swap3A_281 = arith.constant 8 : i32
    %swap3A_282 = arith.index_cast %swap3A_281 : i32 to index
    %swap3A_283 = arith.constant 96 : index
    %swap3A_284 = tpu.vector_load %arg17[%swap3A_282, %swap3A_283] {strides = array<i32>} : memref<48x128xf32, #tpu.memory_space<vmem>>, vector<16xf32>,
    tpu.vector_store %arg17[%swap3A_282, %swap3A_283], %broadcast_in_dim3A_1 {strides = array<i32>} : memref<48x128xf32, #tpu.memory_space<vmem>>, vector<16xf32>,
    %swap3A_285 = arith.constant 8 : i32
    %swap3A_286 = arith.index_cast %swap3A_285 : i32 to index
    %swap3A_287 = arith.constant 112 : index
    %swap3A_288 = tpu.vector_load %arg17[%swap3A_286, %swap3A_287] {strides = array<i32>} : memref<48x128xf32, #tpu.memory_space<vmem>>, vector<16xf32>,
    tpu.vector_store %arg17[%swap3A_286, %swap3A_287], %broadcast_in_dim3A_1 {strides = array<i32>} : memref<48x128xf32, #tpu.memory_space<vmem>>, vector<16xf32>,
    %swap3A_289 = arith.constant 9 : i32
    %swap3A_290 = arith.index_cast %swap3A_289 : i32 to index
    %swap3A_291 = arith.constant 0 : index
    %swap3A_292 = tpu.vector_load %arg17[%swap3A_290, %swap3A_291] {strides = array<i32>} : memref<48x128xf32, #tpu.memory_space<vmem>>, vector<16xf32>,
    tpu.vector_store %arg17[%swap3A_290, %swap3A_291], %broadcast_in_dim3A_1 {strides = array<i32>} : memref<48x128xf32, #tpu.memory_space<vmem>>, vector<16xf32>,
    %swap3A_293 = arith.constant 9 : i32
    %swap3A_294 = arith.index_cast %swap3A_293 : i32 to index
    %swap3A_295 = arith.constant 16 : index
    %swap3A_296 = tpu.vector_load %arg17[%swap3A_294, %swap3A_295] {strides = array<i32>} : memref<48x128xf32, #tpu.memory_space<vmem>>, vector<16xf32>,
    tpu.vector_store %arg17[%swap3A_294, %swap3A_295], %broadcast_in_dim3A_1 {strides = array<i32>} : memref<48x128xf32, #tpu.memory_space<vmem>>, vector<16xf32>,
    %swap3A_297 = arith.constant 9 : i32
    %swap3A_298 = arith.index_cast %swap3A_297 : i32 to index
    %swap3A_299 = arith.constant 32 : index
    %swap3A_300 = tpu.vector_load %arg17[%swap3A_298, %swap3A_299] {strides = array<i32>} : memref<48x128xf32, #tpu.memory_space<vmem>>, vector<16xf32>,
    tpu.vector_store %arg17[%swap3A_298, %swap3A_299], %broadcast_in_dim3A_1 {strides = array<i32>} : memref<48x128xf32, #tpu.memory_space<vmem>>, vector<16xf32>,
    %swap3A_301 = arith.constant 9 : i32
    %swap3A_302 = arith.index_cast %swap3A_301 : i32 to index
    %swap3A_303 = arith.constant 48 : index
    %swap3A_304 = tpu.vector_load %arg17[%swap3A_302, %swap3A_303] {strides = array<i32>} : memref<48x128xf32, #tpu.memory_space<vmem>>, vector<16xf32>,
    tpu.vector_store %arg17[%swap3A_302, %swap3A_303], %broadcast_in_dim3A_1 {strides = array<i32>} : memref<48x128xf32, #tpu.memory_space<vmem>>, vector<16xf32>,
    %swap3A_305 = arith.constant 9 : i32
    %swap3A_306 = arith.index_cast %swap3A_305 : i32 to index
    %swap3A_307 = arith.constant 64 : index
    %swap3A_308 = tpu.vector_load %arg17[%swap3A_306, %swap3A_307] {strides = array<i32>} : memref<48x128xf32, #tpu.memory_space<vmem>>, vector<16xf32>,
    tpu.vector_store %arg17[%swap3A_306, %swap3A_307], %broadcast_in_dim3A_1 {strides = array<i32>} : memref<48x128xf32, #tpu.memory_space<vmem>>, vector<16xf32>,
    %swap3A_309 = arith.constant 9 : i32
    %swap3A_310 = arith.index_cast %swap3A_309 : i32 to index
    %swap3A_311 = arith.constant 80 : index
    %swap3A_312 = tpu.vector_load %arg17[%swap3A_310, %swap3A_311] {strides = array<i32>} : memref<48x128xf32, #tpu.memory_space<vmem>>, vector<16xf32>,
    tpu.vector_store %arg17[%swap3A_310, %swap3A_311], %broadcast_in_dim3A_1 {strides = array<i32>} : memref<48x128xf32, #tpu.memory_space<vmem>>, vector<16xf32>,
    %swap3A_313 = arith.constant 9 : i32
    %swap3A_314 = arith.index_cast %swap3A_313 : i32 to index
    %swap3A_315 = arith.constant 96 : index
    %swap3A_316 = tpu.vector_load %arg17[%swap3A_314, %swap3A_315] {strides = array<i32>} : memref<48x128xf32, #tpu.memory_space<vmem>>, vector<16xf32>,
    tpu.vector_store %arg17[%swap3A_314, %swap3A_315], %broadcast_in_dim3A_1 {strides = array<i32>} : memref<48x128xf32, #tpu.memory_space<vmem>>, vector<16xf32>,
    %swap3A_317 = arith.constant 9 : i32
    %swap3A_318 = arith.index_cast %swap3A_317 : i32 to index
    %swap3A_319 = arith.constant 112 : index
    %swap3A_320 = tpu.vector_load %arg17[%swap3A_318, %swap3A_319] {strides = array<i32>} : memref<48x128xf32, #tpu.memory_space<vmem>>, vector<16xf32>,
    tpu.vector_store %arg17[%swap3A_318, %swap3A_319], %broadcast_in_dim3A_1 {strides = array<i32>} : memref<48x128xf32, #tpu.memory_space<vmem>>, vector<16xf32>,
    %swap3A_321 = arith.constant 10 : i32
    %swap3A_322 = arith.index_cast %swap3A_321 : i32 to index
    %swap3A_323 = arith.constant 0 : index
    %swap3A_324 = tpu.vector_load %arg17[%swap3A_322, %swap3A_323] {strides = array<i32>} : memref<48x128xf32, #tpu.memory_space<vmem>>, vector<16xf32>,
    tpu.vector_store %arg17[%swap3A_322, %swap3A_323], %broadcast_in_dim3A_1 {strides = array<i32>} : memref<48x128xf32, #tpu.memory_space<vmem>>, vector<16xf32>,
    %swap3A_325 = arith.constant 10 : i32
    %swap3A_326 = arith.index_cast %swap3A_325 : i32 to index
    %swap3A_327 = arith.constant 16 : index
    %swap3A_328 = tpu.vector_load %arg17[%swap3A_326, %swap3A_327] {strides = array<i32>} : memref<48x128xf32, #tpu.memory_space<vmem>>, vector<16xf32>,
    tpu.vector_store %arg17[%swap3A_326, %swap3A_327], %broadcast_in_dim3A_1 {strides = array<i32>} : memref<48x128xf32, #tpu.memory_space<vmem>>, vector<16xf32>,
    %swap3A_329 = arith.constant 10 : i32
    %swap3A_330 = arith.index_cast %swap3A_329 : i32 to index
    %swap3A_331 = arith.constant 32 : index
    %swap3A_332 = tpu.vector_load %arg17[%swap3A_330, %swap3A_331] {strides = array<i32>} : memref<48x128xf32, #tpu.memory_space<vmem>>, vector<16xf32>,
    tpu.vector_store %arg17[%swap3A_330, %swap3A_331], %broadcast_in_dim3A_1 {strides = array<i32>} : memref<48x128xf32, #tpu.memory_space<vmem>>, vector<16xf32>,
    %swap3A_333 = arith.constant 10 : i32
    %swap3A_334 = arith.index_cast %swap3A_333 : i32 to index
    %swap3A_335 = arith.constant 48 : index
    %swap3A_336 = tpu.vector_load %arg17[%swap3A_334, %swap3A_335] {strides = array<i32>} : memref<48x128xf32, #tpu.memory_space<vmem>>, vector<16xf32>,
    tpu.vector_store %arg17[%swap3A_334, %swap3A_335], %broadcast_in_dim3A_1 {strides = array<i32>} : memref<48x128xf32, #tpu.memory_space<vmem>>, vector<16xf32>,
    %swap3A_337 = arith.constant 10 : i32
    %swap3A_338 = arith.index_cast %swap3A_337 : i32 to index
    %swap3A_339 = arith.constant 64 : index
    %swap3A_340 = tpu.vector_load %arg17[%swap3A_338, %swap3A_339] {strides = array<i32>} : memref<48x128xf32, #tpu.memory_space<vmem>>, vector<16xf32>,
    tpu.vector_store %arg17[%swap3A_338, %swap3A_339], %broadcast_in_dim3A_1 {strides = array<i32>} : memref<48x128xf32, #tpu.memory_space<vmem>>, vector<16xf32>,
    %swap3A_341 = arith.constant 10 : i32
    %swap3A_342 = arith.index_cast %swap3A_341 : i32 to index
    %swap3A_343 = arith.constant 80 : index
    %swap3A_344 = tpu.vector_load %arg17[%swap3A_342, %swap3A_343] {strides = array<i32>} : memref<48x128xf32, #tpu.memory_space<vmem>>, vector<16xf32>,
    tpu.vector_store %arg17[%swap3A_342, %swap3A_343], %broadcast_in_dim3A_1 {strides = array<i32>} : memref<48x128xf32, #tpu.memory_space<vmem>>, vector<16xf32>,
    %swap3A_345 = arith.constant 10 : i32
    %swap3A_346 = arith.index_cast %swap3A_345 : i32 to index
    %swap3A_347 = arith.constant 96 : index
    %swap3A_348 = tpu.vector_load %arg17[%swap3A_346, %swap3A_347] {strides = array<i32>} : memref<48x128xf32, #tpu.memory_space<vmem>>, vector<16xf32>,
    tpu.vector_store %arg17[%swap3A_346, %swap3A_347], %broadcast_in_dim3A_1 {strides = array<i32>} : memref<48x128xf32, #tpu.memory_space<vmem>>, vector<16xf32>,
    %swap3A_349 = arith.constant 10 : i32
    %swap3A_350 = arith.index_cast %swap3A_349 : i32 to index
    %swap3A_351 = arith.constant 112 : index
    %swap3A_352 = tpu.vector_load %arg17[%swap3A_350, %swap3A_351] {strides = array<i32>} : memref<48x128xf32, #tpu.memory_space<vmem>>, vector<16xf32>,
    tpu.vector_store %arg17[%swap3A_350, %swap3A_351], %broadcast_in_dim3A_1 {strides = array<i32>} : memref<48x128xf32, #tpu.memory_space<vmem>>, vector<16xf32>,
    %swap3A_353 = arith.constant 11 : i32
    %swap3A_354 = arith.index_cast %swap3A_353 : i32 to index
    %swap3A_355 = arith.constant 0 : index
    %swap3A_356 = tpu.vector_load %arg17[%swap3A_354, %swap3A_355] {strides = array<i32>} : memref<48x128xf32, #tpu.memory_space<vmem>>, vector<16xf32>,
    tpu.vector_store %arg17[%swap3A_354, %swap3A_355], %broadcast_in_dim3A_1 {strides = array<i32>} : memref<48x128xf32, #tpu.memory_space<vmem>>, vector<16xf32>,
    %swap3A_357 = arith.constant 11 : i32
    %swap3A_358 = arith.index_cast %swap3A_357 : i32 to index
    %swap3A_359 = arith.constant 16 : index
    %swap3A_360 = tpu.vector_load %arg17[%swap3A_358, %swap3A_359] {strides = array<i32>} : memref<48x128xf32, #tpu.memory_space<vmem>>, vector<16xf32>,
    tpu.vector_store %arg17[%swap3A_358, %swap3A_359], %broadcast_in_dim3A_1 {strides = array<i32>} : memref<48x128xf32, #tpu.memory_space<vmem>>, vector<16xf32>,
    %swap3A_361 = arith.constant 11 : i32
    %swap3A_362 = arith.index_cast %swap3A_361 : i32 to index
    %swap3A_363 = arith.constant 32 : index
    %swap3A_364 = tpu.vector_load %arg17[%swap3A_362, %swap3A_363] {strides = array<i32>} : memref<48x128xf32, #tpu.memory_space<vmem>>, vector<16xf32>,
    tpu.vector_store %arg17[%swap3A_362, %swap3A_363], %broadcast_in_dim3A_1 {strides = array<i32>} : memref<48x128xf32, #tpu.memory_space<vmem>>, vector<16xf32>,
    %swap3A_365 = arith.constant 11 : i32
    %swap3A_366 = arith.index_cast %swap3A_365 : i32 to index
    %swap3A_367 = arith.constant 48 : index
    %swap3A_368 = tpu.vector_load %arg17[%swap3A_366, %swap3A_367] {strides = array<i32>} : memref<48x128xf32, #tpu.memory_space<vmem>>, vector<16xf32>,
    tpu.vector_store %arg17[%swap3A_366, %swap3A_367], %broadcast_in_dim3A_1 {strides = array<i32>} : memref<48x128xf32, #tpu.memory_space<vmem>>, vector<16xf32>,
    %swap3A_369 = arith.constant 11 : i32
    %swap3A_370 = arith.index_cast %swap3A_369 : i32 to index
    %swap3A_371 = arith.constant 64 : index
    %swap3A_372 = tpu.vector_load %arg17[%swap3A_370, %swap3A_371] {strides = array<i32>} : memref<48x128xf32, #tpu.memory_space<vmem>>, vector<16xf32>,
    tpu.vector_store %arg17[%swap3A_370, %swap3A_371], %broadcast_in_dim3A_1 {strides = array<i32>} : memref<48x128xf32, #tpu.memory_space<vmem>>, vector<16xf32>,
    %swap3A_373 = arith.constant 11 : i32
    %swap3A_374 = arith.index_cast %swap3A_373 : i32 to index
    %swap3A_375 = arith.constant 80 : index
    %swap3A_376 = tpu.vector_load %arg17[%swap3A_374, %swap3A_375] {strides = array<i32>} : memref<48x128xf32, #tpu.memory_space<vmem>>, vector<16xf32>,
    tpu.vector_store %arg17[%swap3A_374, %swap3A_375], %broadcast_in_dim3A_1 {strides = array<i32>} : memref<48x128xf32, #tpu.memory_space<vmem>>, vector<16xf32>,
    %swap3A_377 = arith.constant 11 : i32
    %swap3A_378 = arith.index_cast %swap3A_377 : i32 to index
    %swap3A_379 = arith.constant 96 : index
    %swap3A_380 = tpu.vector_load %arg17[%swap3A_378, %swap3A_379] {strides = array<i32>} : memref<48x128xf32, #tpu.memory_space<vmem>>, vector<16xf32>,
    tpu.vector_store %arg17[%swap3A_378, %swap3A_379], %broadcast_in_dim3A_1 {strides = array<i32>} : memref<48x128xf32, #tpu.memory_space<vmem>>, vector<16xf32>,
    %swap3A_381 = arith.constant 11 : i32
    %swap3A_382 = arith.index_cast %swap3A_381 : i32 to index
    %swap3A_383 = arith.constant 112 : index
    %swap3A_384 = tpu.vector_load %arg17[%swap3A_382, %swap3A_383] {strides = array<i32>} : memref<48x128xf32, #tpu.memory_space<vmem>>, vector<16xf32>,
    tpu.vector_store %arg17[%swap3A_382, %swap3A_383], %broadcast_in_dim3A_1 {strides = array<i32>} : memref<48x128xf32, #tpu.memory_space<vmem>>, vector<16xf32>,
    %swap3A_385 = arith.constant 12 : i32
    %swap3A_386 = arith.index_cast %swap3A_385 : i32 to index
    %swap3A_387 = arith.constant 0 : index
    %swap3A_388 = tpu.vector_load %arg17[%swap3A_386, %swap3A_387] {strides = array<i32>} : memref<48x128xf32, #tpu.memory_space<vmem>>, vector<16xf32>,
    tpu.vector_store %arg17[%swap3A_386, %swap3A_387], %broadcast_in_dim3A_1 {strides = array<i32>} : memref<48x128xf32, #tpu.memory_space<vmem>>, vector<16xf32>,
    %swap3A_389 = arith.constant 12 : i32
    %swap3A_390 = arith.index_cast %swap3A_389 : i32 to index
    %swap3A_391 = arith.constant 16 : index
    %swap3A_392 = tpu.vector_load %arg17[%swap3A_390, %swap3A_391] {strides = array<i32>} : memref<48x128xf32, #tpu.memory_space<vmem>>, vector<16xf32>,
    tpu.vector_store %arg17[%swap3A_390, %swap3A_391], %broadcast_in_dim3A_1 {strides = array<i32>} : memref<48x128xf32, #tpu.memory_space<vmem>>, vector<16xf32>,
    %swap3A_393 = arith.constant 12 : i32
    %swap3A_394 = arith.index_cast %swap3A_393 : i32 to index
    %swap3A_395 = arith.constant 32 : index
    %swap3A_396 = tpu.vector_load %arg17[%swap3A_394, %swap3A_395] {strides = array<i32>} : memref<48x128xf32, #tpu.memory_space<vmem>>, vector<16xf32>,
    tpu.vector_store %arg17[%swap3A_394, %swap3A_395], %broadcast_in_dim3A_1 {strides = array<i32>} : memref<48x128xf32, #tpu.memory_space<vmem>>, vector<16xf32>,
    %swap3A_397 = arith.constant 12 : i32
    %swap3A_398 = arith.index_cast %swap3A_397 : i32 to index
    %swap3A_399 = arith.constant 48 : index
    %swap3A_400 = tpu.vector_load %arg17[%swap3A_398, %swap3A_399] {strides = array<i32>} : memref<48x128xf32, #tpu.memory_space<vmem>>, vector<16xf32>,
    tpu.vector_store %arg17[%swap3A_398, %swap3A_399], %broadcast_in_dim3A_1 {strides = array<i32>} : memref<48x128xf32, #tpu.memory_space<vmem>>, vector<16xf32>,
    %swap3A_401 = arith.constant 12 : i32
    %swap3A_402 = arith.index_cast %swap3A_401 : i32 to index
    %swap3A_403 = arith.constant 64 : index
    %swap3A_404 = tpu.vector_load %arg17[%swap3A_402, %swap3A_403] {strides = array<i32>} : memref<48x128xf32, #tpu.memory_space<vmem>>, vector<16xf32>,
    tpu.vector_store %arg17[%swap3A_402, %swap3A_403], %broadcast_in_dim3A_1 {strides = array<i32>} : memref<48x128xf32, #tpu.memory_space<vmem>>, vector<16xf32>,
    %swap3A_405 = arith.constant 12 : i32
    %swap3A_406 = arith.index_cast %swap3A_405 : i32 to index
    %swap3A_407 = arith.constant 80 : index
    %swap3A_408 = tpu.vector_load %arg17[%swap3A_406, %swap3A_407] {strides = array<i32>} : memref<48x128xf32, #tpu.memory_space<vmem>>, vector<16xf32>,
    tpu.vector_store %arg17[%swap3A_406, %swap3A_407], %broadcast_in_dim3A_1 {strides = array<i32>} : memref<48x128xf32, #tpu.memory_space<vmem>>, vector<16xf32>,
    %swap3A_409 = arith.constant 12 : i32
    %swap3A_410 = arith.index_cast %swap3A_409 : i32 to index
    %swap3A_411 = arith.constant 96 : index
    %swap3A_412 = tpu.vector_load %arg17[%swap3A_410, %swap3A_411] {strides = array<i32>} : memref<48x128xf32, #tpu.memory_space<vmem>>, vector<16xf32>,
    tpu.vector_store %arg17[%swap3A_410, %swap3A_411], %broadcast_in_dim3A_1 {strides = array<i32>} : memref<48x128xf32, #tpu.memory_space<vmem>>, vector<16xf32>,
    %swap3A_413 = arith.constant 12 : i32
    %swap3A_414 = arith.index_cast %swap3A_413 : i32 to index
    %swap3A_415 = arith.constant 112 : index
    %swap3A_416 = tpu.vector_load %arg17[%swap3A_414, %swap3A_415] {strides = array<i32>} : memref<48x128xf32, #tpu.memory_space<vmem>>, vector<16xf32>,
    tpu.vector_store %arg17[%swap3A_414, %swap3A_415], %broadcast_in_dim3A_1 {strides = array<i32>} : memref<48x128xf32, #tpu.memory_space<vmem>>, vector<16xf32>,
    %swap3A_417 = arith.constant 13 : i32
    %swap3A_418 = arith.index_cast %swap3A_417 : i32 to index
    %swap3A_419 = arith.constant 0 : index
    %swap3A_420 = tpu.vector_load %arg17[%swap3A_418, %swap3A_419] {strides = array<i32>} : memref<48x128xf32, #tpu.memory_space<vmem>>, vector<16xf32>,
    tpu.vector_store %arg17[%swap3A_418, %swap3A_419], %broadcast_in_dim3A_1 {strides = array<i32>} : memref<48x128xf32, #tpu.memory_space<vmem>>, vector<16xf32>,
    %swap3A_421 = arith.constant 13 : i32
    %swap3A_422 = arith.index_cast %swap3A_421 : i32 to index
    %swap3A_423 = arith.constant 16 : index
    %swap3A_424 = tpu.vector_load %arg17[%swap3A_422, %swap3A_423] {strides = array<i32>} : memref<48x128xf32, #tpu.memory_space<vmem>>, vector<16xf32>,
    tpu.vector_store %arg17[%swap3A_422, %swap3A_423], %broadcast_in_dim3A_1 {strides = array<i32>} : memref<48x128xf32, #tpu.memory_space<vmem>>, vector<16xf32>,
    %swap3A_425 = arith.constant 13 : i32
    %swap3A_426 = arith.index_cast %swap3A_425 : i32 to index
    %swap3A_427 = arith.constant 32 : index
    %swap3A_428 = tpu.vector_load %arg17[%swap3A_426, %swap3A_427] {strides = array<i32>} : memref<48x128xf32, #tpu.memory_space<vmem>>, vector<16xf32>,
    tpu.vector_store %arg17[%swap3A_426, %swap3A_427], %broadcast_in_dim3A_1 {strides = array<i32>} : memref<48x128xf32, #tpu.memory_space<vmem>>, vector<16xf32>,
    %swap3A_429 = arith.constant 13 : i32
    %swap3A_430 = arith.index_cast %swap3A_429 : i32 to index
    %swap3A_431 = arith.constant 48 : index
    %swap3A_432 = tpu.vector_load %arg17[%swap3A_430, %swap3A_431] {strides = array<i32>} : memref<48x128xf32, #tpu.memory_space<vmem>>, vector<16xf32>,
    tpu.vector_store %arg17[%swap3A_430, %swap3A_431], %broadcast_in_dim3A_1 {strides = array<i32>} : memref<48x128xf32, #tpu.memory_space<vmem>>, vector<16xf32>,
    %swap3A_433 = arith.constant 13 : i32
    %swap3A_434 = arith.index_cast %swap3A_433 : i32 to index
    %swap3A_435 = arith.constant 64 : index
    %swap3A_436 = tpu.vector_load %arg17[%swap3A_434, %swap3A_435] {strides = array<i32>} : memref<48x128xf32, #tpu.memory_space<vmem>>, vector<16xf32>,
    tpu.vector_store %arg17[%swap3A_434, %swap3A_435], %broadcast_in_dim3A_1 {strides = array<i32>} : memref<48x128xf32, #tpu.memory_space<vmem>>, vector<16xf32>,
    %swap3A_437 = arith.constant 13 : i32
    %swap3A_438 = arith.index_cast %swap3A_437 : i32 to index
    %swap3A_439 = arith.constant 80 : index
    %swap3A_440 = tpu.vector_load %arg17[%swap3A_438, %swap3A_439] {strides = array<i32>} : memref<48x128xf32, #tpu.memory_space<vmem>>, vector<16xf32>,
    tpu.vector_store %arg17[%swap3A_438, %swap3A_439], %broadcast_in_dim3A_1 {strides = array<i32>} : memref<48x128xf32, #tpu.memory_space<vmem>>, vector<16xf32>,
    %swap3A_441 = arith.constant 13 : i32
    %swap3A_442 = arith.index_cast %swap3A_441 : i32 to index
    %swap3A_443 = arith.constant 96 : index
    %swap3A_444 = tpu.vector_load %arg17[%swap3A_442, %swap3A_443] {strides = array<i32>} : memref<48x128xf32, #tpu.memory_space<vmem>>, vector<16xf32>,
    tpu.vector_store %arg17[%swap3A_442, %swap3A_443], %broadcast_in_dim3A_1 {strides = array<i32>} : memref<48x128xf32, #tpu.memory_space<vmem>>, vector<16xf32>,
    %swap3A_445 = arith.constant 13 : i32
    %swap3A_446 = arith.index_cast %swap3A_445 : i32 to index
    %swap3A_447 = arith.constant 112 : index
    %swap3A_448 = tpu.vector_load %arg17[%swap3A_446, %swap3A_447] {strides = array<i32>} : memref<48x128xf32, #tpu.memory_space<vmem>>, vector<16xf32>,
    tpu.vector_store %arg17[%swap3A_446, %swap3A_447], %broadcast_in_dim3A_1 {strides = array<i32>} : memref<48x128xf32, #tpu.memory_space<vmem>>, vector<16xf32>,
    %swap3A_449 = arith.constant 14 : i32
    %swap3A_450 = arith.index_cast %swap3A_449 : i32 to index
    %swap3A_451 = arith.constant 0 : index
    %swap3A_452 = tpu.vector_load %arg17[%swap3A_450, %swap3A_451] {strides = array<i32>} : memref<48x128xf32, #tpu.memory_space<vmem>>, vector<16xf32>,
    tpu.vector_store %arg17[%swap3A_450, %swap3A_451], %broadcast_in_dim3A_1 {strides = array<i32>} : memref<48x128xf32, #tpu.memory_space<vmem>>, vector<16xf32>,
    %swap3A_453 = arith.constant 14 : i32
    %swap3A_454 = arith.index_cast %swap3A_453 : i32 to index
    %swap3A_455 = arith.constant 16 : index
    %swap3A_456 = tpu.vector_load %arg17[%swap3A_454, %swap3A_455] {strides = array<i32>} : memref<48x128xf32, #tpu.memory_space<vmem>>, vector<16xf32>,
    tpu.vector_store %arg17[%swap3A_454, %swap3A_455], %broadcast_in_dim3A_1 {strides = array<i32>} : memref<48x128xf32, #tpu.memory_space<vmem>>, vector<16xf32>,
    %swap3A_457 = arith.constant 14 : i32
    %swap3A_458 = arith.index_cast %swap3A_457 : i32 to index
    %swap3A_459 = arith.constant 32 : index
    %swap3A_460 = tpu.vector_load %arg17[%swap3A_458, %swap3A_459] {strides = array<i32>} : memref<48x128xf32, #tpu.memory_space<vmem>>, vector<16xf32>,
    tpu.vector_store %arg17[%swap3A_458, %swap3A_459], %broadcast_in_dim3A_1 {strides = array<i32>} : memref<48x128xf32, #tpu.memory_space<vmem>>, vector<16xf32>,
    %swap3A_461 = arith.constant 14 : i32
    %swap3A_462 = arith.index_cast %swap3A_461 : i32 to index
    %swap3A_463 = arith.constant 48 : index
    %swap3A_464 = tpu.vector_load %arg17[%swap3A_462, %swap3A_463] {strides = array<i32>} : memref<48x128xf32, #tpu.memory_space<vmem>>, vector<16xf32>,
    tpu.vector_store %arg17[%swap3A_462, %swap3A_463], %broadcast_in_dim3A_1 {strides = array<i32>} : memref<48x128xf32, #tpu.memory_space<vmem>>, vector<16xf32>,
    %swap3A_465 = arith.constant 14 : i32
    %swap3A_466 = arith.index_cast %swap3A_465 : i32 to index
    %swap3A_467 = arith.constant 64 : index
    %swap3A_468 = tpu.vector_load %arg17[%swap3A_466, %swap3A_467] {strides = array<i32>} : memref<48x128xf32, #tpu.memory_space<vmem>>, vector<16xf32>,
    tpu.vector_store %arg17[%swap3A_466, %swap3A_467], %broadcast_in_dim3A_1 {strides = array<i32>} : memref<48x128xf32, #tpu.memory_space<vmem>>, vector<16xf32>,
    %swap3A_469 = arith.constant 14 : i32
    %swap3A_470 = arith.index_cast %swap3A_469 : i32 to index
    %swap3A_471 = arith.constant 80 : index
    %swap3A_472 = tpu.vector_load %arg17[%swap3A_470, %swap3A_471] {strides = array<i32>} : memref<48x128xf32, #tpu.memory_space<vmem>>, vector<16xf32>,
    tpu.vector_store %arg17[%swap3A_470, %swap3A_471], %broadcast_in_dim3A_1 {strides = array<i32>} : memref<48x128xf32, #tpu.memory_space<vmem>>, vector<16xf32>,
    %swap3A_473 = arith.constant 14 : i32
    %swap3A_474 = arith.index_cast %swap3A_473 : i32 to index
    %swap3A_475 = arith.constant 96 : index
    %swap3A_476 = tpu.vector_load %arg17[%swap3A_474, %swap3A_475] {strides = array<i32>} : memref<48x128xf32, #tpu.memory_space<vmem>>, vector<16xf32>,
    tpu.vector_store %arg17[%swap3A_474, %swap3A_475], %broadcast_in_dim3A_1 {strides = array<i32>} : memref<48x128xf32, #tpu.memory_space<vmem>>, vector<16xf32>,
    %swap3A_477 = arith.constant 14 : i32
    %swap3A_478 = arith.index_cast %swap3A_477 : i32 to index
    %swap3A_479 = arith.constant 112 : index
    %swap3A_480 = tpu.vector_load %arg17[%swap3A_478, %swap3A_479] {strides = array<i32>} : memref<48x128xf32, #tpu.memory_space<vmem>>, vector<16xf32>,
    tpu.vector_store %arg17[%swap3A_478, %swap3A_479], %broadcast_in_dim3A_1 {strides = array<i32>} : memref<48x128xf32, #tpu.memory_space<vmem>>, vector<16xf32>,
    %swap3A_481 = arith.constant 15 : i32
    %swap3A_482 = arith.index_cast %swap3A_481 : i32 to index
    %swap3A_483 = arith.constant 0 : index
    %swap3A_484 = tpu.vector_load %arg17[%swap3A_482, %swap3A_483] {strides = array<i32>} : memref<48x128xf32, #tpu.memory_space<vmem>>, vector<16xf32>,
    tpu.vector_store %arg17[%swap3A_482, %swap3A_483], %broadcast_in_dim3A_1 {strides = array<i32>} : memref<48x128xf32, #tpu.memory_space<vmem>>, vector<16xf32>,
    %swap3A_485 = arith.constant 15 : i32
    %swap3A_486 = arith.index_cast %swap3A_485 : i32 to index
    %swap3A_487 = arith.constant 16 : index
    %swap3A_488 = tpu.vector_load %arg17[%swap3A_486, %swap3A_487] {strides = array<i32>} : memref<48x128xf32, #tpu.memory_space<vmem>>, vector<16xf32>,
    tpu.vector_store %arg17[%swap3A_486, %swap3A_487], %broadcast_in_dim3A_1 {strides = array<i32>} : memref<48x128xf32, #tpu.memory_space<vmem>>, vector<16xf32>,
    %swap3A_489 = arith.constant 15 : i32
    %swap3A_490 = arith.index_cast %swap3A_489 : i32 to index
    %swap3A_491 = arith.constant 32 : index
    %swap3A_492 = tpu.vector_load %arg17[%swap3A_490, %swap3A_491] {strides = array<i32>} : memref<48x128xf32, #tpu.memory_space<vmem>>, vector<16xf32>,
    tpu.vector_store %arg17[%swap3A_490, %swap3A_491], %broadcast_in_dim3A_1 {strides = array<i32>} : memref<48x128xf32, #tpu.memory_space<vmem>>, vector<16xf32>,
    %swap3A_493 = arith.constant 15 : i32
    %swap3A_494 = arith.index_cast %swap3A_493 : i32 to index
    %swap3A_495 = arith.constant 48 : index
    %swap3A_496 = tpu.vector_load %arg17[%swap3A_494, %swap3A_495] {strides = array<i32>} : memref<48x128xf32, #tpu.memory_space<vmem>>, vector<16xf32>,
    tpu.vector_store %arg17[%swap3A_494, %swap3A_495], %broadcast_in_dim3A_1 {strides = array<i32>} : memref<48x128xf32, #tpu.memory_space<vmem>>, vector<16xf32>,
    %swap3A_497 = arith.constant 15 : i32
    %swap3A_498 = arith.index_cast %swap3A_497 : i32 to index
    %swap3A_499 = arith.constant 64 : index
    %swap3A_500 = tpu.vector_load %arg17[%swap3A_498, %swap3A_499] {strides = array<i32>} : memref<48x128xf32, #tpu.memory_space<vmem>>, vector<16xf32>,
    tpu.vector_store %arg17[%swap3A_498, %swap3A_499], %broadcast_in_dim3A_1 {strides = array<i32>} : memref<48x128xf32, #tpu.memory_space<vmem>>, vector<16xf32>,
    %swap3A_501 = arith.constant 15 : i32
    %swap3A_502 = arith.index_cast %swap3A_501 : i32 to index
    %swap3A_503 = arith.constant 80 : index
    %swap3A_504 = tpu.vector_load %arg17[%swap3A_502, %swap3A_503] {strides = array<i32>} : memref<48x128xf32, #tpu.memory_space<vmem>>, vector<16xf32>,
    tpu.vector_store %arg17[%swap3A_502, %swap3A_503], %broadcast_in_dim3A_1 {strides = array<i32>} : memref<48x128xf32, #tpu.memory_space<vmem>>, vector<16xf32>,
    %swap3A_505 = arith.constant 15 : i32
    %swap3A_506 = arith.index_cast %swap3A_505 : i32 to index
    %swap3A_507 = arith.constant 96 : index
    %swap3A_508 = tpu.vector_load %arg17[%swap3A_506, %swap3A_507] {strides = array<i32>} : memref<48x128xf32, #tpu.memory_space<vmem>>, vector<16xf32>,
    tpu.vector_store %arg17[%swap3A_506, %swap3A_507], %broadcast_in_dim3A_1 {strides = array<i32>} : memref<48x128xf32, #tpu.memory_space<vmem>>, vector<16xf32>,
    %swap3A_509 = arith.constant 15 : i32
    %swap3A_510 = arith.index_cast %swap3A_509 : i32 to index
    %swap3A_511 = arith.constant 112 : index
    %swap3A_512 = tpu.vector_load %arg17[%swap3A_510, %swap3A_511] {strides = array<i32>} : memref<48x128xf32, #tpu.memory_space<vmem>>, vector<16xf32>,
    tpu.vector_store %arg17[%swap3A_510, %swap3A_511], %broadcast_in_dim3A_1 {strides = array<i32>} : memref<48x128xf32, #tpu.memory_space<vmem>>, vector<16xf32>,
    %swap3A_513 = arith.constant 16 : i32
    %swap3A_514 = arith.index_cast %swap3A_513 : i32 to index
    %swap3A_515 = arith.constant 0 : index
    %swap3A_516 = tpu.vector_load %arg17[%swap3A_514, %swap3A_515] {strides = array<i32>} : memref<48x128xf32, #tpu.memory_space<vmem>>, vector<16xf32>,
    tpu.vector_store %arg17[%swap3A_514, %swap3A_515], %broadcast_in_dim3A_1 {strides = array<i32>} : memref<48x128xf32, #tpu.memory_space<vmem>>, vector<16xf32>,
    %swap3A_517 = arith.constant 16 : i32
    %swap3A_518 = arith.index_cast %swap3A_517 : i32 to index
    %swap3A_519 = arith.constant 16 : index
    %swap3A_520 = tpu.vector_load %arg17[%swap3A_518, %swap3A_519] {strides = array<i32>} : memref<48x128xf32, #tpu.memory_space<vmem>>, vector<16xf32>,
    tpu.vector_store %arg17[%swap3A_518, %swap3A_519], %broadcast_in_dim3A_1 {strides = array<i32>} : memref<48x128xf32, #tpu.memory_space<vmem>>, vector<16xf32>,
    %swap3A_521 = arith.constant 16 : i32
    %swap3A_522 = arith.index_cast %swap3A_521 : i32 to index
    %swap3A_523 = arith.constant 32 : index
    %swap3A_524 = tpu.vector_load %arg17[%swap3A_522, %swap3A_523] {strides = array<i32>} : memref<48x128xf32, #tpu.memory_space<vmem>>, vector<16xf32>,
    tpu.vector_store %arg17[%swap3A_522, %swap3A_523], %broadcast_in_dim3A_1 {strides = array<i32>} : memref<48x128xf32, #tpu.memory_space<vmem>>, vector<16xf32>,
    %swap3A_525 = arith.constant 16 : i32
    %swap3A_526 = arith.index_cast %swap3A_525 : i32 to index
    %swap3A_527 = arith.constant 48 : index
    %swap3A_528 = tpu.vector_load %arg17[%swap3A_526, %swap3A_527] {strides = array<i32>} : memref<48x128xf32, #tpu.memory_space<vmem>>, vector<16xf32>,
    tpu.vector_store %arg17[%swap3A_526, %swap3A_527], %broadcast_in_dim3A_1 {strides = array<i32>} : memref<48x128xf32, #tpu.memory_space<vmem>>, vector<16xf32>,
    %swap3A_529 = arith.constant 16 : i32
    %swap3A_530 = arith.index_cast %swap3A_529 : i32 to index
    %swap3A_531 = arith.constant 64 : index
    %swap3A_532 = tpu.vector_load %arg17[%swap3A_530, %swap3A_531] {strides = array<i32>} : memref<48x128xf32, #tpu.memory_space<vmem>>, vector<16xf32>,
    tpu.vector_store %arg17[%swap3A_530, %swap3A_531], %broadcast_in_dim3A_1 {strides = array<i32>} : memref<48x128xf32, #tpu.memory_space<vmem>>, vector<16xf32>,
    %swap3A_533 = arith.constant 16 : i32
    %swap3A_534 = arith.index_cast %swap3A_533 : i32 to index
    %swap3A_535 = arith.constant 80 : index
    %swap3A_536 = tpu.vector_load %arg17[%swap3A_534, %swap3A_535] {strides = array<i32>} : memref<48x128xf32, #tpu.memory_space<vmem>>, vector<16xf32>,
    tpu.vector_store %arg17[%swap3A_534, %swap3A_535], %broadcast_in_dim3A_1 {strides = array<i32>} : memref<48x128xf32, #tpu.memory_space<vmem>>, vector<16xf32>,
    %swap3A_537 = arith.constant 16 : i32
    %swap3A_538 = arith.index_cast %swap3A_537 : i32 to index
    %swap3A_539 = arith.constant 96 : index
    %swap3A_540 = tpu.vector_load %arg17[%swap3A_538, %swap3A_539] {strides = array<i32>} : memref<48x128xf32, #tpu.memory_space<vmem>>, vector<16xf32>,
    tpu.vector_store %arg17[%swap3A_538, %swap3A_539], %broadcast_in_dim3A_1 {strides = array<i32>} : memref<48x128xf32, #tpu.memory_space<vmem>>, vector<16xf32>,
    %swap3A_541 = arith.constant 16 : i32
    %swap3A_542 = arith.index_cast %swap3A_541 : i32 to index
    %swap3A_543 = arith.constant 112 : index
    %swap3A_544 = tpu.vector_load %arg17[%swap3A_542, %swap3A_543] {strides = array<i32>} : memref<48x128xf32, #tpu.memory_space<vmem>>, vector<16xf32>,
    tpu.vector_store %arg17[%swap3A_542, %swap3A_543], %broadcast_in_dim3A_1 {strides = array<i32>} : memref<48x128xf32, #tpu.memory_space<vmem>>, vector<16xf32>,
    %swap3A_545 = arith.constant 17 : i32
    %swap3A_546 = arith.index_cast %swap3A_545 : i32 to index
    %swap3A_547 = arith.constant 0 : index
    %swap3A_548 = tpu.vector_load %arg17[%swap3A_546, %swap3A_547] {strides = array<i32>} : memref<48x128xf32, #tpu.memory_space<vmem>>, vector<16xf32>,
    tpu.vector_store %arg17[%swap3A_546, %swap3A_547], %broadcast_in_dim3A_1 {strides = array<i32>} : memref<48x128xf32, #tpu.memory_space<vmem>>, vector<16xf32>,
    %swap3A_549 = arith.constant 17 : i32
    %swap3A_550 = arith.index_cast %swap3A_549 : i32 to index
    %swap3A_551 = arith.constant 16 : index
    %swap3A_552 = tpu.vector_load %arg17[%swap3A_550, %swap3A_551] {strides = array<i32>} : memref<48x128xf32, #tpu.memory_space<vmem>>, vector<16xf32>,
    tpu.vector_store %arg17[%swap3A_550, %swap3A_551], %broadcast_in_dim3A_1 {strides = array<i32>} : memref<48x128xf32, #tpu.memory_space<vmem>>, vector<16xf32>,
    %swap3A_553 = arith.constant 17 : i32
    %swap3A_554 = arith.index_cast %swap3A_553 : i32 to index
    %swap3A_555 = arith.constant 32 : index
    %swap3A_556 = tpu.vector_load %arg17[%swap3A_554, %swap3A_555] {strides = array<i32>} : memref<48x128xf32, #tpu.memory_space<vmem>>, vector<16xf32>,
    tpu.vector_store %arg17[%swap3A_554, %swap3A_555], %broadcast_in_dim3A_1 {strides = array<i32>} : memref<48x128xf32, #tpu.memory_space<vmem>>, vector<16xf32>,
    %swap3A_557 = arith.constant 17 : i32
    %swap3A_558 = arith.index_cast %swap3A_557 : i32 to index
    %swap3A_559 = arith.constant 48 : index
    %swap3A_560 = tpu.vector_load %arg17[%swap3A_558, %swap3A_559] {strides = array<i32>} : memref<48x128xf32, #tpu.memory_space<vmem>>, vector<16xf32>,
    tpu.vector_store %arg17[%swap3A_558, %swap3A_559], %broadcast_in_dim3A_1 {strides = array<i32>} : memref<48x128xf32, #tpu.memory_space<vmem>>, vector<16xf32>,
    %swap3A_561 = arith.constant 17 : i32
    %swap3A_562 = arith.index_cast %swap3A_561 : i32 to index
    %swap3A_563 = arith.constant 64 : index
    %swap3A_564 = tpu.vector_load %arg17[%swap3A_562, %swap3A_563] {strides = array<i32>} : memref<48x128xf32, #tpu.memory_space<vmem>>, vector<16xf32>,
    tpu.vector_store %arg17[%swap3A_562, %swap3A_563], %broadcast_in_dim3A_1 {strides = array<i32>} : memref<48x128xf32, #tpu.memory_space<vmem>>, vector<16xf32>,
    %swap3A_565 = arith.constant 17 : i32
    %swap3A_566 = arith.index_cast %swap3A_565 : i32 to index
    %swap3A_567 = arith.constant 80 : index
    %swap3A_568 = tpu.vector_load %arg17[%swap3A_566, %swap3A_567] {strides = array<i32>} : memref<48x128xf32, #tpu.memory_space<vmem>>, vector<16xf32>,
    tpu.vector_store %arg17[%swap3A_566, %swap3A_567], %broadcast_in_dim3A_1 {strides = array<i32>} : memref<48x128xf32, #tpu.memory_space<vmem>>, vector<16xf32>,
    %swap3A_569 = arith.constant 17 : i32
    %swap3A_570 = arith.index_cast %swap3A_569 : i32 to index
    %swap3A_571 = arith.constant 96 : index
    %swap3A_572 = tpu.vector_load %arg17[%swap3A_570, %swap3A_571] {strides = array<i32>} : memref<48x128xf32, #tpu.memory_space<vmem>>, vector<16xf32>,
    tpu.vector_store %arg17[%swap3A_570, %swap3A_571], %broadcast_in_dim3A_1 {strides = array<i32>} : memref<48x128xf32, #tpu.memory_space<vmem>>, vector<16xf32>,
    %swap3A_573 = arith.constant 17 : i32
    %swap3A_574 = arith.index_cast %swap3A_573 : i32 to index
    %swap3A_575 = arith.constant 112 : index
    %swap3A_576 = tpu.vector_load %arg17[%swap3A_574, %swap3A_575] {strides = array<i32>} : memref<48x128xf32, #tpu.memory_space<vmem>>, vector<16xf32>,
    tpu.vector_store %arg17[%swap3A_574, %swap3A_575], %broadcast_in_dim3A_1 {strides = array<i32>} : memref<48x128xf32, #tpu.memory_space<vmem>>, vector<16xf32>,
    %swap3A_577 = arith.constant 18 : i32
    %swap3A_578 = arith.index_cast %swap3A_577 : i32 to index
    %swap3A_579 = arith.constant 0 : index
    %swap3A_580 = tpu.vector_load %arg17[%swap3A_578, %swap3A_579] {strides = array<i32>} : memref<48x128xf32, #tpu.memory_space<vmem>>, vector<16xf32>,
    tpu.vector_store %arg17[%swap3A_578, %swap3A_579], %broadcast_in_dim3A_1 {strides = array<i32>} : memref<48x128xf32, #tpu.memory_space<vmem>>, vector<16xf32>,
    %swap3A_581 = arith.constant 18 : i32
    %swap3A_582 = arith.index_cast %swap3A_581 : i32 to index
    %swap3A_583 = arith.constant 16 : index
    %swap3A_584 = tpu.vector_load %arg17[%swap3A_582, %swap3A_583] {strides = array<i32>} : memref<48x128xf32, #tpu.memory_space<vmem>>, vector<16xf32>,
    tpu.vector_store %arg17[%swap3A_582, %swap3A_583], %broadcast_in_dim3A_1 {strides = array<i32>} : memref<48x128xf32, #tpu.memory_space<vmem>>, vector<16xf32>,
    %swap3A_585 = arith.constant 18 : i32
    %swap3A_586 = arith.index_cast %swap3A_585 : i32 to index
    %swap3A_587 = arith.constant 32 : index
    %swap3A_588 = tpu.vector_load %arg17[%swap3A_586, %swap3A_587] {strides = array<i32>} : memref<48x128xf32, #tpu.memory_space<vmem>>, vector<16xf32>,
    tpu.vector_store %arg17[%swap3A_586, %swap3A_587], %broadcast_in_dim3A_1 {strides = array<i32>} : memref<48x128xf32, #tpu.memory_space<vmem>>, vector<16xf32>,
    %swap3A_589 = arith.constant 18 : i32
    %swap3A_590 = arith.index_cast %swap3A_589 : i32 to index
    %swap3A_591 = arith.constant 48 : index
    %swap3A_592 = tpu.vector_load %arg17[%swap3A_590, %swap3A_591] {strides = array<i32>} : memref<48x128xf32, #tpu.memory_space<vmem>>, vector<16xf32>,
    tpu.vector_store %arg17[%swap3A_590, %swap3A_591], %broadcast_in_dim3A_1 {strides = array<i32>} : memref<48x128xf32, #tpu.memory_space<vmem>>, vector<16xf32>,
    %swap3A_593 = arith.constant 18 : i32
    %swap3A_594 = arith.index_cast %swap3A_593 : i32 to index
    %swap3A_595 = arith.constant 64 : index
    %swap3A_596 = tpu.vector_load %arg17[%swap3A_594, %swap3A_595] {strides = array<i32>} : memref<48x128xf32, #tpu.memory_space<vmem>>, vector<16xf32>,
    tpu.vector_store %arg17[%swap3A_594, %swap3A_595], %broadcast_in_dim3A_1 {strides = array<i32>} : memref<48x128xf32, #tpu.memory_space<vmem>>, vector<16xf32>,
    %swap3A_597 = arith.constant 18 : i32
    %swap3A_598 = arith.index_cast %swap3A_597 : i32 to index
    %swap3A_599 = arith.constant 80 : index
    %swap3A_600 = tpu.vector_load %arg17[%swap3A_598, %swap3A_599] {strides = array<i32>} : memref<48x128xf32, #tpu.memory_space<vmem>>, vector<16xf32>,
    tpu.vector_store %arg17[%swap3A_598, %swap3A_599], %broadcast_in_dim3A_1 {strides = array<i32>} : memref<48x128xf32, #tpu.memory_space<vmem>>, vector<16xf32>,
    %swap3A_601 = arith.constant 18 : i32
    %swap3A_602 = arith.index_cast %swap3A_601 : i32 to index
    %swap3A_603 = arith.constant 96 : index
    %swap3A_604 = tpu.vector_load %arg17[%swap3A_602, %swap3A_603] {strides = array<i32>} : memref<48x128xf32, #tpu.memory_space<vmem>>, vector<16xf32>,
    tpu.vector_store %arg17[%swap3A_602, %swap3A_603], %broadcast_in_dim3A_1 {strides = array<i32>} : memref<48x128xf32, #tpu.memory_space<vmem>>, vector<16xf32>,
    %swap3A_605 = arith.constant 18 : i32
    %swap3A_606 = arith.index_cast %swap3A_605 : i32 to index
    %swap3A_607 = arith.constant 112 : index
    %swap3A_608 = tpu.vector_load %arg17[%swap3A_606, %swap3A_607] {strides = array<i32>} : memref<48x128xf32, #tpu.memory_space<vmem>>, vector<16xf32>,
    tpu.vector_store %arg17[%swap3A_606, %swap3A_607], %broadcast_in_dim3A_1 {strides = array<i32>} : memref<48x128xf32, #tpu.memory_space<vmem>>, vector<16xf32>,
    %swap3A_609 = arith.constant 19 : i32
    %swap3A_610 = arith.index_cast %swap3A_609 : i32 to index
    %swap3A_611 = arith.constant 0 : index
    %swap3A_612 = tpu.vector_load %arg17[%swap3A_610, %swap3A_611] {strides = array<i32>} : memref<48x128xf32, #tpu.memory_space<vmem>>, vector<16xf32>,
    tpu.vector_store %arg17[%swap3A_610, %swap3A_611], %broadcast_in_dim3A_1 {strides = array<i32>} : memref<48x128xf32, #tpu.memory_space<vmem>>, vector<16xf32>,
    %swap3A_613 = arith.constant 19 : i32
    %swap3A_614 = arith.index_cast %swap3A_613 : i32 to index
    %swap3A_615 = arith.constant 16 : index
    %swap3A_616 = tpu.vector_load %arg17[%swap3A_614, %swap3A_615] {strides = array<i32>} : memref<48x128xf32, #tpu.memory_space<vmem>>, vector<16xf32>,
    tpu.vector_store %arg17[%swap3A_614, %swap3A_615], %broadcast_in_dim3A_1 {strides = array<i32>} : memref<48x128xf32, #tpu.memory_space<vmem>>, vector<16xf32>,
    %swap3A_617 = arith.constant 19 : i32
    %swap3A_618 = arith.index_cast %swap3A_617 : i32 to index
    %swap3A_619 = arith.constant 32 : index
    %swap3A_620 = tpu.vector_load %arg17[%swap3A_618, %swap3A_619] {strides = array<i32>} : memref<48x128xf32, #tpu.memory_space<vmem>>, vector<16xf32>,
    tpu.vector_store %arg17[%swap3A_618, %swap3A_619], %broadcast_in_dim3A_1 {strides = array<i32>} : memref<48x128xf32, #tpu.memory_space<vmem>>, vector<16xf32>,
    %swap3A_621 = arith.constant 19 : i32
    %swap3A_622 = arith.index_cast %swap3A_621 : i32 to index
    %swap3A_623 = arith.constant 48 : index
    %swap3A_624 = tpu.vector_load %arg17[%swap3A_622, %swap3A_623] {strides = array<i32>} : memref<48x128xf32, #tpu.memory_space<vmem>>, vector<16xf32>,
    tpu.vector_store %arg17[%swap3A_622, %swap3A_623], %broadcast_in_dim3A_1 {strides = array<i32>} : memref<48x128xf32, #tpu.memory_space<vmem>>, vector<16xf32>,
    %swap3A_625 = arith.constant 19 : i32
    %swap3A_626 = arith.index_cast %swap3A_625 : i32 to index
    %swap3A_627 = arith.constant 64 : index
    %swap3A_628 = tpu.vector_load %arg17[%swap3A_626, %swap3A_627] {strides = array<i32>} : memref<48x128xf32, #tpu.memory_space<vmem>>, vector<16xf32>,
    tpu.vector_store %arg17[%swap3A_626, %swap3A_627], %broadcast_in_dim3A_1 {strides = array<i32>} : memref<48x128xf32, #tpu.memory_space<vmem>>, vector<16xf32>,
    %swap3A_629 = arith.constant 19 : i32
    %swap3A_630 = arith.index_cast %swap3A_629 : i32 to index
    %swap3A_631 = arith.constant 80 : index
    %swap3A_632 = tpu.vector_load %arg17[%swap3A_630, %swap3A_631] {strides = array<i32>} : memref<48x128xf32, #tpu.memory_space<vmem>>, vector<16xf32>,
    tpu.vector_store %arg17[%swap3A_630, %swap3A_631], %broadcast_in_dim3A_1 {strides = array<i32>} : memref<48x128xf32, #tpu.memory_space<vmem>>, vector<16xf32>,
    %swap3A_633 = arith.constant 19 : i32
    %swap3A_634 = arith.index_cast %swap3A_633 : i32 to index
    %swap3A_635 = arith.constant 96 : index
    %swap3A_636 = tpu.vector_load %arg17[%swap3A_634, %swap3A_635] {strides = array<i32>} : memref<48x128xf32, #tpu.memory_space<vmem>>, vector<16xf32>,
    tpu.vector_store %arg17[%swap3A_634, %swap3A_635], %broadcast_in_dim3A_1 {strides = array<i32>} : memref<48x128xf32, #tpu.memory_space<vmem>>, vector<16xf32>,
    %swap3A_637 = arith.constant 19 : i32
    %swap3A_638 = arith.index_cast %swap3A_637 : i32 to index
    %swap3A_639 = arith.constant 112 : index
    %swap3A_640 = tpu.vector_load %arg17[%swap3A_638, %swap3A_639] {strides = array<i32>} : memref<48x128xf32, #tpu.memory_space<vmem>>, vector<16xf32>,
    tpu.vector_store %arg17[%swap3A_638, %swap3A_639], %broadcast_in_dim3A_1 {strides = array<i32>} : memref<48x128xf32, #tpu.memory_space<vmem>>, vector<16xf32>,
    %swap3A_641 = arith.constant 20 : i32
    %swap3A_642 = arith.index_cast %swap3A_641 : i32 to index
    %swap3A_643 = arith.constant 0 : index
    %swap3A_644 = tpu.vector_load %arg17[%swap3A_642, %swap3A_643] {strides = array<i32>} : memref<48x128xf32, #tpu.memory_space<vmem>>, vector<16xf32>,
    tpu.vector_store %arg17[%swap3A_642, %swap3A_643], %broadcast_in_dim3A_1 {strides = array<i32>} : memref<48x128xf32, #tpu.memory_space<vmem>>, vector<16xf32>,
    %swap3A_645 = arith.constant 20 : i32
    %swap3A_646 = arith.index_cast %swap3A_645 : i32 to index
    %swap3A_647 = arith.constant 16 : index
    %swap3A_648 = tpu.vector_load %arg17[%swap3A_646, %swap3A_647] {strides = array<i32>} : memref<48x128xf32, #tpu.memory_space<vmem>>, vector<16xf32>,
    tpu.vector_store %arg17[%swap3A_646, %swap3A_647], %broadcast_in_dim3A_1 {strides = array<i32>} : memref<48x128xf32, #tpu.memory_space<vmem>>, vector<16xf32>,
    %swap3A_649 = arith.constant 20 : i32
    %swap3A_650 = arith.index_cast %swap3A_649 : i32 to index
    %swap3A_651 = arith.constant 32 : index
    %swap3A_652 = tpu.vector_load %arg17[%swap3A_650, %swap3A_651] {strides = array<i32>} : memref<48x128xf32, #tpu.memory_space<vmem>>, vector<16xf32>,
    tpu.vector_store %arg17[%swap3A_650, %swap3A_651], %broadcast_in_dim3A_1 {strides = array<i32>} : memref<48x128xf32, #tpu.memory_space<vmem>>, vector<16xf32>,
    %swap3A_653 = arith.constant 20 : i32
    %swap3A_654 = arith.index_cast %swap3A_653 : i32 to index
    %swap3A_655 = arith.constant 48 : index
    %swap3A_656 = tpu.vector_load %arg17[%swap3A_654, %swap3A_655] {strides = array<i32>} : memref<48x128xf32, #tpu.memory_space<vmem>>, vector<16xf32>,
    tpu.vector_store %arg17[%swap3A_654, %swap3A_655], %broadcast_in_dim3A_1 {strides = array<i32>} : memref<48x128xf32, #tpu.memory_space<vmem>>, vector<16xf32>,
    %swap3A_657 = arith.constant 20 : i32
    %swap3A_658 = arith.index_cast %swap3A_657 : i32 to index
    %swap3A_659 = arith.constant 64 : index
    %swap3A_660 = tpu.vector_load %arg17[%swap3A_658, %swap3A_659] {strides = array<i32>} : memref<48x128xf32, #tpu.memory_space<vmem>>, vector<16xf32>,
    tpu.vector_store %arg17[%swap3A_658, %swap3A_659], %broadcast_in_dim3A_1 {strides = array<i32>} : memref<48x128xf32, #tpu.memory_space<vmem>>, vector<16xf32>,
    %swap3A_661 = arith.constant 20 : i32
    %swap3A_662 = arith.index_cast %swap3A_661 : i32 to index
    %swap3A_663 = arith.constant 80 : index
    %swap3A_664 = tpu.vector_load %arg17[%swap3A_662, %swap3A_663] {strides = array<i32>} : memref<48x128xf32, #tpu.memory_space<vmem>>, vector<16xf32>,
    tpu.vector_store %arg17[%swap3A_662, %swap3A_663], %broadcast_in_dim3A_1 {strides = array<i32>} : memref<48x128xf32, #tpu.memory_space<vmem>>, vector<16xf32>,
    %swap3A_665 = arith.constant 20 : i32
    %swap3A_666 = arith.index_cast %swap3A_665 : i32 to index
    %swap3A_667 = arith.constant 96 : index
    %swap3A_668 = tpu.vector_load %arg17[%swap3A_666, %swap3A_667] {strides = array<i32>} : memref<48x128xf32, #tpu.memory_space<vmem>>, vector<16xf32>,
    tpu.vector_store %arg17[%swap3A_666, %swap3A_667], %broadcast_in_dim3A_1 {strides = array<i32>} : memref<48x128xf32, #tpu.memory_space<vmem>>, vector<16xf32>,
    %swap3A_669 = arith.constant 20 : i32
    %swap3A_670 = arith.index_cast %swap3A_669 : i32 to index
    %swap3A_671 = arith.constant 112 : index
    %swap3A_672 = tpu.vector_load %arg17[%swap3A_670, %swap3A_671] {strides = array<i32>} : memref<48x128xf32, #tpu.memory_space<vmem>>, vector<16xf32>,
    tpu.vector_store %arg17[%swap3A_670, %swap3A_671], %broadcast_in_dim3A_1 {strides = array<i32>} : memref<48x128xf32, #tpu.memory_space<vmem>>, vector<16xf32>,
    %swap3A_673 = arith.constant 21 : i32
    %swap3A_674 = arith.index_cast %swap3A_673 : i32 to index
    %swap3A_675 = arith.constant 0 : index
    %swap3A_676 = tpu.vector_load %arg17[%swap3A_674, %swap3A_675] {strides = array<i32>} : memref<48x128xf32, #tpu.memory_space<vmem>>, vector<16xf32>,
    tpu.vector_store %arg17[%swap3A_674, %swap3A_675], %broadcast_in_dim3A_1 {strides = array<i32>} : memref<48x128xf32, #tpu.memory_space<vmem>>, vector<16xf32>,
    %swap3A_677 = arith.constant 21 : i32
    %swap3A_678 = arith.index_cast %swap3A_677 : i32 to index
    %swap3A_679 = arith.constant 16 : index
    %swap3A_680 = tpu.vector_load %arg17[%swap3A_678, %swap3A_679] {strides = array<i32>} : memref<48x128xf32, #tpu.memory_space<vmem>>, vector<16xf32>,
    tpu.vector_store %arg17[%swap3A_678, %swap3A_679], %broadcast_in_dim3A_1 {strides = array<i32>} : memref<48x128xf32, #tpu.memory_space<vmem>>, vector<16xf32>,
    %swap3A_681 = arith.constant 21 : i32
    %swap3A_682 = arith.index_cast %swap3A_681 : i32 to index
    %swap3A_683 = arith.constant 32 : index
    %swap3A_684 = tpu.vector_load %arg17[%swap3A_682, %swap3A_683] {strides = array<i32>} : memref<48x128xf32, #tpu.memory_space<vmem>>, vector<16xf32>,
    tpu.vector_store %arg17[%swap3A_682, %swap3A_683], %broadcast_in_dim3A_1 {strides = array<i32>} : memref<48x128xf32, #tpu.memory_space<vmem>>, vector<16xf32>,
    %swap3A_685 = arith.constant 21 : i32
    %swap3A_686 = arith.index_cast %swap3A_685 : i32 to index
    %swap3A_687 = arith.constant 48 : index
    %swap3A_688 = tpu.vector_load %arg17[%swap3A_686, %swap3A_687] {strides = array<i32>} : memref<48x128xf32, #tpu.memory_space<vmem>>, vector<16xf32>,
    tpu.vector_store %arg17[%swap3A_686, %swap3A_687], %broadcast_in_dim3A_1 {strides = array<i32>} : memref<48x128xf32, #tpu.memory_space<vmem>>, vector<16xf32>,
    %swap3A_689 = arith.constant 21 : i32
    %swap3A_690 = arith.index_cast %swap3A_689 : i32 to index
    %swap3A_691 = arith.constant 64 : index
    %swap3A_692 = tpu.vector_load %arg17[%swap3A_690, %swap3A_691] {strides = array<i32>} : memref<48x128xf32, #tpu.memory_space<vmem>>, vector<16xf32>,
    tpu.vector_store %arg17[%swap3A_690, %swap3A_691], %broadcast_in_dim3A_1 {strides = array<i32>} : memref<48x128xf32, #tpu.memory_space<vmem>>, vector<16xf32>,
    %swap3A_693 = arith.constant 21 : i32
    %swap3A_694 = arith.index_cast %swap3A_693 : i32 to index
    %swap3A_695 = arith.constant 80 : index
    %swap3A_696 = tpu.vector_load %arg17[%swap3A_694, %swap3A_695] {strides = array<i32>} : memref<48x128xf32, #tpu.memory_space<vmem>>, vector<16xf32>,
    tpu.vector_store %arg17[%swap3A_694, %swap3A_695], %broadcast_in_dim3A_1 {strides = array<i32>} : memref<48x128xf32, #tpu.memory_space<vmem>>, vector<16xf32>,
    %swap3A_697 = arith.constant 21 : i32
    %swap3A_698 = arith.index_cast %swap3A_697 : i32 to index
    %swap3A_699 = arith.constant 96 : index
    %swap3A_700 = tpu.vector_load %arg17[%swap3A_698, %swap3A_699] {strides = array<i32>} : memref<48x128xf32, #tpu.memory_space<vmem>>, vector<16xf32>,
    tpu.vector_store %arg17[%swap3A_698, %swap3A_699], %broadcast_in_dim3A_1 {strides = array<i32>} : memref<48x128xf32, #tpu.memory_space<vmem>>, vector<16xf32>,
    %swap3A_701 = arith.constant 21 : i32
    %swap3A_702 = arith.index_cast %swap3A_701 : i32 to index
    %swap3A_703 = arith.constant 112 : index
    %swap3A_704 = tpu.vector_load %arg17[%swap3A_702, %swap3A_703] {strides = array<i32>} : memref<48x128xf32, #tpu.memory_space<vmem>>, vector<16xf32>,
    tpu.vector_store %arg17[%swap3A_702, %swap3A_703], %broadcast_in_dim3A_1 {strides = array<i32>} : memref<48x128xf32, #tpu.memory_space<vmem>>, vector<16xf32>,
    %swap3A_705 = arith.constant 22 : i32
    %swap3A_706 = arith.index_cast %swap3A_705 : i32 to index
    %swap3A_707 = arith.constant 0 : index
    %swap3A_708 = tpu.vector_load %arg17[%swap3A_706, %swap3A_707] {strides = array<i32>} : memref<48x128xf32, #tpu.memory_space<vmem>>, vector<16xf32>,
    tpu.vector_store %arg17[%swap3A_706, %swap3A_707], %broadcast_in_dim3A_1 {strides = array<i32>} : memref<48x128xf32, #tpu.memory_space<vmem>>, vector<16xf32>,
    %swap3A_709 = arith.constant 22 : i32
    %swap3A_710 = arith.index_cast %swap3A_709 : i32 to index
    %swap3A_711 = arith.constant 16 : index
    %swap3A_712 = tpu.vector_load %arg17[%swap3A_710, %swap3A_711] {strides = array<i32>} : memref<48x128xf32, #tpu.memory_space<vmem>>, vector<16xf32>,
    tpu.vector_store %arg17[%swap3A_710, %swap3A_711], %broadcast_in_dim3A_1 {strides = array<i32>} : memref<48x128xf32, #tpu.memory_space<vmem>>, vector<16xf32>,
    %swap3A_713 = arith.constant 22 : i32
    %swap3A_714 = arith.index_cast %swap3A_713 : i32 to index
    %swap3A_715 = arith.constant 32 : index
    %swap3A_716 = tpu.vector_load %arg17[%swap3A_714, %swap3A_715] {strides = array<i32>} : memref<48x128xf32, #tpu.memory_space<vmem>>, vector<16xf32>,
    tpu.vector_store %arg17[%swap3A_714, %swap3A_715], %broadcast_in_dim3A_1 {strides = array<i32>} : memref<48x128xf32, #tpu.memory_space<vmem>>, vector<16xf32>,
    %swap3A_717 = arith.constant 22 : i32
    %swap3A_718 = arith.index_cast %swap3A_717 : i32 to index
    %swap3A_719 = arith.constant 48 : index
    %swap3A_720 = tpu.vector_load %arg17[%swap3A_718, %swap3A_719] {strides = array<i32>} : memref<48x128xf32, #tpu.memory_space<vmem>>, vector<16xf32>,
    tpu.vector_store %arg17[%swap3A_718, %swap3A_719], %broadcast_in_dim3A_1 {strides = array<i32>} : memref<48x128xf32, #tpu.memory_space<vmem>>, vector<16xf32>,
    %swap3A_721 = arith.constant 22 : i32
    %swap3A_722 = arith.index_cast %swap3A_721 : i32 to index
    %swap3A_723 = arith.constant 64 : index
    %swap3A_724 = tpu.vector_load %arg17[%swap3A_722, %swap3A_723] {strides = array<i32>} : memref<48x128xf32, #tpu.memory_space<vmem>>, vector<16xf32>,
    tpu.vector_store %arg17[%swap3A_722, %swap3A_723], %broadcast_in_dim3A_1 {strides = array<i32>} : memref<48x128xf32, #tpu.memory_space<vmem>>, vector<16xf32>,
    %swap3A_725 = arith.constant 22 : i32
    %swap3A_726 = arith.index_cast %swap3A_725 : i32 to index
    %swap3A_727 = arith.constant 80 : index
    %swap3A_728 = tpu.vector_load %arg17[%swap3A_726, %swap3A_727] {strides = array<i32>} : memref<48x128xf32, #tpu.memory_space<vmem>>, vector<16xf32>,
    tpu.vector_store %arg17[%swap3A_726, %swap3A_727], %broadcast_in_dim3A_1 {strides = array<i32>} : memref<48x128xf32, #tpu.memory_space<vmem>>, vector<16xf32>,
    %swap3A_729 = arith.constant 22 : i32
    %swap3A_730 = arith.index_cast %swap3A_729 : i32 to index
    %swap3A_731 = arith.constant 96 : index
    %swap3A_732 = tpu.vector_load %arg17[%swap3A_730, %swap3A_731] {strides = array<i32>} : memref<48x128xf32, #tpu.memory_space<vmem>>, vector<16xf32>,
    tpu.vector_store %arg17[%swap3A_730, %swap3A_731], %broadcast_in_dim3A_1 {strides = array<i32>} : memref<48x128xf32, #tpu.memory_space<vmem>>, vector<16xf32>,
    %swap3A_733 = arith.constant 22 : i32
    %swap3A_734 = arith.index_cast %swap3A_733 : i32 to index
    %swap3A_735 = arith.constant 112 : index
    %swap3A_736 = tpu.vector_load %arg17[%swap3A_734, %swap3A_735] {strides = array<i32>} : memref<48x128xf32, #tpu.memory_space<vmem>>, vector<16xf32>,
    tpu.vector_store %arg17[%swap3A_734, %swap3A_735], %broadcast_in_dim3A_1 {strides = array<i32>} : memref<48x128xf32, #tpu.memory_space<vmem>>, vector<16xf32>,
    %swap3A_737 = arith.constant 23 : i32
    %swap3A_738 = arith.index_cast %swap3A_737 : i32 to index
    %swap3A_739 = arith.constant 0 : index
    %swap3A_740 = tpu.vector_load %arg17[%swap3A_738, %swap3A_739] {strides = array<i32>} : memref<48x128xf32, #tpu.memory_space<vmem>>, vector<16xf32>,
    tpu.vector_store %arg17[%swap3A_738, %swap3A_739], %broadcast_in_dim3A_1 {strides = array<i32>} : memref<48x128xf32, #tpu.memory_space<vmem>>, vector<16xf32>,
    %swap3A_741 = arith.constant 23 : i32
    %swap3A_742 = arith.index_cast %swap3A_741 : i32 to index
    %swap3A_743 = arith.constant 16 : index
    %swap3A_744 = tpu.vector_load %arg17[%swap3A_742, %swap3A_743] {strides = array<i32>} : memref<48x128xf32, #tpu.memory_space<vmem>>, vector<16xf32>,
    tpu.vector_store %arg17[%swap3A_742, %swap3A_743], %broadcast_in_dim3A_1 {strides = array<i32>} : memref<48x128xf32, #tpu.memory_space<vmem>>, vector<16xf32>,
    %swap3A_745 = arith.constant 23 : i32
    %swap3A_746 = arith.index_cast %swap3A_745 : i32 to index
    %swap3A_747 = arith.constant 32 : index
    %swap3A_748 = tpu.vector_load %arg17[%swap3A_746, %swap3A_747] {strides = array<i32>} : memref<48x128xf32, #tpu.memory_space<vmem>>, vector<16xf32>,
    tpu.vector_store %arg17[%swap3A_746, %swap3A_747], %broadcast_in_dim3A_1 {strides = array<i32>} : memref<48x128xf32, #tpu.memory_space<vmem>>, vector<16xf32>,
    %swap3A_749 = arith.constant 23 : i32
    %swap3A_750 = arith.index_cast %swap3A_749 : i32 to index
    %swap3A_751 = arith.constant 48 : index
    %swap3A_752 = tpu.vector_load %arg17[%swap3A_750, %swap3A_751] {strides = array<i32>} : memref<48x128xf32, #tpu.memory_space<vmem>>, vector<16xf32>,
    tpu.vector_store %arg17[%swap3A_750, %swap3A_751], %broadcast_in_dim3A_1 {strides = array<i32>} : memref<48x128xf32, #tpu.memory_space<vmem>>, vector<16xf32>,
    %swap3A_753 = arith.constant 23 : i32
    %swap3A_754 = arith.index_cast %swap3A_753 : i32 to index
    %swap3A_755 = arith.constant 64 : index
    %swap3A_756 = tpu.vector_load %arg17[%swap3A_754, %swap3A_755] {strides = array<i32>} : memref<48x128xf32, #tpu.memory_space<vmem>>, vector<16xf32>,
    tpu.vector_store %arg17[%swap3A_754, %swap3A_755], %broadcast_in_dim3A_1 {strides = array<i32>} : memref<48x128xf32, #tpu.memory_space<vmem>>, vector<16xf32>,
    %swap3A_757 = arith.constant 23 : i32
    %swap3A_758 = arith.index_cast %swap3A_757 : i32 to index
    %swap3A_759 = arith.constant 80 : index
    %swap3A_760 = tpu.vector_load %arg17[%swap3A_758, %swap3A_759] {strides = array<i32>} : memref<48x128xf32, #tpu.memory_space<vmem>>, vector<16xf32>,
    tpu.vector_store %arg17[%swap3A_758, %swap3A_759], %broadcast_in_dim3A_1 {strides = array<i32>} : memref<48x128xf32, #tpu.memory_space<vmem>>, vector<16xf32>,
    %swap3A_761 = arith.constant 23 : i32
    %swap3A_762 = arith.index_cast %swap3A_761 : i32 to index
    %swap3A_763 = arith.constant 96 : index
    %swap3A_764 = tpu.vector_load %arg17[%swap3A_762, %swap3A_763] {strides = array<i32>} : memref<48x128xf32, #tpu.memory_space<vmem>>, vector<16xf32>,
    tpu.vector_store %arg17[%swap3A_762, %swap3A_763], %broadcast_in_dim3A_1 {strides = array<i32>} : memref<48x128xf32, #tpu.memory_space<vmem>>, vector<16xf32>,
    %swap3A_765 = arith.constant 23 : i32
    %swap3A_766 = arith.index_cast %swap3A_765 : i32 to index
    %swap3A_767 = arith.constant 112 : index
    %swap3A_768 = tpu.vector_load %arg17[%swap3A_766, %swap3A_767] {strides = array<i32>} : memref<48x128xf32, #tpu.memory_space<vmem>>, vector<16xf32>,
    tpu.vector_store %arg17[%swap3A_766, %swap3A_767], %broadcast_in_dim3A_1 {strides = array<i32>} : memref<48x128xf32, #tpu.memory_space<vmem>>, vector<16xf32>,
    %swap3A_769 = arith.constant 24 : i32
    %swap3A_770 = arith.index_cast %swap3A_769 : i32 to index
    %swap3A_771 = arith.constant 0 : index
    %swap3A_772 = tpu.vector_load %arg17[%swap3A_770, %swap3A_771] {strides = array<i32>} : memref<48x128xf32, #tpu.memory_space<vmem>>, vector<16xf32>,
    tpu.vector_store %arg17[%swap3A_770, %swap3A_771], %broadcast_in_dim3A_1 {strides = array<i32>} : memref<48x128xf32, #tpu.memory_space<vmem>>, vector<16xf32>,
    %swap3A_773 = arith.constant 24 : i32
    %swap3A_774 = arith.index_cast %swap3A_773 : i32 to index
    %swap3A_775 = arith.constant 16 : index
    %swap3A_776 = tpu.vector_load %arg17[%swap3A_774, %swap3A_775] {strides = array<i32>} : memref<48x128xf32, #tpu.memory_space<vmem>>, vector<16xf32>,
    tpu.vector_store %arg17[%swap3A_774, %swap3A_775], %broadcast_in_dim3A_1 {strides = array<i32>} : memref<48x128xf32, #tpu.memory_space<vmem>>, vector<16xf32>,
    %swap3A_777 = arith.constant 24 : i32
    %swap3A_778 = arith.index_cast %swap3A_777 : i32 to index
    %swap3A_779 = arith.constant 32 : index
    %swap3A_780 = tpu.vector_load %arg17[%swap3A_778, %swap3A_779] {strides = array<i32>} : memref<48x128xf32, #tpu.memory_space<vmem>>, vector<16xf32>,
    tpu.vector_store %arg17[%swap3A_778, %swap3A_779], %broadcast_in_dim3A_1 {strides = array<i32>} : memref<48x128xf32, #tpu.memory_space<vmem>>, vector<16xf32>,
    %swap3A_781 = arith.constant 24 : i32
    %swap3A_782 = arith.index_cast %swap3A_781 : i32 to index
    %swap3A_783 = arith.constant 48 : index
    %swap3A_784 = tpu.vector_load %arg17[%swap3A_782, %swap3A_783] {strides = array<i32>} : memref<48x128xf32, #tpu.memory_space<vmem>>, vector<16xf32>,
    tpu.vector_store %arg17[%swap3A_782, %swap3A_783], %broadcast_in_dim3A_1 {strides = array<i32>} : memref<48x128xf32, #tpu.memory_space<vmem>>, vector<16xf32>,
    %swap3A_785 = arith.constant 24 : i32
    %swap3A_786 = arith.index_cast %swap3A_785 : i32 to index
    %swap3A_787 = arith.constant 64 : index
    %swap3A_788 = tpu.vector_load %arg17[%swap3A_786, %swap3A_787] {strides = array<i32>} : memref<48x128xf32, #tpu.memory_space<vmem>>, vector<16xf32>,
    tpu.vector_store %arg17[%swap3A_786, %swap3A_787], %broadcast_in_dim3A_1 {strides = array<i32>} : memref<48x128xf32, #tpu.memory_space<vmem>>, vector<16xf32>,
    %swap3A_789 = arith.constant 24 : i32
    %swap3A_790 = arith.index_cast %swap3A_789 : i32 to index
    %swap3A_791 = arith.constant 80 : index
    %swap3A_792 = tpu.vector_load %arg17[%swap3A_790, %swap3A_791] {strides = array<i32>} : memref<48x128xf32, #tpu.memory_space<vmem>>, vector<16xf32>,
    tpu.vector_store %arg17[%swap3A_790, %swap3A_791], %broadcast_in_dim3A_1 {strides = array<i32>} : memref<48x128xf32, #tpu.memory_space<vmem>>, vector<16xf32>,
    %swap3A_793 = arith.constant 24 : i32
    %swap3A_794 = arith.index_cast %swap3A_793 : i32 to index
    %swap3A_795 = arith.constant 96 : index
    %swap3A_796 = tpu.vector_load %arg17[%swap3A_794, %swap3A_795] {strides = array<i32>} : memref<48x128xf32, #tpu.memory_space<vmem>>, vector<16xf32>,
    tpu.vector_store %arg17[%swap3A_794, %swap3A_795], %broadcast_in_dim3A_1 {strides = array<i32>} : memref<48x128xf32, #tpu.memory_space<vmem>>, vector<16xf32>,
    %swap3A_797 = arith.constant 24 : i32
    %swap3A_798 = arith.index_cast %swap3A_797 : i32 to index
    %swap3A_799 = arith.constant 112 : index
    %swap3A_800 = tpu.vector_load %arg17[%swap3A_798, %swap3A_799] {strides = array<i32>} : memref<48x128xf32, #tpu.memory_space<vmem>>, vector<16xf32>,
    tpu.vector_store %arg17[%swap3A_798, %swap3A_799], %broadcast_in_dim3A_1 {strides = array<i32>} : memref<48x128xf32, #tpu.memory_space<vmem>>, vector<16xf32>,
    %swap3A_801 = arith.constant 25 : i32
    %swap3A_802 = arith.index_cast %swap3A_801 : i32 to index
    %swap3A_803 = arith.constant 0 : index
    %swap3A_804 = tpu.vector_load %arg17[%swap3A_802, %swap3A_803] {strides = array<i32>} : memref<48x128xf32, #tpu.memory_space<vmem>>, vector<16xf32>,
    tpu.vector_store %arg17[%swap3A_802, %swap3A_803], %broadcast_in_dim3A_1 {strides = array<i32>} : memref<48x128xf32, #tpu.memory_space<vmem>>, vector<16xf32>,
    %swap3A_805 = arith.constant 25 : i32
    %swap3A_806 = arith.index_cast %swap3A_805 : i32 to index
    %swap3A_807 = arith.constant 16 : index
    %swap3A_808 = tpu.vector_load %arg17[%swap3A_806, %swap3A_807] {strides = array<i32>} : memref<48x128xf32, #tpu.memory_space<vmem>>, vector<16xf32>,
    tpu.vector_store %arg17[%swap3A_806, %swap3A_807], %broadcast_in_dim3A_1 {strides = array<i32>} : memref<48x128xf32, #tpu.memory_space<vmem>>, vector<16xf32>,
    %swap3A_809 = arith.constant 25 : i32
    %swap3A_810 = arith.index_cast %swap3A_809 : i32 to index
    %swap3A_811 = arith.constant 32 : index
    %swap3A_812 = tpu.vector_load %arg17[%swap3A_810, %swap3A_811] {strides = array<i32>} : memref<48x128xf32, #tpu.memory_space<vmem>>, vector<16xf32>,
    tpu.vector_store %arg17[%swap3A_810, %swap3A_811], %broadcast_in_dim3A_1 {strides = array<i32>} : memref<48x128xf32, #tpu.memory_space<vmem>>, vector<16xf32>,
    %swap3A_813 = arith.constant 25 : i32
    %swap3A_814 = arith.index_cast %swap3A_813 : i32 to index
    %swap3A_815 = arith.constant 48 : index
    %swap3A_816 = tpu.vector_load %arg17[%swap3A_814, %swap3A_815] {strides = array<i32>} : memref<48x128xf32, #tpu.memory_space<vmem>>, vector<16xf32>,
    tpu.vector_store %arg17[%swap3A_814, %swap3A_815], %broadcast_in_dim3A_1 {strides = array<i32>} : memref<48x128xf32, #tpu.memory_space<vmem>>, vector<16xf32>,
    %swap3A_817 = arith.constant 25 : i32
    %swap3A_818 = arith.index_cast %swap3A_817 : i32 to index
    %swap3A_819 = arith.constant 64 : index
    %swap3A_820 = tpu.vector_load %arg17[%swap3A_818, %swap3A_819] {strides = array<i32>} : memref<48x128xf32, #tpu.memory_space<vmem>>, vector<16xf32>,
    tpu.vector_store %arg17[%swap3A_818, %swap3A_819], %broadcast_in_dim3A_1 {strides = array<i32>} : memref<48x128xf32, #tpu.memory_space<vmem>>, vector<16xf32>,
    %swap3A_821 = arith.constant 25 : i32
    %swap3A_822 = arith.index_cast %swap3A_821 : i32 to index
    %swap3A_823 = arith.constant 80 : index
    %swap3A_824 = tpu.vector_load %arg17[%swap3A_822, %swap3A_823] {strides = array<i32>} : memref<48x128xf32, #tpu.memory_space<vmem>>, vector<16xf32>,
    tpu.vector_store %arg17[%swap3A_822, %swap3A_823], %broadcast_in_dim3A_1 {strides = array<i32>} : memref<48x128xf32, #tpu.memory_space<vmem>>, vector<16xf32>,
    %swap3A_825 = arith.constant 25 : i32
    %swap3A_826 = arith.index_cast %swap3A_825 : i32 to index
    %swap3A_827 = arith.constant 96 : index
    %swap3A_828 = tpu.vector_load %arg17[%swap3A_826, %swap3A_827] {strides = array<i32>} : memref<48x128xf32, #tpu.memory_space<vmem>>, vector<16xf32>,
    tpu.vector_store %arg17[%swap3A_826, %swap3A_827], %broadcast_in_dim3A_1 {strides = array<i32>} : memref<48x128xf32, #tpu.memory_space<vmem>>, vector<16xf32>,
    %swap3A_829 = arith.constant 25 : i32
    %swap3A_830 = arith.index_cast %swap3A_829 : i32 to index
    %swap3A_831 = arith.constant 112 : index
    %swap3A_832 = tpu.vector_load %arg17[%swap3A_830, %swap3A_831] {strides = array<i32>} : memref<48x128xf32, #tpu.memory_space<vmem>>, vector<16xf32>,
    tpu.vector_store %arg17[%swap3A_830, %swap3A_831], %broadcast_in_dim3A_1 {strides = array<i32>} : memref<48x128xf32, #tpu.memory_space<vmem>>, vector<16xf32>,
    %swap3A_833 = arith.constant 26 : i32
    %swap3A_834 = arith.index_cast %swap3A_833 : i32 to index
    %swap3A_835 = arith.constant 0 : index
    %swap3A_836 = tpu.vector_load %arg17[%swap3A_834, %swap3A_835] {strides = array<i32>} : memref<48x128xf32, #tpu.memory_space<vmem>>, vector<16xf32>,
    tpu.vector_store %arg17[%swap3A_834, %swap3A_835], %broadcast_in_dim3A_1 {strides = array<i32>} : memref<48x128xf32, #tpu.memory_space<vmem>>, vector<16xf32>,
    %swap3A_837 = arith.constant 26 : i32
    %swap3A_838 = arith.index_cast %swap3A_837 : i32 to index
    %swap3A_839 = arith.constant 16 : index
    %swap3A_840 = tpu.vector_load %arg17[%swap3A_838, %swap3A_839] {strides = array<i32>} : memref<48x128xf32, #tpu.memory_space<vmem>>, vector<16xf32>,
    tpu.vector_store %arg17[%swap3A_838, %swap3A_839], %broadcast_in_dim3A_1 {strides = array<i32>} : memref<48x128xf32, #tpu.memory_space<vmem>>, vector<16xf32>,
    %swap3A_841 = arith.constant 26 : i32
    %swap3A_842 = arith.index_cast %swap3A_841 : i32 to index
    %swap3A_843 = arith.constant 32 : index
    %swap3A_844 = tpu.vector_load %arg17[%swap3A_842, %swap3A_843] {strides = array<i32>} : memref<48x128xf32, #tpu.memory_space<vmem>>, vector<16xf32>,
    tpu.vector_store %arg17[%swap3A_842, %swap3A_843], %broadcast_in_dim3A_1 {strides = array<i32>} : memref<48x128xf32, #tpu.memory_space<vmem>>, vector<16xf32>,
    %swap3A_845 = arith.constant 26 : i32
    %swap3A_846 = arith.index_cast %swap3A_845 : i32 to index
    %swap3A_847 = arith.constant 48 : index
    %swap3A_848 = tpu.vector_load %arg17[%swap3A_846, %swap3A_847] {strides = array<i32>} : memref<48x128xf32, #tpu.memory_space<vmem>>, vector<16xf32>,
    tpu.vector_store %arg17[%swap3A_846, %swap3A_847], %broadcast_in_dim3A_1 {strides = array<i32>} : memref<48x128xf32, #tpu.memory_space<vmem>>, vector<16xf32>,
    %swap3A_849 = arith.constant 26 : i32
    %swap3A_850 = arith.index_cast %swap3A_849 : i32 to index
    %swap3A_851 = arith.constant 64 : index
    %swap3A_852 = tpu.vector_load %arg17[%swap3A_850, %swap3A_851] {strides = array<i32>} : memref<48x128xf32, #tpu.memory_space<vmem>>, vector<16xf32>,
    tpu.vector_store %arg17[%swap3A_850, %swap3A_851], %broadcast_in_dim3A_1 {strides = array<i32>} : memref<48x128xf32, #tpu.memory_space<vmem>>, vector<16xf32>,
    %swap3A_853 = arith.constant 26 : i32
    %swap3A_854 = arith.index_cast %swap3A_853 : i32 to index
    %swap3A_855 = arith.constant 80 : index
    %swap3A_856 = tpu.vector_load %arg17[%swap3A_854, %swap3A_855] {strides = array<i32>} : memref<48x128xf32, #tpu.memory_space<vmem>>, vector<16xf32>,
    tpu.vector_store %arg17[%swap3A_854, %swap3A_855], %broadcast_in_dim3A_1 {strides = array<i32>} : memref<48x128xf32, #tpu.memory_space<vmem>>, vector<16xf32>,
    %swap3A_857 = arith.constant 26 : i32
    %swap3A_858 = arith.index_cast %swap3A_857 : i32 to index
    %swap3A_859 = arith.constant 96 : index
    %swap3A_860 = tpu.vector_load %arg17[%swap3A_858, %swap3A_859] {strides = array<i32>} : memref<48x128xf32, #tpu.memory_space<vmem>>, vector<16xf32>,
    tpu.vector_store %arg17[%swap3A_858, %swap3A_859], %broadcast_in_dim3A_1 {strides = array<i32>} : memref<48x128xf32, #tpu.memory_space<vmem>>, vector<16xf32>,
    %swap3A_861 = arith.constant 26 : i32
    %swap3A_862 = arith.index_cast %swap3A_861 : i32 to index
    %swap3A_863 = arith.constant 112 : index
    %swap3A_864 = tpu.vector_load %arg17[%swap3A_862, %swap3A_863] {strides = array<i32>} : memref<48x128xf32, #tpu.memory_space<vmem>>, vector<16xf32>,
    tpu.vector_store %arg17[%swap3A_862, %swap3A_863], %broadcast_in_dim3A_1 {strides = array<i32>} : memref<48x128xf32, #tpu.memory_space<vmem>>, vector<16xf32>,
    %swap3A_865 = arith.constant 27 : i32
    %swap3A_866 = arith.index_cast %swap3A_865 : i32 to index
    %swap3A_867 = arith.constant 0 : index
    %swap3A_868 = tpu.vector_load %arg17[%swap3A_866, %swap3A_867] {strides = array<i32>} : memref<48x128xf32, #tpu.memory_space<vmem>>, vector<16xf32>,
    tpu.vector_store %arg17[%swap3A_866, %swap3A_867], %broadcast_in_dim3A_1 {strides = array<i32>} : memref<48x128xf32, #tpu.memory_space<vmem>>, vector<16xf32>,
    %swap3A_869 = arith.constant 27 : i32
    %swap3A_870 = arith.index_cast %swap3A_869 : i32 to index
    %swap3A_871 = arith.constant 16 : index
    %swap3A_872 = tpu.vector_load %arg17[%swap3A_870, %swap3A_871] {strides = array<i32>} : memref<48x128xf32, #tpu.memory_space<vmem>>, vector<16xf32>,
    tpu.vector_store %arg17[%swap3A_870, %swap3A_871], %broadcast_in_dim3A_1 {strides = array<i32>} : memref<48x128xf32, #tpu.memory_space<vmem>>, vector<16xf32>,
    %swap3A_873 = arith.constant 27 : i32
    %swap3A_874 = arith.index_cast %swap3A_873 : i32 to index
    %swap3A_875 = arith.constant 32 : index
    %swap3A_876 = tpu.vector_load %arg17[%swap3A_874, %swap3A_875] {strides = array<i32>} : memref<48x128xf32, #tpu.memory_space<vmem>>, vector<16xf32>,
    tpu.vector_store %arg17[%swap3A_874, %swap3A_875], %broadcast_in_dim3A_1 {strides = array<i32>} : memref<48x128xf32, #tpu.memory_space<vmem>>, vector<16xf32>,
    %swap3A_877 = arith.constant 27 : i32
    %swap3A_878 = arith.index_cast %swap3A_877 : i32 to index
    %swap3A_879 = arith.constant 48 : index
    %swap3A_880 = tpu.vector_load %arg17[%swap3A_878, %swap3A_879] {strides = array<i32>} : memref<48x128xf32, #tpu.memory_space<vmem>>, vector<16xf32>,
    tpu.vector_store %arg17[%swap3A_878, %swap3A_879], %broadcast_in_dim3A_1 {strides = array<i32>} : memref<48x128xf32, #tpu.memory_space<vmem>>, vector<16xf32>,
    %swap3A_881 = arith.constant 27 : i32
    %swap3A_882 = arith.index_cast %swap3A_881 : i32 to index
    %swap3A_883 = arith.constant 64 : index
    %swap3A_884 = tpu.vector_load %arg17[%swap3A_882, %swap3A_883] {strides = array<i32>} : memref<48x128xf32, #tpu.memory_space<vmem>>, vector<16xf32>,
    tpu.vector_store %arg17[%swap3A_882, %swap3A_883], %broadcast_in_dim3A_1 {strides = array<i32>} : memref<48x128xf32, #tpu.memory_space<vmem>>, vector<16xf32>,
    %swap3A_885 = arith.constant 27 : i32
    %swap3A_886 = arith.index_cast %swap3A_885 : i32 to index
    %swap3A_887 = arith.constant 80 : index
    %swap3A_888 = tpu.vector_load %arg17[%swap3A_886, %swap3A_887] {strides = array<i32>} : memref<48x128xf32, #tpu.memory_space<vmem>>, vector<16xf32>,
    tpu.vector_store %arg17[%swap3A_886, %swap3A_887], %broadcast_in_dim3A_1 {strides = array<i32>} : memref<48x128xf32, #tpu.memory_space<vmem>>, vector<16xf32>,
    %swap3A_889 = arith.constant 27 : i32
    %swap3A_890 = arith.index_cast %swap3A_889 : i32 to index
    %swap3A_891 = arith.constant 96 : index
    %swap3A_892 = tpu.vector_load %arg17[%swap3A_890, %swap3A_891] {strides = array<i32>} : memref<48x128xf32, #tpu.memory_space<vmem>>, vector<16xf32>,
    tpu.vector_store %arg17[%swap3A_890, %swap3A_891], %broadcast_in_dim3A_1 {strides = array<i32>} : memref<48x128xf32, #tpu.memory_space<vmem>>, vector<16xf32>,
    %swap3A_893 = arith.constant 27 : i32
    %swap3A_894 = arith.index_cast %swap3A_893 : i32 to index
    %swap3A_895 = arith.constant 112 : index
    %swap3A_896 = tpu.vector_load %arg17[%swap3A_894, %swap3A_895] {strides = array<i32>} : memref<48x128xf32, #tpu.memory_space<vmem>>, vector<16xf32>,
    tpu.vector_store %arg17[%swap3A_894, %swap3A_895], %broadcast_in_dim3A_1 {strides = array<i32>} : memref<48x128xf32, #tpu.memory_space<vmem>>, vector<16xf32>,
    %swap3A_897 = arith.constant 28 : i32
    %swap3A_898 = arith.index_cast %swap3A_897 : i32 to index
    %swap3A_899 = arith.constant 0 : index
    %swap3A_900 = tpu.vector_load %arg17[%swap3A_898, %swap3A_899] {strides = array<i32>} : memref<48x128xf32, #tpu.memory_space<vmem>>, vector<16xf32>,
    tpu.vector_store %arg17[%swap3A_898, %swap3A_899], %broadcast_in_dim3A_1 {strides = array<i32>} : memref<48x128xf32, #tpu.memory_space<vmem>>, vector<16xf32>,
    %swap3A_901 = arith.constant 28 : i32
    %swap3A_902 = arith.index_cast %swap3A_901 : i32 to index
    %swap3A_903 = arith.constant 16 : index
    %swap3A_904 = tpu.vector_load %arg17[%swap3A_902, %swap3A_903] {strides = array<i32>} : memref<48x128xf32, #tpu.memory_space<vmem>>, vector<16xf32>,
    tpu.vector_store %arg17[%swap3A_902, %swap3A_903], %broadcast_in_dim3A_1 {strides = array<i32>} : memref<48x128xf32, #tpu.memory_space<vmem>>, vector<16xf32>,
    %swap3A_905 = arith.constant 28 : i32
    %swap3A_906 = arith.index_cast %swap3A_905 : i32 to index
    %swap3A_907 = arith.constant 32 : index
    %swap3A_908 = tpu.vector_load %arg17[%swap3A_906, %swap3A_907] {strides = array<i32>} : memref<48x128xf32, #tpu.memory_space<vmem>>, vector<16xf32>,
    tpu.vector_store %arg17[%swap3A_906, %swap3A_907], %broadcast_in_dim3A_1 {strides = array<i32>} : memref<48x128xf32, #tpu.memory_space<vmem>>, vector<16xf32>,
    %swap3A_909 = arith.constant 28 : i32
    %swap3A_910 = arith.index_cast %swap3A_909 : i32 to index
    %swap3A_911 = arith.constant 48 : index
    %swap3A_912 = tpu.vector_load %arg17[%swap3A_910, %swap3A_911] {strides = array<i32>} : memref<48x128xf32, #tpu.memory_space<vmem>>, vector<16xf32>,
    tpu.vector_store %arg17[%swap3A_910, %swap3A_911], %broadcast_in_dim3A_1 {strides = array<i32>} : memref<48x128xf32, #tpu.memory_space<vmem>>, vector<16xf32>,
    %swap3A_913 = arith.constant 28 : i32
    %swap3A_914 = arith.index_cast %swap3A_913 : i32 to index
    %swap3A_915 = arith.constant 64 : index
    %swap3A_916 = tpu.vector_load %arg17[%swap3A_914, %swap3A_915] {strides = array<i32>} : memref<48x128xf32, #tpu.memory_space<vmem>>, vector<16xf32>,
    tpu.vector_store %arg17[%swap3A_914, %swap3A_915], %broadcast_in_dim3A_1 {strides = array<i32>} : memref<48x128xf32, #tpu.memory_space<vmem>>, vector<16xf32>,
    %swap3A_917 = arith.constant 28 : i32
    %swap3A_918 = arith.index_cast %swap3A_917 : i32 to index
    %swap3A_919 = arith.constant 80 : index
    %swap3A_920 = tpu.vector_load %arg17[%swap3A_918, %swap3A_919] {strides = array<i32>} : memref<48x128xf32, #tpu.memory_space<vmem>>, vector<16xf32>,
    tpu.vector_store %arg17[%swap3A_918, %swap3A_919], %broadcast_in_dim3A_1 {strides = array<i32>} : memref<48x128xf32, #tpu.memory_space<vmem>>, vector<16xf32>,
    %swap3A_921 = arith.constant 28 : i32
    %swap3A_922 = arith.index_cast %swap3A_921 : i32 to index
    %swap3A_923 = arith.constant 96 : index
    %swap3A_924 = tpu.vector_load %arg17[%swap3A_922, %swap3A_923] {strides = array<i32>} : memref<48x128xf32, #tpu.memory_space<vmem>>, vector<16xf32>,
    tpu.vector_store %arg17[%swap3A_922, %swap3A_923], %broadcast_in_dim3A_1 {strides = array<i32>} : memref<48x128xf32, #tpu.memory_space<vmem>>, vector<16xf32>,
    %swap3A_925 = arith.constant 28 : i32
    %swap3A_926 = arith.index_cast %swap3A_925 : i32 to index
    %swap3A_927 = arith.constant 112 : index
    %swap3A_928 = tpu.vector_load %arg17[%swap3A_926, %swap3A_927] {strides = array<i32>} : memref<48x128xf32, #tpu.memory_space<vmem>>, vector<16xf32>,
    tpu.vector_store %arg17[%swap3A_926, %swap3A_927], %broadcast_in_dim3A_1 {strides = array<i32>} : memref<48x128xf32, #tpu.memory_space<vmem>>, vector<16xf32>,
    %swap3A_929 = arith.constant 29 : i32
    %swap3A_930 = arith.index_cast %swap3A_929 : i32 to index
    %swap3A_931 = arith.constant 0 : index
    %swap3A_932 = tpu.vector_load %arg17[%swap3A_930, %swap3A_931] {strides = array<i32>} : memref<48x128xf32, #tpu.memory_space<vmem>>, vector<16xf32>,
    tpu.vector_store %arg17[%swap3A_930, %swap3A_931], %broadcast_in_dim3A_1 {strides = array<i32>} : memref<48x128xf32, #tpu.memory_space<vmem>>, vector<16xf32>,
    %swap3A_933 = arith.constant 29 : i32
    %swap3A_934 = arith.index_cast %swap3A_933 : i32 to index
    %swap3A_935 = arith.constant 16 : index
    %swap3A_936 = tpu.vector_load %arg17[%swap3A_934, %swap3A_935] {strides = array<i32>} : memref<48x128xf32, #tpu.memory_space<vmem>>, vector<16xf32>,
    tpu.vector_store %arg17[%swap3A_934, %swap3A_935], %broadcast_in_dim3A_1 {strides = array<i32>} : memref<48x128xf32, #tpu.memory_space<vmem>>, vector<16xf32>,
    %swap3A_937 = arith.constant 29 : i32
    %swap3A_938 = arith.index_cast %swap3A_937 : i32 to index
    %swap3A_939 = arith.constant 32 : index
    %swap3A_940 = tpu.vector_load %arg17[%swap3A_938, %swap3A_939] {strides = array<i32>} : memref<48x128xf32, #tpu.memory_space<vmem>>, vector<16xf32>,
    tpu.vector_store %arg17[%swap3A_938, %swap3A_939], %broadcast_in_dim3A_1 {strides = array<i32>} : memref<48x128xf32, #tpu.memory_space<vmem>>, vector<16xf32>,
    %swap3A_941 = arith.constant 29 : i32
    %swap3A_942 = arith.index_cast %swap3A_941 : i32 to index
    %swap3A_943 = arith.constant 48 : index
    %swap3A_944 = tpu.vector_load %arg17[%swap3A_942, %swap3A_943] {strides = array<i32>} : memref<48x128xf32, #tpu.memory_space<vmem>>, vector<16xf32>,
    tpu.vector_store %arg17[%swap3A_942, %swap3A_943], %broadcast_in_dim3A_1 {strides = array<i32>} : memref<48x128xf32, #tpu.memory_space<vmem>>, vector<16xf32>,
    %swap3A_945 = arith.constant 29 : i32
    %swap3A_946 = arith.index_cast %swap3A_945 : i32 to index
    %swap3A_947 = arith.constant 64 : index
    %swap3A_948 = tpu.vector_load %arg17[%swap3A_946, %swap3A_947] {strides = array<i32>} : memref<48x128xf32, #tpu.memory_space<vmem>>, vector<16xf32>,
    tpu.vector_store %arg17[%swap3A_946, %swap3A_947], %broadcast_in_dim3A_1 {strides = array<i32>} : memref<48x128xf32, #tpu.memory_space<vmem>>, vector<16xf32>,
    %swap3A_949 = arith.constant 29 : i32
    %swap3A_950 = arith.index_cast %swap3A_949 : i32 to index
    %swap3A_951 = arith.constant 80 : index
    %swap3A_952 = tpu.vector_load %arg17[%swap3A_950, %swap3A_951] {strides = array<i32>} : memref<48x128xf32, #tpu.memory_space<vmem>>, vector<16xf32>,
    tpu.vector_store %arg17[%swap3A_950, %swap3A_951], %broadcast_in_dim3A_1 {strides = array<i32>} : memref<48x128xf32, #tpu.memory_space<vmem>>, vector<16xf32>,
    %swap3A_953 = arith.constant 29 : i32
    %swap3A_954 = arith.index_cast %swap3A_953 : i32 to index
    %swap3A_955 = arith.constant 96 : index
    %swap3A_956 = tpu.vector_load %arg17[%swap3A_954, %swap3A_955] {strides = array<i32>} : memref<48x128xf32, #tpu.memory_space<vmem>>, vector<16xf32>,
    tpu.vector_store %arg17[%swap3A_954, %swap3A_955], %broadcast_in_dim3A_1 {strides = array<i32>} : memref<48x128xf32, #tpu.memory_space<vmem>>, vector<16xf32>,
    %swap3A_957 = arith.constant 29 : i32
    %swap3A_958 = arith.index_cast %swap3A_957 : i32 to index
    %swap3A_959 = arith.constant 112 : index
    %swap3A_960 = tpu.vector_load %arg17[%swap3A_958, %swap3A_959] {strides = array<i32>} : memref<48x128xf32, #tpu.memory_space<vmem>>, vector<16xf32>,
    tpu.vector_store %arg17[%swap3A_958, %swap3A_959], %broadcast_in_dim3A_1 {strides = array<i32>} : memref<48x128xf32, #tpu.memory_space<vmem>>, vector<16xf32>,
    %swap3A_961 = arith.constant 30 : i32
    %swap3A_962 = arith.index_cast %swap3A_961 : i32 to index
    %swap3A_963 = arith.constant 0 : index
    %swap3A_964 = tpu.vector_load %arg17[%swap3A_962, %swap3A_963] {strides = array<i32>} : memref<48x128xf32, #tpu.memory_space<vmem>>, vector<16xf32>,
    tpu.vector_store %arg17[%swap3A_962, %swap3A_963], %broadcast_in_dim3A_1 {strides = array<i32>} : memref<48x128xf32, #tpu.memory_space<vmem>>, vector<16xf32>,
    %swap3A_965 = arith.constant 30 : i32
    %swap3A_966 = arith.index_cast %swap3A_965 : i32 to index
    %swap3A_967 = arith.constant 16 : index
    %swap3A_968 = tpu.vector_load %arg17[%swap3A_966, %swap3A_967] {strides = array<i32>} : memref<48x128xf32, #tpu.memory_space<vmem>>, vector<16xf32>,
    tpu.vector_store %arg17[%swap3A_966, %swap3A_967], %broadcast_in_dim3A_1 {strides = array<i32>} : memref<48x128xf32, #tpu.memory_space<vmem>>, vector<16xf32>,
    %swap3A_969 = arith.constant 30 : i32
    %swap3A_970 = arith.index_cast %swap3A_969 : i32 to index
    %swap3A_971 = arith.constant 32 : index
    %swap3A_972 = tpu.vector_load %arg17[%swap3A_970, %swap3A_971] {strides = array<i32>} : memref<48x128xf32, #tpu.memory_space<vmem>>, vector<16xf32>,
    tpu.vector_store %arg17[%swap3A_970, %swap3A_971], %broadcast_in_dim3A_1 {strides = array<i32>} : memref<48x128xf32, #tpu.memory_space<vmem>>, vector<16xf32>,
    %swap3A_973 = arith.constant 30 : i32
    %swap3A_974 = arith.index_cast %swap3A_973 : i32 to index
    %swap3A_975 = arith.constant 48 : index
    %swap3A_976 = tpu.vector_load %arg17[%swap3A_974, %swap3A_975] {strides = array<i32>} : memref<48x128xf32, #tpu.memory_space<vmem>>, vector<16xf32>,
    tpu.vector_store %arg17[%swap3A_974, %swap3A_975], %broadcast_in_dim3A_1 {strides = array<i32>} : memref<48x128xf32, #tpu.memory_space<vmem>>, vector<16xf32>,
    %swap3A_977 = arith.constant 30 : i32
    %swap3A_978 = arith.index_cast %swap3A_977 : i32 to index
    %swap3A_979 = arith.constant 64 : index
    %swap3A_980 = tpu.vector_load %arg17[%swap3A_978, %swap3A_979] {strides = array<i32>} : memref<48x128xf32, #tpu.memory_space<vmem>>, vector<16xf32>,
    tpu.vector_store %arg17[%swap3A_978, %swap3A_979], %broadcast_in_dim3A_1 {strides = array<i32>} : memref<48x128xf32, #tpu.memory_space<vmem>>, vector<16xf32>,
    %swap3A_981 = arith.constant 30 : i32
    %swap3A_982 = arith.index_cast %swap3A_981 : i32 to index
    %swap3A_983 = arith.constant 80 : index
    %swap3A_984 = tpu.vector_load %arg17[%swap3A_982, %swap3A_983] {strides = array<i32>} : memref<48x128xf32, #tpu.memory_space<vmem>>, vector<16xf32>,
    tpu.vector_store %arg17[%swap3A_982, %swap3A_983], %broadcast_in_dim3A_1 {strides = array<i32>} : memref<48x128xf32, #tpu.memory_space<vmem>>, vector<16xf32>,
    %swap3A_985 = arith.constant 30 : i32
    %swap3A_986 = arith.index_cast %swap3A_985 : i32 to index
    %swap3A_987 = arith.constant 96 : index
    %swap3A_988 = tpu.vector_load %arg17[%swap3A_986, %swap3A_987] {strides = array<i32>} : memref<48x128xf32, #tpu.memory_space<vmem>>, vector<16xf32>,
    tpu.vector_store %arg17[%swap3A_986, %swap3A_987], %broadcast_in_dim3A_1 {strides = array<i32>} : memref<48x128xf32, #tpu.memory_space<vmem>>, vector<16xf32>,
    %swap3A_989 = arith.constant 30 : i32
    %swap3A_990 = arith.index_cast %swap3A_989 : i32 to index
    %swap3A_991 = arith.constant 112 : index
    %swap3A_992 = tpu.vector_load %arg17[%swap3A_990, %swap3A_991] {strides = array<i32>} : memref<48x128xf32, #tpu.memory_space<vmem>>, vector<16xf32>,
    tpu.vector_store %arg17[%swap3A_990, %swap3A_991], %broadcast_in_dim3A_1 {strides = array<i32>} : memref<48x128xf32, #tpu.memory_space<vmem>>, vector<16xf32>,
    %swap3A_993 = arith.constant 31 : i32
    %swap3A_994 = arith.index_cast %swap3A_993 : i32 to index
    %swap3A_995 = arith.constant 0 : index
    %swap3A_996 = tpu.vector_load %arg17[%swap3A_994, %swap3A_995] {strides = array<i32>} : memref<48x128xf32, #tpu.memory_space<vmem>>, vector<16xf32>,
    tpu.vector_store %arg17[%swap3A_994, %swap3A_995], %broadcast_in_dim3A_1 {strides = array<i32>} : memref<48x128xf32, #tpu.memory_space<vmem>>, vector<16xf32>,
    %swap3A_997 = arith.constant 31 : i32
    %swap3A_998 = arith.index_cast %swap3A_997 : i32 to index
    %swap3A_999 = arith.constant 16 : index
    %swap3A_1000 = tpu.vector_load %arg17[%swap3A_998, %swap3A_999] {strides = array<i32>} : memref<48x128xf32, #tpu.memory_space<vmem>>, vector<16xf32>,
    tpu.vector_store %arg17[%swap3A_998, %swap3A_999], %broadcast_in_dim3A_1 {strides = array<i32>} : memref<48x128xf32, #tpu.memory_space<vmem>>, vector<16xf32>,
    %swap3A_1001 = arith.constant 31 : i32
    %swap3A_1002 = arith.index_cast %swap3A_1001 : i32 to index
    %swap3A_1003 = arith.constant 32 : index
    %swap3A_1004 = tpu.vector_load %arg17[%swap3A_1002, %swap3A_1003] {strides = array<i32>} : memref<48x128xf32, #tpu.memory_space<vmem>>, vector<16xf32>,
    tpu.vector_store %arg17[%swap3A_1002, %swap3A_1003], %broadcast_in_dim3A_1 {strides = array<i32>} : memref<48x128xf32, #tpu.memory_space<vmem>>, vector<16xf32>,
    %swap3A_1005 = arith.constant 31 : i32
    %swap3A_1006 = arith.index_cast %swap3A_1005 : i32 to index
    %swap3A_1007 = arith.constant 48 : index
    %swap3A_1008 = tpu.vector_load %arg17[%swap3A_1006, %swap3A_1007] {strides = array<i32>} : memref<48x128xf32, #tpu.memory_space<vmem>>, vector<16xf32>,
    tpu.vector_store %arg17[%swap3A_1006, %swap3A_1007], %broadcast_in_dim3A_1 {strides = array<i32>} : memref<48x128xf32, #tpu.memory_space<vmem>>, vector<16xf32>,
    %swap3A_1009 = arith.constant 31 : i32
    %swap3A_1010 = arith.index_cast %swap3A_1009 : i32 to index
    %swap3A_1011 = arith.constant 64 : index
    %swap3A_1012 = tpu.vector_load %arg17[%swap3A_1010, %swap3A_1011] {strides = array<i32>} : memref<48x128xf32, #tpu.memory_space<vmem>>, vector<16xf32>,
    tpu.vector_store %arg17[%swap3A_1010, %swap3A_1011], %broadcast_in_dim3A_1 {strides = array<i32>} : memref<48x128xf32, #tpu.memory_space<vmem>>, vector<16xf32>,
    %swap3A_1013 = arith.constant 31 : i32
    %swap3A_1014 = arith.index_cast %swap3A_1013 : i32 to index
    %swap3A_1015 = arith.constant 80 : index
    %swap3A_1016 = tpu.vector_load %arg17[%swap3A_1014, %swap3A_1015] {strides = array<i32>} : memref<48x128xf32, #tpu.memory_space<vmem>>, vector<16xf32>,
    tpu.vector_store %arg17[%swap3A_1014, %swap3A_1015], %broadcast_in_dim3A_1 {strides = array<i32>} : memref<48x128xf32, #tpu.memory_space<vmem>>, vector<16xf32>,
    %swap3A_1017 = arith.constant 31 : i32
    %swap3A_1018 = arith.index_cast %swap3A_1017 : i32 to index
    %swap3A_1019 = arith.constant 96 : index
    %swap3A_1020 = tpu.vector_load %arg17[%swap3A_1018, %swap3A_1019] {strides = array<i32>} : memref<48x128xf32, #tpu.memory_space<vmem>>, vector<16xf32>,
    tpu.vector_store %arg17[%swap3A_1018, %swap3A_1019], %broadcast_in_dim3A_1 {strides = array<i32>} : memref<48x128xf32, #tpu.memory_space<vmem>>, vector<16xf32>,
    %swap3A_1021 = arith.constant 31 : i32
    %swap3A_1022 = arith.index_cast %swap3A_1021 : i32 to index
    %swap3A_1023 = arith.constant 112 : index
    %swap3A_1024 = tpu.vector_load %arg17[%swap3A_1022, %swap3A_1023] {strides = array<i32>} : memref<48x128xf32, #tpu.memory_space<vmem>>, vector<16xf32>,
    tpu.vector_store %arg17[%swap3A_1022, %swap3A_1023], %broadcast_in_dim3A_1 {strides = array<i32>} : memref<48x128xf32, #tpu.memory_space<vmem>>, vector<16xf32>,
    %swap3A_1025 = arith.constant 32 : i32
    %swap3A_1026 = arith.index_cast %swap3A_1025 : i32 to index
    %swap3A_1027 = arith.constant 0 : index
    %swap3A_1028 = tpu.vector_load %arg17[%swap3A_1026, %swap3A_1027] {strides = array<i32>} : memref<48x128xf32, #tpu.memory_space<vmem>>, vector<16xf32>,
    tpu.vector_store %arg17[%swap3A_1026, %swap3A_1027], %broadcast_in_dim3A_1 {strides = array<i32>} : memref<48x128xf32, #tpu.memory_space<vmem>>, vector<16xf32>,
    %swap3A_1029 = arith.constant 32 : i32
    %swap3A_1030 = arith.index_cast %swap3A_1029 : i32 to index
    %swap3A_1031 = arith.constant 16 : index
    %swap3A_1032 = tpu.vector_load %arg17[%swap3A_1030, %swap3A_1031] {strides = array<i32>} : memref<48x128xf32, #tpu.memory_space<vmem>>, vector<16xf32>,
    tpu.vector_store %arg17[%swap3A_1030, %swap3A_1031], %broadcast_in_dim3A_1 {strides = array<i32>} : memref<48x128xf32, #tpu.memory_space<vmem>>, vector<16xf32>,
    %swap3A_1033 = arith.constant 32 : i32
    %swap3A_1034 = arith.index_cast %swap3A_1033 : i32 to index
    %swap3A_1035 = arith.constant 32 : index
    %swap3A_1036 = tpu.vector_load %arg17[%swap3A_1034, %swap3A_1035] {strides = array<i32>} : memref<48x128xf32, #tpu.memory_space<vmem>>, vector<16xf32>,
    tpu.vector_store %arg17[%swap3A_1034, %swap3A_1035], %broadcast_in_dim3A_1 {strides = array<i32>} : memref<48x128xf32, #tpu.memory_space<vmem>>, vector<16xf32>,
    %swap3A_1037 = arith.constant 32 : i32
    %swap3A_1038 = arith.index_cast %swap3A_1037 : i32 to index
    %swap3A_1039 = arith.constant 48 : index
    %swap3A_1040 = tpu.vector_load %arg17[%swap3A_1038, %swap3A_1039] {strides = array<i32>} : memref<48x128xf32, #tpu.memory_space<vmem>>, vector<16xf32>,
    tpu.vector_store %arg17[%swap3A_1038, %swap3A_1039], %broadcast_in_dim3A_1 {strides = array<i32>} : memref<48x128xf32, #tpu.memory_space<vmem>>, vector<16xf32>,
    %swap3A_1041 = arith.constant 32 : i32
    %swap3A_1042 = arith.index_cast %swap3A_1041 : i32 to index
    %swap3A_1043 = arith.constant 64 : index
    %swap3A_1044 = tpu.vector_load %arg17[%swap3A_1042, %swap3A_1043] {strides = array<i32>} : memref<48x128xf32, #tpu.memory_space<vmem>>, vector<16xf32>,
    tpu.vector_store %arg17[%swap3A_1042, %swap3A_1043], %broadcast_in_dim3A_1 {strides = array<i32>} : memref<48x128xf32, #tpu.memory_space<vmem>>, vector<16xf32>,
    %swap3A_1045 = arith.constant 32 : i32
    %swap3A_1046 = arith.index_cast %swap3A_1045 : i32 to index
    %swap3A_1047 = arith.constant 80 : index
    %swap3A_1048 = tpu.vector_load %arg17[%swap3A_1046, %swap3A_1047] {strides = array<i32>} : memref<48x128xf32, #tpu.memory_space<vmem>>, vector<16xf32>,
    tpu.vector_store %arg17[%swap3A_1046, %swap3A_1047], %broadcast_in_dim3A_1 {strides = array<i32>} : memref<48x128xf32, #tpu.memory_space<vmem>>, vector<16xf32>,
    %swap3A_1049 = arith.constant 32 : i32
    %swap3A_1050 = arith.index_cast %swap3A_1049 : i32 to index
    %swap3A_1051 = arith.constant 96 : index
    %swap3A_1052 = tpu.vector_load %arg17[%swap3A_1050, %swap3A_1051] {strides = array<i32>} : memref<48x128xf32, #tpu.memory_space<vmem>>, vector<16xf32>,
    tpu.vector_store %arg17[%swap3A_1050, %swap3A_1051], %broadcast_in_dim3A_1 {strides = array<i32>} : memref<48x128xf32, #tpu.memory_space<vmem>>, vector<16xf32>,
    %swap3A_1053 = arith.constant 32 : i32
    %swap3A_1054 = arith.index_cast %swap3A_1053 : i32 to index
    %swap3A_1055 = arith.constant 112 : index
    %swap3A_1056 = tpu.vector_load %arg17[%swap3A_1054, %swap3A_1055] {strides = array<i32>} : memref<48x128xf32, #tpu.memory_space<vmem>>, vector<16xf32>,
    tpu.vector_store %arg17[%swap3A_1054, %swap3A_1055], %broadcast_in_dim3A_1 {strides = array<i32>} : memref<48x128xf32, #tpu.memory_space<vmem>>, vector<16xf32>,
    %swap3A_1057 = arith.constant 33 : i32
    %swap3A_1058 = arith.index_cast %swap3A_1057 : i32 to index
    %swap3A_1059 = arith.constant 0 : index
    %swap3A_1060 = tpu.vector_load %arg17[%swap3A_1058, %swap3A_1059] {strides = array<i32>} : memref<48x128xf32, #tpu.memory_space<vmem>>, vector<16xf32>,
    tpu.vector_store %arg17[%swap3A_1058, %swap3A_1059], %broadcast_in_dim3A_1 {strides = array<i32>} : memref<48x128xf32, #tpu.memory_space<vmem>>, vector<16xf32>,
    %swap3A_1061 = arith.constant 33 : i32
    %swap3A_1062 = arith.index_cast %swap3A_1061 : i32 to index
    %swap3A_1063 = arith.constant 16 : index
    %swap3A_1064 = tpu.vector_load %arg17[%swap3A_1062, %swap3A_1063] {strides = array<i32>} : memref<48x128xf32, #tpu.memory_space<vmem>>, vector<16xf32>,
    tpu.vector_store %arg17[%swap3A_1062, %swap3A_1063], %broadcast_in_dim3A_1 {strides = array<i32>} : memref<48x128xf32, #tpu.memory_space<vmem>>, vector<16xf32>,
    %swap3A_1065 = arith.constant 33 : i32
    %swap3A_1066 = arith.index_cast %swap3A_1065 : i32 to index
    %swap3A_1067 = arith.constant 32 : index
    %swap3A_1068 = tpu.vector_load %arg17[%swap3A_1066, %swap3A_1067] {strides = array<i32>} : memref<48x128xf32, #tpu.memory_space<vmem>>, vector<16xf32>,
    tpu.vector_store %arg17[%swap3A_1066, %swap3A_1067], %broadcast_in_dim3A_1 {strides = array<i32>} : memref<48x128xf32, #tpu.memory_space<vmem>>, vector<16xf32>,
    %swap3A_1069 = arith.constant 33 : i32
    %swap3A_1070 = arith.index_cast %swap3A_1069 : i32 to index
    %swap3A_1071 = arith.constant 48 : index
    %swap3A_1072 = tpu.vector_load %arg17[%swap3A_1070, %swap3A_1071] {strides = array<i32>} : memref<48x128xf32, #tpu.memory_space<vmem>>, vector<16xf32>,
    tpu.vector_store %arg17[%swap3A_1070, %swap3A_1071], %broadcast_in_dim3A_1 {strides = array<i32>} : memref<48x128xf32, #tpu.memory_space<vmem>>, vector<16xf32>,
    %swap3A_1073 = arith.constant 33 : i32
    %swap3A_1074 = arith.index_cast %swap3A_1073 : i32 to index
    %swap3A_1075 = arith.constant 64 : index
    %swap3A_1076 = tpu.vector_load %arg17[%swap3A_1074, %swap3A_1075] {strides = array<i32>} : memref<48x128xf32, #tpu.memory_space<vmem>>, vector<16xf32>,
    tpu.vector_store %arg17[%swap3A_1074, %swap3A_1075], %broadcast_in_dim3A_1 {strides = array<i32>} : memref<48x128xf32, #tpu.memory_space<vmem>>, vector<16xf32>,
    %swap3A_1077 = arith.constant 33 : i32
    %swap3A_1078 = arith.index_cast %swap3A_1077 : i32 to index
    %swap3A_1079 = arith.constant 80 : index
    %swap3A_1080 = tpu.vector_load %arg17[%swap3A_1078, %swap3A_1079] {strides = array<i32>} : memref<48x128xf32, #tpu.memory_space<vmem>>, vector<16xf32>,
    tpu.vector_store %arg17[%swap3A_1078, %swap3A_1079], %broadcast_in_dim3A_1 {strides = array<i32>} : memref<48x128xf32, #tpu.memory_space<vmem>>, vector<16xf32>,
    %swap3A_1081 = arith.constant 33 : i32
    %swap3A_1082 = arith.index_cast %swap3A_1081 : i32 to index
    %swap3A_1083 = arith.constant 96 : index
    %swap3A_1084 = tpu.vector_load %arg17[%swap3A_1082, %swap3A_1083] {strides = array<i32>} : memref<48x128xf32, #tpu.memory_space<vmem>>, vector<16xf32>,
    tpu.vector_store %arg17[%swap3A_1082, %swap3A_1083], %broadcast_in_dim3A_1 {strides = array<i32>} : memref<48x128xf32, #tpu.memory_space<vmem>>, vector<16xf32>,
    %swap3A_1085 = arith.constant 33 : i32
    %swap3A_1086 = arith.index_cast %swap3A_1085 : i32 to index
    %swap3A_1087 = arith.constant 112 : index
    %swap3A_1088 = tpu.vector_load %arg17[%swap3A_1086, %swap3A_1087] {strides = array<i32>} : memref<48x128xf32, #tpu.memory_space<vmem>>, vector<16xf32>,
    tpu.vector_store %arg17[%swap3A_1086, %swap3A_1087], %broadcast_in_dim3A_1 {strides = array<i32>} : memref<48x128xf32, #tpu.memory_space<vmem>>, vector<16xf32>,
    %swap3A_1089 = arith.constant 34 : i32
    %swap3A_1090 = arith.index_cast %swap3A_1089 : i32 to index
    %swap3A_1091 = arith.constant 0 : index
    %swap3A_1092 = tpu.vector_load %arg17[%swap3A_1090, %swap3A_1091] {strides = array<i32>} : memref<48x128xf32, #tpu.memory_space<vmem>>, vector<16xf32>,
    tpu.vector_store %arg17[%swap3A_1090, %swap3A_1091], %broadcast_in_dim3A_1 {strides = array<i32>} : memref<48x128xf32, #tpu.memory_space<vmem>>, vector<16xf32>,
    %swap3A_1093 = arith.constant 34 : i32
    %swap3A_1094 = arith.index_cast %swap3A_1093 : i32 to index
    %swap3A_1095 = arith.constant 16 : index
    %swap3A_1096 = tpu.vector_load %arg17[%swap3A_1094, %swap3A_1095] {strides = array<i32>} : memref<48x128xf32, #tpu.memory_space<vmem>>, vector<16xf32>,
    tpu.vector_store %arg17[%swap3A_1094, %swap3A_1095], %broadcast_in_dim3A_1 {strides = array<i32>} : memref<48x128xf32, #tpu.memory_space<vmem>>, vector<16xf32>,
    %swap3A_1097 = arith.constant 34 : i32
    %swap3A_1098 = arith.index_cast %swap3A_1097 : i32 to index
    %swap3A_1099 = arith.constant 32 : index
    %swap3A_1100 = tpu.vector_load %arg17[%swap3A_1098, %swap3A_1099] {strides = array<i32>} : memref<48x128xf32, #tpu.memory_space<vmem>>, vector<16xf32>,
    tpu.vector_store %arg17[%swap3A_1098, %swap3A_1099], %broadcast_in_dim3A_1 {strides = array<i32>} : memref<48x128xf32, #tpu.memory_space<vmem>>, vector<16xf32>,
    %swap3A_1101 = arith.constant 34 : i32
    %swap3A_1102 = arith.index_cast %swap3A_1101 : i32 to index
    %swap3A_1103 = arith.constant 48 : index
    %swap3A_1104 = tpu.vector_load %arg17[%swap3A_1102, %swap3A_1103] {strides = array<i32>} : memref<48x128xf32, #tpu.memory_space<vmem>>, vector<16xf32>,
    tpu.vector_store %arg17[%swap3A_1102, %swap3A_1103], %broadcast_in_dim3A_1 {strides = array<i32>} : memref<48x128xf32, #tpu.memory_space<vmem>>, vector<16xf32>,
    %swap3A_1105 = arith.constant 34 : i32
    %swap3A_1106 = arith.index_cast %swap3A_1105 : i32 to index
    %swap3A_1107 = arith.constant 64 : index
    %swap3A_1108 = tpu.vector_load %arg17[%swap3A_1106, %swap3A_1107] {strides = array<i32>} : memref<48x128xf32, #tpu.memory_space<vmem>>, vector<16xf32>,
    tpu.vector_store %arg17[%swap3A_1106, %swap3A_1107], %broadcast_in_dim3A_1 {strides = array<i32>} : memref<48x128xf32, #tpu.memory_space<vmem>>, vector<16xf32>,
    %swap3A_1109 = arith.constant 34 : i32
    %swap3A_1110 = arith.index_cast %swap3A_1109 : i32 to index
    %swap3A_1111 = arith.constant 80 : index
    %swap3A_1112 = tpu.vector_load %arg17[%swap3A_1110, %swap3A_1111] {strides = array<i32>} : memref<48x128xf32, #tpu.memory_space<vmem>>, vector<16xf32>,
    tpu.vector_store %arg17[%swap3A_1110, %swap3A_1111], %broadcast_in_dim3A_1 {strides = array<i32>} : memref<48x128xf32, #tpu.memory_space<vmem>>, vector<16xf32>,
    %swap3A_1113 = arith.constant 34 : i32
    %swap3A_1114 = arith.index_cast %swap3A_1113 : i32 to index
    %swap3A_1115 = arith.constant 96 : index
    %swap3A_1116 = tpu.vector_load %arg17[%swap3A_1114, %swap3A_1115] {strides = array<i32>} : memref<48x128xf32, #tpu.memory_space<vmem>>, vector<16xf32>,
    tpu.vector_store %arg17[%swap3A_1114, %swap3A_1115], %broadcast_in_dim3A_1 {strides = array<i32>} : memref<48x128xf32, #tpu.memory_space<vmem>>, vector<16xf32>,
    %swap3A_1117 = arith.constant 34 : i32
    %swap3A_1118 = arith.index_cast %swap3A_1117 : i32 to index
    %swap3A_1119 = arith.constant 112 : index
    %swap3A_1120 = tpu.vector_load %arg17[%swap3A_1118, %swap3A_1119] {strides = array<i32>} : memref<48x128xf32, #tpu.memory_space<vmem>>, vector<16xf32>,
    tpu.vector_store %arg17[%swap3A_1118, %swap3A_1119], %broadcast_in_dim3A_1 {strides = array<i32>} : memref<48x128xf32, #tpu.memory_space<vmem>>, vector<16xf32>,
    %swap3A_1121 = arith.constant 35 : i32
    %swap3A_1122 = arith.index_cast %swap3A_1121 : i32 to index
    %swap3A_1123 = arith.constant 0 : index
    %swap3A_1124 = tpu.vector_load %arg17[%swap3A_1122, %swap3A_1123] {strides = array<i32>} : memref<48x128xf32, #tpu.memory_space<vmem>>, vector<16xf32>,
    tpu.vector_store %arg17[%swap3A_1122, %swap3A_1123], %broadcast_in_dim3A_1 {strides = array<i32>} : memref<48x128xf32, #tpu.memory_space<vmem>>, vector<16xf32>,
    %swap3A_1125 = arith.constant 35 : i32
    %swap3A_1126 = arith.index_cast %swap3A_1125 : i32 to index
    %swap3A_1127 = arith.constant 16 : index
    %swap3A_1128 = tpu.vector_load %arg17[%swap3A_1126, %swap3A_1127] {strides = array<i32>} : memref<48x128xf32, #tpu.memory_space<vmem>>, vector<16xf32>,
    tpu.vector_store %arg17[%swap3A_1126, %swap3A_1127], %broadcast_in_dim3A_1 {strides = array<i32>} : memref<48x128xf32, #tpu.memory_space<vmem>>, vector<16xf32>,
    %swap3A_1129 = arith.constant 35 : i32
    %swap3A_1130 = arith.index_cast %swap3A_1129 : i32 to index
    %swap3A_1131 = arith.constant 32 : index
    %swap3A_1132 = tpu.vector_load %arg17[%swap3A_1130, %swap3A_1131] {strides = array<i32>} : memref<48x128xf32, #tpu.memory_space<vmem>>, vector<16xf32>,
    tpu.vector_store %arg17[%swap3A_1130, %swap3A_1131], %broadcast_in_dim3A_1 {strides = array<i32>} : memref<48x128xf32, #tpu.memory_space<vmem>>, vector<16xf32>,
    %swap3A_1133 = arith.constant 35 : i32
    %swap3A_1134 = arith.index_cast %swap3A_1133 : i32 to index
    %swap3A_1135 = arith.constant 48 : index
    %swap3A_1136 = tpu.vector_load %arg17[%swap3A_1134, %swap3A_1135] {strides = array<i32>} : memref<48x128xf32, #tpu.memory_space<vmem>>, vector<16xf32>,
    tpu.vector_store %arg17[%swap3A_1134, %swap3A_1135], %broadcast_in_dim3A_1 {strides = array<i32>} : memref<48x128xf32, #tpu.memory_space<vmem>>, vector<16xf32>,
    %swap3A_1137 = arith.constant 35 : i32
    %swap3A_1138 = arith.index_cast %swap3A_1137 : i32 to index
    %swap3A_1139 = arith.constant 64 : index
    %swap3A_1140 = tpu.vector_load %arg17[%swap3A_1138, %swap3A_1139] {strides = array<i32>} : memref<48x128xf32, #tpu.memory_space<vmem>>, vector<16xf32>,
    tpu.vector_store %arg17[%swap3A_1138, %swap3A_1139], %broadcast_in_dim3A_1 {strides = array<i32>} : memref<48x128xf32, #tpu.memory_space<vmem>>, vector<16xf32>,
    %swap3A_1141 = arith.constant 35 : i32
    %swap3A_1142 = arith.index_cast %swap3A_1141 : i32 to index
    %swap3A_1143 = arith.constant 80 : index
    %swap3A_1144 = tpu.vector_load %arg17[%swap3A_1142, %swap3A_1143] {strides = array<i32>} : memref<48x128xf32, #tpu.memory_space<vmem>>, vector<16xf32>,
    tpu.vector_store %arg17[%swap3A_1142, %swap3A_1143], %broadcast_in_dim3A_1 {strides = array<i32>} : memref<48x128xf32, #tpu.memory_space<vmem>>, vector<16xf32>,
    %swap3A_1145 = arith.constant 35 : i32
    %swap3A_1146 = arith.index_cast %swap3A_1145 : i32 to index
    %swap3A_1147 = arith.constant 96 : index
    %swap3A_1148 = tpu.vector_load %arg17[%swap3A_1146, %swap3A_1147] {strides = array<i32>} : memref<48x128xf32, #tpu.memory_space<vmem>>, vector<16xf32>,
    tpu.vector_store %arg17[%swap3A_1146, %swap3A_1147], %broadcast_in_dim3A_1 {strides = array<i32>} : memref<48x128xf32, #tpu.memory_space<vmem>>, vector<16xf32>,
    %swap3A_1149 = arith.constant 35 : i32
    %swap3A_1150 = arith.index_cast %swap3A_1149 : i32 to index
    %swap3A_1151 = arith.constant 112 : index
    %swap3A_1152 = tpu.vector_load %arg17[%swap3A_1150, %swap3A_1151] {strides = array<i32>} : memref<48x128xf32, #tpu.memory_space<vmem>>, vector<16xf32>,
    tpu.vector_store %arg17[%swap3A_1150, %swap3A_1151], %broadcast_in_dim3A_1 {strides = array<i32>} : memref<48x128xf32, #tpu.memory_space<vmem>>, vector<16xf32>,
    %swap3A_1153 = arith.constant 36 : i32
    %swap3A_1154 = arith.index_cast %swap3A_1153 : i32 to index
    %swap3A_1155 = arith.constant 0 : index
    %swap3A_1156 = tpu.vector_load %arg17[%swap3A_1154, %swap3A_1155] {strides = array<i32>} : memref<48x128xf32, #tpu.memory_space<vmem>>, vector<16xf32>,
    tpu.vector_store %arg17[%swap3A_1154, %swap3A_1155], %broadcast_in_dim3A_1 {strides = array<i32>} : memref<48x128xf32, #tpu.memory_space<vmem>>, vector<16xf32>,
    %swap3A_1157 = arith.constant 36 : i32
    %swap3A_1158 = arith.index_cast %swap3A_1157 : i32 to index
    %swap3A_1159 = arith.constant 16 : index
    %swap3A_1160 = tpu.vector_load %arg17[%swap3A_1158, %swap3A_1159] {strides = array<i32>} : memref<48x128xf32, #tpu.memory_space<vmem>>, vector<16xf32>,
    tpu.vector_store %arg17[%swap3A_1158, %swap3A_1159], %broadcast_in_dim3A_1 {strides = array<i32>} : memref<48x128xf32, #tpu.memory_space<vmem>>, vector<16xf32>,
    %swap3A_1161 = arith.constant 36 : i32
    %swap3A_1162 = arith.index_cast %swap3A_1161 : i32 to index
    %swap3A_1163 = arith.constant 32 : index
    %swap3A_1164 = tpu.vector_load %arg17[%swap3A_1162, %swap3A_1163] {strides = array<i32>} : memref<48x128xf32, #tpu.memory_space<vmem>>, vector<16xf32>,
    tpu.vector_store %arg17[%swap3A_1162, %swap3A_1163], %broadcast_in_dim3A_1 {strides = array<i32>} : memref<48x128xf32, #tpu.memory_space<vmem>>, vector<16xf32>,
    %swap3A_1165 = arith.constant 36 : i32
    %swap3A_1166 = arith.index_cast %swap3A_1165 : i32 to index
    %swap3A_1167 = arith.constant 48 : index
    %swap3A_1168 = tpu.vector_load %arg17[%swap3A_1166, %swap3A_1167] {strides = array<i32>} : memref<48x128xf32, #tpu.memory_space<vmem>>, vector<16xf32>,
    tpu.vector_store %arg17[%swap3A_1166, %swap3A_1167], %broadcast_in_dim3A_1 {strides = array<i32>} : memref<48x128xf32, #tpu.memory_space<vmem>>, vector<16xf32>,
    %swap3A_1169 = arith.constant 36 : i32
    %swap3A_1170 = arith.index_cast %swap3A_1169 : i32 to index
    %swap3A_1171 = arith.constant 64 : index
    %swap3A_1172 = tpu.vector_load %arg17[%swap3A_1170, %swap3A_1171] {strides = array<i32>} : memref<48x128xf32, #tpu.memory_space<vmem>>, vector<16xf32>,
    tpu.vector_store %arg17[%swap3A_1170, %swap3A_1171], %broadcast_in_dim3A_1 {strides = array<i32>} : memref<48x128xf32, #tpu.memory_space<vmem>>, vector<16xf32>,
    %swap3A_1173 = arith.constant 36 : i32
    %swap3A_1174 = arith.index_cast %swap3A_1173 : i32 to index
    %swap3A_1175 = arith.constant 80 : index
    %swap3A_1176 = tpu.vector_load %arg17[%swap3A_1174, %swap3A_1175] {strides = array<i32>} : memref<48x128xf32, #tpu.memory_space<vmem>>, vector<16xf32>,
    tpu.vector_store %arg17[%swap3A_1174, %swap3A_1175], %broadcast_in_dim3A_1 {strides = array<i32>} : memref<48x128xf32, #tpu.memory_space<vmem>>, vector<16xf32>,
    %swap3A_1177 = arith.constant 36 : i32
    %swap3A_1178 = arith.index_cast %swap3A_1177 : i32 to index
    %swap3A_1179 = arith.constant 96 : index
    %swap3A_1180 = tpu.vector_load %arg17[%swap3A_1178, %swap3A_1179] {strides = array<i32>} : memref<48x128xf32, #tpu.memory_space<vmem>>, vector<16xf32>,
    tpu.vector_store %arg17[%swap3A_1178, %swap3A_1179], %broadcast_in_dim3A_1 {strides = array<i32>} : memref<48x128xf32, #tpu.memory_space<vmem>>, vector<16xf32>,
    %swap3A_1181 = arith.constant 36 : i32
    %swap3A_1182 = arith.index_cast %swap3A_1181 : i32 to index
    %swap3A_1183 = arith.constant 112 : index
    %swap3A_1184 = tpu.vector_load %arg17[%swap3A_1182, %swap3A_1183] {strides = array<i32>} : memref<48x128xf32, #tpu.memory_space<vmem>>, vector<16xf32>,
    tpu.vector_store %arg17[%swap3A_1182, %swap3A_1183], %broadcast_in_dim3A_1 {strides = array<i32>} : memref<48x128xf32, #tpu.memory_space<vmem>>, vector<16xf32>,
    %swap3A_1185 = arith.constant 37 : i32
    %swap3A_1186 = arith.index_cast %swap3A_1185 : i32 to index
    %swap3A_1187 = arith.constant 0 : index
    %swap3A_1188 = tpu.vector_load %arg17[%swap3A_1186, %swap3A_1187] {strides = array<i32>} : memref<48x128xf32, #tpu.memory_space<vmem>>, vector<16xf32>,
    tpu.vector_store %arg17[%swap3A_1186, %swap3A_1187], %broadcast_in_dim3A_1 {strides = array<i32>} : memref<48x128xf32, #tpu.memory_space<vmem>>, vector<16xf32>,
    %swap3A_1189 = arith.constant 37 : i32
    %swap3A_1190 = arith.index_cast %swap3A_1189 : i32 to index
    %swap3A_1191 = arith.constant 16 : index
    %swap3A_1192 = tpu.vector_load %arg17[%swap3A_1190, %swap3A_1191] {strides = array<i32>} : memref<48x128xf32, #tpu.memory_space<vmem>>, vector<16xf32>,
    tpu.vector_store %arg17[%swap3A_1190, %swap3A_1191], %broadcast_in_dim3A_1 {strides = array<i32>} : memref<48x128xf32, #tpu.memory_space<vmem>>, vector<16xf32>,
    %swap3A_1193 = arith.constant 37 : i32
    %swap3A_1194 = arith.index_cast %swap3A_1193 : i32 to index
    %swap3A_1195 = arith.constant 32 : index
    %swap3A_1196 = tpu.vector_load %arg17[%swap3A_1194, %swap3A_1195] {strides = array<i32>} : memref<48x128xf32, #tpu.memory_space<vmem>>, vector<16xf32>,
    tpu.vector_store %arg17[%swap3A_1194, %swap3A_1195], %broadcast_in_dim3A_1 {strides = array<i32>} : memref<48x128xf32, #tpu.memory_space<vmem>>, vector<16xf32>,
    %swap3A_1197 = arith.constant 37 : i32
    %swap3A_1198 = arith.index_cast %swap3A_1197 : i32 to index
    %swap3A_1199 = arith.constant 48 : index
    %swap3A_1200 = tpu.vector_load %arg17[%swap3A_1198, %swap3A_1199] {strides = array<i32>} : memref<48x128xf32, #tpu.memory_space<vmem>>, vector<16xf32>,
    tpu.vector_store %arg17[%swap3A_1198, %swap3A_1199], %broadcast_in_dim3A_1 {strides = array<i32>} : memref<48x128xf32, #tpu.memory_space<vmem>>, vector<16xf32>,
    %swap3A_1201 = arith.constant 37 : i32
    %swap3A_1202 = arith.index_cast %swap3A_1201 : i32 to index
    %swap3A_1203 = arith.constant 64 : index
    %swap3A_1204 = tpu.vector_load %arg17[%swap3A_1202, %swap3A_1203] {strides = array<i32>} : memref<48x128xf32, #tpu.memory_space<vmem>>, vector<16xf32>,
    tpu.vector_store %arg17[%swap3A_1202, %swap3A_1203], %broadcast_in_dim3A_1 {strides = array<i32>} : memref<48x128xf32, #tpu.memory_space<vmem>>, vector<16xf32>,
    %swap3A_1205 = arith.constant 37 : i32
    %swap3A_1206 = arith.index_cast %swap3A_1205 : i32 to index
    %swap3A_1207 = arith.constant 80 : index
    %swap3A_1208 = tpu.vector_load %arg17[%swap3A_1206, %swap3A_1207] {strides = array<i32>} : memref<48x128xf32, #tpu.memory_space<vmem>>, vector<16xf32>,
    tpu.vector_store %arg17[%swap3A_1206, %swap3A_1207], %broadcast_in_dim3A_1 {strides = array<i32>} : memref<48x128xf32, #tpu.memory_space<vmem>>, vector<16xf32>,
    %swap3A_1209 = arith.constant 37 : i32
    %swap3A_1210 = arith.index_cast %swap3A_1209 : i32 to index
    %swap3A_1211 = arith.constant 96 : index
    %swap3A_1212 = tpu.vector_load %arg17[%swap3A_1210, %swap3A_1211] {strides = array<i32>} : memref<48x128xf32, #tpu.memory_space<vmem>>, vector<16xf32>,
    tpu.vector_store %arg17[%swap3A_1210, %swap3A_1211], %broadcast_in_dim3A_1 {strides = array<i32>} : memref<48x128xf32, #tpu.memory_space<vmem>>, vector<16xf32>,
    %swap3A_1213 = arith.constant 37 : i32
    %swap3A_1214 = arith.index_cast %swap3A_1213 : i32 to index
    %swap3A_1215 = arith.constant 112 : index
    %swap3A_1216 = tpu.vector_load %arg17[%swap3A_1214, %swap3A_1215] {strides = array<i32>} : memref<48x128xf32, #tpu.memory_space<vmem>>, vector<16xf32>,
    tpu.vector_store %arg17[%swap3A_1214, %swap3A_1215], %broadcast_in_dim3A_1 {strides = array<i32>} : memref<48x128xf32, #tpu.memory_space<vmem>>, vector<16xf32>,
    %swap3A_1217 = arith.constant 38 : i32
    %swap3A_1218 = arith.index_cast %swap3A_1217 : i32 to index
    %swap3A_1219 = arith.constant 0 : index
    %swap3A_1220 = tpu.vector_load %arg17[%swap3A_1218, %swap3A_1219] {strides = array<i32>} : memref<48x128xf32, #tpu.memory_space<vmem>>, vector<16xf32>,
    tpu.vector_store %arg17[%swap3A_1218, %swap3A_1219], %broadcast_in_dim3A_1 {strides = array<i32>} : memref<48x128xf32, #tpu.memory_space<vmem>>, vector<16xf32>,
    %swap3A_1221 = arith.constant 38 : i32
    %swap3A_1222 = arith.index_cast %swap3A_1221 : i32 to index
    %swap3A_1223 = arith.constant 16 : index
    %swap3A_1224 = tpu.vector_load %arg17[%swap3A_1222, %swap3A_1223] {strides = array<i32>} : memref<48x128xf32, #tpu.memory_space<vmem>>, vector<16xf32>,
    tpu.vector_store %arg17[%swap3A_1222, %swap3A_1223], %broadcast_in_dim3A_1 {strides = array<i32>} : memref<48x128xf32, #tpu.memory_space<vmem>>, vector<16xf32>,
    %swap3A_1225 = arith.constant 38 : i32
    %swap3A_1226 = arith.index_cast %swap3A_1225 : i32 to index
    %swap3A_1227 = arith.constant 32 : index
    %swap3A_1228 = tpu.vector_load %arg17[%swap3A_1226, %swap3A_1227] {strides = array<i32>} : memref<48x128xf32, #tpu.memory_space<vmem>>, vector<16xf32>,
    tpu.vector_store %arg17[%swap3A_1226, %swap3A_1227], %broadcast_in_dim3A_1 {strides = array<i32>} : memref<48x128xf32, #tpu.memory_space<vmem>>, vector<16xf32>,
    %swap3A_1229 = arith.constant 38 : i32
    %swap3A_1230 = arith.index_cast %swap3A_1229 : i32 to index
    %swap3A_1231 = arith.constant 48 : index
    %swap3A_1232 = tpu.vector_load %arg17[%swap3A_1230, %swap3A_1231] {strides = array<i32>} : memref<48x128xf32, #tpu.memory_space<vmem>>, vector<16xf32>,
    tpu.vector_store %arg17[%swap3A_1230, %swap3A_1231], %broadcast_in_dim3A_1 {strides = array<i32>} : memref<48x128xf32, #tpu.memory_space<vmem>>, vector<16xf32>,
    %swap3A_1233 = arith.constant 38 : i32
    %swap3A_1234 = arith.index_cast %swap3A_1233 : i32 to index
    %swap3A_1235 = arith.constant 64 : index
    %swap3A_1236 = tpu.vector_load %arg17[%swap3A_1234, %swap3A_1235] {strides = array<i32>} : memref<48x128xf32, #tpu.memory_space<vmem>>, vector<16xf32>,
    tpu.vector_store %arg17[%swap3A_1234, %swap3A_1235], %broadcast_in_dim3A_1 {strides = array<i32>} : memref<48x128xf32, #tpu.memory_space<vmem>>, vector<16xf32>,
    %swap3A_1237 = arith.constant 38 : i32
    %swap3A_1238 = arith.index_cast %swap3A_1237 : i32 to index
    %swap3A_1239 = arith.constant 80 : index
    %swap3A_1240 = tpu.vector_load %arg17[%swap3A_1238, %swap3A_1239] {strides = array<i32>} : memref<48x128xf32, #tpu.memory_space<vmem>>, vector<16xf32>,
    tpu.vector_store %arg17[%swap3A_1238, %swap3A_1239], %broadcast_in_dim3A_1 {strides = array<i32>} : memref<48x128xf32, #tpu.memory_space<vmem>>, vector<16xf32>,
    %swap3A_1241 = arith.constant 38 : i32
    %swap3A_1242 = arith.index_cast %swap3A_1241 : i32 to index
    %swap3A_1243 = arith.constant 96 : index
    %swap3A_1244 = tpu.vector_load %arg17[%swap3A_1242, %swap3A_1243] {strides = array<i32>} : memref<48x128xf32, #tpu.memory_space<vmem>>, vector<16xf32>,
    tpu.vector_store %arg17[%swap3A_1242, %swap3A_1243], %broadcast_in_dim3A_1 {strides = array<i32>} : memref<48x128xf32, #tpu.memory_space<vmem>>, vector<16xf32>,
    %swap3A_1245 = arith.constant 38 : i32
    %swap3A_1246 = arith.index_cast %swap3A_1245 : i32 to index
    %swap3A_1247 = arith.constant 112 : index
    %swap3A_1248 = tpu.vector_load %arg17[%swap3A_1246, %swap3A_1247] {strides = array<i32>} : memref<48x128xf32, #tpu.memory_space<vmem>>, vector<16xf32>,
    tpu.vector_store %arg17[%swap3A_1246, %swap3A_1247], %broadcast_in_dim3A_1 {strides = array<i32>} : memref<48x128xf32, #tpu.memory_space<vmem>>, vector<16xf32>,
    %swap3A_1249 = arith.constant 39 : i32
    %swap3A_1250 = arith.index_cast %swap3A_1249 : i32 to index
    %swap3A_1251 = arith.constant 0 : index
    %swap3A_1252 = tpu.vector_load %arg17[%swap3A_1250, %swap3A_1251] {strides = array<i32>} : memref<48x128xf32, #tpu.memory_space<vmem>>, vector<16xf32>,
    tpu.vector_store %arg17[%swap3A_1250, %swap3A_1251], %broadcast_in_dim3A_1 {strides = array<i32>} : memref<48x128xf32, #tpu.memory_space<vmem>>, vector<16xf32>,
    %swap3A_1253 = arith.constant 39 : i32
    %swap3A_1254 = arith.index_cast %swap3A_1253 : i32 to index
    %swap3A_1255 = arith.constant 16 : index
    %swap3A_1256 = tpu.vector_load %arg17[%swap3A_1254, %swap3A_1255] {strides = array<i32>} : memref<48x128xf32, #tpu.memory_space<vmem>>, vector<16xf32>,
    tpu.vector_store %arg17[%swap3A_1254, %swap3A_1255], %broadcast_in_dim3A_1 {strides = array<i32>} : memref<48x128xf32, #tpu.memory_space<vmem>>, vector<16xf32>,
    %swap3A_1257 = arith.constant 39 : i32
    %swap3A_1258 = arith.index_cast %swap3A_1257 : i32 to index
    %swap3A_1259 = arith.constant 32 : index
    %swap3A_1260 = tpu.vector_load %arg17[%swap3A_1258, %swap3A_1259] {strides = array<i32>} : memref<48x128xf32, #tpu.memory_space<vmem>>, vector<16xf32>,
    tpu.vector_store %arg17[%swap3A_1258, %swap3A_1259], %broadcast_in_dim3A_1 {strides = array<i32>} : memref<48x128xf32, #tpu.memory_space<vmem>>, vector<16xf32>,
    %swap3A_1261 = arith.constant 39 : i32
    %swap3A_1262 = arith.index_cast %swap3A_1261 : i32 to index
    %swap3A_1263 = arith.constant 48 : index
    %swap3A_1264 = tpu.vector_load %arg17[%swap3A_1262, %swap3A_1263] {strides = array<i32>} : memref<48x128xf32, #tpu.memory_space<vmem>>, vector<16xf32>,
    tpu.vector_store %arg17[%swap3A_1262, %swap3A_1263], %broadcast_in_dim3A_1 {strides = array<i32>} : memref<48x128xf32, #tpu.memory_space<vmem>>, vector<16xf32>,
    %swap3A_1265 = arith.constant 39 : i32
    %swap3A_1266 = arith.index_cast %swap3A_1265 : i32 to index
    %swap3A_1267 = arith.constant 64 : index
    %swap3A_1268 = tpu.vector_load %arg17[%swap3A_1266, %swap3A_1267] {strides = array<i32>} : memref<48x128xf32, #tpu.memory_space<vmem>>, vector<16xf32>,
    tpu.vector_store %arg17[%swap3A_1266, %swap3A_1267], %broadcast_in_dim3A_1 {strides = array<i32>} : memref<48x128xf32, #tpu.memory_space<vmem>>, vector<16xf32>,
    %swap3A_1269 = arith.constant 39 : i32
    %swap3A_1270 = arith.index_cast %swap3A_1269 : i32 to index
    %swap3A_1271 = arith.constant 80 : index
    %swap3A_1272 = tpu.vector_load %arg17[%swap3A_1270, %swap3A_1271] {strides = array<i32>} : memref<48x128xf32, #tpu.memory_space<vmem>>, vector<16xf32>,
    tpu.vector_store %arg17[%swap3A_1270, %swap3A_1271], %broadcast_in_dim3A_1 {strides = array<i32>} : memref<48x128xf32, #tpu.memory_space<vmem>>, vector<16xf32>,
    %swap3A_1273 = arith.constant 39 : i32
    %swap3A_1274 = arith.index_cast %swap3A_1273 : i32 to index
    %swap3A_1275 = arith.constant 96 : index
    %swap3A_1276 = tpu.vector_load %arg17[%swap3A_1274, %swap3A_1275] {strides = array<i32>} : memref<48x128xf32, #tpu.memory_space<vmem>>, vector<16xf32>,
    tpu.vector_store %arg17[%swap3A_1274, %swap3A_1275], %broadcast_in_dim3A_1 {strides = array<i32>} : memref<48x128xf32, #tpu.memory_space<vmem>>, vector<16xf32>,
    %swap3A_1277 = arith.constant 39 : i32
    %swap3A_1278 = arith.index_cast %swap3A_1277 : i32 to index
    %swap3A_1279 = arith.constant 112 : index
    %swap3A_1280 = tpu.vector_load %arg17[%swap3A_1278, %swap3A_1279] {strides = array<i32>} : memref<48x128xf32, #tpu.memory_space<vmem>>, vector<16xf32>,
    tpu.vector_store %arg17[%swap3A_1278, %swap3A_1279], %broadcast_in_dim3A_1 {strides = array<i32>} : memref<48x128xf32, #tpu.memory_space<vmem>>, vector<16xf32>,
    %swap3A_1281 = arith.constant 40 : i32
    %swap3A_1282 = arith.index_cast %swap3A_1281 : i32 to index
    %swap3A_1283 = arith.constant 0 : index
    %swap3A_1284 = tpu.vector_load %arg17[%swap3A_1282, %swap3A_1283] {strides = array<i32>} : memref<48x128xf32, #tpu.memory_space<vmem>>, vector<16xf32>,
    tpu.vector_store %arg17[%swap3A_1282, %swap3A_1283], %broadcast_in_dim3A_1 {strides = array<i32>} : memref<48x128xf32, #tpu.memory_space<vmem>>, vector<16xf32>,
    %swap3A_1285 = arith.constant 40 : i32
    %swap3A_1286 = arith.index_cast %swap3A_1285 : i32 to index
    %swap3A_1287 = arith.constant 16 : index
    %swap3A_1288 = tpu.vector_load %arg17[%swap3A_1286, %swap3A_1287] {strides = array<i32>} : memref<48x128xf32, #tpu.memory_space<vmem>>, vector<16xf32>,
    tpu.vector_store %arg17[%swap3A_1286, %swap3A_1287], %broadcast_in_dim3A_1 {strides = array<i32>} : memref<48x128xf32, #tpu.memory_space<vmem>>, vector<16xf32>,
    %swap3A_1289 = arith.constant 40 : i32
    %swap3A_1290 = arith.index_cast %swap3A_1289 : i32 to index
    %swap3A_1291 = arith.constant 32 : index
    %swap3A_1292 = tpu.vector_load %arg17[%swap3A_1290, %swap3A_1291] {strides = array<i32>} : memref<48x128xf32, #tpu.memory_space<vmem>>, vector<16xf32>,
    tpu.vector_store %arg17[%swap3A_1290, %swap3A_1291], %broadcast_in_dim3A_1 {strides = array<i32>} : memref<48x128xf32, #tpu.memory_space<vmem>>, vector<16xf32>,
    %swap3A_1293 = arith.constant 40 : i32
    %swap3A_1294 = arith.index_cast %swap3A_1293 : i32 to index
    %swap3A_1295 = arith.constant 48 : index
    %swap3A_1296 = tpu.vector_load %arg17[%swap3A_1294, %swap3A_1295] {strides = array<i32>} : memref<48x128xf32, #tpu.memory_space<vmem>>, vector<16xf32>,
    tpu.vector_store %arg17[%swap3A_1294, %swap3A_1295], %broadcast_in_dim3A_1 {strides = array<i32>} : memref<48x128xf32, #tpu.memory_space<vmem>>, vector<16xf32>,
    %swap3A_1297 = arith.constant 40 : i32
    %swap3A_1298 = arith.index_cast %swap3A_1297 : i32 to index
    %swap3A_1299 = arith.constant 64 : index
    %swap3A_1300 = tpu.vector_load %arg17[%swap3A_1298, %swap3A_1299] {strides = array<i32>} : memref<48x128xf32, #tpu.memory_space<vmem>>, vector<16xf32>,
    tpu.vector_store %arg17[%swap3A_1298, %swap3A_1299], %broadcast_in_dim3A_1 {strides = array<i32>} : memref<48x128xf32, #tpu.memory_space<vmem>>, vector<16xf32>,
    %swap3A_1301 = arith.constant 40 : i32
    %swap3A_1302 = arith.index_cast %swap3A_1301 : i32 to index
    %swap3A_1303 = arith.constant 80 : index
    %swap3A_1304 = tpu.vector_load %arg17[%swap3A_1302, %swap3A_1303] {strides = array<i32>} : memref<48x128xf32, #tpu.memory_space<vmem>>, vector<16xf32>,
    tpu.vector_store %arg17[%swap3A_1302, %swap3A_1303], %broadcast_in_dim3A_1 {strides = array<i32>} : memref<48x128xf32, #tpu.memory_space<vmem>>, vector<16xf32>,
    %swap3A_1305 = arith.constant 40 : i32
    %swap3A_1306 = arith.index_cast %swap3A_1305 : i32 to index
    %swap3A_1307 = arith.constant 96 : index
    %swap3A_1308 = tpu.vector_load %arg17[%swap3A_1306, %swap3A_1307] {strides = array<i32>} : memref<48x128xf32, #tpu.memory_space<vmem>>, vector<16xf32>,
    tpu.vector_store %arg17[%swap3A_1306, %swap3A_1307], %broadcast_in_dim3A_1 {strides = array<i32>} : memref<48x128xf32, #tpu.memory_space<vmem>>, vector<16xf32>,
    %swap3A_1309 = arith.constant 40 : i32
    %swap3A_1310 = arith.index_cast %swap3A_1309 : i32 to index
    %swap3A_1311 = arith.constant 112 : index
    %swap3A_1312 = tpu.vector_load %arg17[%swap3A_1310, %swap3A_1311] {strides = array<i32>} : memref<48x128xf32, #tpu.memory_space<vmem>>, vector<16xf32>,
    tpu.vector_store %arg17[%swap3A_1310, %swap3A_1311], %broadcast_in_dim3A_1 {strides = array<i32>} : memref<48x128xf32, #tpu.memory_space<vmem>>, vector<16xf32>,
    %swap3A_1313 = arith.constant 41 : i32
    %swap3A_1314 = arith.index_cast %swap3A_1313 : i32 to index
    %swap3A_1315 = arith.constant 0 : index
    %swap3A_1316 = tpu.vector_load %arg17[%swap3A_1314, %swap3A_1315] {strides = array<i32>} : memref<48x128xf32, #tpu.memory_space<vmem>>, vector<16xf32>,
    tpu.vector_store %arg17[%swap3A_1314, %swap3A_1315], %broadcast_in_dim3A_1 {strides = array<i32>} : memref<48x128xf32, #tpu.memory_space<vmem>>, vector<16xf32>,
    %swap3A_1317 = arith.constant 41 : i32
    %swap3A_1318 = arith.index_cast %swap3A_1317 : i32 to index
    %swap3A_1319 = arith.constant 16 : index
    %swap3A_1320 = tpu.vector_load %arg17[%swap3A_1318, %swap3A_1319] {strides = array<i32>} : memref<48x128xf32, #tpu.memory_space<vmem>>, vector<16xf32>,
    tpu.vector_store %arg17[%swap3A_1318, %swap3A_1319], %broadcast_in_dim3A_1 {strides = array<i32>} : memref<48x128xf32, #tpu.memory_space<vmem>>, vector<16xf32>,
    %swap3A_1321 = arith.constant 41 : i32
    %swap3A_1322 = arith.index_cast %swap3A_1321 : i32 to index
    %swap3A_1323 = arith.constant 32 : index
    %swap3A_1324 = tpu.vector_load %arg17[%swap3A_1322, %swap3A_1323] {strides = array<i32>} : memref<48x128xf32, #tpu.memory_space<vmem>>, vector<16xf32>,
    tpu.vector_store %arg17[%swap3A_1322, %swap3A_1323], %broadcast_in_dim3A_1 {strides = array<i32>} : memref<48x128xf32, #tpu.memory_space<vmem>>, vector<16xf32>,
    %swap3A_1325 = arith.constant 41 : i32
    %swap3A_1326 = arith.index_cast %swap3A_1325 : i32 to index
    %swap3A_1327 = arith.constant 48 : index
    %swap3A_1328 = tpu.vector_load %arg17[%swap3A_1326, %swap3A_1327] {strides = array<i32>} : memref<48x128xf32, #tpu.memory_space<vmem>>, vector<16xf32>,
    tpu.vector_store %arg17[%swap3A_1326, %swap3A_1327], %broadcast_in_dim3A_1 {strides = array<i32>} : memref<48x128xf32, #tpu.memory_space<vmem>>, vector<16xf32>,
    %swap3A_1329 = arith.constant 41 : i32
    %swap3A_1330 = arith.index_cast %swap3A_1329 : i32 to index
    %swap3A_1331 = arith.constant 64 : index
    %swap3A_1332 = tpu.vector_load %arg17[%swap3A_1330, %swap3A_1331] {strides = array<i32>} : memref<48x128xf32, #tpu.memory_space<vmem>>, vector<16xf32>,
    tpu.vector_store %arg17[%swap3A_1330, %swap3A_1331], %broadcast_in_dim3A_1 {strides = array<i32>} : memref<48x128xf32, #tpu.memory_space<vmem>>, vector<16xf32>,
    %swap3A_1333 = arith.constant 41 : i32
    %swap3A_1334 = arith.index_cast %swap3A_1333 : i32 to index
    %swap3A_1335 = arith.constant 80 : index
    %swap3A_1336 = tpu.vector_load %arg17[%swap3A_1334, %swap3A_1335] {strides = array<i32>} : memref<48x128xf32, #tpu.memory_space<vmem>>, vector<16xf32>,
    tpu.vector_store %arg17[%swap3A_1334, %swap3A_1335], %broadcast_in_dim3A_1 {strides = array<i32>} : memref<48x128xf32, #tpu.memory_space<vmem>>, vector<16xf32>,
    %swap3A_1337 = arith.constant 41 : i32
    %swap3A_1338 = arith.index_cast %swap3A_1337 : i32 to index
    %swap3A_1339 = arith.constant 96 : index
    %swap3A_1340 = tpu.vector_load %arg17[%swap3A_1338, %swap3A_1339] {strides = array<i32>} : memref<48x128xf32, #tpu.memory_space<vmem>>, vector<16xf32>,
    tpu.vector_store %arg17[%swap3A_1338, %swap3A_1339], %broadcast_in_dim3A_1 {strides = array<i32>} : memref<48x128xf32, #tpu.memory_space<vmem>>, vector<16xf32>,
    %swap3A_1341 = arith.constant 41 : i32
    %swap3A_1342 = arith.index_cast %swap3A_1341 : i32 to index
    %swap3A_1343 = arith.constant 112 : index
    %swap3A_1344 = tpu.vector_load %arg17[%swap3A_1342, %swap3A_1343] {strides = array<i32>} : memref<48x128xf32, #tpu.memory_space<vmem>>, vector<16xf32>,
    tpu.vector_store %arg17[%swap3A_1342, %swap3A_1343], %broadcast_in_dim3A_1 {strides = array<i32>} : memref<48x128xf32, #tpu.memory_space<vmem>>, vector<16xf32>,
    %swap3A_1345 = arith.constant 42 : i32
    %swap3A_1346 = arith.index_cast %swap3A_1345 : i32 to index
    %swap3A_1347 = arith.constant 0 : index
    %swap3A_1348 = tpu.vector_load %arg17[%swap3A_1346, %swap3A_1347] {strides = array<i32>} : memref<48x128xf32, #tpu.memory_space<vmem>>, vector<16xf32>,
    tpu.vector_store %arg17[%swap3A_1346, %swap3A_1347], %broadcast_in_dim3A_1 {strides = array<i32>} : memref<48x128xf32, #tpu.memory_space<vmem>>, vector<16xf32>,
    %swap3A_1349 = arith.constant 42 : i32
    %swap3A_1350 = arith.index_cast %swap3A_1349 : i32 to index
    %swap3A_1351 = arith.constant 16 : index
    %swap3A_1352 = tpu.vector_load %arg17[%swap3A_1350, %swap3A_1351] {strides = array<i32>} : memref<48x128xf32, #tpu.memory_space<vmem>>, vector<16xf32>,
    tpu.vector_store %arg17[%swap3A_1350, %swap3A_1351], %broadcast_in_dim3A_1 {strides = array<i32>} : memref<48x128xf32, #tpu.memory_space<vmem>>, vector<16xf32>,
    %swap3A_1353 = arith.constant 42 : i32
    %swap3A_1354 = arith.index_cast %swap3A_1353 : i32 to index
    %swap3A_1355 = arith.constant 32 : index
    %swap3A_1356 = tpu.vector_load %arg17[%swap3A_1354, %swap3A_1355] {strides = array<i32>} : memref<48x128xf32, #tpu.memory_space<vmem>>, vector<16xf32>,
    tpu.vector_store %arg17[%swap3A_1354, %swap3A_1355], %broadcast_in_dim3A_1 {strides = array<i32>} : memref<48x128xf32, #tpu.memory_space<vmem>>, vector<16xf32>,
    %swap3A_1357 = arith.constant 42 : i32
    %swap3A_1358 = arith.index_cast %swap3A_1357 : i32 to index
    %swap3A_1359 = arith.constant 48 : index
    %swap3A_1360 = tpu.vector_load %arg17[%swap3A_1358, %swap3A_1359] {strides = array<i32>} : memref<48x128xf32, #tpu.memory_space<vmem>>, vector<16xf32>,
    tpu.vector_store %arg17[%swap3A_1358, %swap3A_1359], %broadcast_in_dim3A_1 {strides = array<i32>} : memref<48x128xf32, #tpu.memory_space<vmem>>, vector<16xf32>,
    %swap3A_1361 = arith.constant 42 : i32
    %swap3A_1362 = arith.index_cast %swap3A_1361 : i32 to index
    %swap3A_1363 = arith.constant 64 : index
    %swap3A_1364 = tpu.vector_load %arg17[%swap3A_1362, %swap3A_1363] {strides = array<i32>} : memref<48x128xf32, #tpu.memory_space<vmem>>, vector<16xf32>,
    tpu.vector_store %arg17[%swap3A_1362, %swap3A_1363], %broadcast_in_dim3A_1 {strides = array<i32>} : memref<48x128xf32, #tpu.memory_space<vmem>>, vector<16xf32>,
    %swap3A_1365 = arith.constant 42 : i32
    %swap3A_1366 = arith.index_cast %swap3A_1365 : i32 to index
    %swap3A_1367 = arith.constant 80 : index
    %swap3A_1368 = tpu.vector_load %arg17[%swap3A_1366, %swap3A_1367] {strides = array<i32>} : memref<48x128xf32, #tpu.memory_space<vmem>>, vector<16xf32>,
    tpu.vector_store %arg17[%swap3A_1366, %swap3A_1367], %broadcast_in_dim3A_1 {strides = array<i32>} : memref<48x128xf32, #tpu.memory_space<vmem>>, vector<16xf32>,
    %swap3A_1369 = arith.constant 42 : i32
    %swap3A_1370 = arith.index_cast %swap3A_1369 : i32 to index
    %swap3A_1371 = arith.constant 96 : index
    %swap3A_1372 = tpu.vector_load %arg17[%swap3A_1370, %swap3A_1371] {strides = array<i32>} : memref<48x128xf32, #tpu.memory_space<vmem>>, vector<16xf32>,
    tpu.vector_store %arg17[%swap3A_1370, %swap3A_1371], %broadcast_in_dim3A_1 {strides = array<i32>} : memref<48x128xf32, #tpu.memory_space<vmem>>, vector<16xf32>,
    %swap3A_1373 = arith.constant 42 : i32
    %swap3A_1374 = arith.index_cast %swap3A_1373 : i32 to index
    %swap3A_1375 = arith.constant 112 : index
    %swap3A_1376 = tpu.vector_load %arg17[%swap3A_1374, %swap3A_1375] {strides = array<i32>} : memref<48x128xf32, #tpu.memory_space<vmem>>, vector<16xf32>,
    tpu.vector_store %arg17[%swap3A_1374, %swap3A_1375], %broadcast_in_dim3A_1 {strides = array<i32>} : memref<48x128xf32, #tpu.memory_space<vmem>>, vector<16xf32>,
    %swap3A_1377 = arith.constant 43 : i32
    %swap3A_1378 = arith.index_cast %swap3A_1377 : i32 to index
    %swap3A_1379 = arith.constant 0 : index
    %swap3A_1380 = tpu.vector_load %arg17[%swap3A_1378, %swap3A_1379] {strides = array<i32>} : memref<48x128xf32, #tpu.memory_space<vmem>>, vector<16xf32>,
    tpu.vector_store %arg17[%swap3A_1378, %swap3A_1379], %broadcast_in_dim3A_1 {strides = array<i32>} : memref<48x128xf32, #tpu.memory_space<vmem>>, vector<16xf32>,
    %swap3A_1381 = arith.constant 43 : i32
    %swap3A_1382 = arith.index_cast %swap3A_1381 : i32 to index
    %swap3A_1383 = arith.constant 16 : index
    %swap3A_1384 = tpu.vector_load %arg17[%swap3A_1382, %swap3A_1383] {strides = array<i32>} : memref<48x128xf32, #tpu.memory_space<vmem>>, vector<16xf32>,
    tpu.vector_store %arg17[%swap3A_1382, %swap3A_1383], %broadcast_in_dim3A_1 {strides = array<i32>} : memref<48x128xf32, #tpu.memory_space<vmem>>, vector<16xf32>,
    %swap3A_1385 = arith.constant 43 : i32
    %swap3A_1386 = arith.index_cast %swap3A_1385 : i32 to index
    %swap3A_1387 = arith.constant 32 : index
    %swap3A_1388 = tpu.vector_load %arg17[%swap3A_1386, %swap3A_1387] {strides = array<i32>} : memref<48x128xf32, #tpu.memory_space<vmem>>, vector<16xf32>,
    tpu.vector_store %arg17[%swap3A_1386, %swap3A_1387], %broadcast_in_dim3A_1 {strides = array<i32>} : memref<48x128xf32, #tpu.memory_space<vmem>>, vector<16xf32>,
    %swap3A_1389 = arith.constant 43 : i32
    %swap3A_1390 = arith.index_cast %swap3A_1389 : i32 to index
    %swap3A_1391 = arith.constant 48 : index
    %swap3A_1392 = tpu.vector_load %arg17[%swap3A_1390, %swap3A_1391] {strides = array<i32>} : memref<48x128xf32, #tpu.memory_space<vmem>>, vector<16xf32>,
    tpu.vector_store %arg17[%swap3A_1390, %swap3A_1391], %broadcast_in_dim3A_1 {strides = array<i32>} : memref<48x128xf32, #tpu.memory_space<vmem>>, vector<16xf32>,
    %swap3A_1393 = arith.constant 43 : i32
    %swap3A_1394 = arith.index_cast %swap3A_1393 : i32 to index
    %swap3A_1395 = arith.constant 64 : index
    %swap3A_1396 = tpu.vector_load %arg17[%swap3A_1394, %swap3A_1395] {strides = array<i32>} : memref<48x128xf32, #tpu.memory_space<vmem>>, vector<16xf32>,
    tpu.vector_store %arg17[%swap3A_1394, %swap3A_1395], %broadcast_in_dim3A_1 {strides = array<i32>} : memref<48x128xf32, #tpu.memory_space<vmem>>, vector<16xf32>,
    %swap3A_1397 = arith.constant 43 : i32
    %swap3A_1398 = arith.index_cast %swap3A_1397 : i32 to index
    %swap3A_1399 = arith.constant 80 : index
    %swap3A_1400 = tpu.vector_load %arg17[%swap3A_1398, %swap3A_1399] {strides = array<i32>} : memref<48x128xf32, #tpu.memory_space<vmem>>, vector<16xf32>,
    tpu.vector_store %arg17[%swap3A_1398, %swap3A_1399], %broadcast_in_dim3A_1 {strides = array<i32>} : memref<48x128xf32, #tpu.memory_space<vmem>>, vector<16xf32>,
    %swap3A_1401 = arith.constant 43 : i32
    %swap3A_1402 = arith.index_cast %swap3A_1401 : i32 to index
    %swap3A_1403 = arith.constant 96 : index
    %swap3A_1404 = tpu.vector_load %arg17[%swap3A_1402, %swap3A_1403] {strides = array<i32>} : memref<48x128xf32, #tpu.memory_space<vmem>>, vector<16xf32>,
    tpu.vector_store %arg17[%swap3A_1402, %swap3A_1403], %broadcast_in_dim3A_1 {strides = array<i32>} : memref<48x128xf32, #tpu.memory_space<vmem>>, vector<16xf32>,
    %swap3A_1405 = arith.constant 43 : i32
    %swap3A_1406 = arith.index_cast %swap3A_1405 : i32 to index
    %swap3A_1407 = arith.constant 112 : index
    %swap3A_1408 = tpu.vector_load %arg17[%swap3A_1406, %swap3A_1407] {strides = array<i32>} : memref<48x128xf32, #tpu.memory_space<vmem>>, vector<16xf32>,
    tpu.vector_store %arg17[%swap3A_1406, %swap3A_1407], %broadcast_in_dim3A_1 {strides = array<i32>} : memref<48x128xf32, #tpu.memory_space<vmem>>, vector<16xf32>,
    %swap3A_1409 = arith.constant 44 : i32
    %swap3A_1410 = arith.index_cast %swap3A_1409 : i32 to index
    %swap3A_1411 = arith.constant 0 : index
    %swap3A_1412 = tpu.vector_load %arg17[%swap3A_1410, %swap3A_1411] {strides = array<i32>} : memref<48x128xf32, #tpu.memory_space<vmem>>, vector<16xf32>,
    tpu.vector_store %arg17[%swap3A_1410, %swap3A_1411], %broadcast_in_dim3A_1 {strides = array<i32>} : memref<48x128xf32, #tpu.memory_space<vmem>>, vector<16xf32>,
    %swap3A_1413 = arith.constant 44 : i32
    %swap3A_1414 = arith.index_cast %swap3A_1413 : i32 to index
    %swap3A_1415 = arith.constant 16 : index
    %swap3A_1416 = tpu.vector_load %arg17[%swap3A_1414, %swap3A_1415] {strides = array<i32>} : memref<48x128xf32, #tpu.memory_space<vmem>>, vector<16xf32>,
    tpu.vector_store %arg17[%swap3A_1414, %swap3A_1415], %broadcast_in_dim3A_1 {strides = array<i32>} : memref<48x128xf32, #tpu.memory_space<vmem>>, vector<16xf32>,
    %swap3A_1417 = arith.constant 44 : i32
    %swap3A_1418 = arith.index_cast %swap3A_1417 : i32 to index
    %swap3A_1419 = arith.constant 32 : index
    %swap3A_1420 = tpu.vector_load %arg17[%swap3A_1418, %swap3A_1419] {strides = array<i32>} : memref<48x128xf32, #tpu.memory_space<vmem>>, vector<16xf32>,
    tpu.vector_store %arg17[%swap3A_1418, %swap3A_1419], %broadcast_in_dim3A_1 {strides = array<i32>} : memref<48x128xf32, #tpu.memory_space<vmem>>, vector<16xf32>,
    %swap3A_1421 = arith.constant 44 : i32
    %swap3A_1422 = arith.index_cast %swap3A_1421 : i32 to index
    %swap3A_1423 = arith.constant 48 : index
    %swap3A_1424 = tpu.vector_load %arg17[%swap3A_1422, %swap3A_1423] {strides = array<i32>} : memref<48x128xf32, #tpu.memory_space<vmem>>, vector<16xf32>,
    tpu.vector_store %arg17[%swap3A_1422, %swap3A_1423], %broadcast_in_dim3A_1 {strides = array<i32>} : memref<48x128xf32, #tpu.memory_space<vmem>>, vector<16xf32>,
    %swap3A_1425 = arith.constant 44 : i32
    %swap3A_1426 = arith.index_cast %swap3A_1425 : i32 to index
    %swap3A_1427 = arith.constant 64 : index
    %swap3A_1428 = tpu.vector_load %arg17[%swap3A_1426, %swap3A_1427] {strides = array<i32>} : memref<48x128xf32, #tpu.memory_space<vmem>>, vector<16xf32>,
    tpu.vector_store %arg17[%swap3A_1426, %swap3A_1427], %broadcast_in_dim3A_1 {strides = array<i32>} : memref<48x128xf32, #tpu.memory_space<vmem>>, vector<16xf32>,
    %swap3A_1429 = arith.constant 44 : i32
    %swap3A_1430 = arith.index_cast %swap3A_1429 : i32 to index
    %swap3A_1431 = arith.constant 80 : index
    %swap3A_1432 = tpu.vector_load %arg17[%swap3A_1430, %swap3A_1431] {strides = array<i32>} : memref<48x128xf32, #tpu.memory_space<vmem>>, vector<16xf32>,
    tpu.vector_store %arg17[%swap3A_1430, %swap3A_1431], %broadcast_in_dim3A_1 {strides = array<i32>} : memref<48x128xf32, #tpu.memory_space<vmem>>, vector<16xf32>,
    %swap3A_1433 = arith.constant 44 : i32
    %swap3A_1434 = arith.index_cast %swap3A_1433 : i32 to index
    %swap3A_1435 = arith.constant 96 : index
    %swap3A_1436 = tpu.vector_load %arg17[%swap3A_1434, %swap3A_1435] {strides = array<i32>} : memref<48x128xf32, #tpu.memory_space<vmem>>, vector<16xf32>,
    tpu.vector_store %arg17[%swap3A_1434, %swap3A_1435], %broadcast_in_dim3A_1 {strides = array<i32>} : memref<48x128xf32, #tpu.memory_space<vmem>>, vector<16xf32>,
    %swap3A_1437 = arith.constant 44 : i32
    %swap3A_1438 = arith.index_cast %swap3A_1437 : i32 to index
    %swap3A_1439 = arith.constant 112 : index
    %swap3A_1440 = tpu.vector_load %arg17[%swap3A_1438, %swap3A_1439] {strides = array<i32>} : memref<48x128xf32, #tpu.memory_space<vmem>>, vector<16xf32>,
    tpu.vector_store %arg17[%swap3A_1438, %swap3A_1439], %broadcast_in_dim3A_1 {strides = array<i32>} : memref<48x128xf32, #tpu.memory_space<vmem>>, vector<16xf32>,
    %swap3A_1441 = arith.constant 45 : i32
    %swap3A_1442 = arith.index_cast %swap3A_1441 : i32 to index
    %swap3A_1443 = arith.constant 0 : index
    %swap3A_1444 = tpu.vector_load %arg17[%swap3A_1442, %swap3A_1443] {strides = array<i32>} : memref<48x128xf32, #tpu.memory_space<vmem>>, vector<16xf32>,
    tpu.vector_store %arg17[%swap3A_1442, %swap3A_1443], %broadcast_in_dim3A_1 {strides = array<i32>} : memref<48x128xf32, #tpu.memory_space<vmem>>, vector<16xf32>,
    %swap3A_1445 = arith.constant 45 : i32
    %swap3A_1446 = arith.index_cast %swap3A_1445 : i32 to index
    %swap3A_1447 = arith.constant 16 : index
    %swap3A_1448 = tpu.vector_load %arg17[%swap3A_1446, %swap3A_1447] {strides = array<i32>} : memref<48x128xf32, #tpu.memory_space<vmem>>, vector<16xf32>,
    tpu.vector_store %arg17[%swap3A_1446, %swap3A_1447], %broadcast_in_dim3A_1 {strides = array<i32>} : memref<48x128xf32, #tpu.memory_space<vmem>>, vector<16xf32>,
    %swap3A_1449 = arith.constant 45 : i32
    %swap3A_1450 = arith.index_cast %swap3A_1449 : i32 to index
    %swap3A_1451 = arith.constant 32 : index
    %swap3A_1452 = tpu.vector_load %arg17[%swap3A_1450, %swap3A_1451] {strides = array<i32>} : memref<48x128xf32, #tpu.memory_space<vmem>>, vector<16xf32>,
    tpu.vector_store %arg17[%swap3A_1450, %swap3A_1451], %broadcast_in_dim3A_1 {strides = array<i32>} : memref<48x128xf32, #tpu.memory_space<vmem>>, vector<16xf32>,
    %swap3A_1453 = arith.constant 45 : i32
    %swap3A_1454 = arith.index_cast %swap3A_1453 : i32 to index
    %swap3A_1455 = arith.constant 48 : index
    %swap3A_1456 = tpu.vector_load %arg17[%swap3A_1454, %swap3A_1455] {strides = array<i32>} : memref<48x128xf32, #tpu.memory_space<vmem>>, vector<16xf32>,
    tpu.vector_store %arg17[%swap3A_1454, %swap3A_1455], %broadcast_in_dim3A_1 {strides = array<i32>} : memref<48x128xf32, #tpu.memory_space<vmem>>, vector<16xf32>,
    %swap3A_1457 = arith.constant 45 : i32
    %swap3A_1458 = arith.index_cast %swap3A_1457 : i32 to index
    %swap3A_1459 = arith.constant 64 : index
    %swap3A_1460 = tpu.vector_load %arg17[%swap3A_1458, %swap3A_1459] {strides = array<i32>} : memref<48x128xf32, #tpu.memory_space<vmem>>, vector<16xf32>,
    tpu.vector_store %arg17[%swap3A_1458, %swap3A_1459], %broadcast_in_dim3A_1 {strides = array<i32>} : memref<48x128xf32, #tpu.memory_space<vmem>>, vector<16xf32>,
    %swap3A_1461 = arith.constant 45 : i32
    %swap3A_1462 = arith.index_cast %swap3A_1461 : i32 to index
    %swap3A_1463 = arith.constant 80 : index
    %swap3A_1464 = tpu.vector_load %arg17[%swap3A_1462, %swap3A_1463] {strides = array<i32>} : memref<48x128xf32, #tpu.memory_space<vmem>>, vector<16xf32>,
    tpu.vector_store %arg17[%swap3A_1462, %swap3A_1463], %broadcast_in_dim3A_1 {strides = array<i32>} : memref<48x128xf32, #tpu.memory_space<vmem>>, vector<16xf32>,
    %swap3A_1465 = arith.constant 45 : i32
    %swap3A_1466 = arith.index_cast %swap3A_1465 : i32 to index
    %swap3A_1467 = arith.constant 96 : index
    %swap3A_1468 = tpu.vector_load %arg17[%swap3A_1466, %swap3A_1467] {strides = array<i32>} : memref<48x128xf32, #tpu.memory_space<vmem>>, vector<16xf32>,
    tpu.vector_store %arg17[%swap3A_1466, %swap3A_1467], %broadcast_in_dim3A_1 {strides = array<i32>} : memref<48x128xf32, #tpu.memory_space<vmem>>, vector<16xf32>,
    %swap3A_1469 = arith.constant 45 : i32
    %swap3A_1470 = arith.index_cast %swap3A_1469 : i32 to index
    %swap3A_1471 = arith.constant 112 : index
    %swap3A_1472 = tpu.vector_load %arg17[%swap3A_1470, %swap3A_1471] {strides = array<i32>} : memref<48x128xf32, #tpu.memory_space<vmem>>, vector<16xf32>,
    tpu.vector_store %arg17[%swap3A_1470, %swap3A_1471], %broadcast_in_dim3A_1 {strides = array<i32>} : memref<48x128xf32, #tpu.memory_space<vmem>>, vector<16xf32>,
    %swap3A_1473 = arith.constant 46 : i32
    %swap3A_1474 = arith.index_cast %swap3A_1473 : i32 to index
    %swap3A_1475 = arith.constant 0 : index
    %swap3A_1476 = tpu.vector_load %arg17[%swap3A_1474, %swap3A_1475] {strides = array<i32>} : memref<48x128xf32, #tpu.memory_space<vmem>>, vector<16xf32>,
    tpu.vector_store %arg17[%swap3A_1474, %swap3A_1475], %broadcast_in_dim3A_1 {strides = array<i32>} : memref<48x128xf32, #tpu.memory_space<vmem>>, vector<16xf32>,
    %swap3A_1477 = arith.constant 46 : i32
    %swap3A_1478 = arith.index_cast %swap3A_1477 : i32 to index
    %swap3A_1479 = arith.constant 16 : index
    %swap3A_1480 = tpu.vector_load %arg17[%swap3A_1478, %swap3A_1479] {strides = array<i32>} : memref<48x128xf32, #tpu.memory_space<vmem>>, vector<16xf32>,
    tpu.vector_store %arg17[%swap3A_1478, %swap3A_1479], %broadcast_in_dim3A_1 {strides = array<i32>} : memref<48x128xf32, #tpu.memory_space<vmem>>, vector<16xf32>,
    %swap3A_1481 = arith.constant 46 : i32
    %swap3A_1482 = arith.index_cast %swap3A_1481 : i32 to index
    %swap3A_1483 = arith.constant 32 : index
    %swap3A_1484 = tpu.vector_load %arg17[%swap3A_1482, %swap3A_1483] {strides = array<i32>} : memref<48x128xf32, #tpu.memory_space<vmem>>, vector<16xf32>,
    tpu.vector_store %arg17[%swap3A_1482, %swap3A_1483], %broadcast_in_dim3A_1 {strides = array<i32>} : memref<48x128xf32, #tpu.memory_space<vmem>>, vector<16xf32>,
    %swap3A_1485 = arith.constant 46 : i32
    %swap3A_1486 = arith.index_cast %swap3A_1485 : i32 to index
    %swap3A_1487 = arith.constant 48 : index
    %swap3A_1488 = tpu.vector_load %arg17[%swap3A_1486, %swap3A_1487] {strides = array<i32>} : memref<48x128xf32, #tpu.memory_space<vmem>>, vector<16xf32>,
    tpu.vector_store %arg17[%swap3A_1486, %swap3A_1487], %broadcast_in_dim3A_1 {strides = array<i32>} : memref<48x128xf32, #tpu.memory_space<vmem>>, vector<16xf32>,
    %swap3A_1489 = arith.constant 46 : i32
    %swap3A_1490 = arith.index_cast %swap3A_1489 : i32 to index
    %swap3A_1491 = arith.constant 64 : index
    %swap3A_1492 = tpu.vector_load %arg17[%swap3A_1490, %swap3A_1491] {strides = array<i32>} : memref<48x128xf32, #tpu.memory_space<vmem>>, vector<16xf32>,
    tpu.vector_store %arg17[%swap3A_1490, %swap3A_1491], %broadcast_in_dim3A_1 {strides = array<i32>} : memref<48x128xf32, #tpu.memory_space<vmem>>, vector<16xf32>,
    %swap3A_1493 = arith.constant 46 : i32
    %swap3A_1494 = arith.index_cast %swap3A_1493 : i32 to index
    %swap3A_1495 = arith.constant 80 : index
    %swap3A_1496 = tpu.vector_load %arg17[%swap3A_1494, %swap3A_1495] {strides = array<i32>} : memref<48x128xf32, #tpu.memory_space<vmem>>, vector<16xf32>,
    tpu.vector_store %arg17[%swap3A_1494, %swap3A_1495], %broadcast_in_dim3A_1 {strides = array<i32>} : memref<48x128xf32, #tpu.memory_space<vmem>>, vector<16xf32>,
    %swap3A_1497 = arith.constant 46 : i32
    %swap3A_1498 = arith.index_cast %swap3A_1497 : i32 to index
    %swap3A_1499 = arith.constant 96 : index
    %swap3A_1500 = tpu.vector_load %arg17[%swap3A_1498, %swap3A_1499] {strides = array<i32>} : memref<48x128xf32, #tpu.memory_space<vmem>>, vector<16xf32>,
    tpu.vector_store %arg17[%swap3A_1498, %swap3A_1499], %broadcast_in_dim3A_1 {strides = array<i32>} : memref<48x128xf32, #tpu.memory_space<vmem>>, vector<16xf32>,
    %swap3A_1501 = arith.constant 46 : i32
    %swap3A_1502 = arith.index_cast %swap3A_1501 : i32 to index
    %swap3A_1503 = arith.constant 112 : index
    %swap3A_1504 = tpu.vector_load %arg17[%swap3A_1502, %swap3A_1503] {strides = array<i32>} : memref<48x128xf32, #tpu.memory_space<vmem>>, vector<16xf32>,
    tpu.vector_store %arg17[%swap3A_1502, %swap3A_1503], %broadcast_in_dim3A_1 {strides = array<i32>} : memref<48x128xf32, #tpu.memory_space<vmem>>, vector<16xf32>,
    %swap3A_1505 = arith.constant 47 : i32
    %swap3A_1506 = arith.index_cast %swap3A_1505 : i32 to index
    %swap3A_1507 = arith.constant 0 : index
    %swap3A_1508 = tpu.vector_load %arg17[%swap3A_1506, %swap3A_1507] {strides = array<i32>} : memref<48x128xf32, #tpu.memory_space<vmem>>, vector<16xf32>,
    tpu.vector_store %arg17[%swap3A_1506, %swap3A_1507], %broadcast_in_dim3A_1 {strides = array<i32>} : memref<48x128xf32, #tpu.memory_space<vmem>>, vector<16xf32>,
    %swap3A_1509 = arith.constant 47 : i32
    %swap3A_1510 = arith.index_cast %swap3A_1509 : i32 to index
    %swap3A_1511 = arith.constant 16 : index
    %swap3A_1512 = tpu.vector_load %arg17[%swap3A_1510, %swap3A_1511] {strides = array<i32>} : memref<48x128xf32, #tpu.memory_space<vmem>>, vector<16xf32>,
    tpu.vector_store %arg17[%swap3A_1510, %swap3A_1511], %broadcast_in_dim3A_1 {strides = array<i32>} : memref<48x128xf32, #tpu.memory_space<vmem>>, vector<16xf32>,
    %swap3A_1513 = arith.constant 47 : i32
    %swap3A_1514 = arith.index_cast %swap3A_1513 : i32 to index
    %swap3A_1515 = arith.constant 32 : index
    %swap3A_1516 = tpu.vector_load %arg17[%swap3A_1514, %swap3A_1515] {strides = array<i32>} : memref<48x128xf32, #tpu.memory_space<vmem>>, vector<16xf32>,
    tpu.vector_store %arg17[%swap3A_1514, %swap3A_1515], %broadcast_in_dim3A_1 {strides = array<i32>} : memref<48x128xf32, #tpu.memory_space<vmem>>, vector<16xf32>,
    %swap3A_1517 = arith.constant 47 : i32
    %swap3A_1518 = arith.index_cast %swap3A_1517 : i32 to index
    %swap3A_1519 = arith.constant 48 : index
    %swap3A_1520 = tpu.vector_load %arg17[%swap3A_1518, %swap3A_1519] {strides = array<i32>} : memref<48x128xf32, #tpu.memory_space<vmem>>, vector<16xf32>,
    tpu.vector_store %arg17[%swap3A_1518, %swap3A_1519], %broadcast_in_dim3A_1 {strides = array<i32>} : memref<48x128xf32, #tpu.memory_space<vmem>>, vector<16xf32>,
    %swap3A_1521 = arith.constant 47 : i32
    %swap3A_1522 = arith.index_cast %swap3A_1521 : i32 to index
    %swap3A_1523 = arith.constant 64 : index
    %swap3A_1524 = tpu.vector_load %arg17[%swap3A_1522, %swap3A_1523] {strides = array<i32>} : memref<48x128xf32, #tpu.memory_space<vmem>>, vector<16xf32>,
    tpu.vector_store %arg17[%swap3A_1522, %swap3A_1523], %broadcast_in_dim3A_1 {strides = array<i32>} : memref<48x128xf32, #tpu.memory_space<vmem>>, vector<16xf32>,
    %swap3A_1525 = arith.constant 47 : i32
    %swap3A_1526 = arith.index_cast %swap3A_1525 : i32 to index
    %swap3A_1527 = arith.constant 80 : index
    %swap3A_1528 = tpu.vector_load %arg17[%swap3A_1526, %swap3A_1527] {strides = array<i32>} : memref<48x128xf32, #tpu.memory_space<vmem>>, vector<16xf32>,
    tpu.vector_store %arg17[%swap3A_1526, %swap3A_1527], %broadcast_in_dim3A_1 {strides = array<i32>} : memref<48x128xf32, #tpu.memory_space<vmem>>, vector<16xf32>,
    %swap3A_1529 = arith.constant 47 : i32
    %swap3A_1530 = arith.index_cast %swap3A_1529 : i32 to index
    %swap3A_1531 = arith.constant 96 : index
    %swap3A_1532 = tpu.vector_load %arg17[%swap3A_1530, %swap3A_1531] {strides = array<i32>} : memref<48x128xf32, #tpu.memory_space<vmem>>, vector<16xf32>,
    tpu.vector_store %arg17[%swap3A_1530, %swap3A_1531], %broadcast_in_dim3A_1 {strides = array<i32>} : memref<48x128xf32, #tpu.memory_space<vmem>>, vector<16xf32>,
    %swap3A_1533 = arith.constant 47 : i32
    %swap3A_1534 = arith.index_cast %swap3A_1533 : i32 to index
    %swap3A_1535 = arith.constant 112 : index
    %swap3A_1536 = tpu.vector_load %arg17[%swap3A_1534, %swap3A_1535] {strides = array<i32>} : memref<48x128xf32, #tpu.memory_space<vmem>>, vector<16xf32>,
    tpu.vector_store %arg17[%swap3A_1534, %swap3A_1535], %broadcast_in_dim3A_1 {strides = array<i32>} : memref<48x128xf32, #tpu.memory_space<vmem>>, vector<16xf32>,
    %mul3A_1537 = arith.constant 624 : i32
    %mul3A_1538 = arith.muli %arg1, %mul3A_1537 : i32
    %multiple_of3A = tpu.assume_multiple %mul3A_1538, 8 : i32
    %add3A_1539 = arith.constant 0 : i32
    %add3A_1540 = arith.addi %multiple_of3A, %add3A_1539 : i32
    "tpu.region"() ({
      %run_scoped3A = tpu.sem_alloc : memref<!tpu.dma_semaphore, #tpu.memory_space<semaphore_mem>>
      %dma_start3A_1687 = arith.constant 0 : i32
      %dma_start3A_1688 = tpu.memref_slice %arg18[%add3A_1540, %dma_start3A_1687] : memref<10000x128xf32, #tpu.memory_space<vmem_shared>> -> memref<48x128xf32, #tpu.memory_space<vmem_shared>>
      %dma_start3A_1689 = arith.constant 0 : i32
      %dma_start3A_1690 = tpu.memref_slice %arg18[%add3A_1540, %dma_start3A_1689] : memref<10000x128xf32, #tpu.memory_space<vmem_shared>> -> memref<48x128xf32, #tpu.memory_space<vmem_shared>>
      tpu.enqueue_dma source(%arg17 : memref<48x128xf32, #tpu.memory_space<vmem>>) target(%dma_start3A_1690 : memref<48x128xf32, #tpu.memory_space<vmem_shared>>) target_semaphore(%run_scoped3A : memref<!tpu.dma_semaphore, #tpu.memory_space<semaphore_mem>>)
      %dma_wait3A_1691 = arith.constant 0 : i32
      %dma_wait3A_1692 = tpu.memref_slice %arg18[%add3A_1540, %dma_wait3A_1691] : memref<10000x128xf32, #tpu.memory_space<vmem_shared>> -> memref<48x128xf32, #tpu.memory_space<vmem_shared>>
      %dma_wait3A_1693 = arith.constant 0 : i32
      %dma_wait3A_1694 = tpu.memref_slice %arg18[%add3A_1540, %dma_wait3A_1693] : memref<10000x128xf32, #tpu.memory_space<vmem_shared>> -> memref<48x128xf32, #tpu.memory_space<vmem_shared>>
      tpu.wait_dma2 semaphore(%run_scoped3A : memref<!tpu.dma_semaphore, #tpu.memory_space<semaphore_mem>>) src(%arg17 : memref<48x128xf32, #tpu.memory_space<vmem>>) dst(%dma_wait3A_1694 : memref<48x128xf32, #tpu.memory_space<vmem_shared>>)
      tpu.yield
    }) : () -> ()
    %add3A_1541 = arith.constant 48 : i32
    %add3A_1542 = arith.addi %multiple_of3A, %add3A_1541 : i32
    "tpu.region"() ({
      %run_scoped3A = tpu.sem_alloc : memref<!tpu.dma_semaphore, #tpu.memory_space<semaphore_mem>>
      %dma_start3A_1687 = arith.constant 0 : i32
      %dma_start3A_1688 = tpu.memref_slice %arg18[%add3A_1542, %dma_start3A_1687] : memref<10000x128xf32, #tpu.memory_space<vmem_shared>> -> memref<48x128xf32, #tpu.memory_space<vmem_shared>>
      %dma_start3A_1689 = arith.constant 0 : i32
      %dma_start3A_1690 = tpu.memref_slice %arg18[%add3A_1542, %dma_start3A_1689] : memref<10000x128xf32, #tpu.memory_space<vmem_shared>> -> memref<48x128xf32, #tpu.memory_space<vmem_shared>>
      tpu.enqueue_dma source(%arg17 : memref<48x128xf32, #tpu.memory_space<vmem>>) target(%dma_start3A_1690 : memref<48x128xf32, #tpu.memory_space<vmem_shared>>) target_semaphore(%run_scoped3A : memref<!tpu.dma_semaphore, #tpu.memory_space<semaphore_mem>>)
      %dma_wait3A_1691 = arith.constant 0 : i32
      %dma_wait3A_1692 = tpu.memref_slice %arg18[%add3A_1542, %dma_wait3A_1691] : memref<10000x128xf32, #tpu.memory_space<vmem_shared>> -> memref<48x128xf32, #tpu.memory_space<vmem_shared>>
      %dma_wait3A_1693 = arith.constant 0 : i32
      %dma_wait3A_1694 = tpu.memref_slice %arg18[%add3A_1542, %dma_wait3A_1693] : memref<10000x128xf32, #tpu.memory_space<vmem_shared>> -> memref<48x128xf32, #tpu.memory_space<vmem_shared>>
      tpu.wait_dma2 semaphore(%run_scoped3A : memref<!tpu.dma_semaphore, #tpu.memory_space<semaphore_mem>>) src(%arg17 : memref<48x128xf32, #tpu.memory_space<vmem>>) dst(%dma_wait3A_1694 : memref<48x128xf32, #tpu.memory_space<vmem_shared>>)
      tpu.yield
    }) : () -> ()
    %add3A_1543 = arith.constant 96 : i32
    %add3A_1544 = arith.addi %multiple_of3A, %add3A_1543 : i32
    "tpu.region"() ({
      %run_scoped3A = tpu.sem_alloc : memref<!tpu.dma_semaphore, #tpu.memory_space<semaphore_mem>>
      %dma_start3A_1687 = arith.constant 0 : i32
      %dma_start3A_1688 = tpu.memref_slice %arg18[%add3A_1544, %dma_start3A_1687] : memref<10000x128xf32, #tpu.memory_space<vmem_shared>> -> memref<48x128xf32, #tpu.memory_space<vmem_shared>>
      %dma_start3A_1689 = arith.constant 0 : i32
      %dma_start3A_1690 = tpu.memref_slice %arg18[%add3A_1544, %dma_start3A_1689] : memref<10000x128xf32, #tpu.memory_space<vmem_shared>> -> memref<48x128xf32, #tpu.memory_space<vmem_shared>>
      tpu.enqueue_dma source(%arg17 : memref<48x128xf32, #tpu.memory_space<vmem>>) target(%dma_start3A_1690 : memref<48x128xf32, #tpu.memory_space<vmem_shared>>) target_semaphore(%run_scoped3A : memref<!tpu.dma_semaphore, #tpu.memory_space<semaphore_mem>>)
      %dma_wait3A_1691 = arith.constant 0 : i32
      %dma_wait3A_1692 = tpu.memref_slice %arg18[%add3A_1544, %dma_wait3A_1691] : memref<10000x128xf32, #tpu.memory_space<vmem_shared>> -> memref<48x128xf32, #tpu.memory_space<vmem_shared>>
      %dma_wait3A_1693 = arith.constant 0 : i32
      %dma_wait3A_1694 = tpu.memref_slice %arg18[%add3A_1544, %dma_wait3A_1693] : memref<10000x128xf32, #tpu.memory_space<vmem_shared>> -> memref<48x128xf32, #tpu.memory_space<vmem_shared>>
      tpu.wait_dma2 semaphore(%run_scoped3A : memref<!tpu.dma_semaphore, #tpu.memory_space<semaphore_mem>>) src(%arg17 : memref<48x128xf32, #tpu.memory_space<vmem>>) dst(%dma_wait3A_1694 : memref<48x128xf32, #tpu.memory_space<vmem_shared>>)
      tpu.yield
    }) : () -> ()
    %add3A_1545 = arith.constant 144 : i32
    %add3A_1546 = arith.addi %multiple_of3A, %add3A_1545 : i32
    "tpu.region"() ({
      %run_scoped3A = tpu.sem_alloc : memref<!tpu.dma_semaphore, #tpu.memory_space<semaphore_mem>>
      %dma_start3A_1687 = arith.constant 0 : i32
      %dma_start3A_1688 = tpu.memref_slice %arg18[%add3A_1546, %dma_start3A_1687] : memref<10000x128xf32, #tpu.memory_space<vmem_shared>> -> memref<48x128xf32, #tpu.memory_space<vmem_shared>>
      %dma_start3A_1689 = arith.constant 0 : i32
      %dma_start3A_1690 = tpu.memref_slice %arg18[%add3A_1546, %dma_start3A_1689] : memref<10000x128xf32, #tpu.memory_space<vmem_shared>> -> memref<48x128xf32, #tpu.memory_space<vmem_shared>>
      tpu.enqueue_dma source(%arg17 : memref<48x128xf32, #tpu.memory_space<vmem>>) target(%dma_start3A_1690 : memref<48x128xf32, #tpu.memory_space<vmem_shared>>) target_semaphore(%run_scoped3A : memref<!tpu.dma_semaphore, #tpu.memory_space<semaphore_mem>>)
      %dma_wait3A_1691 = arith.constant 0 : i32
      %dma_wait3A_1692 = tpu.memref_slice %arg18[%add3A_1546, %dma_wait3A_1691] : memref<10000x128xf32, #tpu.memory_space<vmem_shared>> -> memref<48x128xf32, #tpu.memory_space<vmem_shared>>
      %dma_wait3A_1693 = arith.constant 0 : i32
      %dma_wait3A_1694 = tpu.memref_slice %arg18[%add3A_1546, %dma_wait3A_1693] : memref<10000x128xf32, #tpu.memory_space<vmem_shared>> -> memref<48x128xf32, #tpu.memory_space<vmem_shared>>
      tpu.wait_dma2 semaphore(%run_scoped3A : memref<!tpu.dma_semaphore, #tpu.memory_space<semaphore_mem>>) src(%arg17 : memref<48x128xf32, #tpu.memory_space<vmem>>) dst(%dma_wait3A_1694 : memref<48x128xf32, #tpu.memory_space<vmem_shared>>)
      tpu.yield
    }) : () -> ()
    %add3A_1547 = arith.constant 192 : i32
    %add3A_1548 = arith.addi %multiple_of3A, %add3A_1547 : i32
    "tpu.region"() ({
      %run_scoped3A = tpu.sem_alloc : memref<!tpu.dma_semaphore, #tpu.memory_space<semaphore_mem>>
      %dma_start3A_1687 = arith.constant 0 : i32
      %dma_start3A_1688 = tpu.memref_slice %arg18[%add3A_1548, %dma_start3A_1687] : memref<10000x128xf32, #tpu.memory_space<vmem_shared>> -> memref<48x128xf32, #tpu.memory_space<vmem_shared>>
      %dma_start3A_1689 = arith.constant 0 : i32
      %dma_start3A_1690 = tpu.memref_slice %arg18[%add3A_1548, %dma_start3A_1689] : memref<10000x128xf32, #tpu.memory_space<vmem_shared>> -> memref<48x128xf32, #tpu.memory_space<vmem_shared>>
      tpu.enqueue_dma source(%arg17 : memref<48x128xf32, #tpu.memory_space<vmem>>) target(%dma_start3A_1690 : memref<48x128xf32, #tpu.memory_space<vmem_shared>>) target_semaphore(%run_scoped3A : memref<!tpu.dma_semaphore, #tpu.memory_space<semaphore_mem>>)
      %dma_wait3A_1691 = arith.constant 0 : i32
      %dma_wait3A_1692 = tpu.memref_slice %arg18[%add3A_1548, %dma_wait3A_1691] : memref<10000x128xf32, #tpu.memory_space<vmem_shared>> -> memref<48x128xf32, #tpu.memory_space<vmem_shared>>
      %dma_wait3A_1693 = arith.constant 0 : i32
      %dma_wait3A_1694 = tpu.memref_slice %arg18[%add3A_1548, %dma_wait3A_1693] : memref<10000x128xf32, #tpu.memory_space<vmem_shared>> -> memref<48x128xf32, #tpu.memory_space<vmem_shared>>
      tpu.wait_dma2 semaphore(%run_scoped3A : memref<!tpu.dma_semaphore, #tpu.memory_space<semaphore_mem>>) src(%arg17 : memref<48x128xf32, #tpu.memory_space<vmem>>) dst(%dma_wait3A_1694 : memref<48x128xf32, #tpu.memory_space<vmem_shared>>)
      tpu.yield
    }) : () -> ()
    %add3A_1549 = arith.constant 240 : i32
    %add3A_1550 = arith.addi %multiple_of3A, %add3A_1549 : i32
    "tpu.region"() ({
      %run_scoped3A = tpu.sem_alloc : memref<!tpu.dma_semaphore, #tpu.memory_space<semaphore_mem>>
      %dma_start3A_1687 = arith.constant 0 : i32
      %dma_start3A_1688 = tpu.memref_slice %arg18[%add3A_1550, %dma_start3A_1687] : memref<10000x128xf32, #tpu.memory_space<vmem_shared>> -> memref<48x128xf32, #tpu.memory_space<vmem_shared>>
      %dma_start3A_1689 = arith.constant 0 : i32
      %dma_start3A_1690 = tpu.memref_slice %arg18[%add3A_1550, %dma_start3A_1689] : memref<10000x128xf32, #tpu.memory_space<vmem_shared>> -> memref<48x128xf32, #tpu.memory_space<vmem_shared>>
      tpu.enqueue_dma source(%arg17 : memref<48x128xf32, #tpu.memory_space<vmem>>) target(%dma_start3A_1690 : memref<48x128xf32, #tpu.memory_space<vmem_shared>>) target_semaphore(%run_scoped3A : memref<!tpu.dma_semaphore, #tpu.memory_space<semaphore_mem>>)
      %dma_wait3A_1691 = arith.constant 0 : i32
      %dma_wait3A_1692 = tpu.memref_slice %arg18[%add3A_1550, %dma_wait3A_1691] : memref<10000x128xf32, #tpu.memory_space<vmem_shared>> -> memref<48x128xf32, #tpu.memory_space<vmem_shared>>
      %dma_wait3A_1693 = arith.constant 0 : i32
      %dma_wait3A_1694 = tpu.memref_slice %arg18[%add3A_1550, %dma_wait3A_1693] : memref<10000x128xf32, #tpu.memory_space<vmem_shared>> -> memref<48x128xf32, #tpu.memory_space<vmem_shared>>
      tpu.wait_dma2 semaphore(%run_scoped3A : memref<!tpu.dma_semaphore, #tpu.memory_space<semaphore_mem>>) src(%arg17 : memref<48x128xf32, #tpu.memory_space<vmem>>) dst(%dma_wait3A_1694 : memref<48x128xf32, #tpu.memory_space<vmem_shared>>)
      tpu.yield
    }) : () -> ()
    %add3A_1551 = arith.constant 288 : i32
    %add3A_1552 = arith.addi %multiple_of3A, %add3A_1551 : i32
    "tpu.region"() ({
      %run_scoped3A = tpu.sem_alloc : memref<!tpu.dma_semaphore, #tpu.memory_space<semaphore_mem>>
      %dma_start3A_1687 = arith.constant 0 : i32
      %dma_start3A_1688 = tpu.memref_slice %arg18[%add3A_1552, %dma_start3A_1687] : memref<10000x128xf32, #tpu.memory_space<vmem_shared>> -> memref<48x128xf32, #tpu.memory_space<vmem_shared>>
      %dma_start3A_1689 = arith.constant 0 : i32
      %dma_start3A_1690 = tpu.memref_slice %arg18[%add3A_1552, %dma_start3A_1689] : memref<10000x128xf32, #tpu.memory_space<vmem_shared>> -> memref<48x128xf32, #tpu.memory_space<vmem_shared>>
      tpu.enqueue_dma source(%arg17 : memref<48x128xf32, #tpu.memory_space<vmem>>) target(%dma_start3A_1690 : memref<48x128xf32, #tpu.memory_space<vmem_shared>>) target_semaphore(%run_scoped3A : memref<!tpu.dma_semaphore, #tpu.memory_space<semaphore_mem>>)
      %dma_wait3A_1691 = arith.constant 0 : i32
      %dma_wait3A_1692 = tpu.memref_slice %arg18[%add3A_1552, %dma_wait3A_1691] : memref<10000x128xf32, #tpu.memory_space<vmem_shared>> -> memref<48x128xf32, #tpu.memory_space<vmem_shared>>
      %dma_wait3A_1693 = arith.constant 0 : i32
      %dma_wait3A_1694 = tpu.memref_slice %arg18[%add3A_1552, %dma_wait3A_1693] : memref<10000x128xf32, #tpu.memory_space<vmem_shared>> -> memref<48x128xf32, #tpu.memory_space<vmem_shared>>
      tpu.wait_dma2 semaphore(%run_scoped3A : memref<!tpu.dma_semaphore, #tpu.memory_space<semaphore_mem>>) src(%arg17 : memref<48x128xf32, #tpu.memory_space<vmem>>) dst(%dma_wait3A_1694 : memref<48x128xf32, #tpu.memory_space<vmem_shared>>)
      tpu.yield
    }) : () -> ()
    %add3A_1553 = arith.constant 336 : i32
    %add3A_1554 = arith.addi %multiple_of3A, %add3A_1553 : i32
    "tpu.region"() ({
      %run_scoped3A = tpu.sem_alloc : memref<!tpu.dma_semaphore, #tpu.memory_space<semaphore_mem>>
      %dma_start3A_1687 = arith.constant 0 : i32
      %dma_start3A_1688 = tpu.memref_slice %arg18[%add3A_1554, %dma_start3A_1687] : memref<10000x128xf32, #tpu.memory_space<vmem_shared>> -> memref<48x128xf32, #tpu.memory_space<vmem_shared>>
      %dma_start3A_1689 = arith.constant 0 : i32
      %dma_start3A_1690 = tpu.memref_slice %arg18[%add3A_1554, %dma_start3A_1689] : memref<10000x128xf32, #tpu.memory_space<vmem_shared>> -> memref<48x128xf32, #tpu.memory_space<vmem_shared>>
      tpu.enqueue_dma source(%arg17 : memref<48x128xf32, #tpu.memory_space<vmem>>) target(%dma_start3A_1690 : memref<48x128xf32, #tpu.memory_space<vmem_shared>>) target_semaphore(%run_scoped3A : memref<!tpu.dma_semaphore, #tpu.memory_space<semaphore_mem>>)
      %dma_wait3A_1691 = arith.constant 0 : i32
      %dma_wait3A_1692 = tpu.memref_slice %arg18[%add3A_1554, %dma_wait3A_1691] : memref<10000x128xf32, #tpu.memory_space<vmem_shared>> -> memref<48x128xf32, #tpu.memory_space<vmem_shared>>
      %dma_wait3A_1693 = arith.constant 0 : i32
      %dma_wait3A_1694 = tpu.memref_slice %arg18[%add3A_1554, %dma_wait3A_1693] : memref<10000x128xf32, #tpu.memory_space<vmem_shared>> -> memref<48x128xf32, #tpu.memory_space<vmem_shared>>
      tpu.wait_dma2 semaphore(%run_scoped3A : memref<!tpu.dma_semaphore, #tpu.memory_space<semaphore_mem>>) src(%arg17 : memref<48x128xf32, #tpu.memory_space<vmem>>) dst(%dma_wait3A_1694 : memref<48x128xf32, #tpu.memory_space<vmem_shared>>)
      tpu.yield
    }) : () -> ()
    %add3A_1555 = arith.constant 384 : i32
    %add3A_1556 = arith.addi %multiple_of3A, %add3A_1555 : i32
    "tpu.region"() ({
      %run_scoped3A = tpu.sem_alloc : memref<!tpu.dma_semaphore, #tpu.memory_space<semaphore_mem>>
      %dma_start3A_1687 = arith.constant 0 : i32
      %dma_start3A_1688 = tpu.memref_slice %arg18[%add3A_1556, %dma_start3A_1687] : memref<10000x128xf32, #tpu.memory_space<vmem_shared>> -> memref<48x128xf32, #tpu.memory_space<vmem_shared>>
      %dma_start3A_1689 = arith.constant 0 : i32
      %dma_start3A_1690 = tpu.memref_slice %arg18[%add3A_1556, %dma_start3A_1689] : memref<10000x128xf32, #tpu.memory_space<vmem_shared>> -> memref<48x128xf32, #tpu.memory_space<vmem_shared>>
      tpu.enqueue_dma source(%arg17 : memref<48x128xf32, #tpu.memory_space<vmem>>) target(%dma_start3A_1690 : memref<48x128xf32, #tpu.memory_space<vmem_shared>>) target_semaphore(%run_scoped3A : memref<!tpu.dma_semaphore, #tpu.memory_space<semaphore_mem>>)
      %dma_wait3A_1691 = arith.constant 0 : i32
      %dma_wait3A_1692 = tpu.memref_slice %arg18[%add3A_1556, %dma_wait3A_1691] : memref<10000x128xf32, #tpu.memory_space<vmem_shared>> -> memref<48x128xf32, #tpu.memory_space<vmem_shared>>
      %dma_wait3A_1693 = arith.constant 0 : i32
      %dma_wait3A_1694 = tpu.memref_slice %arg18[%add3A_1556, %dma_wait3A_1693] : memref<10000x128xf32, #tpu.memory_space<vmem_shared>> -> memref<48x128xf32, #tpu.memory_space<vmem_shared>>
      tpu.wait_dma2 semaphore(%run_scoped3A : memref<!tpu.dma_semaphore, #tpu.memory_space<semaphore_mem>>) src(%arg17 : memref<48x128xf32, #tpu.memory_space<vmem>>) dst(%dma_wait3A_1694 : memref<48x128xf32, #tpu.memory_space<vmem_shared>>)
      tpu.yield
    }) : () -> ()
    %add3A_1557 = arith.constant 432 : i32
    %add3A_1558 = arith.addi %multiple_of3A, %add3A_1557 : i32
    "tpu.region"() ({
      %run_scoped3A = tpu.sem_alloc : memref<!tpu.dma_semaphore, #tpu.memory_space<semaphore_mem>>
      %dma_start3A_1687 = arith.constant 0 : i32
      %dma_start3A_1688 = tpu.memref_slice %arg18[%add3A_1558, %dma_start3A_1687] : memref<10000x128xf32, #tpu.memory_space<vmem_shared>> -> memref<48x128xf32, #tpu.memory_space<vmem_shared>>
      %dma_start3A_1689 = arith.constant 0 : i32
      %dma_start3A_1690 = tpu.memref_slice %arg18[%add3A_1558, %dma_start3A_1689] : memref<10000x128xf32, #tpu.memory_space<vmem_shared>> -> memref<48x128xf32, #tpu.memory_space<vmem_shared>>
      tpu.enqueue_dma source(%arg17 : memref<48x128xf32, #tpu.memory_space<vmem>>) target(%dma_start3A_1690 : memref<48x128xf32, #tpu.memory_space<vmem_shared>>) target_semaphore(%run_scoped3A : memref<!tpu.dma_semaphore, #tpu.memory_space<semaphore_mem>>)
      %dma_wait3A_1691 = arith.constant 0 : i32
      %dma_wait3A_1692 = tpu.memref_slice %arg18[%add3A_1558, %dma_wait3A_1691] : memref<10000x128xf32, #tpu.memory_space<vmem_shared>> -> memref<48x128xf32, #tpu.memory_space<vmem_shared>>
      %dma_wait3A_1693 = arith.constant 0 : i32
      %dma_wait3A_1694 = tpu.memref_slice %arg18[%add3A_1558, %dma_wait3A_1693] : memref<10000x128xf32, #tpu.memory_space<vmem_shared>> -> memref<48x128xf32, #tpu.memory_space<vmem_shared>>
      tpu.wait_dma2 semaphore(%run_scoped3A : memref<!tpu.dma_semaphore, #tpu.memory_space<semaphore_mem>>) src(%arg17 : memref<48x128xf32, #tpu.memory_space<vmem>>) dst(%dma_wait3A_1694 : memref<48x128xf32, #tpu.memory_space<vmem_shared>>)
      tpu.yield
    }) : () -> ()
    %add3A_1559 = arith.constant 480 : i32
    %add3A_1560 = arith.addi %multiple_of3A, %add3A_1559 : i32
    "tpu.region"() ({
      %run_scoped3A = tpu.sem_alloc : memref<!tpu.dma_semaphore, #tpu.memory_space<semaphore_mem>>
      %dma_start3A_1687 = arith.constant 0 : i32
      %dma_start3A_1688 = tpu.memref_slice %arg18[%add3A_1560, %dma_start3A_1687] : memref<10000x128xf32, #tpu.memory_space<vmem_shared>> -> memref<48x128xf32, #tpu.memory_space<vmem_shared>>
      %dma_start3A_1689 = arith.constant 0 : i32
      %dma_start3A_1690 = tpu.memref_slice %arg18[%add3A_1560, %dma_start3A_1689] : memref<10000x128xf32, #tpu.memory_space<vmem_shared>> -> memref<48x128xf32, #tpu.memory_space<vmem_shared>>
      tpu.enqueue_dma source(%arg17 : memref<48x128xf32, #tpu.memory_space<vmem>>) target(%dma_start3A_1690 : memref<48x128xf32, #tpu.memory_space<vmem_shared>>) target_semaphore(%run_scoped3A : memref<!tpu.dma_semaphore, #tpu.memory_space<semaphore_mem>>)
      %dma_wait3A_1691 = arith.constant 0 : i32
      %dma_wait3A_1692 = tpu.memref_slice %arg18[%add3A_1560, %dma_wait3A_1691] : memref<10000x128xf32, #tpu.memory_space<vmem_shared>> -> memref<48x128xf32, #tpu.memory_space<vmem_shared>>
      %dma_wait3A_1693 = arith.constant 0 : i32
      %dma_wait3A_1694 = tpu.memref_slice %arg18[%add3A_1560, %dma_wait3A_1693] : memref<10000x128xf32, #tpu.memory_space<vmem_shared>> -> memref<48x128xf32, #tpu.memory_space<vmem_shared>>
      tpu.wait_dma2 semaphore(%run_scoped3A : memref<!tpu.dma_semaphore, #tpu.memory_space<semaphore_mem>>) src(%arg17 : memref<48x128xf32, #tpu.memory_space<vmem>>) dst(%dma_wait3A_1694 : memref<48x128xf32, #tpu.memory_space<vmem_shared>>)
      tpu.yield
    }) : () -> ()
    %add3A_1561 = arith.constant 528 : i32
    %add3A_1562 = arith.addi %multiple_of3A, %add3A_1561 : i32
    "tpu.region"() ({
      %run_scoped3A = tpu.sem_alloc : memref<!tpu.dma_semaphore, #tpu.memory_space<semaphore_mem>>
      %dma_start3A_1687 = arith.constant 0 : i32
      %dma_start3A_1688 = tpu.memref_slice %arg18[%add3A_1562, %dma_start3A_1687] : memref<10000x128xf32, #tpu.memory_space<vmem_shared>> -> memref<48x128xf32, #tpu.memory_space<vmem_shared>>
      %dma_start3A_1689 = arith.constant 0 : i32
      %dma_start3A_1690 = tpu.memref_slice %arg18[%add3A_1562, %dma_start3A_1689] : memref<10000x128xf32, #tpu.memory_space<vmem_shared>> -> memref<48x128xf32, #tpu.memory_space<vmem_shared>>
      tpu.enqueue_dma source(%arg17 : memref<48x128xf32, #tpu.memory_space<vmem>>) target(%dma_start3A_1690 : memref<48x128xf32, #tpu.memory_space<vmem_shared>>) target_semaphore(%run_scoped3A : memref<!tpu.dma_semaphore, #tpu.memory_space<semaphore_mem>>)
      %dma_wait3A_1691 = arith.constant 0 : i32
      %dma_wait3A_1692 = tpu.memref_slice %arg18[%add3A_1562, %dma_wait3A_1691] : memref<10000x128xf32, #tpu.memory_space<vmem_shared>> -> memref<48x128xf32, #tpu.memory_space<vmem_shared>>
      %dma_wait3A_1693 = arith.constant 0 : i32
      %dma_wait3A_1694 = tpu.memref_slice %arg18[%add3A_1562, %dma_wait3A_1693] : memref<10000x128xf32, #tpu.memory_space<vmem_shared>> -> memref<48x128xf32, #tpu.memory_space<vmem_shared>>
      tpu.wait_dma2 semaphore(%run_scoped3A : memref<!tpu.dma_semaphore, #tpu.memory_space<semaphore_mem>>) src(%arg17 : memref<48x128xf32, #tpu.memory_space<vmem>>) dst(%dma_wait3A_1694 : memref<48x128xf32, #tpu.memory_space<vmem_shared>>)
      tpu.yield
    }) : () -> ()
    %add3A_1563 = arith.constant 576 : i32
    %add3A_1564 = arith.addi %multiple_of3A, %add3A_1563 : i32
    "tpu.region"() ({
      %run_scoped3A = tpu.sem_alloc : memref<!tpu.dma_semaphore, #tpu.memory_space<semaphore_mem>>
      %dma_start3A_1687 = arith.constant 0 : i32
      %dma_start3A_1688 = tpu.memref_slice %arg18[%add3A_1564, %dma_start3A_1687] : memref<10000x128xf32, #tpu.memory_space<vmem_shared>> -> memref<48x128xf32, #tpu.memory_space<vmem_shared>>
      %dma_start3A_1689 = arith.constant 0 : i32
      %dma_start3A_1690 = tpu.memref_slice %arg18[%add3A_1564, %dma_start3A_1689] : memref<10000x128xf32, #tpu.memory_space<vmem_shared>> -> memref<48x128xf32, #tpu.memory_space<vmem_shared>>
      tpu.enqueue_dma source(%arg17 : memref<48x128xf32, #tpu.memory_space<vmem>>) target(%dma_start3A_1690 : memref<48x128xf32, #tpu.memory_space<vmem_shared>>) target_semaphore(%run_scoped3A : memref<!tpu.dma_semaphore, #tpu.memory_space<semaphore_mem>>)
      %dma_wait3A_1691 = arith.constant 0 : i32
      %dma_wait3A_1692 = tpu.memref_slice %arg18[%add3A_1564, %dma_wait3A_1691] : memref<10000x128xf32, #tpu.memory_space<vmem_shared>> -> memref<48x128xf32, #tpu.memory_space<vmem_shared>>
      %dma_wait3A_1693 = arith.constant 0 : i32
      %dma_wait3A_1694 = tpu.memref_slice %arg18[%add3A_1564, %dma_wait3A_1693] : memref<10000x128xf32, #tpu.memory_space<vmem_shared>> -> memref<48x128xf32, #tpu.memory_space<vmem_shared>>
      tpu.wait_dma2 semaphore(%run_scoped3A : memref<!tpu.dma_semaphore, #tpu.memory_space<semaphore_mem>>) src(%arg17 : memref<48x128xf32, #tpu.memory_space<vmem>>) dst(%dma_wait3A_1694 : memref<48x128xf32, #tpu.memory_space<vmem_shared>>)
      tpu.yield
    }) : () -> ()
    %eq3A = arith.constant 0 : i32
    %eq3A_1565 = arith.cmpi eq, %arg1, %eq3A : i32
    %convert_element_type3A = arith.extui %eq3A_1565 : i1 to i32
    %cond3A = arith.constant 0 : i32
    %cond3A_1566 = arith.cmpi ne, %convert_element_type3A, %cond3A : i32
    scf.if %cond3A_1566 {
      "tpu.region"() ({
        %run_scoped3A = tpu.sem_alloc : memref<!tpu.dma_semaphore, #tpu.memory_space<semaphore_mem>>
        %dma_start3A_1687 = arith.constant 0 : i32
        %dma_start3A_1688 = arith.constant 0 : i32
        %dma_start3A_1689 = tpu.memref_slice %arg17[%dma_start3A_1687, %dma_start3A_1688] : memref<48x128xf32, #tpu.memory_space<vmem>> -> memref<16x128xf32, #tpu.memory_space<vmem>>
        %dma_start3A_1690 = arith.constant 9984 : i32
        %dma_start3A_1691 = arith.constant 0 : i32
        %dma_start3A_1692 = tpu.memref_slice %arg18[%dma_start3A_1690, %dma_start3A_1691] : memref<10000x128xf32, #tpu.memory_space<vmem_shared>> -> memref<16x128xf32, #tpu.memory_space<vmem_shared>>
        %dma_start3A_1693 = arith.constant 9984 : i32
        %dma_start3A_1694 = arith.constant 0 : i32
        %dma_start3A_1695 = tpu.memref_slice %arg18[%dma_start3A_1693, %dma_start3A_1694] : memref<10000x128xf32, #tpu.memory_space<vmem_shared>> -> memref<16x128xf32, #tpu.memory_space<vmem_shared>>
        %dma_start3A_1696 = arith.constant 0 : i32
        %dma_start3A_1697 = arith.constant 0 : i32
        %dma_start3A_1698 = tpu.memref_slice %arg17[%dma_start3A_1696, %dma_start3A_1697] : memref<48x128xf32, #tpu.memory_space<vmem>> -> memref<16x128xf32, #tpu.memory_space<vmem>>
        tpu.enqueue_dma source(%dma_start3A_1698 : memref<16x128xf32, #tpu.memory_space<vmem>>) target(%dma_start3A_1695 : memref<16x128xf32, #tpu.memory_space<vmem_shared>>) target_semaphore(%run_scoped3A : memref<!tpu.dma_semaphore, #tpu.memory_space<semaphore_mem>>)
        %dma_wait3A_1699 = arith.constant 0 : i32
        %dma_wait3A_1700 = arith.constant 0 : i32
        %dma_wait3A_1701 = tpu.memref_slice %arg17[%dma_wait3A_1699, %dma_wait3A_1700] : memref<48x128xf32, #tpu.memory_space<vmem>> -> memref<16x128xf32, #tpu.memory_space<vmem>>
        %dma_wait3A_1702 = arith.constant 9984 : i32
        %dma_wait3A_1703 = arith.constant 0 : i32
        %dma_wait3A_1704 = tpu.memref_slice %arg18[%dma_wait3A_1702, %dma_wait3A_1703] : memref<10000x128xf32, #tpu.memory_space<vmem_shared>> -> memref<16x128xf32, #tpu.memory_space<vmem_shared>>
        %dma_wait3A_1705 = arith.constant 9984 : i32
        %dma_wait3A_1706 = arith.constant 0 : i32
        %dma_wait3A_1707 = tpu.memref_slice %arg18[%dma_wait3A_1705, %dma_wait3A_1706] : memref<10000x128xf32, #tpu.memory_space<vmem_shared>> -> memref<16x128xf32, #tpu.memory_space<vmem_shared>>
        %dma_wait3A_1708 = arith.constant 0 : i32
        %dma_wait3A_1709 = arith.constant 0 : i32
        %dma_wait3A_1710 = tpu.memref_slice %arg17[%dma_wait3A_1708, %dma_wait3A_1709] : memref<48x128xf32, #tpu.memory_space<vmem>> -> memref<16x128xf32, #tpu.memory_space<vmem>>
        tpu.wait_dma2 semaphore(%run_scoped3A : memref<!tpu.dma_semaphore, #tpu.memory_space<semaphore_mem>>) src(%dma_wait3A_1710 : memref<16x128xf32, #tpu.memory_space<vmem>>) dst(%dma_wait3A_1707 : memref<16x128xf32, #tpu.memory_space<vmem_shared>>)
        tpu.yield
      }) : () -> ()
    } else {
    }
    "tpu.region"() ({
      %run_scoped3A = tpu.sem_alloc : memref<!tpu.dma_semaphore, #tpu.memory_space<semaphore_mem>>
      tpu.enqueue_dma source(%arg5 : memref<10000xi32, #tpu.memory_space<hbm>>) target(%arg10 : memref<10000xi32, #tpu.memory_space<vmem>>) target_semaphore(%run_scoped3A : memref<!tpu.dma_semaphore, #tpu.memory_space<semaphore_mem>>)
      tpu.wait_dma2 semaphore(%run_scoped3A : memref<!tpu.dma_semaphore, #tpu.memory_space<semaphore_mem>>) src(%arg5 : memref<10000xi32, #tpu.memory_space<hbm>>) dst(%arg10 : memref<10000xi32, #tpu.memory_space<vmem>>)
      tpu.yield
    }) : () -> ()
    %barrier3A = arith.constant 0 : index
    tpu.barrier barrier_id(%barrier3A)
    %mul3A_1567 = arith.constant 10000 : i32
    %mul3A_1568 = arith.muli %add3A, %mul3A_1567 : i32
    %add3A_1569 = arith.constant 0 : i32
    %add3A_1570 = arith.addi %mul3A_1568, %add3A_1569 : i32
    %multiple_of3A_1571 = tpu.assume_multiple %add3A_1570, 8 : i32
    %dma_start3A = arith.constant 0 : i32
    %dma_start3A_1572 = arith.constant 0 : i32
    %dma_start3A_1573 = tpu.memref_slice %arg12[%dma_start3A, %dma_start3A_1572] : memref<2x80xi32, #tpu.memory_space<vmem>> -> memref<1x80xi32, #tpu.memory_space<vmem>>
    %dma_start3A_1574 = tpu.memref_squeeze %dma_start3A_1573 : memref<1x80xi32, #tpu.memory_space<vmem>> -> memref<80xi32, #tpu.memory_space<vmem>>
    %dma_start3A_1575 = tpu.memref_slice %arg3[%multiple_of3A_1571] : memref<320000xi32, #tpu.memory_space<hbm>> -> memref<80xi32, #tpu.memory_space<hbm>>
    %dma_start3A_1576 = arith.constant 0 : i32
    %dma_start3A_1577 = tpu.memref_slice %arg12[%dma_start3A, %dma_start3A_1576] : memref<2x80xi32, #tpu.memory_space<vmem>> -> memref<1x80xi32, #tpu.memory_space<vmem>>
    %dma_start3A_1578 = tpu.memref_squeeze %dma_start3A_1577 : memref<1x80xi32, #tpu.memory_space<vmem>> -> memref<80xi32, #tpu.memory_space<vmem>>
    %dma_start3A_1579 = tpu.memref_slice %arg3[%multiple_of3A_1571] : memref<320000xi32, #tpu.memory_space<hbm>> -> memref<80xi32, #tpu.memory_space<hbm>>
    tpu.enqueue_dma source(%dma_start3A_1579 : memref<80xi32, #tpu.memory_space<hbm>>) target(%dma_start3A_1578 : memref<80xi32, #tpu.memory_space<vmem>>) target_semaphore(%arg19 : memref<!tpu.dma_semaphore, #tpu.memory_space<semaphore_mem>>)
    %dma_start3A_1580 = arith.constant 0 : i32
    %dma_start3A_1581 = arith.constant 0 : i32
    %dma_start3A_1582 = tpu.memref_slice %arg13[%dma_start3A_1580, %dma_start3A_1581] : memref<2x80xi32, #tpu.memory_space<vmem>> -> memref<1x80xi32, #tpu.memory_space<vmem>>
    %dma_start3A_1583 = tpu.memref_squeeze %dma_start3A_1582 : memref<1x80xi32, #tpu.memory_space<vmem>> -> memref<80xi32, #tpu.memory_space<vmem>>
    %dma_start3A_1584 = tpu.memref_slice %arg4[%multiple_of3A_1571] : memref<320000xi32, #tpu.memory_space<hbm>> -> memref<80xi32, #tpu.memory_space<hbm>>
    %dma_start3A_1585 = arith.constant 0 : i32
    %dma_start3A_1586 = tpu.memref_slice %arg13[%dma_start3A_1580, %dma_start3A_1585] : memref<2x80xi32, #tpu.memory_space<vmem>> -> memref<1x80xi32, #tpu.memory_space<vmem>>
    %dma_start3A_1587 = tpu.memref_squeeze %dma_start3A_1586 : memref<1x80xi32, #tpu.memory_space<vmem>> -> memref<80xi32, #tpu.memory_space<vmem>>
    %dma_start3A_1588 = tpu.memref_slice %arg4[%multiple_of3A_1571] : memref<320000xi32, #tpu.memory_space<hbm>> -> memref<80xi32, #tpu.memory_space<hbm>>
    tpu.enqueue_dma source(%dma_start3A_1588 : memref<80xi32, #tpu.memory_space<hbm>>) target(%dma_start3A_1587 : memref<80xi32, #tpu.memory_space<vmem>>) target_semaphore(%arg19 : memref<!tpu.dma_semaphore, #tpu.memory_space<semaphore_mem>>)
    %dma_start3A_1589 = arith.constant 0 : i32
    %dma_start3A_1590 = arith.constant 0 : i32
    %dma_start3A_1591 = arith.constant 0 : i32
    %dma_start3A_1592 = tpu.memref_slice %arg11[%dma_start3A_1589, %dma_start3A_1590, %dma_start3A_1591] : memref<2x80x128xf32, #tpu.memory_space<vmem>> -> memref<1x80x128xf32, #tpu.memory_space<vmem>>
    %dma_start3A_1593 = tpu.memref_squeeze %dma_start3A_1592 : memref<1x80x128xf32, #tpu.memory_space<vmem>> -> memref<80x128xf32, #tpu.memory_space<vmem>>
    %dma_start3A_1594 = arith.constant 0 : i32
    %dma_start3A_1595 = tpu.memref_slice %arg2[%multiple_of3A_1571, %dma_start3A_1594] : memref<320000x128xf32, #tpu.memory_space<hbm>> -> memref<80x128xf32, #tpu.memory_space<hbm>>
    %dma_start3A_1596 = arith.constant 0 : i32
    %dma_start3A_1597 = arith.constant 0 : i32
    %dma_start3A_1598 = tpu.memref_slice %arg11[%dma_start3A_1589, %dma_start3A_1596, %dma_start3A_1597] : memref<2x80x128xf32, #tpu.memory_space<vmem>> -> memref<1x80x128xf32, #tpu.memory_space<vmem>>
    %dma_start3A_1599 = tpu.memref_squeeze %dma_start3A_1598 : memref<1x80x128xf32, #tpu.memory_space<vmem>> -> memref<80x128xf32, #tpu.memory_space<vmem>>
    %dma_start3A_1600 = arith.constant 0 : i32
    %dma_start3A_1601 = tpu.memref_slice %arg2[%multiple_of3A_1571, %dma_start3A_1600] : memref<320000x128xf32, #tpu.memory_space<hbm>> -> memref<80x128xf32, #tpu.memory_space<hbm>>
    tpu.enqueue_dma source(%dma_start3A_1601 : memref<80x128xf32, #tpu.memory_space<hbm>>) target(%dma_start3A_1599 : memref<80x128xf32, #tpu.memory_space<vmem>>) target_semaphore(%arg19 : memref<!tpu.dma_semaphore, #tpu.memory_space<semaphore_mem>>)
    %scan3A = arith.constant 0 : i32
    %scan3A_1602 = arith.constant 63 : i32
    %scan3A_1603 = arith.addi %scan3A, %scan3A_1602 : i32
    %scan3A_1604 = arith.constant 1 : i32
    scf.for %scan3A_1687 = %scan3A to %scan3A_1603 step %scan3A_1604  : i32 {
      %mul3A_1688 = arith.constant 1 : i32
      %mul3A_1689 = arith.muli %scan3A_1687, %mul3A_1688 : i32
      %add3A_1690 = arith.constant 0 : i32
      %add3A_1691 = arith.addi %add3A_1690, %mul3A_1689 : i32
      %mul3A_1692 = arith.constant 2 : i32
      %mul3A_1693 = arith.muli %add3A_1691, %mul3A_1692 : i32
      %add3A_1694 = arith.constant 0 : i32
      %add3A_1695 = arith.addi %mul3A_1693, %add3A_1694 : i32
      %lt3A = arith.constant 125 : i32
      %lt3A_1696 = arith.cmpi slt, %add3A_1695, %lt3A : i32
      %convert_element_type3A_1697 = arith.extui %lt3A_1696 : i1 to i32
      %cond3A_1698 = arith.constant 0 : i32
      %cond3A_1699 = arith.cmpi ne, %convert_element_type3A_1697, %cond3A_1698 : i32
      scf.if %cond3A_1699 {
        %mul3A_1709 = arith.constant 10000 : i32
        %mul3A_1710 = arith.muli %add3A, %mul3A_1709 : i32
        %mul3A_1711 = arith.constant 80 : i32
        %mul3A_1712 = arith.muli %add3A_1695, %mul3A_1711 : i32
        %add3A_1713 = arith.addi %mul3A_1710, %mul3A_1712 : i32
        %multiple_of3A_1714 = tpu.assume_multiple %add3A_1713, 8 : i32
        %mul3A_1715 = arith.constant 10000 : i32
        %mul3A_1716 = arith.muli %add3A, %mul3A_1715 : i32
        %mul3A_1717 = arith.constant 80 : i32
        %mul3A_1718 = arith.muli %add3A_1695, %mul3A_1717 : i32
        %add3A_1719 = arith.addi %mul3A_1716, %mul3A_1718 : i32
        %multiple_of3A_1720 = tpu.assume_multiple %add3A_1719, 8 : i32
        %dma_wait3A_1721 = arith.constant 0 : i32
        %dma_wait3A_1722 = arith.constant 0 : i32
        %dma_wait3A_1723 = tpu.memref_slice %arg12[%dma_wait3A_1721, %dma_wait3A_1722] : memref<2x80xi32, #tpu.memory_space<vmem>> -> memref<1x80xi32, #tpu.memory_space<vmem>>
        %dma_wait3A_1724 = tpu.memref_squeeze %dma_wait3A_1723 : memref<1x80xi32, #tpu.memory_space<vmem>> -> memref<80xi32, #tpu.memory_space<vmem>>
        %dma_wait3A_1725 = tpu.memref_slice %arg3[%multiple_of3A_1720] : memref<320000xi32, #tpu.memory_space<hbm>> -> memref<80xi32, #tpu.memory_space<hbm>>
        %dma_wait3A_1726 = arith.constant 0 : i32
        %dma_wait3A_1727 = tpu.memref_slice %arg12[%dma_wait3A_1721, %dma_wait3A_1726] : memref<2x80xi32, #tpu.memory_space<vmem>> -> memref<1x80xi32, #tpu.memory_space<vmem>>
        %dma_wait3A_1728 = tpu.memref_squeeze %dma_wait3A_1727 : memref<1x80xi32, #tpu.memory_space<vmem>> -> memref<80xi32, #tpu.memory_space<vmem>>
        %dma_wait3A_1729 = tpu.memref_slice %arg3[%multiple_of3A_1720] : memref<320000xi32, #tpu.memory_space<hbm>> -> memref<80xi32, #tpu.memory_space<hbm>>
        tpu.wait_dma2 semaphore(%arg19 : memref<!tpu.dma_semaphore, #tpu.memory_space<semaphore_mem>>) src(%dma_wait3A_1729 : memref<80xi32, #tpu.memory_space<hbm>>) dst(%dma_wait3A_1728 : memref<80xi32, #tpu.memory_space<vmem>>)
        %dma_wait3A_1730 = arith.constant 0 : i32
        %dma_wait3A_1731 = arith.constant 0 : i32
        %dma_wait3A_1732 = tpu.memref_slice %arg13[%dma_wait3A_1730, %dma_wait3A_1731] : memref<2x80xi32, #tpu.memory_space<vmem>> -> memref<1x80xi32, #tpu.memory_space<vmem>>
        %dma_wait3A_1733 = tpu.memref_squeeze %dma_wait3A_1732 : memref<1x80xi32, #tpu.memory_space<vmem>> -> memref<80xi32, #tpu.memory_space<vmem>>
        %dma_wait3A_1734 = tpu.memref_slice %arg4[%multiple_of3A_1720] : memref<320000xi32, #tpu.memory_space<hbm>> -> memref<80xi32, #tpu.memory_space<hbm>>
        %dma_wait3A_1735 = arith.constant 0 : i32
        %dma_wait3A_1736 = tpu.memref_slice %arg13[%dma_wait3A_1730, %dma_wait3A_1735] : memref<2x80xi32, #tpu.memory_space<vmem>> -> memref<1x80xi32, #tpu.memory_space<vmem>>
        %dma_wait3A_1737 = tpu.memref_squeeze %dma_wait3A_1736 : memref<1x80xi32, #tpu.memory_space<vmem>> -> memref<80xi32, #tpu.memory_space<vmem>>
        %dma_wait3A_1738 = tpu.memref_slice %arg4[%multiple_of3A_1720] : memref<320000xi32, #tpu.memory_space<hbm>> -> memref<80xi32, #tpu.memory_space<hbm>>
        tpu.wait_dma2 semaphore(%arg19 : memref<!tpu.dma_semaphore, #tpu.memory_space<semaphore_mem>>) src(%dma_wait3A_1738 : memref<80xi32, #tpu.memory_space<hbm>>) dst(%dma_wait3A_1737 : memref<80xi32, #tpu.memory_space<vmem>>)
        %dma_wait3A_1739 = arith.constant 0 : i32
        %dma_wait3A_1740 = arith.constant 0 : i32
        %dma_wait3A_1741 = arith.constant 0 : i32
        %dma_wait3A_1742 = tpu.memref_slice %arg11[%dma_wait3A_1739, %dma_wait3A_1740, %dma_wait3A_1741] : memref<2x80x128xf32, #tpu.memory_space<vmem>> -> memref<1x80x128xf32, #tpu.memory_space<vmem>>
        %dma_wait3A_1743 = tpu.memref_squeeze %dma_wait3A_1742 : memref<1x80x128xf32, #tpu.memory_space<vmem>> -> memref<80x128xf32, #tpu.memory_space<vmem>>
        %dma_wait3A_1744 = arith.constant 0 : i32
        %dma_wait3A_1745 = tpu.memref_slice %arg2[%multiple_of3A_1720, %dma_wait3A_1744] : memref<320000x128xf32, #tpu.memory_space<hbm>> -> memref<80x128xf32, #tpu.memory_space<hbm>>
        %dma_wait3A_1746 = arith.constant 0 : i32
        %dma_wait3A_1747 = arith.constant 0 : i32
        %dma_wait3A_1748 = tpu.memref_slice %arg11[%dma_wait3A_1739, %dma_wait3A_1746, %dma_wait3A_1747] : memref<2x80x128xf32, #tpu.memory_space<vmem>> -> memref<1x80x128xf32, #tpu.memory_space<vmem>>
        %dma_wait3A_1749 = tpu.memref_squeeze %dma_wait3A_1748 : memref<1x80x128xf32, #tpu.memory_space<vmem>> -> memref<80x128xf32, #tpu.memory_space<vmem>>
        %dma_wait3A_1750 = arith.constant 0 : i32
        %dma_wait3A_1751 = tpu.memref_slice %arg2[%multiple_of3A_1720, %dma_wait3A_1750] : memref<320000x128xf32, #tpu.memory_space<hbm>> -> memref<80x128xf32, #tpu.memory_space<hbm>>
        tpu.wait_dma2 semaphore(%arg19 : memref<!tpu.dma_semaphore, #tpu.memory_space<semaphore_mem>>) src(%dma_wait3A_1751 : memref<80x128xf32, #tpu.memory_space<hbm>>) dst(%dma_wait3A_1749 : memref<80x128xf32, #tpu.memory_space<vmem>>)
        %dma_start3A_1752 = arith.constant 0 : i32
        %dma_start3A_1753 = arith.constant 0 : i32
        %dma_start3A_1754 = arith.constant 0 : i32
        %dma_start3A_1755 = arith.constant 0 : i32
        %dma_start3A_1756 = tpu.memref_slice %arg11[%dma_start3A_1752, %dma_start3A_1754, %dma_start3A_1755] : memref<2x80x128xf32, #tpu.memory_space<vmem>> -> memref<1x80x128xf32, #tpu.memory_space<vmem>>
        %dma_start3A_1757 = tpu.memref_squeeze %dma_start3A_1756 : memref<1x80x128xf32, #tpu.memory_space<vmem>> -> memref<80x128xf32, #tpu.memory_space<vmem>>
        %dma_start3A_1758 = arith.constant 0 : i32
        %dma_start3A_1759 = tpu.memref_slice %arg13[%dma_start3A_1753, %dma_start3A_1758] : memref<2x80xi32, #tpu.memory_space<vmem>> -> memref<1x80xi32, #tpu.memory_space<vmem>>
        %dma_start3A_1760 = tpu.memref_squeeze %dma_start3A_1759 : memref<1x80xi32, #tpu.memory_space<vmem>> -> memref<80xi32, #tpu.memory_space<vmem>>
        %dma_start3A_1761 = arith.constant 0 : i32
        %dma_start3A_1762 = arith.constant 0 : i32
        %dma_start3A_1763 = tpu.memref_slice %arg18[%dma_start3A_1761, %dma_start3A_1762] : memref<10000x128xf32, #tpu.memory_space<vmem_shared>> -> memref<10000x128xf32, #tpu.memory_space<vmem_shared>>
        tpu.enqueue_indirect_dma source(%dma_start3A_1757 : memref<80x128xf32, #tpu.memory_space<vmem>>) target(%dma_start3A_1763 : memref<10000x128xf32, #tpu.memory_space<vmem_shared>>) offsets(%dma_start3A_1760 : memref<80xi32, #tpu.memory_space<vmem>>) semaphore(%arg20 : memref<!tpu.dma_semaphore, #tpu.memory_space<semaphore_mem>>) {add = true}
        %ge3A = arith.constant 1 : i32
        %ge3A_1764 = arith.cmpi sge, %add3A_1695, %ge3A : i32
        %convert_element_type3A_1765 = arith.extui %ge3A_1764 : i1 to i32
        %cond3A_1766 = arith.constant 0 : i32
        %cond3A_1767 = arith.cmpi ne, %convert_element_type3A_1765, %cond3A_1766 : i32
        scf.if %cond3A_1767 {
          %dma_wait3A_2063 = arith.constant 1 : i32
          %dma_wait3A_2064 = arith.constant 1 : i32
          %dma_wait3A_2065 = arith.constant 0 : i32
          %dma_wait3A_2066 = arith.constant 0 : i32
          %dma_wait3A_2067 = tpu.memref_slice %arg11[%dma_wait3A_2063, %dma_wait3A_2065, %dma_wait3A_2066] : memref<2x80x128xf32, #tpu.memory_space<vmem>> -> memref<1x80x128xf32, #tpu.memory_space<vmem>>
          %dma_wait3A_2068 = tpu.memref_squeeze %dma_wait3A_2067 : memref<1x80x128xf32, #tpu.memory_space<vmem>> -> memref<80x128xf32, #tpu.memory_space<vmem>>
          %dma_wait3A_2069 = arith.constant 0 : i32
          %dma_wait3A_2070 = tpu.memref_slice %arg13[%dma_wait3A_2064, %dma_wait3A_2069] : memref<2x80xi32, #tpu.memory_space<vmem>> -> memref<1x80xi32, #tpu.memory_space<vmem>>
          %dma_wait3A_2071 = tpu.memref_squeeze %dma_wait3A_2070 : memref<1x80xi32, #tpu.memory_space<vmem>> -> memref<80xi32, #tpu.memory_space<vmem>>
          %dma_wait3A_2072 = arith.constant 0 : i32
          %dma_wait3A_2073 = arith.constant 0 : i32
          %dma_wait3A_2074 = tpu.memref_slice %arg18[%dma_wait3A_2072, %dma_wait3A_2073] : memref<10000x128xf32, #tpu.memory_space<vmem_shared>> -> memref<10000x128xf32, #tpu.memory_space<vmem_shared>>
          tpu.wait_indirect_dma semaphore(%arg20 : memref<!tpu.dma_semaphore, #tpu.memory_space<semaphore_mem>>) src(%dma_wait3A_2068 : memref<80x128xf32, #tpu.memory_space<vmem>>) dst(%dma_wait3A_2074 : memref<10000x128xf32, #tpu.memory_space<vmem_shared>>)
        } else {
        }
        %add3A_1768 = arith.constant 1 : i32
        %add3A_1769 = arith.addi %add3A_1695, %add3A_1768 : i32
        %lt3A_1770 = arith.constant 125 : i32
        %lt3A_1771 = arith.cmpi slt, %add3A_1769, %lt3A_1770 : i32
        %convert_element_type3A_1772 = arith.extui %lt3A_1771 : i1 to i32
        %cond3A_1773 = arith.constant 0 : i32
        %cond3A_1774 = arith.cmpi ne, %convert_element_type3A_1772, %cond3A_1773 : i32
        scf.if %cond3A_1774 {
          %add3A_2063 = arith.constant 1 : i32
          %add3A_2064 = arith.addi %add3A_1695, %add3A_2063 : i32
          %mul3A_2065 = arith.constant 10000 : i32
          %mul3A_2066 = arith.muli %add3A, %mul3A_2065 : i32
          %mul3A_2067 = arith.constant 80 : i32
          %mul3A_2068 = arith.muli %add3A_2064, %mul3A_2067 : i32
          %add3A_2069 = arith.addi %mul3A_2066, %mul3A_2068 : i32
          %multiple_of3A_2070 = tpu.assume_multiple %add3A_2069, 8 : i32
          %dma_start3A_2071 = arith.constant 1 : i32
          %dma_start3A_2072 = arith.constant 0 : i32
          %dma_start3A_2073 = tpu.memref_slice %arg12[%dma_start3A_2071, %dma_start3A_2072] : memref<2x80xi32, #tpu.memory_space<vmem>> -> memref<1x80xi32, #tpu.memory_space<vmem>>
          %dma_start3A_2074 = tpu.memref_squeeze %dma_start3A_2073 : memref<1x80xi32, #tpu.memory_space<vmem>> -> memref<80xi32, #tpu.memory_space<vmem>>
          %dma_start3A_2075 = tpu.memref_slice %arg3[%multiple_of3A_2070] : memref<320000xi32, #tpu.memory_space<hbm>> -> memref<80xi32, #tpu.memory_space<hbm>>
          %dma_start3A_2076 = arith.constant 0 : i32
          %dma_start3A_2077 = tpu.memref_slice %arg12[%dma_start3A_2071, %dma_start3A_2076] : memref<2x80xi32, #tpu.memory_space<vmem>> -> memref<1x80xi32, #tpu.memory_space<vmem>>
          %dma_start3A_2078 = tpu.memref_squeeze %dma_start3A_2077 : memref<1x80xi32, #tpu.memory_space<vmem>> -> memref<80xi32, #tpu.memory_space<vmem>>
          %dma_start3A_2079 = tpu.memref_slice %arg3[%multiple_of3A_2070] : memref<320000xi32, #tpu.memory_space<hbm>> -> memref<80xi32, #tpu.memory_space<hbm>>
          tpu.enqueue_dma source(%dma_start3A_2079 : memref<80xi32, #tpu.memory_space<hbm>>) target(%dma_start3A_2078 : memref<80xi32, #tpu.memory_space<vmem>>) target_semaphore(%arg19 : memref<!tpu.dma_semaphore, #tpu.memory_space<semaphore_mem>>)
          %dma_start3A_2080 = arith.constant 1 : i32
          %dma_start3A_2081 = arith.constant 0 : i32
          %dma_start3A_2082 = tpu.memref_slice %arg13[%dma_start3A_2080, %dma_start3A_2081] : memref<2x80xi32, #tpu.memory_space<vmem>> -> memref<1x80xi32, #tpu.memory_space<vmem>>
          %dma_start3A_2083 = tpu.memref_squeeze %dma_start3A_2082 : memref<1x80xi32, #tpu.memory_space<vmem>> -> memref<80xi32, #tpu.memory_space<vmem>>
          %dma_start3A_2084 = tpu.memref_slice %arg4[%multiple_of3A_2070] : memref<320000xi32, #tpu.memory_space<hbm>> -> memref<80xi32, #tpu.memory_space<hbm>>
          %dma_start3A_2085 = arith.constant 0 : i32
          %dma_start3A_2086 = tpu.memref_slice %arg13[%dma_start3A_2080, %dma_start3A_2085] : memref<2x80xi32, #tpu.memory_space<vmem>> -> memref<1x80xi32, #tpu.memory_space<vmem>>
          %dma_start3A_2087 = tpu.memref_squeeze %dma_start3A_2086 : memref<1x80xi32, #tpu.memory_space<vmem>> -> memref<80xi32, #tpu.memory_space<vmem>>
          %dma_start3A_2088 = tpu.memref_slice %arg4[%multiple_of3A_2070] : memref<320000xi32, #tpu.memory_space<hbm>> -> memref<80xi32, #tpu.memory_space<hbm>>
          tpu.enqueue_dma source(%dma_start3A_2088 : memref<80xi32, #tpu.memory_space<hbm>>) target(%dma_start3A_2087 : memref<80xi32, #tpu.memory_space<vmem>>) target_semaphore(%arg19 : memref<!tpu.dma_semaphore, #tpu.memory_space<semaphore_mem>>)
          %dma_start3A_2089 = arith.constant 1 : i32
          %dma_start3A_2090 = arith.constant 0 : i32
          %dma_start3A_2091 = arith.constant 0 : i32
          %dma_start3A_2092 = tpu.memref_slice %arg11[%dma_start3A_2089, %dma_start3A_2090, %dma_start3A_2091] : memref<2x80x128xf32, #tpu.memory_space<vmem>> -> memref<1x80x128xf32, #tpu.memory_space<vmem>>
          %dma_start3A_2093 = tpu.memref_squeeze %dma_start3A_2092 : memref<1x80x128xf32, #tpu.memory_space<vmem>> -> memref<80x128xf32, #tpu.memory_space<vmem>>
          %dma_start3A_2094 = arith.constant 0 : i32
          %dma_start3A_2095 = tpu.memref_slice %arg2[%multiple_of3A_2070, %dma_start3A_2094] : memref<320000x128xf32, #tpu.memory_space<hbm>> -> memref<80x128xf32, #tpu.memory_space<hbm>>
          %dma_start3A_2096 = arith.constant 0 : i32
          %dma_start3A_2097 = arith.constant 0 : i32
          %dma_start3A_2098 = tpu.memref_slice %arg11[%dma_start3A_2089, %dma_start3A_2096, %dma_start3A_2097] : memref<2x80x128xf32, #tpu.memory_space<vmem>> -> memref<1x80x128xf32, #tpu.memory_space<vmem>>
          %dma_start3A_2099 = tpu.memref_squeeze %dma_start3A_2098 : memref<1x80x128xf32, #tpu.memory_space<vmem>> -> memref<80x128xf32, #tpu.memory_space<vmem>>
          %dma_start3A_2100 = arith.constant 0 : i32
          %dma_start3A_2101 = tpu.memref_slice %arg2[%multiple_of3A_2070, %dma_start3A_2100] : memref<320000x128xf32, #tpu.memory_space<hbm>> -> memref<80x128xf32, #tpu.memory_space<hbm>>
          tpu.enqueue_dma source(%dma_start3A_2101 : memref<80x128xf32, #tpu.memory_space<hbm>>) target(%dma_start3A_2099 : memref<80x128xf32, #tpu.memory_space<vmem>>) target_semaphore(%arg19 : memref<!tpu.dma_semaphore, #tpu.memory_space<semaphore_mem>>)
        } else {
        }
        %ge3A_1775 = arith.constant 2 : i32
        %ge3A_1776 = arith.cmpi sge, %add3A_1695, %ge3A_1775 : i32
        %convert_element_type3A_1777 = arith.extui %ge3A_1776 : i1 to i32
        %cond3A_1778 = arith.constant 0 : i32
        %cond3A_1779 = arith.cmpi ne, %convert_element_type3A_1777, %cond3A_1778 : i32
        scf.if %cond3A_1779 {
          %sub3A = arith.constant 2 : i32
          %sub3A_2063 = arith.subi %add3A_1695, %sub3A : i32
          %mul3A_2064 = arith.constant 10000 : i32
          %mul3A_2065 = arith.muli %add3A, %mul3A_2064 : i32
          %mul3A_2066 = arith.constant 80 : i32
          %mul3A_2067 = arith.muli %sub3A_2063, %mul3A_2066 : i32
          %add3A_2068 = arith.addi %mul3A_2065, %mul3A_2067 : i32
          %multiple_of3A_2069 = tpu.assume_multiple %add3A_2068, 8 : i32
          %dma_wait3A_2070 = arith.constant 0 : i32
          %dma_wait3A_2071 = arith.constant 0 : i32
          %dma_wait3A_2072 = tpu.memref_slice %arg14[%dma_wait3A_2070, %dma_wait3A_2071] : memref<2x80xi32, #tpu.memory_space<vmem>> -> memref<1x80xi32, #tpu.memory_space<vmem>>
          %dma_wait3A_2073 = tpu.memref_squeeze %dma_wait3A_2072 : memref<1x80xi32, #tpu.memory_space<vmem>> -> memref<80xi32, #tpu.memory_space<vmem>>
          %dma_wait3A_2074 = tpu.memref_slice %arg7[%multiple_of3A_2069] : memref<320000xi32, #tpu.memory_space<hbm>> -> memref<80xi32, #tpu.memory_space<hbm>>
          %dma_wait3A_2075 = tpu.memref_slice %arg7[%multiple_of3A_2069] : memref<320000xi32, #tpu.memory_space<hbm>> -> memref<80xi32, #tpu.memory_space<hbm>>
          %dma_wait3A_2076 = arith.constant 0 : i32
          %dma_wait3A_2077 = tpu.memref_slice %arg14[%dma_wait3A_2070, %dma_wait3A_2076] : memref<2x80xi32, #tpu.memory_space<vmem>> -> memref<1x80xi32, #tpu.memory_space<vmem>>
          %dma_wait3A_2078 = tpu.memref_squeeze %dma_wait3A_2077 : memref<1x80xi32, #tpu.memory_space<vmem>> -> memref<80xi32, #tpu.memory_space<vmem>>
          tpu.wait_dma2 semaphore(%arg21 : memref<!tpu.dma_semaphore, #tpu.memory_space<semaphore_mem>>) src(%dma_wait3A_2078 : memref<80xi32, #tpu.memory_space<vmem>>) dst(%dma_wait3A_2075 : memref<80xi32, #tpu.memory_space<hbm>>)
          %dma_wait3A_2079 = arith.constant 0 : i32
          %dma_wait3A_2080 = arith.constant 0 : i32
          %dma_wait3A_2081 = tpu.memref_slice %arg15[%dma_wait3A_2079, %dma_wait3A_2080] : memref<2x80xi32, #tpu.memory_space<vmem>> -> memref<1x80xi32, #tpu.memory_space<vmem>>
          %dma_wait3A_2082 = tpu.memref_squeeze %dma_wait3A_2081 : memref<1x80xi32, #tpu.memory_space<vmem>> -> memref<80xi32, #tpu.memory_space<vmem>>
          %dma_wait3A_2083 = tpu.memref_slice %arg8[%multiple_of3A_2069] : memref<320000xi32, #tpu.memory_space<hbm>> -> memref<80xi32, #tpu.memory_space<hbm>>
          %dma_wait3A_2084 = tpu.memref_slice %arg8[%multiple_of3A_2069] : memref<320000xi32, #tpu.memory_space<hbm>> -> memref<80xi32, #tpu.memory_space<hbm>>
          %dma_wait3A_2085 = arith.constant 0 : i32
          %dma_wait3A_2086 = tpu.memref_slice %arg15[%dma_wait3A_2079, %dma_wait3A_2085] : memref<2x80xi32, #tpu.memory_space<vmem>> -> memref<1x80xi32, #tpu.memory_space<vmem>>
          %dma_wait3A_2087 = tpu.memref_squeeze %dma_wait3A_2086 : memref<1x80xi32, #tpu.memory_space<vmem>> -> memref<80xi32, #tpu.memory_space<vmem>>
          tpu.wait_dma2 semaphore(%arg21 : memref<!tpu.dma_semaphore, #tpu.memory_space<semaphore_mem>>) src(%dma_wait3A_2087 : memref<80xi32, #tpu.memory_space<vmem>>) dst(%dma_wait3A_2084 : memref<80xi32, #tpu.memory_space<hbm>>)
          %dma_wait3A_2088 = arith.constant 0 : i32
          %dma_wait3A_2089 = arith.constant 0 : i32
          %dma_wait3A_2090 = tpu.memref_slice %arg16[%dma_wait3A_2088, %dma_wait3A_2089] : memref<2x80xi32, #tpu.memory_space<vmem>> -> memref<1x80xi32, #tpu.memory_space<vmem>>
          %dma_wait3A_2091 = tpu.memref_squeeze %dma_wait3A_2090 : memref<1x80xi32, #tpu.memory_space<vmem>> -> memref<80xi32, #tpu.memory_space<vmem>>
          %dma_wait3A_2092 = tpu.memref_slice %arg9[%multiple_of3A_2069] : memref<320000xi32, #tpu.memory_space<hbm>> -> memref<80xi32, #tpu.memory_space<hbm>>
          %dma_wait3A_2093 = tpu.memref_slice %arg9[%multiple_of3A_2069] : memref<320000xi32, #tpu.memory_space<hbm>> -> memref<80xi32, #tpu.memory_space<hbm>>
          %dma_wait3A_2094 = arith.constant 0 : i32
          %dma_wait3A_2095 = tpu.memref_slice %arg16[%dma_wait3A_2088, %dma_wait3A_2094] : memref<2x80xi32, #tpu.memory_space<vmem>> -> memref<1x80xi32, #tpu.memory_space<vmem>>
          %dma_wait3A_2096 = tpu.memref_squeeze %dma_wait3A_2095 : memref<1x80xi32, #tpu.memory_space<vmem>> -> memref<80xi32, #tpu.memory_space<vmem>>
          tpu.wait_dma2 semaphore(%arg21 : memref<!tpu.dma_semaphore, #tpu.memory_space<semaphore_mem>>) src(%dma_wait3A_2096 : memref<80xi32, #tpu.memory_space<vmem>>) dst(%dma_wait3A_2093 : memref<80xi32, #tpu.memory_space<hbm>>)
        } else {
        }
        %get3A = arith.constant 0 : i32
        %get3A_1780 = arith.index_cast %get3A : i32 to index
        %get3A_1781 = arith.constant 0 : index
        %get3A_1782 = tpu.vector_load %arg12[%get3A_1780, %get3A_1781] {strides = array<i32>} : memref<2x80xi32, #tpu.memory_space<vmem>>, vector<16xi32>,
        %get3A_1783 = arith.constant 0 : i32
        %get3A_1784 = arith.index_cast %get3A_1783 : i32 to index
        %get3A_1785 = arith.constant 0 : index
        %get3A_1786 = tpu.vector_load %arg13[%get3A_1784, %get3A_1785] {strides = array<i32>} : memref<2x80xi32, #tpu.memory_space<vmem>>, vector<16xi32>,
        %gather3A = tpu.vector_load_idx %arg10[%get3A_1782] : memref<10000xi32, #tpu.memory_space<vmem>>[vector<16xi32>], vector<16xi32>,
        %gather3A_1787 = tpu.vector_load_idx %arg10[%get3A_1786] : memref<10000xi32, #tpu.memory_space<vmem>>[vector<16xi32>], vector<16xi32>,
        %mul3A_1788 = arith.constant 2 : i32
        %mul3A_1789 = vector.broadcast %mul3A_1788 : i32 to vector<16xi32>
        %mul3A_1790 = arith.muli %gather3A, %mul3A_1789 : vector<16xi32>
        %add3A_1791 = arith.addi %mul3A_1790, %gather3A_1787 : vector<16xi32>
        %eq3A_1792 = arith.constant 3 : i32
        %eq3A_1793 = vector.broadcast %eq3A_1792 : i32 to vector<16xi32>
        %eq3A_1794 = arith.cmpi eq, %add3A_1791, %eq3A_1793 : vector<16xi32>
        %eq3A_1795 = arith.constant 2 : i32
        %eq3A_1796 = vector.broadcast %eq3A_1795 : i32 to vector<16xi32>
        %eq3A_1797 = arith.cmpi eq, %add3A_1791, %eq3A_1796 : vector<16xi32>
        %jit3A = arith.constant 3 : i32
        %broadcast_in_dim3A_1798 = vector.broadcast %jit3A : i32 to vector<16xi32>
        %select_n3A = arith.select %eq3A_1797, %broadcast_in_dim3A_1798, %add3A_1791 : vector<16xi1>, vector<16xi32>
        %jit3A_1799 = arith.constant 2 : i32
        %broadcast_in_dim3A_1800 = vector.broadcast %jit3A_1799 : i32 to vector<16xi32>
        %select_n3A_1801 = arith.select %eq3A_1794, %broadcast_in_dim3A_1800, %select_n3A : vector<16xi1>, vector<16xi32>
        %eq3A_1802 = arith.constant 3 : i32
        %eq3A_1803 = vector.broadcast %eq3A_1802 : i32 to vector<16xi32>
        %eq3A_1804 = arith.cmpi eq, %select_n3A_1801, %eq3A_1803 : vector<16xi32>
        %jit3A_1805 = arith.constant 0 : i32
        %broadcast_in_dim3A_1806 = vector.broadcast %jit3A_1805 : i32 to vector<16xi32>
        %select_n3A_1807 = arith.select %eq3A_1804, %broadcast_in_dim3A_1806, %select_n3A_1801 : vector<16xi1>, vector<16xi32>
        %swap3A_1808 = arith.constant 0 : i32
        %swap3A_1809 = arith.index_cast %swap3A_1808 : i32 to index
        %swap3A_1810 = arith.constant 0 : index
        %swap3A_1811 = tpu.vector_load %arg14[%swap3A_1809, %swap3A_1810] {strides = array<i32>} : memref<2x80xi32, #tpu.memory_space<vmem>>, vector<16xi32>,
        tpu.vector_store %arg14[%swap3A_1809, %swap3A_1810], %select_n3A_1801 {strides = array<i32>} : memref<2x80xi32, #tpu.memory_space<vmem>>, vector<16xi32>,
        %mul3A_1812 = arith.constant 10000 : i32
        %mul3A_1813 = vector.broadcast %mul3A_1812 : i32 to vector<16xi32>
        %mul3A_1814 = arith.muli %select_n3A_1807, %mul3A_1813 : vector<16xi32>
        %add3A_1815 = arith.addi %mul3A_1814, %get3A_1782 : vector<16xi32>
        %swap3A_1816 = arith.constant 0 : i32
        %swap3A_1817 = arith.index_cast %swap3A_1816 : i32 to index
        %swap3A_1818 = arith.constant 0 : index
        %swap3A_1819 = tpu.vector_load %arg15[%swap3A_1817, %swap3A_1818] {strides = array<i32>} : memref<2x80xi32, #tpu.memory_space<vmem>>, vector<16xi32>,
        tpu.vector_store %arg15[%swap3A_1817, %swap3A_1818], %add3A_1815 {strides = array<i32>} : memref<2x80xi32, #tpu.memory_space<vmem>>, vector<16xi32>,
        %mul3A_1820 = arith.constant 10000 : i32
        %mul3A_1821 = vector.broadcast %mul3A_1820 : i32 to vector<16xi32>
        %mul3A_1822 = arith.muli %select_n3A_1807, %mul3A_1821 : vector<16xi32>
        %add3A_1823 = arith.addi %mul3A_1822, %get3A_1786 : vector<16xi32>
        %swap3A_1824 = arith.constant 0 : i32
        %swap3A_1825 = arith.index_cast %swap3A_1824 : i32 to index
        %swap3A_1826 = arith.constant 0 : index
        %swap3A_1827 = tpu.vector_load %arg16[%swap3A_1825, %swap3A_1826] {strides = array<i32>} : memref<2x80xi32, #tpu.memory_space<vmem>>, vector<16xi32>,
        tpu.vector_store %arg16[%swap3A_1825, %swap3A_1826], %add3A_1823 {strides = array<i32>} : memref<2x80xi32, #tpu.memory_space<vmem>>, vector<16xi32>,
        %get3A_1828 = arith.constant 0 : i32
        %get3A_1829 = arith.index_cast %get3A_1828 : i32 to index
        %get3A_1830 = arith.constant 16 : index
        %get3A_1831 = tpu.vector_load %arg12[%get3A_1829, %get3A_1830] {strides = array<i32>} : memref<2x80xi32, #tpu.memory_space<vmem>>, vector<16xi32>,
        %get3A_1832 = arith.constant 0 : i32
        %get3A_1833 = arith.index_cast %get3A_1832 : i32 to index
        %get3A_1834 = arith.constant 16 : index
        %get3A_1835 = tpu.vector_load %arg13[%get3A_1833, %get3A_1834] {strides = array<i32>} : memref<2x80xi32, #tpu.memory_space<vmem>>, vector<16xi32>,
        %gather3A_1836 = tpu.vector_load_idx %arg10[%get3A_1831] : memref<10000xi32, #tpu.memory_space<vmem>>[vector<16xi32>], vector<16xi32>,
        %gather3A_1837 = tpu.vector_load_idx %arg10[%get3A_1835] : memref<10000xi32, #tpu.memory_space<vmem>>[vector<16xi32>], vector<16xi32>,
        %mul3A_1838 = arith.constant 2 : i32
        %mul3A_1839 = vector.broadcast %mul3A_1838 : i32 to vector<16xi32>
        %mul3A_1840 = arith.muli %gather3A_1836, %mul3A_1839 : vector<16xi32>
        %add3A_1841 = arith.addi %mul3A_1840, %gather3A_1837 : vector<16xi32>
        %eq3A_1842 = arith.constant 3 : i32
        %eq3A_1843 = vector.broadcast %eq3A_1842 : i32 to vector<16xi32>
        %eq3A_1844 = arith.cmpi eq, %add3A_1841, %eq3A_1843 : vector<16xi32>
        %eq3A_1845 = arith.constant 2 : i32
        %eq3A_1846 = vector.broadcast %eq3A_1845 : i32 to vector<16xi32>
        %eq3A_1847 = arith.cmpi eq, %add3A_1841, %eq3A_1846 : vector<16xi32>
        %jit3A_1848 = arith.constant 3 : i32
        %broadcast_in_dim3A_1849 = vector.broadcast %jit3A_1848 : i32 to vector<16xi32>
        %select_n3A_1850 = arith.select %eq3A_1847, %broadcast_in_dim3A_1849, %add3A_1841 : vector<16xi1>, vector<16xi32>
        %jit3A_1851 = arith.constant 2 : i32
        %broadcast_in_dim3A_1852 = vector.broadcast %jit3A_1851 : i32 to vector<16xi32>
        %select_n3A_1853 = arith.select %eq3A_1844, %broadcast_in_dim3A_1852, %select_n3A_1850 : vector<16xi1>, vector<16xi32>
        %eq3A_1854 = arith.constant 3 : i32
        %eq3A_1855 = vector.broadcast %eq3A_1854 : i32 to vector<16xi32>
        %eq3A_1856 = arith.cmpi eq, %select_n3A_1853, %eq3A_1855 : vector<16xi32>
        %jit3A_1857 = arith.constant 0 : i32
        %broadcast_in_dim3A_1858 = vector.broadcast %jit3A_1857 : i32 to vector<16xi32>
        %select_n3A_1859 = arith.select %eq3A_1856, %broadcast_in_dim3A_1858, %select_n3A_1853 : vector<16xi1>, vector<16xi32>
        %swap3A_1860 = arith.constant 0 : i32
        %swap3A_1861 = arith.index_cast %swap3A_1860 : i32 to index
        %swap3A_1862 = arith.constant 16 : index
        %swap3A_1863 = tpu.vector_load %arg14[%swap3A_1861, %swap3A_1862] {strides = array<i32>} : memref<2x80xi32, #tpu.memory_space<vmem>>, vector<16xi32>,
        tpu.vector_store %arg14[%swap3A_1861, %swap3A_1862], %select_n3A_1853 {strides = array<i32>} : memref<2x80xi32, #tpu.memory_space<vmem>>, vector<16xi32>,
        %mul3A_1864 = arith.constant 10000 : i32
        %mul3A_1865 = vector.broadcast %mul3A_1864 : i32 to vector<16xi32>
        %mul3A_1866 = arith.muli %select_n3A_1859, %mul3A_1865 : vector<16xi32>
        %add3A_1867 = arith.addi %mul3A_1866, %get3A_1831 : vector<16xi32>
        %swap3A_1868 = arith.constant 0 : i32
        %swap3A_1869 = arith.index_cast %swap3A_1868 : i32 to index
        %swap3A_1870 = arith.constant 16 : index
        %swap3A_1871 = tpu.vector_load %arg15[%swap3A_1869, %swap3A_1870] {strides = array<i32>} : memref<2x80xi32, #tpu.memory_space<vmem>>, vector<16xi32>,
        tpu.vector_store %arg15[%swap3A_1869, %swap3A_1870], %add3A_1867 {strides = array<i32>} : memref<2x80xi32, #tpu.memory_space<vmem>>, vector<16xi32>,
        %mul3A_1872 = arith.constant 10000 : i32
        %mul3A_1873 = vector.broadcast %mul3A_1872 : i32 to vector<16xi32>
        %mul3A_1874 = arith.muli %select_n3A_1859, %mul3A_1873 : vector<16xi32>
        %add3A_1875 = arith.addi %mul3A_1874, %get3A_1835 : vector<16xi32>
        %swap3A_1876 = arith.constant 0 : i32
        %swap3A_1877 = arith.index_cast %swap3A_1876 : i32 to index
        %swap3A_1878 = arith.constant 16 : index
        %swap3A_1879 = tpu.vector_load %arg16[%swap3A_1877, %swap3A_1878] {strides = array<i32>} : memref<2x80xi32, #tpu.memory_space<vmem>>, vector<16xi32>,
        tpu.vector_store %arg16[%swap3A_1877, %swap3A_1878], %add3A_1875 {strides = array<i32>} : memref<2x80xi32, #tpu.memory_space<vmem>>, vector<16xi32>,
        %get3A_1880 = arith.constant 0 : i32
        %get3A_1881 = arith.index_cast %get3A_1880 : i32 to index
        %get3A_1882 = arith.constant 32 : index
        %get3A_1883 = tpu.vector_load %arg12[%get3A_1881, %get3A_1882] {strides = array<i32>} : memref<2x80xi32, #tpu.memory_space<vmem>>, vector<16xi32>,
        %get3A_1884 = arith.constant 0 : i32
        %get3A_1885 = arith.index_cast %get3A_1884 : i32 to index
        %get3A_1886 = arith.constant 32 : index
        %get3A_1887 = tpu.vector_load %arg13[%get3A_1885, %get3A_1886] {strides = array<i32>} : memref<2x80xi32, #tpu.memory_space<vmem>>, vector<16xi32>,
        %gather3A_1888 = tpu.vector_load_idx %arg10[%get3A_1883] : memref<10000xi32, #tpu.memory_space<vmem>>[vector<16xi32>], vector<16xi32>,
        %gather3A_1889 = tpu.vector_load_idx %arg10[%get3A_1887] : memref<10000xi32, #tpu.memory_space<vmem>>[vector<16xi32>], vector<16xi32>,
        %mul3A_1890 = arith.constant 2 : i32
        %mul3A_1891 = vector.broadcast %mul3A_1890 : i32 to vector<16xi32>
        %mul3A_1892 = arith.muli %gather3A_1888, %mul3A_1891 : vector<16xi32>
        %add3A_1893 = arith.addi %mul3A_1892, %gather3A_1889 : vector<16xi32>
        %eq3A_1894 = arith.constant 3 : i32
        %eq3A_1895 = vector.broadcast %eq3A_1894 : i32 to vector<16xi32>
        %eq3A_1896 = arith.cmpi eq, %add3A_1893, %eq3A_1895 : vector<16xi32>
        %eq3A_1897 = arith.constant 2 : i32
        %eq3A_1898 = vector.broadcast %eq3A_1897 : i32 to vector<16xi32>
        %eq3A_1899 = arith.cmpi eq, %add3A_1893, %eq3A_1898 : vector<16xi32>
        %jit3A_1900 = arith.constant 3 : i32
        %broadcast_in_dim3A_1901 = vector.broadcast %jit3A_1900 : i32 to vector<16xi32>
        %select_n3A_1902 = arith.select %eq3A_1899, %broadcast_in_dim3A_1901, %add3A_1893 : vector<16xi1>, vector<16xi32>
        %jit3A_1903 = arith.constant 2 : i32
        %broadcast_in_dim3A_1904 = vector.broadcast %jit3A_1903 : i32 to vector<16xi32>
        %select_n3A_1905 = arith.select %eq3A_1896, %broadcast_in_dim3A_1904, %select_n3A_1902 : vector<16xi1>, vector<16xi32>
        %eq3A_1906 = arith.constant 3 : i32
        %eq3A_1907 = vector.broadcast %eq3A_1906 : i32 to vector<16xi32>
        %eq3A_1908 = arith.cmpi eq, %select_n3A_1905, %eq3A_1907 : vector<16xi32>
        %jit3A_1909 = arith.constant 0 : i32
        %broadcast_in_dim3A_1910 = vector.broadcast %jit3A_1909 : i32 to vector<16xi32>
        %select_n3A_1911 = arith.select %eq3A_1908, %broadcast_in_dim3A_1910, %select_n3A_1905 : vector<16xi1>, vector<16xi32>
        %swap3A_1912 = arith.constant 0 : i32
        %swap3A_1913 = arith.index_cast %swap3A_1912 : i32 to index
        %swap3A_1914 = arith.constant 32 : index
        %swap3A_1915 = tpu.vector_load %arg14[%swap3A_1913, %swap3A_1914] {strides = array<i32>} : memref<2x80xi32, #tpu.memory_space<vmem>>, vector<16xi32>,
        tpu.vector_store %arg14[%swap3A_1913, %swap3A_1914], %select_n3A_1905 {strides = array<i32>} : memref<2x80xi32, #tpu.memory_space<vmem>>, vector<16xi32>,
        %mul3A_1916 = arith.constant 10000 : i32
        %mul3A_1917 = vector.broadcast %mul3A_1916 : i32 to vector<16xi32>
        %mul3A_1918 = arith.muli %select_n3A_1911, %mul3A_1917 : vector<16xi32>
        %add3A_1919 = arith.addi %mul3A_1918, %get3A_1883 : vector<16xi32>
        %swap3A_1920 = arith.constant 0 : i32
        %swap3A_1921 = arith.index_cast %swap3A_1920 : i32 to index
        %swap3A_1922 = arith.constant 32 : index
        %swap3A_1923 = tpu.vector_load %arg15[%swap3A_1921, %swap3A_1922] {strides = array<i32>} : memref<2x80xi32, #tpu.memory_space<vmem>>, vector<16xi32>,
        tpu.vector_store %arg15[%swap3A_1921, %swap3A_1922], %add3A_1919 {strides = array<i32>} : memref<2x80xi32, #tpu.memory_space<vmem>>, vector<16xi32>,
        %mul3A_1924 = arith.constant 10000 : i32
        %mul3A_1925 = vector.broadcast %mul3A_1924 : i32 to vector<16xi32>
        %mul3A_1926 = arith.muli %select_n3A_1911, %mul3A_1925 : vector<16xi32>
        %add3A_1927 = arith.addi %mul3A_1926, %get3A_1887 : vector<16xi32>
        %swap3A_1928 = arith.constant 0 : i32
        %swap3A_1929 = arith.index_cast %swap3A_1928 : i32 to index
        %swap3A_1930 = arith.constant 32 : index
        %swap3A_1931 = tpu.vector_load %arg16[%swap3A_1929, %swap3A_1930] {strides = array<i32>} : memref<2x80xi32, #tpu.memory_space<vmem>>, vector<16xi32>,
        tpu.vector_store %arg16[%swap3A_1929, %swap3A_1930], %add3A_1927 {strides = array<i32>} : memref<2x80xi32, #tpu.memory_space<vmem>>, vector<16xi32>,
        %get3A_1932 = arith.constant 0 : i32
        %get3A_1933 = arith.index_cast %get3A_1932 : i32 to index
        %get3A_1934 = arith.constant 48 : index
        %get3A_1935 = tpu.vector_load %arg12[%get3A_1933, %get3A_1934] {strides = array<i32>} : memref<2x80xi32, #tpu.memory_space<vmem>>, vector<16xi32>,
        %get3A_1936 = arith.constant 0 : i32
        %get3A_1937 = arith.index_cast %get3A_1936 : i32 to index
        %get3A_1938 = arith.constant 48 : index
        %get3A_1939 = tpu.vector_load %arg13[%get3A_1937, %get3A_1938] {strides = array<i32>} : memref<2x80xi32, #tpu.memory_space<vmem>>, vector<16xi32>,
        %gather3A_1940 = tpu.vector_load_idx %arg10[%get3A_1935] : memref<10000xi32, #tpu.memory_space<vmem>>[vector<16xi32>], vector<16xi32>,
        %gather3A_1941 = tpu.vector_load_idx %arg10[%get3A_1939] : memref<10000xi32, #tpu.memory_space<vmem>>[vector<16xi32>], vector<16xi32>,
        %mul3A_1942 = arith.constant 2 : i32
        %mul3A_1943 = vector.broadcast %mul3A_1942 : i32 to vector<16xi32>
        %mul3A_1944 = arith.muli %gather3A_1940, %mul3A_1943 : vector<16xi32>
        %add3A_1945 = arith.addi %mul3A_1944, %gather3A_1941 : vector<16xi32>
        %eq3A_1946 = arith.constant 3 : i32
        %eq3A_1947 = vector.broadcast %eq3A_1946 : i32 to vector<16xi32>
        %eq3A_1948 = arith.cmpi eq, %add3A_1945, %eq3A_1947 : vector<16xi32>
        %eq3A_1949 = arith.constant 2 : i32
        %eq3A_1950 = vector.broadcast %eq3A_1949 : i32 to vector<16xi32>
        %eq3A_1951 = arith.cmpi eq, %add3A_1945, %eq3A_1950 : vector<16xi32>
        %jit3A_1952 = arith.constant 3 : i32
        %broadcast_in_dim3A_1953 = vector.broadcast %jit3A_1952 : i32 to vector<16xi32>
        %select_n3A_1954 = arith.select %eq3A_1951, %broadcast_in_dim3A_1953, %add3A_1945 : vector<16xi1>, vector<16xi32>
        %jit3A_1955 = arith.constant 2 : i32
        %broadcast_in_dim3A_1956 = vector.broadcast %jit3A_1955 : i32 to vector<16xi32>
        %select_n3A_1957 = arith.select %eq3A_1948, %broadcast_in_dim3A_1956, %select_n3A_1954 : vector<16xi1>, vector<16xi32>
        %eq3A_1958 = arith.constant 3 : i32
        %eq3A_1959 = vector.broadcast %eq3A_1958 : i32 to vector<16xi32>
        %eq3A_1960 = arith.cmpi eq, %select_n3A_1957, %eq3A_1959 : vector<16xi32>
        %jit3A_1961 = arith.constant 0 : i32
        %broadcast_in_dim3A_1962 = vector.broadcast %jit3A_1961 : i32 to vector<16xi32>
        %select_n3A_1963 = arith.select %eq3A_1960, %broadcast_in_dim3A_1962, %select_n3A_1957 : vector<16xi1>, vector<16xi32>
        %swap3A_1964 = arith.constant 0 : i32
        %swap3A_1965 = arith.index_cast %swap3A_1964 : i32 to index
        %swap3A_1966 = arith.constant 48 : index
        %swap3A_1967 = tpu.vector_load %arg14[%swap3A_1965, %swap3A_1966] {strides = array<i32>} : memref<2x80xi32, #tpu.memory_space<vmem>>, vector<16xi32>,
        tpu.vector_store %arg14[%swap3A_1965, %swap3A_1966], %select_n3A_1957 {strides = array<i32>} : memref<2x80xi32, #tpu.memory_space<vmem>>, vector<16xi32>,
        %mul3A_1968 = arith.constant 10000 : i32
        %mul3A_1969 = vector.broadcast %mul3A_1968 : i32 to vector<16xi32>
        %mul3A_1970 = arith.muli %select_n3A_1963, %mul3A_1969 : vector<16xi32>
        %add3A_1971 = arith.addi %mul3A_1970, %get3A_1935 : vector<16xi32>
        %swap3A_1972 = arith.constant 0 : i32
        %swap3A_1973 = arith.index_cast %swap3A_1972 : i32 to index
        %swap3A_1974 = arith.constant 48 : index
        %swap3A_1975 = tpu.vector_load %arg15[%swap3A_1973, %swap3A_1974] {strides = array<i32>} : memref<2x80xi32, #tpu.memory_space<vmem>>, vector<16xi32>,
        tpu.vector_store %arg15[%swap3A_1973, %swap3A_1974], %add3A_1971 {strides = array<i32>} : memref<2x80xi32, #tpu.memory_space<vmem>>, vector<16xi32>,
        %mul3A_1976 = arith.constant 10000 : i32
        %mul3A_1977 = vector.broadcast %mul3A_1976 : i32 to vector<16xi32>
        %mul3A_1978 = arith.muli %select_n3A_1963, %mul3A_1977 : vector<16xi32>
        %add3A_1979 = arith.addi %mul3A_1978, %get3A_1939 : vector<16xi32>
        %swap3A_1980 = arith.constant 0 : i32
        %swap3A_1981 = arith.index_cast %swap3A_1980 : i32 to index
        %swap3A_1982 = arith.constant 48 : index
        %swap3A_1983 = tpu.vector_load %arg16[%swap3A_1981, %swap3A_1982] {strides = array<i32>} : memref<2x80xi32, #tpu.memory_space<vmem>>, vector<16xi32>,
        tpu.vector_store %arg16[%swap3A_1981, %swap3A_1982], %add3A_1979 {strides = array<i32>} : memref<2x80xi32, #tpu.memory_space<vmem>>, vector<16xi32>,
        %get3A_1984 = arith.constant 0 : i32
        %get3A_1985 = arith.index_cast %get3A_1984 : i32 to index
        %get3A_1986 = arith.constant 64 : index
        %get3A_1987 = tpu.vector_load %arg12[%get3A_1985, %get3A_1986] {strides = array<i32>} : memref<2x80xi32, #tpu.memory_space<vmem>>, vector<16xi32>,
        %get3A_1988 = arith.constant 0 : i32
        %get3A_1989 = arith.index_cast %get3A_1988 : i32 to index
        %get3A_1990 = arith.constant 64 : index
        %get3A_1991 = tpu.vector_load %arg13[%get3A_1989, %get3A_1990] {strides = array<i32>} : memref<2x80xi32, #tpu.memory_space<vmem>>, vector<16xi32>,
        %gather3A_1992 = tpu.vector_load_idx %arg10[%get3A_1987] : memref<10000xi32, #tpu.memory_space<vmem>>[vector<16xi32>], vector<16xi32>,
        %gather3A_1993 = tpu.vector_load_idx %arg10[%get3A_1991] : memref<10000xi32, #tpu.memory_space<vmem>>[vector<16xi32>], vector<16xi32>,
        %mul3A_1994 = arith.constant 2 : i32
        %mul3A_1995 = vector.broadcast %mul3A_1994 : i32 to vector<16xi32>
        %mul3A_1996 = arith.muli %gather3A_1992, %mul3A_1995 : vector<16xi32>
        %add3A_1997 = arith.addi %mul3A_1996, %gather3A_1993 : vector<16xi32>
        %eq3A_1998 = arith.constant 3 : i32
        %eq3A_1999 = vector.broadcast %eq3A_1998 : i32 to vector<16xi32>
        %eq3A_2000 = arith.cmpi eq, %add3A_1997, %eq3A_1999 : vector<16xi32>
        %eq3A_2001 = arith.constant 2 : i32
        %eq3A_2002 = vector.broadcast %eq3A_2001 : i32 to vector<16xi32>
        %eq3A_2003 = arith.cmpi eq, %add3A_1997, %eq3A_2002 : vector<16xi32>
        %jit3A_2004 = arith.constant 3 : i32
        %broadcast_in_dim3A_2005 = vector.broadcast %jit3A_2004 : i32 to vector<16xi32>
        %select_n3A_2006 = arith.select %eq3A_2003, %broadcast_in_dim3A_2005, %add3A_1997 : vector<16xi1>, vector<16xi32>
        %jit3A_2007 = arith.constant 2 : i32
        %broadcast_in_dim3A_2008 = vector.broadcast %jit3A_2007 : i32 to vector<16xi32>
        %select_n3A_2009 = arith.select %eq3A_2000, %broadcast_in_dim3A_2008, %select_n3A_2006 : vector<16xi1>, vector<16xi32>
        %eq3A_2010 = arith.constant 3 : i32
        %eq3A_2011 = vector.broadcast %eq3A_2010 : i32 to vector<16xi32>
        %eq3A_2012 = arith.cmpi eq, %select_n3A_2009, %eq3A_2011 : vector<16xi32>
        %jit3A_2013 = arith.constant 0 : i32
        %broadcast_in_dim3A_2014 = vector.broadcast %jit3A_2013 : i32 to vector<16xi32>
        %select_n3A_2015 = arith.select %eq3A_2012, %broadcast_in_dim3A_2014, %select_n3A_2009 : vector<16xi1>, vector<16xi32>
        %swap3A_2016 = arith.constant 0 : i32
        %swap3A_2017 = arith.index_cast %swap3A_2016 : i32 to index
        %swap3A_2018 = arith.constant 64 : index
        %swap3A_2019 = tpu.vector_load %arg14[%swap3A_2017, %swap3A_2018] {strides = array<i32>} : memref<2x80xi32, #tpu.memory_space<vmem>>, vector<16xi32>,
        tpu.vector_store %arg14[%swap3A_2017, %swap3A_2018], %select_n3A_2009 {strides = array<i32>} : memref<2x80xi32, #tpu.memory_space<vmem>>, vector<16xi32>,
        %mul3A_2020 = arith.constant 10000 : i32
        %mul3A_2021 = vector.broadcast %mul3A_2020 : i32 to vector<16xi32>
        %mul3A_2022 = arith.muli %select_n3A_2015, %mul3A_2021 : vector<16xi32>
        %add3A_2023 = arith.addi %mul3A_2022, %get3A_1987 : vector<16xi32>
        %swap3A_2024 = arith.constant 0 : i32
        %swap3A_2025 = arith.index_cast %swap3A_2024 : i32 to index
        %swap3A_2026 = arith.constant 64 : index
        %swap3A_2027 = tpu.vector_load %arg15[%swap3A_2025, %swap3A_2026] {strides = array<i32>} : memref<2x80xi32, #tpu.memory_space<vmem>>, vector<16xi32>,
        tpu.vector_store %arg15[%swap3A_2025, %swap3A_2026], %add3A_2023 {strides = array<i32>} : memref<2x80xi32, #tpu.memory_space<vmem>>, vector<16xi32>,
        %mul3A_2028 = arith.constant 10000 : i32
        %mul3A_2029 = vector.broadcast %mul3A_2028 : i32 to vector<16xi32>
        %mul3A_2030 = arith.muli %select_n3A_2015, %mul3A_2029 : vector<16xi32>
        %add3A_2031 = arith.addi %mul3A_2030, %get3A_1991 : vector<16xi32>
        %swap3A_2032 = arith.constant 0 : i32
        %swap3A_2033 = arith.index_cast %swap3A_2032 : i32 to index
        %swap3A_2034 = arith.constant 64 : index
        %swap3A_2035 = tpu.vector_load %arg16[%swap3A_2033, %swap3A_2034] {strides = array<i32>} : memref<2x80xi32, #tpu.memory_space<vmem>>, vector<16xi32>,
        tpu.vector_store %arg16[%swap3A_2033, %swap3A_2034], %add3A_2031 {strides = array<i32>} : memref<2x80xi32, #tpu.memory_space<vmem>>, vector<16xi32>,
        %dma_start3A_2036 = arith.constant 0 : i32
        %dma_start3A_2037 = arith.constant 0 : i32
        %dma_start3A_2038 = tpu.memref_slice %arg14[%dma_start3A_2036, %dma_start3A_2037] : memref<2x80xi32, #tpu.memory_space<vmem>> -> memref<1x80xi32, #tpu.memory_space<vmem>>
        %dma_start3A_2039 = tpu.memref_squeeze %dma_start3A_2038 : memref<1x80xi32, #tpu.memory_space<vmem>> -> memref<80xi32, #tpu.memory_space<vmem>>
        %dma_start3A_2040 = tpu.memref_slice %arg7[%multiple_of3A_1714] : memref<320000xi32, #tpu.memory_space<hbm>> -> memref<80xi32, #tpu.memory_space<hbm>>
        %dma_start3A_2041 = tpu.memref_slice %arg7[%multiple_of3A_1714] : memref<320000xi32, #tpu.memory_space<hbm>> -> memref<80xi32, #tpu.memory_space<hbm>>
        %dma_start3A_2042 = arith.constant 0 : i32
        %dma_start3A_2043 = tpu.memref_slice %arg14[%dma_start3A_2036, %dma_start3A_2042] : memref<2x80xi32, #tpu.memory_space<vmem>> -> memref<1x80xi32, #tpu.memory_space<vmem>>
        %dma_start3A_2044 = tpu.memref_squeeze %dma_start3A_2043 : memref<1x80xi32, #tpu.memory_space<vmem>> -> memref<80xi32, #tpu.memory_space<vmem>>
        tpu.enqueue_dma source(%dma_start3A_2044 : memref<80xi32, #tpu.memory_space<vmem>>) target(%dma_start3A_2041 : memref<80xi32, #tpu.memory_space<hbm>>) target_semaphore(%arg21 : memref<!tpu.dma_semaphore, #tpu.memory_space<semaphore_mem>>)
        %dma_start3A_2045 = arith.constant 0 : i32
        %dma_start3A_2046 = arith.constant 0 : i32
        %dma_start3A_2047 = tpu.memref_slice %arg15[%dma_start3A_2045, %dma_start3A_2046] : memref<2x80xi32, #tpu.memory_space<vmem>> -> memref<1x80xi32, #tpu.memory_space<vmem>>
        %dma_start3A_2048 = tpu.memref_squeeze %dma_start3A_2047 : memref<1x80xi32, #tpu.memory_space<vmem>> -> memref<80xi32, #tpu.memory_space<vmem>>
        %dma_start3A_2049 = tpu.memref_slice %arg8[%multiple_of3A_1714] : memref<320000xi32, #tpu.memory_space<hbm>> -> memref<80xi32, #tpu.memory_space<hbm>>
        %dma_start3A_2050 = tpu.memref_slice %arg8[%multiple_of3A_1714] : memref<320000xi32, #tpu.memory_space<hbm>> -> memref<80xi32, #tpu.memory_space<hbm>>
        %dma_start3A_2051 = arith.constant 0 : i32
        %dma_start3A_2052 = tpu.memref_slice %arg15[%dma_start3A_2045, %dma_start3A_2051] : memref<2x80xi32, #tpu.memory_space<vmem>> -> memref<1x80xi32, #tpu.memory_space<vmem>>
        %dma_start3A_2053 = tpu.memref_squeeze %dma_start3A_2052 : memref<1x80xi32, #tpu.memory_space<vmem>> -> memref<80xi32, #tpu.memory_space<vmem>>
        tpu.enqueue_dma source(%dma_start3A_2053 : memref<80xi32, #tpu.memory_space<vmem>>) target(%dma_start3A_2050 : memref<80xi32, #tpu.memory_space<hbm>>) target_semaphore(%arg21 : memref<!tpu.dma_semaphore, #tpu.memory_space<semaphore_mem>>)
        %dma_start3A_2054 = arith.constant 0 : i32
        %dma_start3A_2055 = arith.constant 0 : i32
        %dma_start3A_2056 = tpu.memref_slice %arg16[%dma_start3A_2054, %dma_start3A_2055] : memref<2x80xi32, #tpu.memory_space<vmem>> -> memref<1x80xi32, #tpu.memory_space<vmem>>
        %dma_start3A_2057 = tpu.memref_squeeze %dma_start3A_2056 : memref<1x80xi32, #tpu.memory_space<vmem>> -> memref<80xi32, #tpu.memory_space<vmem>>
        %dma_start3A_2058 = tpu.memref_slice %arg9[%multiple_of3A_1714] : memref<320000xi32, #tpu.memory_space<hbm>> -> memref<80xi32, #tpu.memory_space<hbm>>
        %dma_start3A_2059 = tpu.memref_slice %arg9[%multiple_of3A_1714] : memref<320000xi32, #tpu.memory_space<hbm>> -> memref<80xi32, #tpu.memory_space<hbm>>
        %dma_start3A_2060 = arith.constant 0 : i32
        %dma_start3A_2061 = tpu.memref_slice %arg16[%dma_start3A_2054, %dma_start3A_2060] : memref<2x80xi32, #tpu.memory_space<vmem>> -> memref<1x80xi32, #tpu.memory_space<vmem>>
        %dma_start3A_2062 = tpu.memref_squeeze %dma_start3A_2061 : memref<1x80xi32, #tpu.memory_space<vmem>> -> memref<80xi32, #tpu.memory_space<vmem>>
        tpu.enqueue_dma source(%dma_start3A_2062 : memref<80xi32, #tpu.memory_space<vmem>>) target(%dma_start3A_2059 : memref<80xi32, #tpu.memory_space<hbm>>) target_semaphore(%arg21 : memref<!tpu.dma_semaphore, #tpu.memory_space<semaphore_mem>>)
      } else {
      }
      %mul3A_1700 = arith.constant 2 : i32
      %mul3A_1701 = arith.muli %add3A_1691, %mul3A_1700 : i32
      %add3A_1702 = arith.constant 1 : i32
      %add3A_1703 = arith.addi %mul3A_1701, %add3A_1702 : i32
      %lt3A_1704 = arith.constant 125 : i32
      %lt3A_1705 = arith.cmpi slt, %add3A_1703, %lt3A_1704 : i32
      %convert_element_type3A_1706 = arith.extui %lt3A_1705 : i1 to i32
      %cond3A_1707 = arith.constant 0 : i32
      %cond3A_1708 = arith.cmpi ne, %convert_element_type3A_1706, %cond3A_1707 : i32
      scf.if %cond3A_1708 {
        %mul3A_1709 = arith.constant 10000 : i32
        %mul3A_1710 = arith.muli %add3A, %mul3A_1709 : i32
        %mul3A_1711 = arith.constant 80 : i32
        %mul3A_1712 = arith.muli %add3A_1703, %mul3A_1711 : i32
        %add3A_1713 = arith.addi %mul3A_1710, %mul3A_1712 : i32
        %multiple_of3A_1714 = tpu.assume_multiple %add3A_1713, 8 : i32
        %mul3A_1715 = arith.constant 10000 : i32
        %mul3A_1716 = arith.muli %add3A, %mul3A_1715 : i32
        %mul3A_1717 = arith.constant 80 : i32
        %mul3A_1718 = arith.muli %add3A_1703, %mul3A_1717 : i32
        %add3A_1719 = arith.addi %mul3A_1716, %mul3A_1718 : i32
        %multiple_of3A_1720 = tpu.assume_multiple %add3A_1719, 8 : i32
        %dma_wait3A_1721 = arith.constant 1 : i32
        %dma_wait3A_1722 = arith.constant 0 : i32
        %dma_wait3A_1723 = tpu.memref_slice %arg12[%dma_wait3A_1721, %dma_wait3A_1722] : memref<2x80xi32, #tpu.memory_space<vmem>> -> memref<1x80xi32, #tpu.memory_space<vmem>>
        %dma_wait3A_1724 = tpu.memref_squeeze %dma_wait3A_1723 : memref<1x80xi32, #tpu.memory_space<vmem>> -> memref<80xi32, #tpu.memory_space<vmem>>
        %dma_wait3A_1725 = tpu.memref_slice %arg3[%multiple_of3A_1720] : memref<320000xi32, #tpu.memory_space<hbm>> -> memref<80xi32, #tpu.memory_space<hbm>>
        %dma_wait3A_1726 = arith.constant 0 : i32
        %dma_wait3A_1727 = tpu.memref_slice %arg12[%dma_wait3A_1721, %dma_wait3A_1726] : memref<2x80xi32, #tpu.memory_space<vmem>> -> memref<1x80xi32, #tpu.memory_space<vmem>>
        %dma_wait3A_1728 = tpu.memref_squeeze %dma_wait3A_1727 : memref<1x80xi32, #tpu.memory_space<vmem>> -> memref<80xi32, #tpu.memory_space<vmem>>
        %dma_wait3A_1729 = tpu.memref_slice %arg3[%multiple_of3A_1720] : memref<320000xi32, #tpu.memory_space<hbm>> -> memref<80xi32, #tpu.memory_space<hbm>>
        tpu.wait_dma2 semaphore(%arg19 : memref<!tpu.dma_semaphore, #tpu.memory_space<semaphore_mem>>) src(%dma_wait3A_1729 : memref<80xi32, #tpu.memory_space<hbm>>) dst(%dma_wait3A_1728 : memref<80xi32, #tpu.memory_space<vmem>>)
        %dma_wait3A_1730 = arith.constant 1 : i32
        %dma_wait3A_1731 = arith.constant 0 : i32
        %dma_wait3A_1732 = tpu.memref_slice %arg13[%dma_wait3A_1730, %dma_wait3A_1731] : memref<2x80xi32, #tpu.memory_space<vmem>> -> memref<1x80xi32, #tpu.memory_space<vmem>>
        %dma_wait3A_1733 = tpu.memref_squeeze %dma_wait3A_1732 : memref<1x80xi32, #tpu.memory_space<vmem>> -> memref<80xi32, #tpu.memory_space<vmem>>
        %dma_wait3A_1734 = tpu.memref_slice %arg4[%multiple_of3A_1720] : memref<320000xi32, #tpu.memory_space<hbm>> -> memref<80xi32, #tpu.memory_space<hbm>>
        %dma_wait3A_1735 = arith.constant 0 : i32
        %dma_wait3A_1736 = tpu.memref_slice %arg13[%dma_wait3A_1730, %dma_wait3A_1735] : memref<2x80xi32, #tpu.memory_space<vmem>> -> memref<1x80xi32, #tpu.memory_space<vmem>>
        %dma_wait3A_1737 = tpu.memref_squeeze %dma_wait3A_1736 : memref<1x80xi32, #tpu.memory_space<vmem>> -> memref<80xi32, #tpu.memory_space<vmem>>
        %dma_wait3A_1738 = tpu.memref_slice %arg4[%multiple_of3A_1720] : memref<320000xi32, #tpu.memory_space<hbm>> -> memref<80xi32, #tpu.memory_space<hbm>>
        tpu.wait_dma2 semaphore(%arg19 : memref<!tpu.dma_semaphore, #tpu.memory_space<semaphore_mem>>) src(%dma_wait3A_1738 : memref<80xi32, #tpu.memory_space<hbm>>) dst(%dma_wait3A_1737 : memref<80xi32, #tpu.memory_space<vmem>>)
        %dma_wait3A_1739 = arith.constant 1 : i32
        %dma_wait3A_1740 = arith.constant 0 : i32
        %dma_wait3A_1741 = arith.constant 0 : i32
        %dma_wait3A_1742 = tpu.memref_slice %arg11[%dma_wait3A_1739, %dma_wait3A_1740, %dma_wait3A_1741] : memref<2x80x128xf32, #tpu.memory_space<vmem>> -> memref<1x80x128xf32, #tpu.memory_space<vmem>>
        %dma_wait3A_1743 = tpu.memref_squeeze %dma_wait3A_1742 : memref<1x80x128xf32, #tpu.memory_space<vmem>> -> memref<80x128xf32, #tpu.memory_space<vmem>>
        %dma_wait3A_1744 = arith.constant 0 : i32
        %dma_wait3A_1745 = tpu.memref_slice %arg2[%multiple_of3A_1720, %dma_wait3A_1744] : memref<320000x128xf32, #tpu.memory_space<hbm>> -> memref<80x128xf32, #tpu.memory_space<hbm>>
        %dma_wait3A_1746 = arith.constant 0 : i32
        %dma_wait3A_1747 = arith.constant 0 : i32
        %dma_wait3A_1748 = tpu.memref_slice %arg11[%dma_wait3A_1739, %dma_wait3A_1746, %dma_wait3A_1747] : memref<2x80x128xf32, #tpu.memory_space<vmem>> -> memref<1x80x128xf32, #tpu.memory_space<vmem>>
        %dma_wait3A_1749 = tpu.memref_squeeze %dma_wait3A_1748 : memref<1x80x128xf32, #tpu.memory_space<vmem>> -> memref<80x128xf32, #tpu.memory_space<vmem>>
        %dma_wait3A_1750 = arith.constant 0 : i32
        %dma_wait3A_1751 = tpu.memref_slice %arg2[%multiple_of3A_1720, %dma_wait3A_1750] : memref<320000x128xf32, #tpu.memory_space<hbm>> -> memref<80x128xf32, #tpu.memory_space<hbm>>
        tpu.wait_dma2 semaphore(%arg19 : memref<!tpu.dma_semaphore, #tpu.memory_space<semaphore_mem>>) src(%dma_wait3A_1751 : memref<80x128xf32, #tpu.memory_space<hbm>>) dst(%dma_wait3A_1749 : memref<80x128xf32, #tpu.memory_space<vmem>>)
        %dma_start3A_1752 = arith.constant 1 : i32
        %dma_start3A_1753 = arith.constant 1 : i32
        %dma_start3A_1754 = arith.constant 0 : i32
        %dma_start3A_1755 = arith.constant 0 : i32
        %dma_start3A_1756 = tpu.memref_slice %arg11[%dma_start3A_1752, %dma_start3A_1754, %dma_start3A_1755] : memref<2x80x128xf32, #tpu.memory_space<vmem>> -> memref<1x80x128xf32, #tpu.memory_space<vmem>>
        %dma_start3A_1757 = tpu.memref_squeeze %dma_start3A_1756 : memref<1x80x128xf32, #tpu.memory_space<vmem>> -> memref<80x128xf32, #tpu.memory_space<vmem>>
        %dma_start3A_1758 = arith.constant 0 : i32
        %dma_start3A_1759 = tpu.memref_slice %arg13[%dma_start3A_1753, %dma_start3A_1758] : memref<2x80xi32, #tpu.memory_space<vmem>> -> memref<1x80xi32, #tpu.memory_space<vmem>>
        %dma_start3A_1760 = tpu.memref_squeeze %dma_start3A_1759 : memref<1x80xi32, #tpu.memory_space<vmem>> -> memref<80xi32, #tpu.memory_space<vmem>>
        %dma_start3A_1761 = arith.constant 0 : i32
        %dma_start3A_1762 = arith.constant 0 : i32
        %dma_start3A_1763 = tpu.memref_slice %arg18[%dma_start3A_1761, %dma_start3A_1762] : memref<10000x128xf32, #tpu.memory_space<vmem_shared>> -> memref<10000x128xf32, #tpu.memory_space<vmem_shared>>
        tpu.enqueue_indirect_dma source(%dma_start3A_1757 : memref<80x128xf32, #tpu.memory_space<vmem>>) target(%dma_start3A_1763 : memref<10000x128xf32, #tpu.memory_space<vmem_shared>>) offsets(%dma_start3A_1760 : memref<80xi32, #tpu.memory_space<vmem>>) semaphore(%arg20 : memref<!tpu.dma_semaphore, #tpu.memory_space<semaphore_mem>>) {add = true}
        %ge3A = arith.constant 1 : i32
        %ge3A_1764 = arith.cmpi sge, %add3A_1703, %ge3A : i32
        %convert_element_type3A_1765 = arith.extui %ge3A_1764 : i1 to i32
        %cond3A_1766 = arith.constant 0 : i32
        %cond3A_1767 = arith.cmpi ne, %convert_element_type3A_1765, %cond3A_1766 : i32
        scf.if %cond3A_1767 {
          %dma_wait3A_2063 = arith.constant 0 : i32
          %dma_wait3A_2064 = arith.constant 0 : i32
          %dma_wait3A_2065 = arith.constant 0 : i32
          %dma_wait3A_2066 = arith.constant 0 : i32
          %dma_wait3A_2067 = tpu.memref_slice %arg11[%dma_wait3A_2063, %dma_wait3A_2065, %dma_wait3A_2066] : memref<2x80x128xf32, #tpu.memory_space<vmem>> -> memref<1x80x128xf32, #tpu.memory_space<vmem>>
          %dma_wait3A_2068 = tpu.memref_squeeze %dma_wait3A_2067 : memref<1x80x128xf32, #tpu.memory_space<vmem>> -> memref<80x128xf32, #tpu.memory_space<vmem>>
          %dma_wait3A_2069 = arith.constant 0 : i32
          %dma_wait3A_2070 = tpu.memref_slice %arg13[%dma_wait3A_2064, %dma_wait3A_2069] : memref<2x80xi32, #tpu.memory_space<vmem>> -> memref<1x80xi32, #tpu.memory_space<vmem>>
          %dma_wait3A_2071 = tpu.memref_squeeze %dma_wait3A_2070 : memref<1x80xi32, #tpu.memory_space<vmem>> -> memref<80xi32, #tpu.memory_space<vmem>>
          %dma_wait3A_2072 = arith.constant 0 : i32
          %dma_wait3A_2073 = arith.constant 0 : i32
          %dma_wait3A_2074 = tpu.memref_slice %arg18[%dma_wait3A_2072, %dma_wait3A_2073] : memref<10000x128xf32, #tpu.memory_space<vmem_shared>> -> memref<10000x128xf32, #tpu.memory_space<vmem_shared>>
          tpu.wait_indirect_dma semaphore(%arg20 : memref<!tpu.dma_semaphore, #tpu.memory_space<semaphore_mem>>) src(%dma_wait3A_2068 : memref<80x128xf32, #tpu.memory_space<vmem>>) dst(%dma_wait3A_2074 : memref<10000x128xf32, #tpu.memory_space<vmem_shared>>)
        } else {
        }
        %add3A_1768 = arith.constant 1 : i32
        %add3A_1769 = arith.addi %add3A_1703, %add3A_1768 : i32
        %lt3A_1770 = arith.constant 125 : i32
        %lt3A_1771 = arith.cmpi slt, %add3A_1769, %lt3A_1770 : i32
        %convert_element_type3A_1772 = arith.extui %lt3A_1771 : i1 to i32
        %cond3A_1773 = arith.constant 0 : i32
        %cond3A_1774 = arith.cmpi ne, %convert_element_type3A_1772, %cond3A_1773 : i32
        scf.if %cond3A_1774 {
          %add3A_2063 = arith.constant 1 : i32
          %add3A_2064 = arith.addi %add3A_1703, %add3A_2063 : i32
          %mul3A_2065 = arith.constant 10000 : i32
          %mul3A_2066 = arith.muli %add3A, %mul3A_2065 : i32
          %mul3A_2067 = arith.constant 80 : i32
          %mul3A_2068 = arith.muli %add3A_2064, %mul3A_2067 : i32
          %add3A_2069 = arith.addi %mul3A_2066, %mul3A_2068 : i32
          %multiple_of3A_2070 = tpu.assume_multiple %add3A_2069, 8 : i32
          %dma_start3A_2071 = arith.constant 0 : i32
          %dma_start3A_2072 = arith.constant 0 : i32
          %dma_start3A_2073 = tpu.memref_slice %arg12[%dma_start3A_2071, %dma_start3A_2072] : memref<2x80xi32, #tpu.memory_space<vmem>> -> memref<1x80xi32, #tpu.memory_space<vmem>>
          %dma_start3A_2074 = tpu.memref_squeeze %dma_start3A_2073 : memref<1x80xi32, #tpu.memory_space<vmem>> -> memref<80xi32, #tpu.memory_space<vmem>>
          %dma_start3A_2075 = tpu.memref_slice %arg3[%multiple_of3A_2070] : memref<320000xi32, #tpu.memory_space<hbm>> -> memref<80xi32, #tpu.memory_space<hbm>>
          %dma_start3A_2076 = arith.constant 0 : i32
          %dma_start3A_2077 = tpu.memref_slice %arg12[%dma_start3A_2071, %dma_start3A_2076] : memref<2x80xi32, #tpu.memory_space<vmem>> -> memref<1x80xi32, #tpu.memory_space<vmem>>
          %dma_start3A_2078 = tpu.memref_squeeze %dma_start3A_2077 : memref<1x80xi32, #tpu.memory_space<vmem>> -> memref<80xi32, #tpu.memory_space<vmem>>
          %dma_start3A_2079 = tpu.memref_slice %arg3[%multiple_of3A_2070] : memref<320000xi32, #tpu.memory_space<hbm>> -> memref<80xi32, #tpu.memory_space<hbm>>
          tpu.enqueue_dma source(%dma_start3A_2079 : memref<80xi32, #tpu.memory_space<hbm>>) target(%dma_start3A_2078 : memref<80xi32, #tpu.memory_space<vmem>>) target_semaphore(%arg19 : memref<!tpu.dma_semaphore, #tpu.memory_space<semaphore_mem>>)
          %dma_start3A_2080 = arith.constant 0 : i32
          %dma_start3A_2081 = arith.constant 0 : i32
          %dma_start3A_2082 = tpu.memref_slice %arg13[%dma_start3A_2080, %dma_start3A_2081] : memref<2x80xi32, #tpu.memory_space<vmem>> -> memref<1x80xi32, #tpu.memory_space<vmem>>
          %dma_start3A_2083 = tpu.memref_squeeze %dma_start3A_2082 : memref<1x80xi32, #tpu.memory_space<vmem>> -> memref<80xi32, #tpu.memory_space<vmem>>
          %dma_start3A_2084 = tpu.memref_slice %arg4[%multiple_of3A_2070] : memref<320000xi32, #tpu.memory_space<hbm>> -> memref<80xi32, #tpu.memory_space<hbm>>
          %dma_start3A_2085 = arith.constant 0 : i32
          %dma_start3A_2086 = tpu.memref_slice %arg13[%dma_start3A_2080, %dma_start3A_2085] : memref<2x80xi32, #tpu.memory_space<vmem>> -> memref<1x80xi32, #tpu.memory_space<vmem>>
          %dma_start3A_2087 = tpu.memref_squeeze %dma_start3A_2086 : memref<1x80xi32, #tpu.memory_space<vmem>> -> memref<80xi32, #tpu.memory_space<vmem>>
          %dma_start3A_2088 = tpu.memref_slice %arg4[%multiple_of3A_2070] : memref<320000xi32, #tpu.memory_space<hbm>> -> memref<80xi32, #tpu.memory_space<hbm>>
          tpu.enqueue_dma source(%dma_start3A_2088 : memref<80xi32, #tpu.memory_space<hbm>>) target(%dma_start3A_2087 : memref<80xi32, #tpu.memory_space<vmem>>) target_semaphore(%arg19 : memref<!tpu.dma_semaphore, #tpu.memory_space<semaphore_mem>>)
          %dma_start3A_2089 = arith.constant 0 : i32
          %dma_start3A_2090 = arith.constant 0 : i32
          %dma_start3A_2091 = arith.constant 0 : i32
          %dma_start3A_2092 = tpu.memref_slice %arg11[%dma_start3A_2089, %dma_start3A_2090, %dma_start3A_2091] : memref<2x80x128xf32, #tpu.memory_space<vmem>> -> memref<1x80x128xf32, #tpu.memory_space<vmem>>
          %dma_start3A_2093 = tpu.memref_squeeze %dma_start3A_2092 : memref<1x80x128xf32, #tpu.memory_space<vmem>> -> memref<80x128xf32, #tpu.memory_space<vmem>>
          %dma_start3A_2094 = arith.constant 0 : i32
          %dma_start3A_2095 = tpu.memref_slice %arg2[%multiple_of3A_2070, %dma_start3A_2094] : memref<320000x128xf32, #tpu.memory_space<hbm>> -> memref<80x128xf32, #tpu.memory_space<hbm>>
          %dma_start3A_2096 = arith.constant 0 : i32
          %dma_start3A_2097 = arith.constant 0 : i32
          %dma_start3A_2098 = tpu.memref_slice %arg11[%dma_start3A_2089, %dma_start3A_2096, %dma_start3A_2097] : memref<2x80x128xf32, #tpu.memory_space<vmem>> -> memref<1x80x128xf32, #tpu.memory_space<vmem>>
          %dma_start3A_2099 = tpu.memref_squeeze %dma_start3A_2098 : memref<1x80x128xf32, #tpu.memory_space<vmem>> -> memref<80x128xf32, #tpu.memory_space<vmem>>
          %dma_start3A_2100 = arith.constant 0 : i32
          %dma_start3A_2101 = tpu.memref_slice %arg2[%multiple_of3A_2070, %dma_start3A_2100] : memref<320000x128xf32, #tpu.memory_space<hbm>> -> memref<80x128xf32, #tpu.memory_space<hbm>>
          tpu.enqueue_dma source(%dma_start3A_2101 : memref<80x128xf32, #tpu.memory_space<hbm>>) target(%dma_start3A_2099 : memref<80x128xf32, #tpu.memory_space<vmem>>) target_semaphore(%arg19 : memref<!tpu.dma_semaphore, #tpu.memory_space<semaphore_mem>>)
        } else {
        }
        %ge3A_1775 = arith.constant 2 : i32
        %ge3A_1776 = arith.cmpi sge, %add3A_1703, %ge3A_1775 : i32
        %convert_element_type3A_1777 = arith.extui %ge3A_1776 : i1 to i32
        %cond3A_1778 = arith.constant 0 : i32
        %cond3A_1779 = arith.cmpi ne, %convert_element_type3A_1777, %cond3A_1778 : i32
        scf.if %cond3A_1779 {
          %sub3A = arith.constant 2 : i32
          %sub3A_2063 = arith.subi %add3A_1703, %sub3A : i32
          %mul3A_2064 = arith.constant 10000 : i32
          %mul3A_2065 = arith.muli %add3A, %mul3A_2064 : i32
          %mul3A_2066 = arith.constant 80 : i32
          %mul3A_2067 = arith.muli %sub3A_2063, %mul3A_2066 : i32
          %add3A_2068 = arith.addi %mul3A_2065, %mul3A_2067 : i32
          %multiple_of3A_2069 = tpu.assume_multiple %add3A_2068, 8 : i32
          %dma_wait3A_2070 = arith.constant 1 : i32
          %dma_wait3A_2071 = arith.constant 0 : i32
          %dma_wait3A_2072 = tpu.memref_slice %arg14[%dma_wait3A_2070, %dma_wait3A_2071] : memref<2x80xi32, #tpu.memory_space<vmem>> -> memref<1x80xi32, #tpu.memory_space<vmem>>
          %dma_wait3A_2073 = tpu.memref_squeeze %dma_wait3A_2072 : memref<1x80xi32, #tpu.memory_space<vmem>> -> memref<80xi32, #tpu.memory_space<vmem>>
          %dma_wait3A_2074 = tpu.memref_slice %arg7[%multiple_of3A_2069] : memref<320000xi32, #tpu.memory_space<hbm>> -> memref<80xi32, #tpu.memory_space<hbm>>
          %dma_wait3A_2075 = tpu.memref_slice %arg7[%multiple_of3A_2069] : memref<320000xi32, #tpu.memory_space<hbm>> -> memref<80xi32, #tpu.memory_space<hbm>>
          %dma_wait3A_2076 = arith.constant 0 : i32
          %dma_wait3A_2077 = tpu.memref_slice %arg14[%dma_wait3A_2070, %dma_wait3A_2076] : memref<2x80xi32, #tpu.memory_space<vmem>> -> memref<1x80xi32, #tpu.memory_space<vmem>>
          %dma_wait3A_2078 = tpu.memref_squeeze %dma_wait3A_2077 : memref<1x80xi32, #tpu.memory_space<vmem>> -> memref<80xi32, #tpu.memory_space<vmem>>
          tpu.wait_dma2 semaphore(%arg21 : memref<!tpu.dma_semaphore, #tpu.memory_space<semaphore_mem>>) src(%dma_wait3A_2078 : memref<80xi32, #tpu.memory_space<vmem>>) dst(%dma_wait3A_2075 : memref<80xi32, #tpu.memory_space<hbm>>)
          %dma_wait3A_2079 = arith.constant 1 : i32
          %dma_wait3A_2080 = arith.constant 0 : i32
          %dma_wait3A_2081 = tpu.memref_slice %arg15[%dma_wait3A_2079, %dma_wait3A_2080] : memref<2x80xi32, #tpu.memory_space<vmem>> -> memref<1x80xi32, #tpu.memory_space<vmem>>
          %dma_wait3A_2082 = tpu.memref_squeeze %dma_wait3A_2081 : memref<1x80xi32, #tpu.memory_space<vmem>> -> memref<80xi32, #tpu.memory_space<vmem>>
          %dma_wait3A_2083 = tpu.memref_slice %arg8[%multiple_of3A_2069] : memref<320000xi32, #tpu.memory_space<hbm>> -> memref<80xi32, #tpu.memory_space<hbm>>
          %dma_wait3A_2084 = tpu.memref_slice %arg8[%multiple_of3A_2069] : memref<320000xi32, #tpu.memory_space<hbm>> -> memref<80xi32, #tpu.memory_space<hbm>>
          %dma_wait3A_2085 = arith.constant 0 : i32
          %dma_wait3A_2086 = tpu.memref_slice %arg15[%dma_wait3A_2079, %dma_wait3A_2085] : memref<2x80xi32, #tpu.memory_space<vmem>> -> memref<1x80xi32, #tpu.memory_space<vmem>>
          %dma_wait3A_2087 = tpu.memref_squeeze %dma_wait3A_2086 : memref<1x80xi32, #tpu.memory_space<vmem>> -> memref<80xi32, #tpu.memory_space<vmem>>
          tpu.wait_dma2 semaphore(%arg21 : memref<!tpu.dma_semaphore, #tpu.memory_space<semaphore_mem>>) src(%dma_wait3A_2087 : memref<80xi32, #tpu.memory_space<vmem>>) dst(%dma_wait3A_2084 : memref<80xi32, #tpu.memory_space<hbm>>)
          %dma_wait3A_2088 = arith.constant 1 : i32
          %dma_wait3A_2089 = arith.constant 0 : i32
          %dma_wait3A_2090 = tpu.memref_slice %arg16[%dma_wait3A_2088, %dma_wait3A_2089] : memref<2x80xi32, #tpu.memory_space<vmem>> -> memref<1x80xi32, #tpu.memory_space<vmem>>
          %dma_wait3A_2091 = tpu.memref_squeeze %dma_wait3A_2090 : memref<1x80xi32, #tpu.memory_space<vmem>> -> memref<80xi32, #tpu.memory_space<vmem>>
          %dma_wait3A_2092 = tpu.memref_slice %arg9[%multiple_of3A_2069] : memref<320000xi32, #tpu.memory_space<hbm>> -> memref<80xi32, #tpu.memory_space<hbm>>
          %dma_wait3A_2093 = tpu.memref_slice %arg9[%multiple_of3A_2069] : memref<320000xi32, #tpu.memory_space<hbm>> -> memref<80xi32, #tpu.memory_space<hbm>>
          %dma_wait3A_2094 = arith.constant 0 : i32
          %dma_wait3A_2095 = tpu.memref_slice %arg16[%dma_wait3A_2088, %dma_wait3A_2094] : memref<2x80xi32, #tpu.memory_space<vmem>> -> memref<1x80xi32, #tpu.memory_space<vmem>>
          %dma_wait3A_2096 = tpu.memref_squeeze %dma_wait3A_2095 : memref<1x80xi32, #tpu.memory_space<vmem>> -> memref<80xi32, #tpu.memory_space<vmem>>
          tpu.wait_dma2 semaphore(%arg21 : memref<!tpu.dma_semaphore, #tpu.memory_space<semaphore_mem>>) src(%dma_wait3A_2096 : memref<80xi32, #tpu.memory_space<vmem>>) dst(%dma_wait3A_2093 : memref<80xi32, #tpu.memory_space<hbm>>)
        } else {
        }
        %get3A = arith.constant 1 : i32
        %get3A_1780 = arith.index_cast %get3A : i32 to index
        %get3A_1781 = arith.constant 0 : index
        %get3A_1782 = tpu.vector_load %arg12[%get3A_1780, %get3A_1781] {strides = array<i32>} : memref<2x80xi32, #tpu.memory_space<vmem>>, vector<16xi32>,
        %get3A_1783 = arith.constant 1 : i32
        %get3A_1784 = arith.index_cast %get3A_1783 : i32 to index
        %get3A_1785 = arith.constant 0 : index
        %get3A_1786 = tpu.vector_load %arg13[%get3A_1784, %get3A_1785] {strides = array<i32>} : memref<2x80xi32, #tpu.memory_space<vmem>>, vector<16xi32>,
        %gather3A = tpu.vector_load_idx %arg10[%get3A_1782] : memref<10000xi32, #tpu.memory_space<vmem>>[vector<16xi32>], vector<16xi32>,
        %gather3A_1787 = tpu.vector_load_idx %arg10[%get3A_1786] : memref<10000xi32, #tpu.memory_space<vmem>>[vector<16xi32>], vector<16xi32>,
        %mul3A_1788 = arith.constant 2 : i32
        %mul3A_1789 = vector.broadcast %mul3A_1788 : i32 to vector<16xi32>
        %mul3A_1790 = arith.muli %gather3A, %mul3A_1789 : vector<16xi32>
        %add3A_1791 = arith.addi %mul3A_1790, %gather3A_1787 : vector<16xi32>
        %eq3A_1792 = arith.constant 3 : i32
        %eq3A_1793 = vector.broadcast %eq3A_1792 : i32 to vector<16xi32>
        %eq3A_1794 = arith.cmpi eq, %add3A_1791, %eq3A_1793 : vector<16xi32>
        %eq3A_1795 = arith.constant 2 : i32
        %eq3A_1796 = vector.broadcast %eq3A_1795 : i32 to vector<16xi32>
        %eq3A_1797 = arith.cmpi eq, %add3A_1791, %eq3A_1796 : vector<16xi32>
        %jit3A = arith.constant 3 : i32
        %broadcast_in_dim3A_1798 = vector.broadcast %jit3A : i32 to vector<16xi32>
        %select_n3A = arith.select %eq3A_1797, %broadcast_in_dim3A_1798, %add3A_1791 : vector<16xi1>, vector<16xi32>
        %jit3A_1799 = arith.constant 2 : i32
        %broadcast_in_dim3A_1800 = vector.broadcast %jit3A_1799 : i32 to vector<16xi32>
        %select_n3A_1801 = arith.select %eq3A_1794, %broadcast_in_dim3A_1800, %select_n3A : vector<16xi1>, vector<16xi32>
        %eq3A_1802 = arith.constant 3 : i32
        %eq3A_1803 = vector.broadcast %eq3A_1802 : i32 to vector<16xi32>
        %eq3A_1804 = arith.cmpi eq, %select_n3A_1801, %eq3A_1803 : vector<16xi32>
        %jit3A_1805 = arith.constant 0 : i32
        %broadcast_in_dim3A_1806 = vector.broadcast %jit3A_1805 : i32 to vector<16xi32>
        %select_n3A_1807 = arith.select %eq3A_1804, %broadcast_in_dim3A_1806, %select_n3A_1801 : vector<16xi1>, vector<16xi32>
        %swap3A_1808 = arith.constant 1 : i32
        %swap3A_1809 = arith.index_cast %swap3A_1808 : i32 to index
        %swap3A_1810 = arith.constant 0 : index
        %swap3A_1811 = tpu.vector_load %arg14[%swap3A_1809, %swap3A_1810] {strides = array<i32>} : memref<2x80xi32, #tpu.memory_space<vmem>>, vector<16xi32>,
        tpu.vector_store %arg14[%swap3A_1809, %swap3A_1810], %select_n3A_1801 {strides = array<i32>} : memref<2x80xi32, #tpu.memory_space<vmem>>, vector<16xi32>,
        %mul3A_1812 = arith.constant 10000 : i32
        %mul3A_1813 = vector.broadcast %mul3A_1812 : i32 to vector<16xi32>
        %mul3A_1814 = arith.muli %select_n3A_1807, %mul3A_1813 : vector<16xi32>
        %add3A_1815 = arith.addi %mul3A_1814, %get3A_1782 : vector<16xi32>
        %swap3A_1816 = arith.constant 1 : i32
        %swap3A_1817 = arith.index_cast %swap3A_1816 : i32 to index
        %swap3A_1818 = arith.constant 0 : index
        %swap3A_1819 = tpu.vector_load %arg15[%swap3A_1817, %swap3A_1818] {strides = array<i32>} : memref<2x80xi32, #tpu.memory_space<vmem>>, vector<16xi32>,
        tpu.vector_store %arg15[%swap3A_1817, %swap3A_1818], %add3A_1815 {strides = array<i32>} : memref<2x80xi32, #tpu.memory_space<vmem>>, vector<16xi32>,
        %mul3A_1820 = arith.constant 10000 : i32
        %mul3A_1821 = vector.broadcast %mul3A_1820 : i32 to vector<16xi32>
        %mul3A_1822 = arith.muli %select_n3A_1807, %mul3A_1821 : vector<16xi32>
        %add3A_1823 = arith.addi %mul3A_1822, %get3A_1786 : vector<16xi32>
        %swap3A_1824 = arith.constant 1 : i32
        %swap3A_1825 = arith.index_cast %swap3A_1824 : i32 to index
        %swap3A_1826 = arith.constant 0 : index
        %swap3A_1827 = tpu.vector_load %arg16[%swap3A_1825, %swap3A_1826] {strides = array<i32>} : memref<2x80xi32, #tpu.memory_space<vmem>>, vector<16xi32>,
        tpu.vector_store %arg16[%swap3A_1825, %swap3A_1826], %add3A_1823 {strides = array<i32>} : memref<2x80xi32, #tpu.memory_space<vmem>>, vector<16xi32>,
        %get3A_1828 = arith.constant 1 : i32
        %get3A_1829 = arith.index_cast %get3A_1828 : i32 to index
        %get3A_1830 = arith.constant 16 : index
        %get3A_1831 = tpu.vector_load %arg12[%get3A_1829, %get3A_1830] {strides = array<i32>} : memref<2x80xi32, #tpu.memory_space<vmem>>, vector<16xi32>,
        %get3A_1832 = arith.constant 1 : i32
        %get3A_1833 = arith.index_cast %get3A_1832 : i32 to index
        %get3A_1834 = arith.constant 16 : index
        %get3A_1835 = tpu.vector_load %arg13[%get3A_1833, %get3A_1834] {strides = array<i32>} : memref<2x80xi32, #tpu.memory_space<vmem>>, vector<16xi32>,
        %gather3A_1836 = tpu.vector_load_idx %arg10[%get3A_1831] : memref<10000xi32, #tpu.memory_space<vmem>>[vector<16xi32>], vector<16xi32>,
        %gather3A_1837 = tpu.vector_load_idx %arg10[%get3A_1835] : memref<10000xi32, #tpu.memory_space<vmem>>[vector<16xi32>], vector<16xi32>,
        %mul3A_1838 = arith.constant 2 : i32
        %mul3A_1839 = vector.broadcast %mul3A_1838 : i32 to vector<16xi32>
        %mul3A_1840 = arith.muli %gather3A_1836, %mul3A_1839 : vector<16xi32>
        %add3A_1841 = arith.addi %mul3A_1840, %gather3A_1837 : vector<16xi32>
        %eq3A_1842 = arith.constant 3 : i32
        %eq3A_1843 = vector.broadcast %eq3A_1842 : i32 to vector<16xi32>
        %eq3A_1844 = arith.cmpi eq, %add3A_1841, %eq3A_1843 : vector<16xi32>
        %eq3A_1845 = arith.constant 2 : i32
        %eq3A_1846 = vector.broadcast %eq3A_1845 : i32 to vector<16xi32>
        %eq3A_1847 = arith.cmpi eq, %add3A_1841, %eq3A_1846 : vector<16xi32>
        %jit3A_1848 = arith.constant 3 : i32
        %broadcast_in_dim3A_1849 = vector.broadcast %jit3A_1848 : i32 to vector<16xi32>
        %select_n3A_1850 = arith.select %eq3A_1847, %broadcast_in_dim3A_1849, %add3A_1841 : vector<16xi1>, vector<16xi32>
        %jit3A_1851 = arith.constant 2 : i32
        %broadcast_in_dim3A_1852 = vector.broadcast %jit3A_1851 : i32 to vector<16xi32>
        %select_n3A_1853 = arith.select %eq3A_1844, %broadcast_in_dim3A_1852, %select_n3A_1850 : vector<16xi1>, vector<16xi32>
        %eq3A_1854 = arith.constant 3 : i32
        %eq3A_1855 = vector.broadcast %eq3A_1854 : i32 to vector<16xi32>
        %eq3A_1856 = arith.cmpi eq, %select_n3A_1853, %eq3A_1855 : vector<16xi32>
        %jit3A_1857 = arith.constant 0 : i32
        %broadcast_in_dim3A_1858 = vector.broadcast %jit3A_1857 : i32 to vector<16xi32>
        %select_n3A_1859 = arith.select %eq3A_1856, %broadcast_in_dim3A_1858, %select_n3A_1853 : vector<16xi1>, vector<16xi32>
        %swap3A_1860 = arith.constant 1 : i32
        %swap3A_1861 = arith.index_cast %swap3A_1860 : i32 to index
        %swap3A_1862 = arith.constant 16 : index
        %swap3A_1863 = tpu.vector_load %arg14[%swap3A_1861, %swap3A_1862] {strides = array<i32>} : memref<2x80xi32, #tpu.memory_space<vmem>>, vector<16xi32>,
        tpu.vector_store %arg14[%swap3A_1861, %swap3A_1862], %select_n3A_1853 {strides = array<i32>} : memref<2x80xi32, #tpu.memory_space<vmem>>, vector<16xi32>,
        %mul3A_1864 = arith.constant 10000 : i32
        %mul3A_1865 = vector.broadcast %mul3A_1864 : i32 to vector<16xi32>
        %mul3A_1866 = arith.muli %select_n3A_1859, %mul3A_1865 : vector<16xi32>
        %add3A_1867 = arith.addi %mul3A_1866, %get3A_1831 : vector<16xi32>
        %swap3A_1868 = arith.constant 1 : i32
        %swap3A_1869 = arith.index_cast %swap3A_1868 : i32 to index
        %swap3A_1870 = arith.constant 16 : index
        %swap3A_1871 = tpu.vector_load %arg15[%swap3A_1869, %swap3A_1870] {strides = array<i32>} : memref<2x80xi32, #tpu.memory_space<vmem>>, vector<16xi32>,
        tpu.vector_store %arg15[%swap3A_1869, %swap3A_1870], %add3A_1867 {strides = array<i32>} : memref<2x80xi32, #tpu.memory_space<vmem>>, vector<16xi32>,
        %mul3A_1872 = arith.constant 10000 : i32
        %mul3A_1873 = vector.broadcast %mul3A_1872 : i32 to vector<16xi32>
        %mul3A_1874 = arith.muli %select_n3A_1859, %mul3A_1873 : vector<16xi32>
        %add3A_1875 = arith.addi %mul3A_1874, %get3A_1835 : vector<16xi32>
        %swap3A_1876 = arith.constant 1 : i32
        %swap3A_1877 = arith.index_cast %swap3A_1876 : i32 to index
        %swap3A_1878 = arith.constant 16 : index
        %swap3A_1879 = tpu.vector_load %arg16[%swap3A_1877, %swap3A_1878] {strides = array<i32>} : memref<2x80xi32, #tpu.memory_space<vmem>>, vector<16xi32>,
        tpu.vector_store %arg16[%swap3A_1877, %swap3A_1878], %add3A_1875 {strides = array<i32>} : memref<2x80xi32, #tpu.memory_space<vmem>>, vector<16xi32>,
        %get3A_1880 = arith.constant 1 : i32
        %get3A_1881 = arith.index_cast %get3A_1880 : i32 to index
        %get3A_1882 = arith.constant 32 : index
        %get3A_1883 = tpu.vector_load %arg12[%get3A_1881, %get3A_1882] {strides = array<i32>} : memref<2x80xi32, #tpu.memory_space<vmem>>, vector<16xi32>,
        %get3A_1884 = arith.constant 1 : i32
        %get3A_1885 = arith.index_cast %get3A_1884 : i32 to index
        %get3A_1886 = arith.constant 32 : index
        %get3A_1887 = tpu.vector_load %arg13[%get3A_1885, %get3A_1886] {strides = array<i32>} : memref<2x80xi32, #tpu.memory_space<vmem>>, vector<16xi32>,
        %gather3A_1888 = tpu.vector_load_idx %arg10[%get3A_1883] : memref<10000xi32, #tpu.memory_space<vmem>>[vector<16xi32>], vector<16xi32>,
        %gather3A_1889 = tpu.vector_load_idx %arg10[%get3A_1887] : memref<10000xi32, #tpu.memory_space<vmem>>[vector<16xi32>], vector<16xi32>,
        %mul3A_1890 = arith.constant 2 : i32
        %mul3A_1891 = vector.broadcast %mul3A_1890 : i32 to vector<16xi32>
        %mul3A_1892 = arith.muli %gather3A_1888, %mul3A_1891 : vector<16xi32>
        %add3A_1893 = arith.addi %mul3A_1892, %gather3A_1889 : vector<16xi32>
        %eq3A_1894 = arith.constant 3 : i32
        %eq3A_1895 = vector.broadcast %eq3A_1894 : i32 to vector<16xi32>
        %eq3A_1896 = arith.cmpi eq, %add3A_1893, %eq3A_1895 : vector<16xi32>
        %eq3A_1897 = arith.constant 2 : i32
        %eq3A_1898 = vector.broadcast %eq3A_1897 : i32 to vector<16xi32>
        %eq3A_1899 = arith.cmpi eq, %add3A_1893, %eq3A_1898 : vector<16xi32>
        %jit3A_1900 = arith.constant 3 : i32
        %broadcast_in_dim3A_1901 = vector.broadcast %jit3A_1900 : i32 to vector<16xi32>
        %select_n3A_1902 = arith.select %eq3A_1899, %broadcast_in_dim3A_1901, %add3A_1893 : vector<16xi1>, vector<16xi32>
        %jit3A_1903 = arith.constant 2 : i32
        %broadcast_in_dim3A_1904 = vector.broadcast %jit3A_1903 : i32 to vector<16xi32>
        %select_n3A_1905 = arith.select %eq3A_1896, %broadcast_in_dim3A_1904, %select_n3A_1902 : vector<16xi1>, vector<16xi32>
        %eq3A_1906 = arith.constant 3 : i32
        %eq3A_1907 = vector.broadcast %eq3A_1906 : i32 to vector<16xi32>
        %eq3A_1908 = arith.cmpi eq, %select_n3A_1905, %eq3A_1907 : vector<16xi32>
        %jit3A_1909 = arith.constant 0 : i32
        %broadcast_in_dim3A_1910 = vector.broadcast %jit3A_1909 : i32 to vector<16xi32>
        %select_n3A_1911 = arith.select %eq3A_1908, %broadcast_in_dim3A_1910, %select_n3A_1905 : vector<16xi1>, vector<16xi32>
        %swap3A_1912 = arith.constant 1 : i32
        %swap3A_1913 = arith.index_cast %swap3A_1912 : i32 to index
        %swap3A_1914 = arith.constant 32 : index
        %swap3A_1915 = tpu.vector_load %arg14[%swap3A_1913, %swap3A_1914] {strides = array<i32>} : memref<2x80xi32, #tpu.memory_space<vmem>>, vector<16xi32>,
        tpu.vector_store %arg14[%swap3A_1913, %swap3A_1914], %select_n3A_1905 {strides = array<i32>} : memref<2x80xi32, #tpu.memory_space<vmem>>, vector<16xi32>,
        %mul3A_1916 = arith.constant 10000 : i32
        %mul3A_1917 = vector.broadcast %mul3A_1916 : i32 to vector<16xi32>
        %mul3A_1918 = arith.muli %select_n3A_1911, %mul3A_1917 : vector<16xi32>
        %add3A_1919 = arith.addi %mul3A_1918, %get3A_1883 : vector<16xi32>
        %swap3A_1920 = arith.constant 1 : i32
        %swap3A_1921 = arith.index_cast %swap3A_1920 : i32 to index
        %swap3A_1922 = arith.constant 32 : index
        %swap3A_1923 = tpu.vector_load %arg15[%swap3A_1921, %swap3A_1922] {strides = array<i32>} : memref<2x80xi32, #tpu.memory_space<vmem>>, vector<16xi32>,
        tpu.vector_store %arg15[%swap3A_1921, %swap3A_1922], %add3A_1919 {strides = array<i32>} : memref<2x80xi32, #tpu.memory_space<vmem>>, vector<16xi32>,
        %mul3A_1924 = arith.constant 10000 : i32
        %mul3A_1925 = vector.broadcast %mul3A_1924 : i32 to vector<16xi32>
        %mul3A_1926 = arith.muli %select_n3A_1911, %mul3A_1925 : vector<16xi32>
        %add3A_1927 = arith.addi %mul3A_1926, %get3A_1887 : vector<16xi32>
        %swap3A_1928 = arith.constant 1 : i32
        %swap3A_1929 = arith.index_cast %swap3A_1928 : i32 to index
        %swap3A_1930 = arith.constant 32 : index
        %swap3A_1931 = tpu.vector_load %arg16[%swap3A_1929, %swap3A_1930] {strides = array<i32>} : memref<2x80xi32, #tpu.memory_space<vmem>>, vector<16xi32>,
        tpu.vector_store %arg16[%swap3A_1929, %swap3A_1930], %add3A_1927 {strides = array<i32>} : memref<2x80xi32, #tpu.memory_space<vmem>>, vector<16xi32>,
        %get3A_1932 = arith.constant 1 : i32
        %get3A_1933 = arith.index_cast %get3A_1932 : i32 to index
        %get3A_1934 = arith.constant 48 : index
        %get3A_1935 = tpu.vector_load %arg12[%get3A_1933, %get3A_1934] {strides = array<i32>} : memref<2x80xi32, #tpu.memory_space<vmem>>, vector<16xi32>,
        %get3A_1936 = arith.constant 1 : i32
        %get3A_1937 = arith.index_cast %get3A_1936 : i32 to index
        %get3A_1938 = arith.constant 48 : index
        %get3A_1939 = tpu.vector_load %arg13[%get3A_1937, %get3A_1938] {strides = array<i32>} : memref<2x80xi32, #tpu.memory_space<vmem>>, vector<16xi32>,
        %gather3A_1940 = tpu.vector_load_idx %arg10[%get3A_1935] : memref<10000xi32, #tpu.memory_space<vmem>>[vector<16xi32>], vector<16xi32>,
        %gather3A_1941 = tpu.vector_load_idx %arg10[%get3A_1939] : memref<10000xi32, #tpu.memory_space<vmem>>[vector<16xi32>], vector<16xi32>,
        %mul3A_1942 = arith.constant 2 : i32
        %mul3A_1943 = vector.broadcast %mul3A_1942 : i32 to vector<16xi32>
        %mul3A_1944 = arith.muli %gather3A_1940, %mul3A_1943 : vector<16xi32>
        %add3A_1945 = arith.addi %mul3A_1944, %gather3A_1941 : vector<16xi32>
        %eq3A_1946 = arith.constant 3 : i32
        %eq3A_1947 = vector.broadcast %eq3A_1946 : i32 to vector<16xi32>
        %eq3A_1948 = arith.cmpi eq, %add3A_1945, %eq3A_1947 : vector<16xi32>
        %eq3A_1949 = arith.constant 2 : i32
        %eq3A_1950 = vector.broadcast %eq3A_1949 : i32 to vector<16xi32>
        %eq3A_1951 = arith.cmpi eq, %add3A_1945, %eq3A_1950 : vector<16xi32>
        %jit3A_1952 = arith.constant 3 : i32
        %broadcast_in_dim3A_1953 = vector.broadcast %jit3A_1952 : i32 to vector<16xi32>
        %select_n3A_1954 = arith.select %eq3A_1951, %broadcast_in_dim3A_1953, %add3A_1945 : vector<16xi1>, vector<16xi32>
        %jit3A_1955 = arith.constant 2 : i32
        %broadcast_in_dim3A_1956 = vector.broadcast %jit3A_1955 : i32 to vector<16xi32>
        %select_n3A_1957 = arith.select %eq3A_1948, %broadcast_in_dim3A_1956, %select_n3A_1954 : vector<16xi1>, vector<16xi32>
        %eq3A_1958 = arith.constant 3 : i32
        %eq3A_1959 = vector.broadcast %eq3A_1958 : i32 to vector<16xi32>
        %eq3A_1960 = arith.cmpi eq, %select_n3A_1957, %eq3A_1959 : vector<16xi32>
        %jit3A_1961 = arith.constant 0 : i32
        %broadcast_in_dim3A_1962 = vector.broadcast %jit3A_1961 : i32 to vector<16xi32>
        %select_n3A_1963 = arith.select %eq3A_1960, %broadcast_in_dim3A_1962, %select_n3A_1957 : vector<16xi1>, vector<16xi32>
        %swap3A_1964 = arith.constant 1 : i32
        %swap3A_1965 = arith.index_cast %swap3A_1964 : i32 to index
        %swap3A_1966 = arith.constant 48 : index
        %swap3A_1967 = tpu.vector_load %arg14[%swap3A_1965, %swap3A_1966] {strides = array<i32>} : memref<2x80xi32, #tpu.memory_space<vmem>>, vector<16xi32>,
        tpu.vector_store %arg14[%swap3A_1965, %swap3A_1966], %select_n3A_1957 {strides = array<i32>} : memref<2x80xi32, #tpu.memory_space<vmem>>, vector<16xi32>,
        %mul3A_1968 = arith.constant 10000 : i32
        %mul3A_1969 = vector.broadcast %mul3A_1968 : i32 to vector<16xi32>
        %mul3A_1970 = arith.muli %select_n3A_1963, %mul3A_1969 : vector<16xi32>
        %add3A_1971 = arith.addi %mul3A_1970, %get3A_1935 : vector<16xi32>
        %swap3A_1972 = arith.constant 1 : i32
        %swap3A_1973 = arith.index_cast %swap3A_1972 : i32 to index
        %swap3A_1974 = arith.constant 48 : index
        %swap3A_1975 = tpu.vector_load %arg15[%swap3A_1973, %swap3A_1974] {strides = array<i32>} : memref<2x80xi32, #tpu.memory_space<vmem>>, vector<16xi32>,
        tpu.vector_store %arg15[%swap3A_1973, %swap3A_1974], %add3A_1971 {strides = array<i32>} : memref<2x80xi32, #tpu.memory_space<vmem>>, vector<16xi32>,
        %mul3A_1976 = arith.constant 10000 : i32
        %mul3A_1977 = vector.broadcast %mul3A_1976 : i32 to vector<16xi32>
        %mul3A_1978 = arith.muli %select_n3A_1963, %mul3A_1977 : vector<16xi32>
        %add3A_1979 = arith.addi %mul3A_1978, %get3A_1939 : vector<16xi32>
        %swap3A_1980 = arith.constant 1 : i32
        %swap3A_1981 = arith.index_cast %swap3A_1980 : i32 to index
        %swap3A_1982 = arith.constant 48 : index
        %swap3A_1983 = tpu.vector_load %arg16[%swap3A_1981, %swap3A_1982] {strides = array<i32>} : memref<2x80xi32, #tpu.memory_space<vmem>>, vector<16xi32>,
        tpu.vector_store %arg16[%swap3A_1981, %swap3A_1982], %add3A_1979 {strides = array<i32>} : memref<2x80xi32, #tpu.memory_space<vmem>>, vector<16xi32>,
        %get3A_1984 = arith.constant 1 : i32
        %get3A_1985 = arith.index_cast %get3A_1984 : i32 to index
        %get3A_1986 = arith.constant 64 : index
        %get3A_1987 = tpu.vector_load %arg12[%get3A_1985, %get3A_1986] {strides = array<i32>} : memref<2x80xi32, #tpu.memory_space<vmem>>, vector<16xi32>,
        %get3A_1988 = arith.constant 1 : i32
        %get3A_1989 = arith.index_cast %get3A_1988 : i32 to index
        %get3A_1990 = arith.constant 64 : index
        %get3A_1991 = tpu.vector_load %arg13[%get3A_1989, %get3A_1990] {strides = array<i32>} : memref<2x80xi32, #tpu.memory_space<vmem>>, vector<16xi32>,
        %gather3A_1992 = tpu.vector_load_idx %arg10[%get3A_1987] : memref<10000xi32, #tpu.memory_space<vmem>>[vector<16xi32>], vector<16xi32>,
        %gather3A_1993 = tpu.vector_load_idx %arg10[%get3A_1991] : memref<10000xi32, #tpu.memory_space<vmem>>[vector<16xi32>], vector<16xi32>,
        %mul3A_1994 = arith.constant 2 : i32
        %mul3A_1995 = vector.broadcast %mul3A_1994 : i32 to vector<16xi32>
        %mul3A_1996 = arith.muli %gather3A_1992, %mul3A_1995 : vector<16xi32>
        %add3A_1997 = arith.addi %mul3A_1996, %gather3A_1993 : vector<16xi32>
        %eq3A_1998 = arith.constant 3 : i32
        %eq3A_1999 = vector.broadcast %eq3A_1998 : i32 to vector<16xi32>
        %eq3A_2000 = arith.cmpi eq, %add3A_1997, %eq3A_1999 : vector<16xi32>
        %eq3A_2001 = arith.constant 2 : i32
        %eq3A_2002 = vector.broadcast %eq3A_2001 : i32 to vector<16xi32>
        %eq3A_2003 = arith.cmpi eq, %add3A_1997, %eq3A_2002 : vector<16xi32>
        %jit3A_2004 = arith.constant 3 : i32
        %broadcast_in_dim3A_2005 = vector.broadcast %jit3A_2004 : i32 to vector<16xi32>
        %select_n3A_2006 = arith.select %eq3A_2003, %broadcast_in_dim3A_2005, %add3A_1997 : vector<16xi1>, vector<16xi32>
        %jit3A_2007 = arith.constant 2 : i32
        %broadcast_in_dim3A_2008 = vector.broadcast %jit3A_2007 : i32 to vector<16xi32>
        %select_n3A_2009 = arith.select %eq3A_2000, %broadcast_in_dim3A_2008, %select_n3A_2006 : vector<16xi1>, vector<16xi32>
        %eq3A_2010 = arith.constant 3 : i32
        %eq3A_2011 = vector.broadcast %eq3A_2010 : i32 to vector<16xi32>
        %eq3A_2012 = arith.cmpi eq, %select_n3A_2009, %eq3A_2011 : vector<16xi32>
        %jit3A_2013 = arith.constant 0 : i32
        %broadcast_in_dim3A_2014 = vector.broadcast %jit3A_2013 : i32 to vector<16xi32>
        %select_n3A_2015 = arith.select %eq3A_2012, %broadcast_in_dim3A_2014, %select_n3A_2009 : vector<16xi1>, vector<16xi32>
        %swap3A_2016 = arith.constant 1 : i32
        %swap3A_2017 = arith.index_cast %swap3A_2016 : i32 to index
        %swap3A_2018 = arith.constant 64 : index
        %swap3A_2019 = tpu.vector_load %arg14[%swap3A_2017, %swap3A_2018] {strides = array<i32>} : memref<2x80xi32, #tpu.memory_space<vmem>>, vector<16xi32>,
        tpu.vector_store %arg14[%swap3A_2017, %swap3A_2018], %select_n3A_2009 {strides = array<i32>} : memref<2x80xi32, #tpu.memory_space<vmem>>, vector<16xi32>,
        %mul3A_2020 = arith.constant 10000 : i32
        %mul3A_2021 = vector.broadcast %mul3A_2020 : i32 to vector<16xi32>
        %mul3A_2022 = arith.muli %select_n3A_2015, %mul3A_2021 : vector<16xi32>
        %add3A_2023 = arith.addi %mul3A_2022, %get3A_1987 : vector<16xi32>
        %swap3A_2024 = arith.constant 1 : i32
        %swap3A_2025 = arith.index_cast %swap3A_2024 : i32 to index
        %swap3A_2026 = arith.constant 64 : index
        %swap3A_2027 = tpu.vector_load %arg15[%swap3A_2025, %swap3A_2026] {strides = array<i32>} : memref<2x80xi32, #tpu.memory_space<vmem>>, vector<16xi32>,
        tpu.vector_store %arg15[%swap3A_2025, %swap3A_2026], %add3A_2023 {strides = array<i32>} : memref<2x80xi32, #tpu.memory_space<vmem>>, vector<16xi32>,
        %mul3A_2028 = arith.constant 10000 : i32
        %mul3A_2029 = vector.broadcast %mul3A_2028 : i32 to vector<16xi32>
        %mul3A_2030 = arith.muli %select_n3A_2015, %mul3A_2029 : vector<16xi32>
        %add3A_2031 = arith.addi %mul3A_2030, %get3A_1991 : vector<16xi32>
        %swap3A_2032 = arith.constant 1 : i32
        %swap3A_2033 = arith.index_cast %swap3A_2032 : i32 to index
        %swap3A_2034 = arith.constant 64 : index
        %swap3A_2035 = tpu.vector_load %arg16[%swap3A_2033, %swap3A_2034] {strides = array<i32>} : memref<2x80xi32, #tpu.memory_space<vmem>>, vector<16xi32>,
        tpu.vector_store %arg16[%swap3A_2033, %swap3A_2034], %add3A_2031 {strides = array<i32>} : memref<2x80xi32, #tpu.memory_space<vmem>>, vector<16xi32>,
        %dma_start3A_2036 = arith.constant 1 : i32
        %dma_start3A_2037 = arith.constant 0 : i32
        %dma_start3A_2038 = tpu.memref_slice %arg14[%dma_start3A_2036, %dma_start3A_2037] : memref<2x80xi32, #tpu.memory_space<vmem>> -> memref<1x80xi32, #tpu.memory_space<vmem>>
        %dma_start3A_2039 = tpu.memref_squeeze %dma_start3A_2038 : memref<1x80xi32, #tpu.memory_space<vmem>> -> memref<80xi32, #tpu.memory_space<vmem>>
        %dma_start3A_2040 = tpu.memref_slice %arg7[%multiple_of3A_1714] : memref<320000xi32, #tpu.memory_space<hbm>> -> memref<80xi32, #tpu.memory_space<hbm>>
        %dma_start3A_2041 = tpu.memref_slice %arg7[%multiple_of3A_1714] : memref<320000xi32, #tpu.memory_space<hbm>> -> memref<80xi32, #tpu.memory_space<hbm>>
        %dma_start3A_2042 = arith.constant 0 : i32
        %dma_start3A_2043 = tpu.memref_slice %arg14[%dma_start3A_2036, %dma_start3A_2042] : memref<2x80xi32, #tpu.memory_space<vmem>> -> memref<1x80xi32, #tpu.memory_space<vmem>>
        %dma_start3A_2044 = tpu.memref_squeeze %dma_start3A_2043 : memref<1x80xi32, #tpu.memory_space<vmem>> -> memref<80xi32, #tpu.memory_space<vmem>>
        tpu.enqueue_dma source(%dma_start3A_2044 : memref<80xi32, #tpu.memory_space<vmem>>) target(%dma_start3A_2041 : memref<80xi32, #tpu.memory_space<hbm>>) target_semaphore(%arg21 : memref<!tpu.dma_semaphore, #tpu.memory_space<semaphore_mem>>)
        %dma_start3A_2045 = arith.constant 1 : i32
        %dma_start3A_2046 = arith.constant 0 : i32
        %dma_start3A_2047 = tpu.memref_slice %arg15[%dma_start3A_2045, %dma_start3A_2046] : memref<2x80xi32, #tpu.memory_space<vmem>> -> memref<1x80xi32, #tpu.memory_space<vmem>>
        %dma_start3A_2048 = tpu.memref_squeeze %dma_start3A_2047 : memref<1x80xi32, #tpu.memory_space<vmem>> -> memref<80xi32, #tpu.memory_space<vmem>>
        %dma_start3A_2049 = tpu.memref_slice %arg8[%multiple_of3A_1714] : memref<320000xi32, #tpu.memory_space<hbm>> -> memref<80xi32, #tpu.memory_space<hbm>>
        %dma_start3A_2050 = tpu.memref_slice %arg8[%multiple_of3A_1714] : memref<320000xi32, #tpu.memory_space<hbm>> -> memref<80xi32, #tpu.memory_space<hbm>>
        %dma_start3A_2051 = arith.constant 0 : i32
        %dma_start3A_2052 = tpu.memref_slice %arg15[%dma_start3A_2045, %dma_start3A_2051] : memref<2x80xi32, #tpu.memory_space<vmem>> -> memref<1x80xi32, #tpu.memory_space<vmem>>
        %dma_start3A_2053 = tpu.memref_squeeze %dma_start3A_2052 : memref<1x80xi32, #tpu.memory_space<vmem>> -> memref<80xi32, #tpu.memory_space<vmem>>
        tpu.enqueue_dma source(%dma_start3A_2053 : memref<80xi32, #tpu.memory_space<vmem>>) target(%dma_start3A_2050 : memref<80xi32, #tpu.memory_space<hbm>>) target_semaphore(%arg21 : memref<!tpu.dma_semaphore, #tpu.memory_space<semaphore_mem>>)
        %dma_start3A_2054 = arith.constant 1 : i32
        %dma_start3A_2055 = arith.constant 0 : i32
        %dma_start3A_2056 = tpu.memref_slice %arg16[%dma_start3A_2054, %dma_start3A_2055] : memref<2x80xi32, #tpu.memory_space<vmem>> -> memref<1x80xi32, #tpu.memory_space<vmem>>
        %dma_start3A_2057 = tpu.memref_squeeze %dma_start3A_2056 : memref<1x80xi32, #tpu.memory_space<vmem>> -> memref<80xi32, #tpu.memory_space<vmem>>
        %dma_start3A_2058 = tpu.memref_slice %arg9[%multiple_of3A_1714] : memref<320000xi32, #tpu.memory_space<hbm>> -> memref<80xi32, #tpu.memory_space<hbm>>
        %dma_start3A_2059 = tpu.memref_slice %arg9[%multiple_of3A_1714] : memref<320000xi32, #tpu.memory_space<hbm>> -> memref<80xi32, #tpu.memory_space<hbm>>
        %dma_start3A_2060 = arith.constant 0 : i32
        %dma_start3A_2061 = tpu.memref_slice %arg16[%dma_start3A_2054, %dma_start3A_2060] : memref<2x80xi32, #tpu.memory_space<vmem>> -> memref<1x80xi32, #tpu.memory_space<vmem>>
        %dma_start3A_2062 = tpu.memref_squeeze %dma_start3A_2061 : memref<1x80xi32, #tpu.memory_space<vmem>> -> memref<80xi32, #tpu.memory_space<vmem>>
        tpu.enqueue_dma source(%dma_start3A_2062 : memref<80xi32, #tpu.memory_space<vmem>>) target(%dma_start3A_2059 : memref<80xi32, #tpu.memory_space<hbm>>) target_semaphore(%arg21 : memref<!tpu.dma_semaphore, #tpu.memory_space<semaphore_mem>>)
      } else {
      }
    }
    %scan3A_1605 = arith.constant 63 : i32
    %dma_wait3A = arith.constant 0 : i32
    %dma_wait3A_1606 = arith.constant 0 : i32
    %dma_wait3A_1607 = arith.constant 0 : i32
    %dma_wait3A_1608 = arith.constant 0 : i32
    %dma_wait3A_1609 = tpu.memref_slice %arg11[%dma_wait3A, %dma_wait3A_1607, %dma_wait3A_1608] : memref<2x80x128xf32, #tpu.memory_space<vmem>> -> memref<1x80x128xf32, #tpu.memory_space<vmem>>
    %dma_wait3A_1610 = tpu.memref_squeeze %dma_wait3A_1609 : memref<1x80x128xf32, #tpu.memory_space<vmem>> -> memref<80x128xf32, #tpu.memory_space<vmem>>
    %dma_wait3A_1611 = arith.constant 0 : i32
    %dma_wait3A_1612 = tpu.memref_slice %arg13[%dma_wait3A_1606, %dma_wait3A_1611] : memref<2x80xi32, #tpu.memory_space<vmem>> -> memref<1x80xi32, #tpu.memory_space<vmem>>
    %dma_wait3A_1613 = tpu.memref_squeeze %dma_wait3A_1612 : memref<1x80xi32, #tpu.memory_space<vmem>> -> memref<80xi32, #tpu.memory_space<vmem>>
    %dma_wait3A_1614 = arith.constant 0 : i32
    %dma_wait3A_1615 = arith.constant 0 : i32
    %dma_wait3A_1616 = tpu.memref_slice %arg18[%dma_wait3A_1614, %dma_wait3A_1615] : memref<10000x128xf32, #tpu.memory_space<vmem_shared>> -> memref<10000x128xf32, #tpu.memory_space<vmem_shared>>
    tpu.wait_indirect_dma semaphore(%arg20 : memref<!tpu.dma_semaphore, #tpu.memory_space<semaphore_mem>>) src(%dma_wait3A_1610 : memref<80x128xf32, #tpu.memory_space<vmem>>) dst(%dma_wait3A_1616 : memref<10000x128xf32, #tpu.memory_space<vmem_shared>>)
    %mul3A_1617 = arith.constant 10000 : i32
    %mul3A_1618 = arith.muli %add3A, %mul3A_1617 : i32
    %add3A_1619 = arith.constant 9840 : i32
    %add3A_1620 = arith.addi %mul3A_1618, %add3A_1619 : i32
    %multiple_of3A_1621 = tpu.assume_multiple %add3A_1620, 8 : i32
    %dma_wait3A_1622 = arith.constant 1 : i32
    %dma_wait3A_1623 = arith.constant 0 : i32
    %dma_wait3A_1624 = tpu.memref_slice %arg14[%dma_wait3A_1622, %dma_wait3A_1623] : memref<2x80xi32, #tpu.memory_space<vmem>> -> memref<1x80xi32, #tpu.memory_space<vmem>>
    %dma_wait3A_1625 = tpu.memref_squeeze %dma_wait3A_1624 : memref<1x80xi32, #tpu.memory_space<vmem>> -> memref<80xi32, #tpu.memory_space<vmem>>
    %dma_wait3A_1626 = tpu.memref_slice %arg7[%multiple_of3A_1621] : memref<320000xi32, #tpu.memory_space<hbm>> -> memref<80xi32, #tpu.memory_space<hbm>>
    %dma_wait3A_1627 = tpu.memref_slice %arg7[%multiple_of3A_1621] : memref<320000xi32, #tpu.memory_space<hbm>> -> memref<80xi32, #tpu.memory_space<hbm>>
    %dma_wait3A_1628 = arith.constant 0 : i32
    %dma_wait3A_1629 = tpu.memref_slice %arg14[%dma_wait3A_1622, %dma_wait3A_1628] : memref<2x80xi32, #tpu.memory_space<vmem>> -> memref<1x80xi32, #tpu.memory_space<vmem>>
    %dma_wait3A_1630 = tpu.memref_squeeze %dma_wait3A_1629 : memref<1x80xi32, #tpu.memory_space<vmem>> -> memref<80xi32, #tpu.memory_space<vmem>>
    tpu.wait_dma2 semaphore(%arg21 : memref<!tpu.dma_semaphore, #tpu.memory_space<semaphore_mem>>) src(%dma_wait3A_1630 : memref<80xi32, #tpu.memory_space<vmem>>) dst(%dma_wait3A_1627 : memref<80xi32, #tpu.memory_space<hbm>>)
    %dma_wait3A_1631 = arith.constant 1 : i32
    %dma_wait3A_1632 = arith.constant 0 : i32
    %dma_wait3A_1633 = tpu.memref_slice %arg15[%dma_wait3A_1631, %dma_wait3A_1632] : memref<2x80xi32, #tpu.memory_space<vmem>> -> memref<1x80xi32, #tpu.memory_space<vmem>>
    %dma_wait3A_1634 = tpu.memref_squeeze %dma_wait3A_1633 : memref<1x80xi32, #tpu.memory_space<vmem>> -> memref<80xi32, #tpu.memory_space<vmem>>
    %dma_wait3A_1635 = tpu.memref_slice %arg8[%multiple_of3A_1621] : memref<320000xi32, #tpu.memory_space<hbm>> -> memref<80xi32, #tpu.memory_space<hbm>>
    %dma_wait3A_1636 = tpu.memref_slice %arg8[%multiple_of3A_1621] : memref<320000xi32, #tpu.memory_space<hbm>> -> memref<80xi32, #tpu.memory_space<hbm>>
    %dma_wait3A_1637 = arith.constant 0 : i32
    %dma_wait3A_1638 = tpu.memref_slice %arg15[%dma_wait3A_1631, %dma_wait3A_1637] : memref<2x80xi32, #tpu.memory_space<vmem>> -> memref<1x80xi32, #tpu.memory_space<vmem>>
    %dma_wait3A_1639 = tpu.memref_squeeze %dma_wait3A_1638 : memref<1x80xi32, #tpu.memory_space<vmem>> -> memref<80xi32, #tpu.memory_space<vmem>>
    tpu.wait_dma2 semaphore(%arg21 : memref<!tpu.dma_semaphore, #tpu.memory_space<semaphore_mem>>) src(%dma_wait3A_1639 : memref<80xi32, #tpu.memory_space<vmem>>) dst(%dma_wait3A_1636 : memref<80xi32, #tpu.memory_space<hbm>>)
    %dma_wait3A_1640 = arith.constant 1 : i32
    %dma_wait3A_1641 = arith.constant 0 : i32
    %dma_wait3A_1642 = tpu.memref_slice %arg16[%dma_wait3A_1640, %dma_wait3A_1641] : memref<2x80xi32, #tpu.memory_space<vmem>> -> memref<1x80xi32, #tpu.memory_space<vmem>>
    %dma_wait3A_1643 = tpu.memref_squeeze %dma_wait3A_1642 : memref<1x80xi32, #tpu.memory_space<vmem>> -> memref<80xi32, #tpu.memory_space<vmem>>
    %dma_wait3A_1644 = tpu.memref_slice %arg9[%multiple_of3A_1621] : memref<320000xi32, #tpu.memory_space<hbm>> -> memref<80xi32, #tpu.memory_space<hbm>>
    %dma_wait3A_1645 = tpu.memref_slice %arg9[%multiple_of3A_1621] : memref<320000xi32, #tpu.memory_space<hbm>> -> memref<80xi32, #tpu.memory_space<hbm>>
    %dma_wait3A_1646 = arith.constant 0 : i32
    %dma_wait3A_1647 = tpu.memref_slice %arg16[%dma_wait3A_1640, %dma_wait3A_1646] : memref<2x80xi32, #tpu.memory_space<vmem>> -> memref<1x80xi32, #tpu.memory_space<vmem>>
    %dma_wait3A_1648 = tpu.memref_squeeze %dma_wait3A_1647 : memref<1x80xi32, #tpu.memory_space<vmem>> -> memref<80xi32, #tpu.memory_space<vmem>>
    tpu.wait_dma2 semaphore(%arg21 : memref<!tpu.dma_semaphore, #tpu.memory_space<semaphore_mem>>) src(%dma_wait3A_1648 : memref<80xi32, #tpu.memory_space<vmem>>) dst(%dma_wait3A_1645 : memref<80xi32, #tpu.memory_space<hbm>>)
    %mul3A_1649 = arith.constant 10000 : i32
    %mul3A_1650 = arith.muli %add3A, %mul3A_1649 : i32
    %add3A_1651 = arith.constant 9920 : i32
    %add3A_1652 = arith.addi %mul3A_1650, %add3A_1651 : i32
    %multiple_of3A_1653 = tpu.assume_multiple %add3A_1652, 8 : i32
    %dma_wait3A_1654 = arith.constant 0 : i32
    %dma_wait3A_1655 = arith.constant 0 : i32
    %dma_wait3A_1656 = tpu.memref_slice %arg14[%dma_wait3A_1654, %dma_wait3A_1655] : memref<2x80xi32, #tpu.memory_space<vmem>> -> memref<1x80xi32, #tpu.memory_space<vmem>>
    %dma_wait3A_1657 = tpu.memref_squeeze %dma_wait3A_1656 : memref<1x80xi32, #tpu.memory_space<vmem>> -> memref<80xi32, #tpu.memory_space<vmem>>
    %dma_wait3A_1658 = tpu.memref_slice %arg7[%multiple_of3A_1653] : memref<320000xi32, #tpu.memory_space<hbm>> -> memref<80xi32, #tpu.memory_space<hbm>>
    %dma_wait3A_1659 = tpu.memref_slice %arg7[%multiple_of3A_1653] : memref<320000xi32, #tpu.memory_space<hbm>> -> memref<80xi32, #tpu.memory_space<hbm>>
    %dma_wait3A_1660 = arith.constant 0 : i32
    %dma_wait3A_1661 = tpu.memref_slice %arg14[%dma_wait3A_1654, %dma_wait3A_1660] : memref<2x80xi32, #tpu.memory_space<vmem>> -> memref<1x80xi32, #tpu.memory_space<vmem>>
    %dma_wait3A_1662 = tpu.memref_squeeze %dma_wait3A_1661 : memref<1x80xi32, #tpu.memory_space<vmem>> -> memref<80xi32, #tpu.memory_space<vmem>>
    tpu.wait_dma2 semaphore(%arg21 : memref<!tpu.dma_semaphore, #tpu.memory_space<semaphore_mem>>) src(%dma_wait3A_1662 : memref<80xi32, #tpu.memory_space<vmem>>) dst(%dma_wait3A_1659 : memref<80xi32, #tpu.memory_space<hbm>>)
    %dma_wait3A_1663 = arith.constant 0 : i32
    %dma_wait3A_1664 = arith.constant 0 : i32
    %dma_wait3A_1665 = tpu.memref_slice %arg15[%dma_wait3A_1663, %dma_wait3A_1664] : memref<2x80xi32, #tpu.memory_space<vmem>> -> memref<1x80xi32, #tpu.memory_space<vmem>>
    %dma_wait3A_1666 = tpu.memref_squeeze %dma_wait3A_1665 : memref<1x80xi32, #tpu.memory_space<vmem>> -> memref<80xi32, #tpu.memory_space<vmem>>
    %dma_wait3A_1667 = tpu.memref_slice %arg8[%multiple_of3A_1653] : memref<320000xi32, #tpu.memory_space<hbm>> -> memref<80xi32, #tpu.memory_space<hbm>>
    %dma_wait3A_1668 = tpu.memref_slice %arg8[%multiple_of3A_1653] : memref<320000xi32, #tpu.memory_space<hbm>> -> memref<80xi32, #tpu.memory_space<hbm>>
    %dma_wait3A_1669 = arith.constant 0 : i32
    %dma_wait3A_1670 = tpu.memref_slice %arg15[%dma_wait3A_1663, %dma_wait3A_1669] : memref<2x80xi32, #tpu.memory_space<vmem>> -> memref<1x80xi32, #tpu.memory_space<vmem>>
    %dma_wait3A_1671 = tpu.memref_squeeze %dma_wait3A_1670 : memref<1x80xi32, #tpu.memory_space<vmem>> -> memref<80xi32, #tpu.memory_space<vmem>>
    tpu.wait_dma2 semaphore(%arg21 : memref<!tpu.dma_semaphore, #tpu.memory_space<semaphore_mem>>) src(%dma_wait3A_1671 : memref<80xi32, #tpu.memory_space<vmem>>) dst(%dma_wait3A_1668 : memref<80xi32, #tpu.memory_space<hbm>>)
    %dma_wait3A_1672 = arith.constant 0 : i32
    %dma_wait3A_1673 = arith.constant 0 : i32
    %dma_wait3A_1674 = tpu.memref_slice %arg16[%dma_wait3A_1672, %dma_wait3A_1673] : memref<2x80xi32, #tpu.memory_space<vmem>> -> memref<1x80xi32, #tpu.memory_space<vmem>>
    %dma_wait3A_1675 = tpu.memref_squeeze %dma_wait3A_1674 : memref<1x80xi32, #tpu.memory_space<vmem>> -> memref<80xi32, #tpu.memory_space<vmem>>
    %dma_wait3A_1676 = tpu.memref_slice %arg9[%multiple_of3A_1653] : memref<320000xi32, #tpu.memory_space<hbm>> -> memref<80xi32, #tpu.memory_space<hbm>>
    %dma_wait3A_1677 = tpu.memref_slice %arg9[%multiple_of3A_1653] : memref<320000xi32, #tpu.memory_space<hbm>> -> memref<80xi32, #tpu.memory_space<hbm>>
    %dma_wait3A_1678 = arith.constant 0 : i32
    %dma_wait3A_1679 = tpu.memref_slice %arg16[%dma_wait3A_1672, %dma_wait3A_1678] : memref<2x80xi32, #tpu.memory_space<vmem>> -> memref<1x80xi32, #tpu.memory_space<vmem>>
    %dma_wait3A_1680 = tpu.memref_squeeze %dma_wait3A_1679 : memref<1x80xi32, #tpu.memory_space<vmem>> -> memref<80xi32, #tpu.memory_space<vmem>>
    tpu.wait_dma2 semaphore(%arg21 : memref<!tpu.dma_semaphore, #tpu.memory_space<semaphore_mem>>) src(%dma_wait3A_1680 : memref<80xi32, #tpu.memory_space<vmem>>) dst(%dma_wait3A_1677 : memref<80xi32, #tpu.memory_space<hbm>>)
    %barrier3A_1681 = arith.constant 0 : index
    tpu.barrier barrier_id(%barrier3A_1681)
    "tpu.region"() ({
      %run_scoped3A = tpu.sem_alloc : memref<!tpu.dma_semaphore, #tpu.memory_space<semaphore_mem>>
      %dma_start3A_1687 = arith.constant 0 : i32
      %dma_start3A_1688 = tpu.memref_slice %arg6[%arg0, %multiple_of3A, %dma_start3A_1687] : memref<2x10000x128xf32, #tpu.memory_space<hbm>> -> memref<1x624x128xf32, #tpu.memory_space<hbm>>
      %dma_start3A_1689 = tpu.memref_squeeze %dma_start3A_1688 : memref<1x624x128xf32, #tpu.memory_space<hbm>> -> memref<624x128xf32, #tpu.memory_space<hbm>>
      %dma_start3A_1690 = arith.constant 0 : i32
      %dma_start3A_1691 = tpu.memref_slice %arg18[%multiple_of3A, %dma_start3A_1690] : memref<10000x128xf32, #tpu.memory_space<vmem_shared>> -> memref<624x128xf32, #tpu.memory_space<vmem_shared>>
      tpu.enqueue_dma source(%dma_start3A_1691 : memref<624x128xf32, #tpu.memory_space<vmem_shared>>) target(%dma_start3A_1689 : memref<624x128xf32, #tpu.memory_space<hbm>>) target_semaphore(%run_scoped3A : memref<!tpu.dma_semaphore, #tpu.memory_space<semaphore_mem>>)
      %dma_wait3A_1692 = arith.constant 0 : i32
      %dma_wait3A_1693 = tpu.memref_slice %arg6[%arg0, %multiple_of3A, %dma_wait3A_1692] : memref<2x10000x128xf32, #tpu.memory_space<hbm>> -> memref<1x624x128xf32, #tpu.memory_space<hbm>>
      %dma_wait3A_1694 = tpu.memref_squeeze %dma_wait3A_1693 : memref<1x624x128xf32, #tpu.memory_space<hbm>> -> memref<624x128xf32, #tpu.memory_space<hbm>>
      %dma_wait3A_1695 = arith.constant 0 : i32
      %dma_wait3A_1696 = tpu.memref_slice %arg18[%multiple_of3A, %dma_wait3A_1695] : memref<10000x128xf32, #tpu.memory_space<vmem_shared>> -> memref<624x128xf32, #tpu.memory_space<vmem_shared>>
      tpu.wait_dma2 semaphore(%run_scoped3A : memref<!tpu.dma_semaphore, #tpu.memory_space<semaphore_mem>>) src(%dma_wait3A_1696 : memref<624x128xf32, #tpu.memory_space<vmem_shared>>) dst(%dma_wait3A_1694 : memref<624x128xf32, #tpu.memory_space<hbm>>)
      tpu.yield
    }) : () -> ()
    %eq3A_1682 = arith.constant 0 : i32
    %eq3A_1683 = arith.cmpi eq, %arg1, %eq3A_1682 : i32
    %convert_element_type3A_1684 = arith.extui %eq3A_1683 : i1 to i32
    %cond3A_1685 = arith.constant 0 : i32
    %cond3A_1686 = arith.cmpi ne, %convert_element_type3A_1684, %cond3A_1685 : i32
    scf.if %cond3A_1686 {
      "tpu.region"() ({
        %run_scoped3A = tpu.sem_alloc : memref<!tpu.dma_semaphore, #tpu.memory_space<semaphore_mem>>
        %dma_start3A_1687 = arith.constant 9984 : i32
        %dma_start3A_1688 = arith.constant 0 : i32
        %dma_start3A_1689 = tpu.memref_slice %arg6[%arg0, %dma_start3A_1687, %dma_start3A_1688] : memref<2x10000x128xf32, #tpu.memory_space<hbm>> -> memref<1x16x128xf32, #tpu.memory_space<hbm>>
        %dma_start3A_1690 = tpu.memref_squeeze %dma_start3A_1689 : memref<1x16x128xf32, #tpu.memory_space<hbm>> -> memref<16x128xf32, #tpu.memory_space<hbm>>
        %dma_start3A_1691 = arith.constant 9984 : i32
        %dma_start3A_1692 = arith.constant 0 : i32
        %dma_start3A_1693 = tpu.memref_slice %arg18[%dma_start3A_1691, %dma_start3A_1692] : memref<10000x128xf32, #tpu.memory_space<vmem_shared>> -> memref<16x128xf32, #tpu.memory_space<vmem_shared>>
        tpu.enqueue_dma source(%dma_start3A_1693 : memref<16x128xf32, #tpu.memory_space<vmem_shared>>) target(%dma_start3A_1690 : memref<16x128xf32, #tpu.memory_space<hbm>>) target_semaphore(%run_scoped3A : memref<!tpu.dma_semaphore, #tpu.memory_space<semaphore_mem>>)
        %dma_wait3A_1694 = arith.constant 9984 : i32
        %dma_wait3A_1695 = arith.constant 0 : i32
        %dma_wait3A_1696 = tpu.memref_slice %arg6[%arg0, %dma_wait3A_1694, %dma_wait3A_1695] : memref<2x10000x128xf32, #tpu.memory_space<hbm>> -> memref<1x16x128xf32, #tpu.memory_space<hbm>>
        %dma_wait3A_1697 = tpu.memref_squeeze %dma_wait3A_1696 : memref<1x16x128xf32, #tpu.memory_space<hbm>> -> memref<16x128xf32, #tpu.memory_space<hbm>>
        %dma_wait3A_1698 = arith.constant 9984 : i32
        %dma_wait3A_1699 = arith.constant 0 : i32
        %dma_wait3A_1700 = tpu.memref_slice %arg18[%dma_wait3A_1698, %dma_wait3A_1699] : memref<10000x128xf32, #tpu.memory_space<vmem_shared>> -> memref<16x128xf32, #tpu.memory_space<vmem_shared>>
        tpu.wait_dma2 semaphore(%run_scoped3A : memref<!tpu.dma_semaphore, #tpu.memory_space<semaphore_mem>>) src(%dma_wait3A_1700 : memref<16x128xf32, #tpu.memory_space<vmem_shared>>) dst(%dma_wait3A_1697 : memref<16x128xf32, #tpu.memory_space<hbm>>)
        tpu.yield
      }) : () -> ()
    } else {
    }
    return
  }
}

#map = affine_map<(d0, d1) -> (0, 0)>
#map1 = affine_map<(d0, d1) -> (0)>
module attributes {stable_mosaic.version = 14 : i64} {
  func.func @body(%arg0: i32, %arg1: i32, %arg2: memref<30000x128xf32, #tpu.memory_space<hbm>>, %arg3: memref<30000x128xf32, #tpu.memory_space<hbm>>, %arg4: memref<320000xi32, #tpu.memory_space<hbm>>, %arg5: memref<320000xi32, #tpu.memory_space<hbm>>, %arg6: memref<320000x128xf32, #tpu.memory_space<hbm>>, %arg7: memref<2x80xi32, #tpu.memory_space<vmem>>, %arg8: memref<2x80xi32, #tpu.memory_space<vmem>>, %arg9: memref<2x80x128xf32, #tpu.memory_space<vmem>>, %arg10: memref<!tpu.dma_semaphore, #tpu.memory_space<semaphore_mem>>, %arg11: memref<!tpu.dma_semaphore, #tpu.memory_space<semaphore_mem>>, %arg12: memref<!tpu.dma_semaphore, #tpu.memory_space<semaphore_mem>>, %arg13: memref<!tpu.dma_semaphore, #tpu.memory_space<semaphore_mem>>) attributes {dimension_semantics = [#tpu.dimension_semantics<core_parallel>, #tpu.dimension_semantics<subcore_parallel>], iteration_bounds = array<i64: 2, 16>, scalar_prefetch = 0 : i64, scratch_operands = 7 : i64, tpu.core_type = #tpu.core_type<sc_vector_subcore>, window_params = [{transform_indices = #map}, {transform_indices = #map}, {transform_indices = #map1}, {transform_indices = #map1}, {transform_indices = #map}]} {
    %mul3A = arith.constant 16 : i32
    %mul3A_0 = arith.muli %arg0, %mul3A : i32
    %add3A = arith.addi %mul3A_0, %arg1 : i32
    %mul3A_1 = arith.constant 10000 : i32
    %mul3A_2 = arith.muli %add3A, %mul3A_1 : i32
    %add3A_3 = arith.constant 0 : i32
    %add3A_4 = arith.addi %mul3A_2, %add3A_3 : i32
    %multiple_of3A = tpu.assume_multiple %add3A_4, 8 : i32
    %dma_start3A = arith.constant 0 : i32
    %dma_start3A_5 = arith.constant 0 : i32
    %dma_start3A_6 = tpu.memref_slice %arg7[%dma_start3A, %dma_start3A_5] : memref<2x80xi32, #tpu.memory_space<vmem>> -> memref<1x80xi32, #tpu.memory_space<vmem>>
    %dma_start3A_7 = tpu.memref_squeeze %dma_start3A_6 : memref<1x80xi32, #tpu.memory_space<vmem>> -> memref<80xi32, #tpu.memory_space<vmem>>
    %dma_start3A_8 = tpu.memref_slice %arg4[%multiple_of3A] : memref<320000xi32, #tpu.memory_space<hbm>> -> memref<80xi32, #tpu.memory_space<hbm>>
    %dma_start3A_9 = arith.constant 0 : i32
    %dma_start3A_10 = tpu.memref_slice %arg7[%dma_start3A, %dma_start3A_9] : memref<2x80xi32, #tpu.memory_space<vmem>> -> memref<1x80xi32, #tpu.memory_space<vmem>>
    %dma_start3A_11 = tpu.memref_squeeze %dma_start3A_10 : memref<1x80xi32, #tpu.memory_space<vmem>> -> memref<80xi32, #tpu.memory_space<vmem>>
    %dma_start3A_12 = tpu.memref_slice %arg4[%multiple_of3A] : memref<320000xi32, #tpu.memory_space<hbm>> -> memref<80xi32, #tpu.memory_space<hbm>>
    tpu.enqueue_dma source(%dma_start3A_12 : memref<80xi32, #tpu.memory_space<hbm>>) target(%dma_start3A_11 : memref<80xi32, #tpu.memory_space<vmem>>) target_semaphore(%arg12 : memref<!tpu.dma_semaphore, #tpu.memory_space<semaphore_mem>>)
    %dma_start3A_13 = arith.constant 0 : i32
    %dma_start3A_14 = arith.constant 0 : i32
    %dma_start3A_15 = tpu.memref_slice %arg8[%dma_start3A_13, %dma_start3A_14] : memref<2x80xi32, #tpu.memory_space<vmem>> -> memref<1x80xi32, #tpu.memory_space<vmem>>
    %dma_start3A_16 = tpu.memref_squeeze %dma_start3A_15 : memref<1x80xi32, #tpu.memory_space<vmem>> -> memref<80xi32, #tpu.memory_space<vmem>>
    %dma_start3A_17 = tpu.memref_slice %arg5[%multiple_of3A] : memref<320000xi32, #tpu.memory_space<hbm>> -> memref<80xi32, #tpu.memory_space<hbm>>
    %dma_start3A_18 = arith.constant 0 : i32
    %dma_start3A_19 = tpu.memref_slice %arg8[%dma_start3A_13, %dma_start3A_18] : memref<2x80xi32, #tpu.memory_space<vmem>> -> memref<1x80xi32, #tpu.memory_space<vmem>>
    %dma_start3A_20 = tpu.memref_squeeze %dma_start3A_19 : memref<1x80xi32, #tpu.memory_space<vmem>> -> memref<80xi32, #tpu.memory_space<vmem>>
    %dma_start3A_21 = tpu.memref_slice %arg5[%multiple_of3A] : memref<320000xi32, #tpu.memory_space<hbm>> -> memref<80xi32, #tpu.memory_space<hbm>>
    tpu.enqueue_dma source(%dma_start3A_21 : memref<80xi32, #tpu.memory_space<hbm>>) target(%dma_start3A_20 : memref<80xi32, #tpu.memory_space<vmem>>) target_semaphore(%arg12 : memref<!tpu.dma_semaphore, #tpu.memory_space<semaphore_mem>>)
    %mul3A_22 = arith.constant 10000 : i32
    %mul3A_23 = arith.muli %add3A, %mul3A_22 : i32
    %add3A_24 = arith.constant 0 : i32
    %add3A_25 = arith.addi %mul3A_23, %add3A_24 : i32
    %multiple_of3A_26 = tpu.assume_multiple %add3A_25, 8 : i32
    %dma_wait3A = arith.constant 0 : i32
    %dma_wait3A_27 = arith.constant 0 : i32
    %dma_wait3A_28 = tpu.memref_slice %arg7[%dma_wait3A, %dma_wait3A_27] : memref<2x80xi32, #tpu.memory_space<vmem>> -> memref<1x80xi32, #tpu.memory_space<vmem>>
    %dma_wait3A_29 = tpu.memref_squeeze %dma_wait3A_28 : memref<1x80xi32, #tpu.memory_space<vmem>> -> memref<80xi32, #tpu.memory_space<vmem>>
    %dma_wait3A_30 = tpu.memref_slice %arg4[%multiple_of3A_26] : memref<320000xi32, #tpu.memory_space<hbm>> -> memref<80xi32, #tpu.memory_space<hbm>>
    %dma_wait3A_31 = arith.constant 0 : i32
    %dma_wait3A_32 = tpu.memref_slice %arg7[%dma_wait3A, %dma_wait3A_31] : memref<2x80xi32, #tpu.memory_space<vmem>> -> memref<1x80xi32, #tpu.memory_space<vmem>>
    %dma_wait3A_33 = tpu.memref_squeeze %dma_wait3A_32 : memref<1x80xi32, #tpu.memory_space<vmem>> -> memref<80xi32, #tpu.memory_space<vmem>>
    %dma_wait3A_34 = tpu.memref_slice %arg4[%multiple_of3A_26] : memref<320000xi32, #tpu.memory_space<hbm>> -> memref<80xi32, #tpu.memory_space<hbm>>
    tpu.wait_dma2 semaphore(%arg12 : memref<!tpu.dma_semaphore, #tpu.memory_space<semaphore_mem>>) src(%dma_wait3A_34 : memref<80xi32, #tpu.memory_space<hbm>>) dst(%dma_wait3A_33 : memref<80xi32, #tpu.memory_space<vmem>>)
    %dma_wait3A_35 = arith.constant 0 : i32
    %dma_wait3A_36 = arith.constant 0 : i32
    %dma_wait3A_37 = tpu.memref_slice %arg8[%dma_wait3A_35, %dma_wait3A_36] : memref<2x80xi32, #tpu.memory_space<vmem>> -> memref<1x80xi32, #tpu.memory_space<vmem>>
    %dma_wait3A_38 = tpu.memref_squeeze %dma_wait3A_37 : memref<1x80xi32, #tpu.memory_space<vmem>> -> memref<80xi32, #tpu.memory_space<vmem>>
    %dma_wait3A_39 = tpu.memref_slice %arg5[%multiple_of3A_26] : memref<320000xi32, #tpu.memory_space<hbm>> -> memref<80xi32, #tpu.memory_space<hbm>>
    %dma_wait3A_40 = arith.constant 0 : i32
    %dma_wait3A_41 = tpu.memref_slice %arg8[%dma_wait3A_35, %dma_wait3A_40] : memref<2x80xi32, #tpu.memory_space<vmem>> -> memref<1x80xi32, #tpu.memory_space<vmem>>
    %dma_wait3A_42 = tpu.memref_squeeze %dma_wait3A_41 : memref<1x80xi32, #tpu.memory_space<vmem>> -> memref<80xi32, #tpu.memory_space<vmem>>
    %dma_wait3A_43 = tpu.memref_slice %arg5[%multiple_of3A_26] : memref<320000xi32, #tpu.memory_space<hbm>> -> memref<80xi32, #tpu.memory_space<hbm>>
    tpu.wait_dma2 semaphore(%arg12 : memref<!tpu.dma_semaphore, #tpu.memory_space<semaphore_mem>>) src(%dma_wait3A_43 : memref<80xi32, #tpu.memory_space<hbm>>) dst(%dma_wait3A_42 : memref<80xi32, #tpu.memory_space<vmem>>)
    %dma_start3A_44 = arith.constant 0 : i32
    %dma_start3A_45 = arith.constant 0 : i32
    %dma_start3A_46 = arith.constant 0 : i32
    %dma_start3A_47 = arith.constant 0 : i32
    %dma_start3A_48 = tpu.memref_slice %arg9[%dma_start3A_45, %dma_start3A_46, %dma_start3A_47] : memref<2x80x128xf32, #tpu.memory_space<vmem>> -> memref<1x80x128xf32, #tpu.memory_space<vmem>>
    %dma_start3A_49 = tpu.memref_squeeze %dma_start3A_48 : memref<1x80x128xf32, #tpu.memory_space<vmem>> -> memref<80x128xf32, #tpu.memory_space<vmem>>
    %dma_start3A_50 = arith.constant 0 : i32
    %dma_start3A_51 = tpu.memref_slice %arg7[%dma_start3A_44, %dma_start3A_50] : memref<2x80xi32, #tpu.memory_space<vmem>> -> memref<1x80xi32, #tpu.memory_space<vmem>>
    %dma_start3A_52 = tpu.memref_squeeze %dma_start3A_51 : memref<1x80xi32, #tpu.memory_space<vmem>> -> memref<80xi32, #tpu.memory_space<vmem>>
    %dma_start3A_53 = arith.constant 0 : i32
    %dma_start3A_54 = arith.constant 0 : i32
    %dma_start3A_55 = tpu.memref_slice %arg2[%dma_start3A_53, %dma_start3A_54] : memref<30000x128xf32, #tpu.memory_space<hbm>> -> memref<30000x128xf32, #tpu.memory_space<hbm>>
    tpu.enqueue_indirect_dma source(%dma_start3A_55 : memref<30000x128xf32, #tpu.memory_space<hbm>>) target(%dma_start3A_49 : memref<80x128xf32, #tpu.memory_space<vmem>>) offsets(%dma_start3A_52 : memref<80xi32, #tpu.memory_space<vmem>>) semaphore(%arg10 : memref<!tpu.dma_semaphore, #tpu.memory_space<semaphore_mem>>)
    %mul3A_56 = arith.constant 10000 : i32
    %mul3A_57 = arith.muli %add3A, %mul3A_56 : i32
    %add3A_58 = arith.constant 80 : i32
    %add3A_59 = arith.addi %mul3A_57, %add3A_58 : i32
    %multiple_of3A_60 = tpu.assume_multiple %add3A_59, 8 : i32
    %dma_start3A_61 = arith.constant 1 : i32
    %dma_start3A_62 = arith.constant 0 : i32
    %dma_start3A_63 = tpu.memref_slice %arg7[%dma_start3A_61, %dma_start3A_62] : memref<2x80xi32, #tpu.memory_space<vmem>> -> memref<1x80xi32, #tpu.memory_space<vmem>>
    %dma_start3A_64 = tpu.memref_squeeze %dma_start3A_63 : memref<1x80xi32, #tpu.memory_space<vmem>> -> memref<80xi32, #tpu.memory_space<vmem>>
    %dma_start3A_65 = tpu.memref_slice %arg4[%multiple_of3A_60] : memref<320000xi32, #tpu.memory_space<hbm>> -> memref<80xi32, #tpu.memory_space<hbm>>
    %dma_start3A_66 = arith.constant 0 : i32
    %dma_start3A_67 = tpu.memref_slice %arg7[%dma_start3A_61, %dma_start3A_66] : memref<2x80xi32, #tpu.memory_space<vmem>> -> memref<1x80xi32, #tpu.memory_space<vmem>>
    %dma_start3A_68 = tpu.memref_squeeze %dma_start3A_67 : memref<1x80xi32, #tpu.memory_space<vmem>> -> memref<80xi32, #tpu.memory_space<vmem>>
    %dma_start3A_69 = tpu.memref_slice %arg4[%multiple_of3A_60] : memref<320000xi32, #tpu.memory_space<hbm>> -> memref<80xi32, #tpu.memory_space<hbm>>
    tpu.enqueue_dma source(%dma_start3A_69 : memref<80xi32, #tpu.memory_space<hbm>>) target(%dma_start3A_68 : memref<80xi32, #tpu.memory_space<vmem>>) target_semaphore(%arg12 : memref<!tpu.dma_semaphore, #tpu.memory_space<semaphore_mem>>)
    %dma_start3A_70 = arith.constant 1 : i32
    %dma_start3A_71 = arith.constant 0 : i32
    %dma_start3A_72 = tpu.memref_slice %arg8[%dma_start3A_70, %dma_start3A_71] : memref<2x80xi32, #tpu.memory_space<vmem>> -> memref<1x80xi32, #tpu.memory_space<vmem>>
    %dma_start3A_73 = tpu.memref_squeeze %dma_start3A_72 : memref<1x80xi32, #tpu.memory_space<vmem>> -> memref<80xi32, #tpu.memory_space<vmem>>
    %dma_start3A_74 = tpu.memref_slice %arg5[%multiple_of3A_60] : memref<320000xi32, #tpu.memory_space<hbm>> -> memref<80xi32, #tpu.memory_space<hbm>>
    %dma_start3A_75 = arith.constant 0 : i32
    %dma_start3A_76 = tpu.memref_slice %arg8[%dma_start3A_70, %dma_start3A_75] : memref<2x80xi32, #tpu.memory_space<vmem>> -> memref<1x80xi32, #tpu.memory_space<vmem>>
    %dma_start3A_77 = tpu.memref_squeeze %dma_start3A_76 : memref<1x80xi32, #tpu.memory_space<vmem>> -> memref<80xi32, #tpu.memory_space<vmem>>
    %dma_start3A_78 = tpu.memref_slice %arg5[%multiple_of3A_60] : memref<320000xi32, #tpu.memory_space<hbm>> -> memref<80xi32, #tpu.memory_space<hbm>>
    tpu.enqueue_dma source(%dma_start3A_78 : memref<80xi32, #tpu.memory_space<hbm>>) target(%dma_start3A_77 : memref<80xi32, #tpu.memory_space<vmem>>) target_semaphore(%arg12 : memref<!tpu.dma_semaphore, #tpu.memory_space<semaphore_mem>>)
    %scan3A = arith.constant 0 : i32
    %scan3A_79 = arith.constant 63 : i32
    %scan3A_80 = arith.addi %scan3A, %scan3A_79 : i32
    %scan3A_81 = arith.constant 1 : i32
    scf.for %scan3A_119 = %scan3A to %scan3A_80 step %scan3A_81  : i32 {
      %mul3A_120 = arith.constant 1 : i32
      %mul3A_121 = arith.muli %scan3A_119, %mul3A_120 : i32
      %add3A_122 = arith.constant 0 : i32
      %add3A_123 = arith.addi %add3A_122, %mul3A_121 : i32
      %mul3A_124 = arith.constant 2 : i32
      %mul3A_125 = arith.muli %add3A_123, %mul3A_124 : i32
      %add3A_126 = arith.constant 0 : i32
      %add3A_127 = arith.addi %mul3A_125, %add3A_126 : i32
      %lt3A = arith.constant 125 : i32
      %lt3A_128 = arith.cmpi slt, %add3A_127, %lt3A : i32
      %convert_element_type3A = arith.extui %lt3A_128 : i1 to i32
      %cond3A = arith.constant 0 : i32
      %cond3A_129 = arith.cmpi ne, %convert_element_type3A, %cond3A : i32
      scf.if %cond3A_129 {
        %dma_wait3A_139 = arith.constant 0 : i32
        %dma_wait3A_140 = arith.constant 0 : i32
        %dma_wait3A_141 = arith.constant 0 : i32
        %dma_wait3A_142 = arith.constant 0 : i32
        %dma_wait3A_143 = tpu.memref_slice %arg9[%dma_wait3A_140, %dma_wait3A_141, %dma_wait3A_142] : memref<2x80x128xf32, #tpu.memory_space<vmem>> -> memref<1x80x128xf32, #tpu.memory_space<vmem>>
        %dma_wait3A_144 = tpu.memref_squeeze %dma_wait3A_143 : memref<1x80x128xf32, #tpu.memory_space<vmem>> -> memref<80x128xf32, #tpu.memory_space<vmem>>
        %dma_wait3A_145 = arith.constant 0 : i32
        %dma_wait3A_146 = tpu.memref_slice %arg7[%dma_wait3A_139, %dma_wait3A_145] : memref<2x80xi32, #tpu.memory_space<vmem>> -> memref<1x80xi32, #tpu.memory_space<vmem>>
        %dma_wait3A_147 = tpu.memref_squeeze %dma_wait3A_146 : memref<1x80xi32, #tpu.memory_space<vmem>> -> memref<80xi32, #tpu.memory_space<vmem>>
        %dma_wait3A_148 = arith.constant 0 : i32
        %dma_wait3A_149 = arith.constant 0 : i32
        %dma_wait3A_150 = tpu.memref_slice %arg2[%dma_wait3A_148, %dma_wait3A_149] : memref<30000x128xf32, #tpu.memory_space<hbm>> -> memref<30000x128xf32, #tpu.memory_space<hbm>>
        tpu.wait_indirect_dma semaphore(%arg10 : memref<!tpu.dma_semaphore, #tpu.memory_space<semaphore_mem>>) src(%dma_wait3A_150 : memref<30000x128xf32, #tpu.memory_space<hbm>>) dst(%dma_wait3A_144 : memref<80x128xf32, #tpu.memory_space<vmem>>)
        %dma_start3A_151 = arith.constant 0 : i32
        %dma_start3A_152 = arith.constant 0 : i32
        %dma_start3A_153 = arith.constant 0 : i32
        %dma_start3A_154 = arith.constant 0 : i32
        %dma_start3A_155 = tpu.memref_slice %arg9[%dma_start3A_152, %dma_start3A_153, %dma_start3A_154] : memref<2x80x128xf32, #tpu.memory_space<vmem>> -> memref<1x80x128xf32, #tpu.memory_space<vmem>>
        %dma_start3A_156 = tpu.memref_squeeze %dma_start3A_155 : memref<1x80x128xf32, #tpu.memory_space<vmem>> -> memref<80x128xf32, #tpu.memory_space<vmem>>
        %dma_start3A_157 = arith.constant 0 : i32
        %dma_start3A_158 = tpu.memref_slice %arg8[%dma_start3A_151, %dma_start3A_157] : memref<2x80xi32, #tpu.memory_space<vmem>> -> memref<1x80xi32, #tpu.memory_space<vmem>>
        %dma_start3A_159 = tpu.memref_squeeze %dma_start3A_158 : memref<1x80xi32, #tpu.memory_space<vmem>> -> memref<80xi32, #tpu.memory_space<vmem>>
        %dma_start3A_160 = arith.constant 0 : i32
        %dma_start3A_161 = arith.constant 0 : i32
        %dma_start3A_162 = tpu.memref_slice %arg3[%dma_start3A_160, %dma_start3A_161] : memref<30000x128xf32, #tpu.memory_space<hbm>> -> memref<30000x128xf32, #tpu.memory_space<hbm>>
        tpu.enqueue_indirect_dma source(%dma_start3A_162 : memref<30000x128xf32, #tpu.memory_space<hbm>>) target(%dma_start3A_156 : memref<80x128xf32, #tpu.memory_space<vmem>>) offsets(%dma_start3A_159 : memref<80xi32, #tpu.memory_space<vmem>>) semaphore(%arg11 : memref<!tpu.dma_semaphore, #tpu.memory_space<semaphore_mem>>) {add = true}
        %add3A_163 = arith.constant 1 : i32
        %add3A_164 = arith.addi %add3A_127, %add3A_163 : i32
        %lt3A_165 = arith.constant 125 : i32
        %lt3A_166 = arith.cmpi slt, %add3A_164, %lt3A_165 : i32
        %convert_element_type3A_167 = arith.extui %lt3A_166 : i1 to i32
        %cond3A_168 = arith.constant 0 : i32
        %cond3A_169 = arith.cmpi ne, %convert_element_type3A_167, %cond3A_168 : i32
        scf.if %cond3A_169 {
          %add3A_208 = arith.constant 1 : i32
          %add3A_209 = arith.addi %add3A_127, %add3A_208 : i32
          %mul3A_210 = arith.constant 10000 : i32
          %mul3A_211 = arith.muli %add3A, %mul3A_210 : i32
          %mul3A_212 = arith.constant 80 : i32
          %mul3A_213 = arith.muli %add3A_209, %mul3A_212 : i32
          %add3A_214 = arith.addi %mul3A_211, %mul3A_213 : i32
          %multiple_of3A_215 = tpu.assume_multiple %add3A_214, 8 : i32
          %dma_wait3A_216 = arith.constant 1 : i32
          %dma_wait3A_217 = arith.constant 0 : i32
          %dma_wait3A_218 = tpu.memref_slice %arg7[%dma_wait3A_216, %dma_wait3A_217] : memref<2x80xi32, #tpu.memory_space<vmem>> -> memref<1x80xi32, #tpu.memory_space<vmem>>
          %dma_wait3A_219 = tpu.memref_squeeze %dma_wait3A_218 : memref<1x80xi32, #tpu.memory_space<vmem>> -> memref<80xi32, #tpu.memory_space<vmem>>
          %dma_wait3A_220 = tpu.memref_slice %arg4[%multiple_of3A_215] : memref<320000xi32, #tpu.memory_space<hbm>> -> memref<80xi32, #tpu.memory_space<hbm>>
          %dma_wait3A_221 = arith.constant 0 : i32
          %dma_wait3A_222 = tpu.memref_slice %arg7[%dma_wait3A_216, %dma_wait3A_221] : memref<2x80xi32, #tpu.memory_space<vmem>> -> memref<1x80xi32, #tpu.memory_space<vmem>>
          %dma_wait3A_223 = tpu.memref_squeeze %dma_wait3A_222 : memref<1x80xi32, #tpu.memory_space<vmem>> -> memref<80xi32, #tpu.memory_space<vmem>>
          %dma_wait3A_224 = tpu.memref_slice %arg4[%multiple_of3A_215] : memref<320000xi32, #tpu.memory_space<hbm>> -> memref<80xi32, #tpu.memory_space<hbm>>
          tpu.wait_dma2 semaphore(%arg12 : memref<!tpu.dma_semaphore, #tpu.memory_space<semaphore_mem>>) src(%dma_wait3A_224 : memref<80xi32, #tpu.memory_space<hbm>>) dst(%dma_wait3A_223 : memref<80xi32, #tpu.memory_space<vmem>>)
          %dma_wait3A_225 = arith.constant 1 : i32
          %dma_wait3A_226 = arith.constant 0 : i32
          %dma_wait3A_227 = tpu.memref_slice %arg8[%dma_wait3A_225, %dma_wait3A_226] : memref<2x80xi32, #tpu.memory_space<vmem>> -> memref<1x80xi32, #tpu.memory_space<vmem>>
          %dma_wait3A_228 = tpu.memref_squeeze %dma_wait3A_227 : memref<1x80xi32, #tpu.memory_space<vmem>> -> memref<80xi32, #tpu.memory_space<vmem>>
          %dma_wait3A_229 = tpu.memref_slice %arg5[%multiple_of3A_215] : memref<320000xi32, #tpu.memory_space<hbm>> -> memref<80xi32, #tpu.memory_space<hbm>>
          %dma_wait3A_230 = arith.constant 0 : i32
          %dma_wait3A_231 = tpu.memref_slice %arg8[%dma_wait3A_225, %dma_wait3A_230] : memref<2x80xi32, #tpu.memory_space<vmem>> -> memref<1x80xi32, #tpu.memory_space<vmem>>
          %dma_wait3A_232 = tpu.memref_squeeze %dma_wait3A_231 : memref<1x80xi32, #tpu.memory_space<vmem>> -> memref<80xi32, #tpu.memory_space<vmem>>
          %dma_wait3A_233 = tpu.memref_slice %arg5[%multiple_of3A_215] : memref<320000xi32, #tpu.memory_space<hbm>> -> memref<80xi32, #tpu.memory_space<hbm>>
          tpu.wait_dma2 semaphore(%arg12 : memref<!tpu.dma_semaphore, #tpu.memory_space<semaphore_mem>>) src(%dma_wait3A_233 : memref<80xi32, #tpu.memory_space<hbm>>) dst(%dma_wait3A_232 : memref<80xi32, #tpu.memory_space<vmem>>)
          %ge3A = arith.constant 1 : i32
          %ge3A_234 = arith.cmpi sge, %add3A_127, %ge3A : i32
          %convert_element_type3A_235 = arith.extui %ge3A_234 : i1 to i32
          %cond3A_236 = arith.constant 0 : i32
          %cond3A_237 = arith.cmpi ne, %convert_element_type3A_235, %cond3A_236 : i32
          scf.if %cond3A_237 {
            %sub3A = arith.constant 1 : i32
            %sub3A_250 = arith.subi %add3A_127, %sub3A : i32
            %mul3A_251 = arith.constant 10000 : i32
            %mul3A_252 = arith.muli %add3A, %mul3A_251 : i32
            %mul3A_253 = arith.constant 80 : i32
            %mul3A_254 = arith.muli %sub3A_250, %mul3A_253 : i32
            %add3A_255 = arith.addi %mul3A_252, %mul3A_254 : i32
            %multiple_of3A_256 = tpu.assume_multiple %add3A_255, 8 : i32
            %dma_wait3A_257 = arith.constant 1 : i32
            %dma_wait3A_258 = arith.constant 0 : i32
            %dma_wait3A_259 = arith.constant 0 : i32
            %dma_wait3A_260 = tpu.memref_slice %arg9[%dma_wait3A_257, %dma_wait3A_258, %dma_wait3A_259] : memref<2x80x128xf32, #tpu.memory_space<vmem>> -> memref<1x80x128xf32, #tpu.memory_space<vmem>>
            %dma_wait3A_261 = tpu.memref_squeeze %dma_wait3A_260 : memref<1x80x128xf32, #tpu.memory_space<vmem>> -> memref<80x128xf32, #tpu.memory_space<vmem>>
            %dma_wait3A_262 = arith.constant 0 : i32
            %dma_wait3A_263 = tpu.memref_slice %arg6[%multiple_of3A_256, %dma_wait3A_262] : memref<320000x128xf32, #tpu.memory_space<hbm>> -> memref<80x128xf32, #tpu.memory_space<hbm>>
            %dma_wait3A_264 = arith.constant 0 : i32
            %dma_wait3A_265 = tpu.memref_slice %arg6[%multiple_of3A_256, %dma_wait3A_264] : memref<320000x128xf32, #tpu.memory_space<hbm>> -> memref<80x128xf32, #tpu.memory_space<hbm>>
            %dma_wait3A_266 = arith.constant 0 : i32
            %dma_wait3A_267 = arith.constant 0 : i32
            %dma_wait3A_268 = tpu.memref_slice %arg9[%dma_wait3A_257, %dma_wait3A_266, %dma_wait3A_267] : memref<2x80x128xf32, #tpu.memory_space<vmem>> -> memref<1x80x128xf32, #tpu.memory_space<vmem>>
            %dma_wait3A_269 = tpu.memref_squeeze %dma_wait3A_268 : memref<1x80x128xf32, #tpu.memory_space<vmem>> -> memref<80x128xf32, #tpu.memory_space<vmem>>
            tpu.wait_dma2 semaphore(%arg13 : memref<!tpu.dma_semaphore, #tpu.memory_space<semaphore_mem>>) src(%dma_wait3A_269 : memref<80x128xf32, #tpu.memory_space<vmem>>) dst(%dma_wait3A_265 : memref<80x128xf32, #tpu.memory_space<hbm>>)
          } else {
          }
          %dma_start3A_238 = arith.constant 1 : i32
          %dma_start3A_239 = arith.constant 1 : i32
          %dma_start3A_240 = arith.constant 0 : i32
          %dma_start3A_241 = arith.constant 0 : i32
          %dma_start3A_242 = tpu.memref_slice %arg9[%dma_start3A_239, %dma_start3A_240, %dma_start3A_241] : memref<2x80x128xf32, #tpu.memory_space<vmem>> -> memref<1x80x128xf32, #tpu.memory_space<vmem>>
          %dma_start3A_243 = tpu.memref_squeeze %dma_start3A_242 : memref<1x80x128xf32, #tpu.memory_space<vmem>> -> memref<80x128xf32, #tpu.memory_space<vmem>>
          %dma_start3A_244 = arith.constant 0 : i32
          %dma_start3A_245 = tpu.memref_slice %arg7[%dma_start3A_238, %dma_start3A_244] : memref<2x80xi32, #tpu.memory_space<vmem>> -> memref<1x80xi32, #tpu.memory_space<vmem>>
          %dma_start3A_246 = tpu.memref_squeeze %dma_start3A_245 : memref<1x80xi32, #tpu.memory_space<vmem>> -> memref<80xi32, #tpu.memory_space<vmem>>
          %dma_start3A_247 = arith.constant 0 : i32
          %dma_start3A_248 = arith.constant 0 : i32
          %dma_start3A_249 = tpu.memref_slice %arg2[%dma_start3A_247, %dma_start3A_248] : memref<30000x128xf32, #tpu.memory_space<hbm>> -> memref<30000x128xf32, #tpu.memory_space<hbm>>
          tpu.enqueue_indirect_dma source(%dma_start3A_249 : memref<30000x128xf32, #tpu.memory_space<hbm>>) target(%dma_start3A_243 : memref<80x128xf32, #tpu.memory_space<vmem>>) offsets(%dma_start3A_246 : memref<80xi32, #tpu.memory_space<vmem>>) semaphore(%arg10 : memref<!tpu.dma_semaphore, #tpu.memory_space<semaphore_mem>>)
        } else {
        }
        %dma_wait3A_170 = arith.constant 0 : i32
        %dma_wait3A_171 = arith.constant 0 : i32
        %dma_wait3A_172 = arith.constant 0 : i32
        %dma_wait3A_173 = arith.constant 0 : i32
        %dma_wait3A_174 = tpu.memref_slice %arg9[%dma_wait3A_171, %dma_wait3A_172, %dma_wait3A_173] : memref<2x80x128xf32, #tpu.memory_space<vmem>> -> memref<1x80x128xf32, #tpu.memory_space<vmem>>
        %dma_wait3A_175 = tpu.memref_squeeze %dma_wait3A_174 : memref<1x80x128xf32, #tpu.memory_space<vmem>> -> memref<80x128xf32, #tpu.memory_space<vmem>>
        %dma_wait3A_176 = arith.constant 0 : i32
        %dma_wait3A_177 = tpu.memref_slice %arg8[%dma_wait3A_170, %dma_wait3A_176] : memref<2x80xi32, #tpu.memory_space<vmem>> -> memref<1x80xi32, #tpu.memory_space<vmem>>
        %dma_wait3A_178 = tpu.memref_squeeze %dma_wait3A_177 : memref<1x80xi32, #tpu.memory_space<vmem>> -> memref<80xi32, #tpu.memory_space<vmem>>
        %dma_wait3A_179 = arith.constant 0 : i32
        %dma_wait3A_180 = arith.constant 0 : i32
        %dma_wait3A_181 = tpu.memref_slice %arg3[%dma_wait3A_179, %dma_wait3A_180] : memref<30000x128xf32, #tpu.memory_space<hbm>> -> memref<30000x128xf32, #tpu.memory_space<hbm>>
        tpu.wait_indirect_dma semaphore(%arg11 : memref<!tpu.dma_semaphore, #tpu.memory_space<semaphore_mem>>) src(%dma_wait3A_181 : memref<30000x128xf32, #tpu.memory_space<hbm>>) dst(%dma_wait3A_175 : memref<80x128xf32, #tpu.memory_space<vmem>>)
        %add3A_182 = arith.constant 2 : i32
        %add3A_183 = arith.addi %add3A_127, %add3A_182 : i32
        %lt3A_184 = arith.constant 125 : i32
        %lt3A_185 = arith.cmpi slt, %add3A_183, %lt3A_184 : i32
        %convert_element_type3A_186 = arith.extui %lt3A_185 : i1 to i32
        %cond3A_187 = arith.constant 0 : i32
        %cond3A_188 = arith.cmpi ne, %convert_element_type3A_186, %cond3A_187 : i32
        scf.if %cond3A_188 {
          %add3A_208 = arith.constant 2 : i32
          %add3A_209 = arith.addi %add3A_127, %add3A_208 : i32
          %mul3A_210 = arith.constant 10000 : i32
          %mul3A_211 = arith.muli %add3A, %mul3A_210 : i32
          %mul3A_212 = arith.constant 80 : i32
          %mul3A_213 = arith.muli %add3A_209, %mul3A_212 : i32
          %add3A_214 = arith.addi %mul3A_211, %mul3A_213 : i32
          %multiple_of3A_215 = tpu.assume_multiple %add3A_214, 8 : i32
          %dma_start3A_216 = arith.constant 0 : i32
          %dma_start3A_217 = arith.constant 0 : i32
          %dma_start3A_218 = tpu.memref_slice %arg7[%dma_start3A_216, %dma_start3A_217] : memref<2x80xi32, #tpu.memory_space<vmem>> -> memref<1x80xi32, #tpu.memory_space<vmem>>
          %dma_start3A_219 = tpu.memref_squeeze %dma_start3A_218 : memref<1x80xi32, #tpu.memory_space<vmem>> -> memref<80xi32, #tpu.memory_space<vmem>>
          %dma_start3A_220 = tpu.memref_slice %arg4[%multiple_of3A_215] : memref<320000xi32, #tpu.memory_space<hbm>> -> memref<80xi32, #tpu.memory_space<hbm>>
          %dma_start3A_221 = arith.constant 0 : i32
          %dma_start3A_222 = tpu.memref_slice %arg7[%dma_start3A_216, %dma_start3A_221] : memref<2x80xi32, #tpu.memory_space<vmem>> -> memref<1x80xi32, #tpu.memory_space<vmem>>
          %dma_start3A_223 = tpu.memref_squeeze %dma_start3A_222 : memref<1x80xi32, #tpu.memory_space<vmem>> -> memref<80xi32, #tpu.memory_space<vmem>>
          %dma_start3A_224 = tpu.memref_slice %arg4[%multiple_of3A_215] : memref<320000xi32, #tpu.memory_space<hbm>> -> memref<80xi32, #tpu.memory_space<hbm>>
          tpu.enqueue_dma source(%dma_start3A_224 : memref<80xi32, #tpu.memory_space<hbm>>) target(%dma_start3A_223 : memref<80xi32, #tpu.memory_space<vmem>>) target_semaphore(%arg12 : memref<!tpu.dma_semaphore, #tpu.memory_space<semaphore_mem>>)
          %dma_start3A_225 = arith.constant 0 : i32
          %dma_start3A_226 = arith.constant 0 : i32
          %dma_start3A_227 = tpu.memref_slice %arg8[%dma_start3A_225, %dma_start3A_226] : memref<2x80xi32, #tpu.memory_space<vmem>> -> memref<1x80xi32, #tpu.memory_space<vmem>>
          %dma_start3A_228 = tpu.memref_squeeze %dma_start3A_227 : memref<1x80xi32, #tpu.memory_space<vmem>> -> memref<80xi32, #tpu.memory_space<vmem>>
          %dma_start3A_229 = tpu.memref_slice %arg5[%multiple_of3A_215] : memref<320000xi32, #tpu.memory_space<hbm>> -> memref<80xi32, #tpu.memory_space<hbm>>
          %dma_start3A_230 = arith.constant 0 : i32
          %dma_start3A_231 = tpu.memref_slice %arg8[%dma_start3A_225, %dma_start3A_230] : memref<2x80xi32, #tpu.memory_space<vmem>> -> memref<1x80xi32, #tpu.memory_space<vmem>>
          %dma_start3A_232 = tpu.memref_squeeze %dma_start3A_231 : memref<1x80xi32, #tpu.memory_space<vmem>> -> memref<80xi32, #tpu.memory_space<vmem>>
          %dma_start3A_233 = tpu.memref_slice %arg5[%multiple_of3A_215] : memref<320000xi32, #tpu.memory_space<hbm>> -> memref<80xi32, #tpu.memory_space<hbm>>
          tpu.enqueue_dma source(%dma_start3A_233 : memref<80xi32, #tpu.memory_space<hbm>>) target(%dma_start3A_232 : memref<80xi32, #tpu.memory_space<vmem>>) target_semaphore(%arg12 : memref<!tpu.dma_semaphore, #tpu.memory_space<semaphore_mem>>)
        } else {
        }
        %mul3A_189 = arith.constant 10000 : i32
        %mul3A_190 = arith.muli %add3A, %mul3A_189 : i32
        %mul3A_191 = arith.constant 80 : i32
        %mul3A_192 = arith.muli %add3A_127, %mul3A_191 : i32
        %add3A_193 = arith.addi %mul3A_190, %mul3A_192 : i32
        %multiple_of3A_194 = tpu.assume_multiple %add3A_193, 8 : i32
        %dma_start3A_195 = arith.constant 0 : i32
        %dma_start3A_196 = arith.constant 0 : i32
        %dma_start3A_197 = arith.constant 0 : i32
        %dma_start3A_198 = tpu.memref_slice %arg9[%dma_start3A_195, %dma_start3A_196, %dma_start3A_197] : memref<2x80x128xf32, #tpu.memory_space<vmem>> -> memref<1x80x128xf32, #tpu.memory_space<vmem>>
        %dma_start3A_199 = tpu.memref_squeeze %dma_start3A_198 : memref<1x80x128xf32, #tpu.memory_space<vmem>> -> memref<80x128xf32, #tpu.memory_space<vmem>>
        %dma_start3A_200 = arith.constant 0 : i32
        %dma_start3A_201 = tpu.memref_slice %arg6[%multiple_of3A_194, %dma_start3A_200] : memref<320000x128xf32, #tpu.memory_space<hbm>> -> memref<80x128xf32, #tpu.memory_space<hbm>>
        %dma_start3A_202 = arith.constant 0 : i32
        %dma_start3A_203 = tpu.memref_slice %arg6[%multiple_of3A_194, %dma_start3A_202] : memref<320000x128xf32, #tpu.memory_space<hbm>> -> memref<80x128xf32, #tpu.memory_space<hbm>>
        %dma_start3A_204 = arith.constant 0 : i32
        %dma_start3A_205 = arith.constant 0 : i32
        %dma_start3A_206 = tpu.memref_slice %arg9[%dma_start3A_195, %dma_start3A_204, %dma_start3A_205] : memref<2x80x128xf32, #tpu.memory_space<vmem>> -> memref<1x80x128xf32, #tpu.memory_space<vmem>>
        %dma_start3A_207 = tpu.memref_squeeze %dma_start3A_206 : memref<1x80x128xf32, #tpu.memory_space<vmem>> -> memref<80x128xf32, #tpu.memory_space<vmem>>
        tpu.enqueue_dma source(%dma_start3A_207 : memref<80x128xf32, #tpu.memory_space<vmem>>) target(%dma_start3A_203 : memref<80x128xf32, #tpu.memory_space<hbm>>) target_semaphore(%arg13 : memref<!tpu.dma_semaphore, #tpu.memory_space<semaphore_mem>>)
      } else {
      }
      %mul3A_130 = arith.constant 2 : i32
      %mul3A_131 = arith.muli %add3A_123, %mul3A_130 : i32
      %add3A_132 = arith.constant 1 : i32
      %add3A_133 = arith.addi %mul3A_131, %add3A_132 : i32
      %lt3A_134 = arith.constant 125 : i32
      %lt3A_135 = arith.cmpi slt, %add3A_133, %lt3A_134 : i32
      %convert_element_type3A_136 = arith.extui %lt3A_135 : i1 to i32
      %cond3A_137 = arith.constant 0 : i32
      %cond3A_138 = arith.cmpi ne, %convert_element_type3A_136, %cond3A_137 : i32
      scf.if %cond3A_138 {
        %dma_wait3A_139 = arith.constant 1 : i32
        %dma_wait3A_140 = arith.constant 1 : i32
        %dma_wait3A_141 = arith.constant 0 : i32
        %dma_wait3A_142 = arith.constant 0 : i32
        %dma_wait3A_143 = tpu.memref_slice %arg9[%dma_wait3A_140, %dma_wait3A_141, %dma_wait3A_142] : memref<2x80x128xf32, #tpu.memory_space<vmem>> -> memref<1x80x128xf32, #tpu.memory_space<vmem>>
        %dma_wait3A_144 = tpu.memref_squeeze %dma_wait3A_143 : memref<1x80x128xf32, #tpu.memory_space<vmem>> -> memref<80x128xf32, #tpu.memory_space<vmem>>
        %dma_wait3A_145 = arith.constant 0 : i32
        %dma_wait3A_146 = tpu.memref_slice %arg7[%dma_wait3A_139, %dma_wait3A_145] : memref<2x80xi32, #tpu.memory_space<vmem>> -> memref<1x80xi32, #tpu.memory_space<vmem>>
        %dma_wait3A_147 = tpu.memref_squeeze %dma_wait3A_146 : memref<1x80xi32, #tpu.memory_space<vmem>> -> memref<80xi32, #tpu.memory_space<vmem>>
        %dma_wait3A_148 = arith.constant 0 : i32
        %dma_wait3A_149 = arith.constant 0 : i32
        %dma_wait3A_150 = tpu.memref_slice %arg2[%dma_wait3A_148, %dma_wait3A_149] : memref<30000x128xf32, #tpu.memory_space<hbm>> -> memref<30000x128xf32, #tpu.memory_space<hbm>>
        tpu.wait_indirect_dma semaphore(%arg10 : memref<!tpu.dma_semaphore, #tpu.memory_space<semaphore_mem>>) src(%dma_wait3A_150 : memref<30000x128xf32, #tpu.memory_space<hbm>>) dst(%dma_wait3A_144 : memref<80x128xf32, #tpu.memory_space<vmem>>)
        %dma_start3A_151 = arith.constant 1 : i32
        %dma_start3A_152 = arith.constant 1 : i32
        %dma_start3A_153 = arith.constant 0 : i32
        %dma_start3A_154 = arith.constant 0 : i32
        %dma_start3A_155 = tpu.memref_slice %arg9[%dma_start3A_152, %dma_start3A_153, %dma_start3A_154] : memref<2x80x128xf32, #tpu.memory_space<vmem>> -> memref<1x80x128xf32, #tpu.memory_space<vmem>>
        %dma_start3A_156 = tpu.memref_squeeze %dma_start3A_155 : memref<1x80x128xf32, #tpu.memory_space<vmem>> -> memref<80x128xf32, #tpu.memory_space<vmem>>
        %dma_start3A_157 = arith.constant 0 : i32
        %dma_start3A_158 = tpu.memref_slice %arg8[%dma_start3A_151, %dma_start3A_157] : memref<2x80xi32, #tpu.memory_space<vmem>> -> memref<1x80xi32, #tpu.memory_space<vmem>>
        %dma_start3A_159 = tpu.memref_squeeze %dma_start3A_158 : memref<1x80xi32, #tpu.memory_space<vmem>> -> memref<80xi32, #tpu.memory_space<vmem>>
        %dma_start3A_160 = arith.constant 0 : i32
        %dma_start3A_161 = arith.constant 0 : i32
        %dma_start3A_162 = tpu.memref_slice %arg3[%dma_start3A_160, %dma_start3A_161] : memref<30000x128xf32, #tpu.memory_space<hbm>> -> memref<30000x128xf32, #tpu.memory_space<hbm>>
        tpu.enqueue_indirect_dma source(%dma_start3A_162 : memref<30000x128xf32, #tpu.memory_space<hbm>>) target(%dma_start3A_156 : memref<80x128xf32, #tpu.memory_space<vmem>>) offsets(%dma_start3A_159 : memref<80xi32, #tpu.memory_space<vmem>>) semaphore(%arg11 : memref<!tpu.dma_semaphore, #tpu.memory_space<semaphore_mem>>) {add = true}
        %add3A_163 = arith.constant 1 : i32
        %add3A_164 = arith.addi %add3A_133, %add3A_163 : i32
        %lt3A_165 = arith.constant 125 : i32
        %lt3A_166 = arith.cmpi slt, %add3A_164, %lt3A_165 : i32
        %convert_element_type3A_167 = arith.extui %lt3A_166 : i1 to i32
        %cond3A_168 = arith.constant 0 : i32
        %cond3A_169 = arith.cmpi ne, %convert_element_type3A_167, %cond3A_168 : i32
        scf.if %cond3A_169 {
          %add3A_208 = arith.constant 1 : i32
          %add3A_209 = arith.addi %add3A_133, %add3A_208 : i32
          %mul3A_210 = arith.constant 10000 : i32
          %mul3A_211 = arith.muli %add3A, %mul3A_210 : i32
          %mul3A_212 = arith.constant 80 : i32
          %mul3A_213 = arith.muli %add3A_209, %mul3A_212 : i32
          %add3A_214 = arith.addi %mul3A_211, %mul3A_213 : i32
          %multiple_of3A_215 = tpu.assume_multiple %add3A_214, 8 : i32
          %dma_wait3A_216 = arith.constant 0 : i32
          %dma_wait3A_217 = arith.constant 0 : i32
          %dma_wait3A_218 = tpu.memref_slice %arg7[%dma_wait3A_216, %dma_wait3A_217] : memref<2x80xi32, #tpu.memory_space<vmem>> -> memref<1x80xi32, #tpu.memory_space<vmem>>
          %dma_wait3A_219 = tpu.memref_squeeze %dma_wait3A_218 : memref<1x80xi32, #tpu.memory_space<vmem>> -> memref<80xi32, #tpu.memory_space<vmem>>
          %dma_wait3A_220 = tpu.memref_slice %arg4[%multiple_of3A_215] : memref<320000xi32, #tpu.memory_space<hbm>> -> memref<80xi32, #tpu.memory_space<hbm>>
          %dma_wait3A_221 = arith.constant 0 : i32
          %dma_wait3A_222 = tpu.memref_slice %arg7[%dma_wait3A_216, %dma_wait3A_221] : memref<2x80xi32, #tpu.memory_space<vmem>> -> memref<1x80xi32, #tpu.memory_space<vmem>>
          %dma_wait3A_223 = tpu.memref_squeeze %dma_wait3A_222 : memref<1x80xi32, #tpu.memory_space<vmem>> -> memref<80xi32, #tpu.memory_space<vmem>>
          %dma_wait3A_224 = tpu.memref_slice %arg4[%multiple_of3A_215] : memref<320000xi32, #tpu.memory_space<hbm>> -> memref<80xi32, #tpu.memory_space<hbm>>
          tpu.wait_dma2 semaphore(%arg12 : memref<!tpu.dma_semaphore, #tpu.memory_space<semaphore_mem>>) src(%dma_wait3A_224 : memref<80xi32, #tpu.memory_space<hbm>>) dst(%dma_wait3A_223 : memref<80xi32, #tpu.memory_space<vmem>>)
          %dma_wait3A_225 = arith.constant 0 : i32
          %dma_wait3A_226 = arith.constant 0 : i32
          %dma_wait3A_227 = tpu.memref_slice %arg8[%dma_wait3A_225, %dma_wait3A_226] : memref<2x80xi32, #tpu.memory_space<vmem>> -> memref<1x80xi32, #tpu.memory_space<vmem>>
          %dma_wait3A_228 = tpu.memref_squeeze %dma_wait3A_227 : memref<1x80xi32, #tpu.memory_space<vmem>> -> memref<80xi32, #tpu.memory_space<vmem>>
          %dma_wait3A_229 = tpu.memref_slice %arg5[%multiple_of3A_215] : memref<320000xi32, #tpu.memory_space<hbm>> -> memref<80xi32, #tpu.memory_space<hbm>>
          %dma_wait3A_230 = arith.constant 0 : i32
          %dma_wait3A_231 = tpu.memref_slice %arg8[%dma_wait3A_225, %dma_wait3A_230] : memref<2x80xi32, #tpu.memory_space<vmem>> -> memref<1x80xi32, #tpu.memory_space<vmem>>
          %dma_wait3A_232 = tpu.memref_squeeze %dma_wait3A_231 : memref<1x80xi32, #tpu.memory_space<vmem>> -> memref<80xi32, #tpu.memory_space<vmem>>
          %dma_wait3A_233 = tpu.memref_slice %arg5[%multiple_of3A_215] : memref<320000xi32, #tpu.memory_space<hbm>> -> memref<80xi32, #tpu.memory_space<hbm>>
          tpu.wait_dma2 semaphore(%arg12 : memref<!tpu.dma_semaphore, #tpu.memory_space<semaphore_mem>>) src(%dma_wait3A_233 : memref<80xi32, #tpu.memory_space<hbm>>) dst(%dma_wait3A_232 : memref<80xi32, #tpu.memory_space<vmem>>)
          %ge3A = arith.constant 1 : i32
          %ge3A_234 = arith.cmpi sge, %add3A_133, %ge3A : i32
          %convert_element_type3A_235 = arith.extui %ge3A_234 : i1 to i32
          %cond3A_236 = arith.constant 0 : i32
          %cond3A_237 = arith.cmpi ne, %convert_element_type3A_235, %cond3A_236 : i32
          scf.if %cond3A_237 {
            %sub3A = arith.constant 1 : i32
            %sub3A_250 = arith.subi %add3A_133, %sub3A : i32
            %mul3A_251 = arith.constant 10000 : i32
            %mul3A_252 = arith.muli %add3A, %mul3A_251 : i32
            %mul3A_253 = arith.constant 80 : i32
            %mul3A_254 = arith.muli %sub3A_250, %mul3A_253 : i32
            %add3A_255 = arith.addi %mul3A_252, %mul3A_254 : i32
            %multiple_of3A_256 = tpu.assume_multiple %add3A_255, 8 : i32
            %dma_wait3A_257 = arith.constant 0 : i32
            %dma_wait3A_258 = arith.constant 0 : i32
            %dma_wait3A_259 = arith.constant 0 : i32
            %dma_wait3A_260 = tpu.memref_slice %arg9[%dma_wait3A_257, %dma_wait3A_258, %dma_wait3A_259] : memref<2x80x128xf32, #tpu.memory_space<vmem>> -> memref<1x80x128xf32, #tpu.memory_space<vmem>>
            %dma_wait3A_261 = tpu.memref_squeeze %dma_wait3A_260 : memref<1x80x128xf32, #tpu.memory_space<vmem>> -> memref<80x128xf32, #tpu.memory_space<vmem>>
            %dma_wait3A_262 = arith.constant 0 : i32
            %dma_wait3A_263 = tpu.memref_slice %arg6[%multiple_of3A_256, %dma_wait3A_262] : memref<320000x128xf32, #tpu.memory_space<hbm>> -> memref<80x128xf32, #tpu.memory_space<hbm>>
            %dma_wait3A_264 = arith.constant 0 : i32
            %dma_wait3A_265 = tpu.memref_slice %arg6[%multiple_of3A_256, %dma_wait3A_264] : memref<320000x128xf32, #tpu.memory_space<hbm>> -> memref<80x128xf32, #tpu.memory_space<hbm>>
            %dma_wait3A_266 = arith.constant 0 : i32
            %dma_wait3A_267 = arith.constant 0 : i32
            %dma_wait3A_268 = tpu.memref_slice %arg9[%dma_wait3A_257, %dma_wait3A_266, %dma_wait3A_267] : memref<2x80x128xf32, #tpu.memory_space<vmem>> -> memref<1x80x128xf32, #tpu.memory_space<vmem>>
            %dma_wait3A_269 = tpu.memref_squeeze %dma_wait3A_268 : memref<1x80x128xf32, #tpu.memory_space<vmem>> -> memref<80x128xf32, #tpu.memory_space<vmem>>
            tpu.wait_dma2 semaphore(%arg13 : memref<!tpu.dma_semaphore, #tpu.memory_space<semaphore_mem>>) src(%dma_wait3A_269 : memref<80x128xf32, #tpu.memory_space<vmem>>) dst(%dma_wait3A_265 : memref<80x128xf32, #tpu.memory_space<hbm>>)
          } else {
          }
          %dma_start3A_238 = arith.constant 0 : i32
          %dma_start3A_239 = arith.constant 0 : i32
          %dma_start3A_240 = arith.constant 0 : i32
          %dma_start3A_241 = arith.constant 0 : i32
          %dma_start3A_242 = tpu.memref_slice %arg9[%dma_start3A_239, %dma_start3A_240, %dma_start3A_241] : memref<2x80x128xf32, #tpu.memory_space<vmem>> -> memref<1x80x128xf32, #tpu.memory_space<vmem>>
          %dma_start3A_243 = tpu.memref_squeeze %dma_start3A_242 : memref<1x80x128xf32, #tpu.memory_space<vmem>> -> memref<80x128xf32, #tpu.memory_space<vmem>>
          %dma_start3A_244 = arith.constant 0 : i32
          %dma_start3A_245 = tpu.memref_slice %arg7[%dma_start3A_238, %dma_start3A_244] : memref<2x80xi32, #tpu.memory_space<vmem>> -> memref<1x80xi32, #tpu.memory_space<vmem>>
          %dma_start3A_246 = tpu.memref_squeeze %dma_start3A_245 : memref<1x80xi32, #tpu.memory_space<vmem>> -> memref<80xi32, #tpu.memory_space<vmem>>
          %dma_start3A_247 = arith.constant 0 : i32
          %dma_start3A_248 = arith.constant 0 : i32
          %dma_start3A_249 = tpu.memref_slice %arg2[%dma_start3A_247, %dma_start3A_248] : memref<30000x128xf32, #tpu.memory_space<hbm>> -> memref<30000x128xf32, #tpu.memory_space<hbm>>
          tpu.enqueue_indirect_dma source(%dma_start3A_249 : memref<30000x128xf32, #tpu.memory_space<hbm>>) target(%dma_start3A_243 : memref<80x128xf32, #tpu.memory_space<vmem>>) offsets(%dma_start3A_246 : memref<80xi32, #tpu.memory_space<vmem>>) semaphore(%arg10 : memref<!tpu.dma_semaphore, #tpu.memory_space<semaphore_mem>>)
        } else {
        }
        %dma_wait3A_170 = arith.constant 1 : i32
        %dma_wait3A_171 = arith.constant 1 : i32
        %dma_wait3A_172 = arith.constant 0 : i32
        %dma_wait3A_173 = arith.constant 0 : i32
        %dma_wait3A_174 = tpu.memref_slice %arg9[%dma_wait3A_171, %dma_wait3A_172, %dma_wait3A_173] : memref<2x80x128xf32, #tpu.memory_space<vmem>> -> memref<1x80x128xf32, #tpu.memory_space<vmem>>
        %dma_wait3A_175 = tpu.memref_squeeze %dma_wait3A_174 : memref<1x80x128xf32, #tpu.memory_space<vmem>> -> memref<80x128xf32, #tpu.memory_space<vmem>>
        %dma_wait3A_176 = arith.constant 0 : i32
        %dma_wait3A_177 = tpu.memref_slice %arg8[%dma_wait3A_170, %dma_wait3A_176] : memref<2x80xi32, #tpu.memory_space<vmem>> -> memref<1x80xi32, #tpu.memory_space<vmem>>
        %dma_wait3A_178 = tpu.memref_squeeze %dma_wait3A_177 : memref<1x80xi32, #tpu.memory_space<vmem>> -> memref<80xi32, #tpu.memory_space<vmem>>
        %dma_wait3A_179 = arith.constant 0 : i32
        %dma_wait3A_180 = arith.constant 0 : i32
        %dma_wait3A_181 = tpu.memref_slice %arg3[%dma_wait3A_179, %dma_wait3A_180] : memref<30000x128xf32, #tpu.memory_space<hbm>> -> memref<30000x128xf32, #tpu.memory_space<hbm>>
        tpu.wait_indirect_dma semaphore(%arg11 : memref<!tpu.dma_semaphore, #tpu.memory_space<semaphore_mem>>) src(%dma_wait3A_181 : memref<30000x128xf32, #tpu.memory_space<hbm>>) dst(%dma_wait3A_175 : memref<80x128xf32, #tpu.memory_space<vmem>>)
        %add3A_182 = arith.constant 2 : i32
        %add3A_183 = arith.addi %add3A_133, %add3A_182 : i32
        %lt3A_184 = arith.constant 125 : i32
        %lt3A_185 = arith.cmpi slt, %add3A_183, %lt3A_184 : i32
        %convert_element_type3A_186 = arith.extui %lt3A_185 : i1 to i32
        %cond3A_187 = arith.constant 0 : i32
        %cond3A_188 = arith.cmpi ne, %convert_element_type3A_186, %cond3A_187 : i32
        scf.if %cond3A_188 {
          %add3A_208 = arith.constant 2 : i32
          %add3A_209 = arith.addi %add3A_133, %add3A_208 : i32
          %mul3A_210 = arith.constant 10000 : i32
          %mul3A_211 = arith.muli %add3A, %mul3A_210 : i32
          %mul3A_212 = arith.constant 80 : i32
          %mul3A_213 = arith.muli %add3A_209, %mul3A_212 : i32
          %add3A_214 = arith.addi %mul3A_211, %mul3A_213 : i32
          %multiple_of3A_215 = tpu.assume_multiple %add3A_214, 8 : i32
          %dma_start3A_216 = arith.constant 1 : i32
          %dma_start3A_217 = arith.constant 0 : i32
          %dma_start3A_218 = tpu.memref_slice %arg7[%dma_start3A_216, %dma_start3A_217] : memref<2x80xi32, #tpu.memory_space<vmem>> -> memref<1x80xi32, #tpu.memory_space<vmem>>
          %dma_start3A_219 = tpu.memref_squeeze %dma_start3A_218 : memref<1x80xi32, #tpu.memory_space<vmem>> -> memref<80xi32, #tpu.memory_space<vmem>>
          %dma_start3A_220 = tpu.memref_slice %arg4[%multiple_of3A_215] : memref<320000xi32, #tpu.memory_space<hbm>> -> memref<80xi32, #tpu.memory_space<hbm>>
          %dma_start3A_221 = arith.constant 0 : i32
          %dma_start3A_222 = tpu.memref_slice %arg7[%dma_start3A_216, %dma_start3A_221] : memref<2x80xi32, #tpu.memory_space<vmem>> -> memref<1x80xi32, #tpu.memory_space<vmem>>
          %dma_start3A_223 = tpu.memref_squeeze %dma_start3A_222 : memref<1x80xi32, #tpu.memory_space<vmem>> -> memref<80xi32, #tpu.memory_space<vmem>>
          %dma_start3A_224 = tpu.memref_slice %arg4[%multiple_of3A_215] : memref<320000xi32, #tpu.memory_space<hbm>> -> memref<80xi32, #tpu.memory_space<hbm>>
          tpu.enqueue_dma source(%dma_start3A_224 : memref<80xi32, #tpu.memory_space<hbm>>) target(%dma_start3A_223 : memref<80xi32, #tpu.memory_space<vmem>>) target_semaphore(%arg12 : memref<!tpu.dma_semaphore, #tpu.memory_space<semaphore_mem>>)
          %dma_start3A_225 = arith.constant 1 : i32
          %dma_start3A_226 = arith.constant 0 : i32
          %dma_start3A_227 = tpu.memref_slice %arg8[%dma_start3A_225, %dma_start3A_226] : memref<2x80xi32, #tpu.memory_space<vmem>> -> memref<1x80xi32, #tpu.memory_space<vmem>>
          %dma_start3A_228 = tpu.memref_squeeze %dma_start3A_227 : memref<1x80xi32, #tpu.memory_space<vmem>> -> memref<80xi32, #tpu.memory_space<vmem>>
          %dma_start3A_229 = tpu.memref_slice %arg5[%multiple_of3A_215] : memref<320000xi32, #tpu.memory_space<hbm>> -> memref<80xi32, #tpu.memory_space<hbm>>
          %dma_start3A_230 = arith.constant 0 : i32
          %dma_start3A_231 = tpu.memref_slice %arg8[%dma_start3A_225, %dma_start3A_230] : memref<2x80xi32, #tpu.memory_space<vmem>> -> memref<1x80xi32, #tpu.memory_space<vmem>>
          %dma_start3A_232 = tpu.memref_squeeze %dma_start3A_231 : memref<1x80xi32, #tpu.memory_space<vmem>> -> memref<80xi32, #tpu.memory_space<vmem>>
          %dma_start3A_233 = tpu.memref_slice %arg5[%multiple_of3A_215] : memref<320000xi32, #tpu.memory_space<hbm>> -> memref<80xi32, #tpu.memory_space<hbm>>
          tpu.enqueue_dma source(%dma_start3A_233 : memref<80xi32, #tpu.memory_space<hbm>>) target(%dma_start3A_232 : memref<80xi32, #tpu.memory_space<vmem>>) target_semaphore(%arg12 : memref<!tpu.dma_semaphore, #tpu.memory_space<semaphore_mem>>)
        } else {
        }
        %mul3A_189 = arith.constant 10000 : i32
        %mul3A_190 = arith.muli %add3A, %mul3A_189 : i32
        %mul3A_191 = arith.constant 80 : i32
        %mul3A_192 = arith.muli %add3A_133, %mul3A_191 : i32
        %add3A_193 = arith.addi %mul3A_190, %mul3A_192 : i32
        %multiple_of3A_194 = tpu.assume_multiple %add3A_193, 8 : i32
        %dma_start3A_195 = arith.constant 1 : i32
        %dma_start3A_196 = arith.constant 0 : i32
        %dma_start3A_197 = arith.constant 0 : i32
        %dma_start3A_198 = tpu.memref_slice %arg9[%dma_start3A_195, %dma_start3A_196, %dma_start3A_197] : memref<2x80x128xf32, #tpu.memory_space<vmem>> -> memref<1x80x128xf32, #tpu.memory_space<vmem>>
        %dma_start3A_199 = tpu.memref_squeeze %dma_start3A_198 : memref<1x80x128xf32, #tpu.memory_space<vmem>> -> memref<80x128xf32, #tpu.memory_space<vmem>>
        %dma_start3A_200 = arith.constant 0 : i32
        %dma_start3A_201 = tpu.memref_slice %arg6[%multiple_of3A_194, %dma_start3A_200] : memref<320000x128xf32, #tpu.memory_space<hbm>> -> memref<80x128xf32, #tpu.memory_space<hbm>>
        %dma_start3A_202 = arith.constant 0 : i32
        %dma_start3A_203 = tpu.memref_slice %arg6[%multiple_of3A_194, %dma_start3A_202] : memref<320000x128xf32, #tpu.memory_space<hbm>> -> memref<80x128xf32, #tpu.memory_space<hbm>>
        %dma_start3A_204 = arith.constant 0 : i32
        %dma_start3A_205 = arith.constant 0 : i32
        %dma_start3A_206 = tpu.memref_slice %arg9[%dma_start3A_195, %dma_start3A_204, %dma_start3A_205] : memref<2x80x128xf32, #tpu.memory_space<vmem>> -> memref<1x80x128xf32, #tpu.memory_space<vmem>>
        %dma_start3A_207 = tpu.memref_squeeze %dma_start3A_206 : memref<1x80x128xf32, #tpu.memory_space<vmem>> -> memref<80x128xf32, #tpu.memory_space<vmem>>
        tpu.enqueue_dma source(%dma_start3A_207 : memref<80x128xf32, #tpu.memory_space<vmem>>) target(%dma_start3A_203 : memref<80x128xf32, #tpu.memory_space<hbm>>) target_semaphore(%arg13 : memref<!tpu.dma_semaphore, #tpu.memory_space<semaphore_mem>>)
      } else {
      }
    }
    %scan3A_82 = arith.constant 63 : i32
    %mul3A_83 = arith.constant 10000 : i32
    %mul3A_84 = arith.muli %add3A, %mul3A_83 : i32
    %add3A_85 = arith.constant 9840 : i32
    %add3A_86 = arith.addi %mul3A_84, %add3A_85 : i32
    %multiple_of3A_87 = tpu.assume_multiple %add3A_86, 8 : i32
    %dma_wait3A_88 = arith.constant 1 : i32
    %dma_wait3A_89 = arith.constant 0 : i32
    %dma_wait3A_90 = arith.constant 0 : i32
    %dma_wait3A_91 = tpu.memref_slice %arg9[%dma_wait3A_88, %dma_wait3A_89, %dma_wait3A_90] : memref<2x80x128xf32, #tpu.memory_space<vmem>> -> memref<1x80x128xf32, #tpu.memory_space<vmem>>
    %dma_wait3A_92 = tpu.memref_squeeze %dma_wait3A_91 : memref<1x80x128xf32, #tpu.memory_space<vmem>> -> memref<80x128xf32, #tpu.memory_space<vmem>>
    %dma_wait3A_93 = arith.constant 0 : i32
    %dma_wait3A_94 = tpu.memref_slice %arg6[%multiple_of3A_87, %dma_wait3A_93] : memref<320000x128xf32, #tpu.memory_space<hbm>> -> memref<80x128xf32, #tpu.memory_space<hbm>>
    %dma_wait3A_95 = arith.constant 0 : i32
    %dma_wait3A_96 = tpu.memref_slice %arg6[%multiple_of3A_87, %dma_wait3A_95] : memref<320000x128xf32, #tpu.memory_space<hbm>> -> memref<80x128xf32, #tpu.memory_space<hbm>>
    %dma_wait3A_97 = arith.constant 0 : i32
    %dma_wait3A_98 = arith.constant 0 : i32
    %dma_wait3A_99 = tpu.memref_slice %arg9[%dma_wait3A_88, %dma_wait3A_97, %dma_wait3A_98] : memref<2x80x128xf32, #tpu.memory_space<vmem>> -> memref<1x80x128xf32, #tpu.memory_space<vmem>>
    %dma_wait3A_100 = tpu.memref_squeeze %dma_wait3A_99 : memref<1x80x128xf32, #tpu.memory_space<vmem>> -> memref<80x128xf32, #tpu.memory_space<vmem>>
    tpu.wait_dma2 semaphore(%arg13 : memref<!tpu.dma_semaphore, #tpu.memory_space<semaphore_mem>>) src(%dma_wait3A_100 : memref<80x128xf32, #tpu.memory_space<vmem>>) dst(%dma_wait3A_96 : memref<80x128xf32, #tpu.memory_space<hbm>>)
    %mul3A_101 = arith.constant 10000 : i32
    %mul3A_102 = arith.muli %add3A, %mul3A_101 : i32
    %add3A_103 = arith.constant 9920 : i32
    %add3A_104 = arith.addi %mul3A_102, %add3A_103 : i32
    %multiple_of3A_105 = tpu.assume_multiple %add3A_104, 8 : i32
    %dma_wait3A_106 = arith.constant 0 : i32
    %dma_wait3A_107 = arith.constant 0 : i32
    %dma_wait3A_108 = arith.constant 0 : i32
    %dma_wait3A_109 = tpu.memref_slice %arg9[%dma_wait3A_106, %dma_wait3A_107, %dma_wait3A_108] : memref<2x80x128xf32, #tpu.memory_space<vmem>> -> memref<1x80x128xf32, #tpu.memory_space<vmem>>
    %dma_wait3A_110 = tpu.memref_squeeze %dma_wait3A_109 : memref<1x80x128xf32, #tpu.memory_space<vmem>> -> memref<80x128xf32, #tpu.memory_space<vmem>>
    %dma_wait3A_111 = arith.constant 0 : i32
    %dma_wait3A_112 = tpu.memref_slice %arg6[%multiple_of3A_105, %dma_wait3A_111] : memref<320000x128xf32, #tpu.memory_space<hbm>> -> memref<80x128xf32, #tpu.memory_space<hbm>>
    %dma_wait3A_113 = arith.constant 0 : i32
    %dma_wait3A_114 = tpu.memref_slice %arg6[%multiple_of3A_105, %dma_wait3A_113] : memref<320000x128xf32, #tpu.memory_space<hbm>> -> memref<80x128xf32, #tpu.memory_space<hbm>>
    %dma_wait3A_115 = arith.constant 0 : i32
    %dma_wait3A_116 = arith.constant 0 : i32
    %dma_wait3A_117 = tpu.memref_slice %arg9[%dma_wait3A_106, %dma_wait3A_115, %dma_wait3A_116] : memref<2x80x128xf32, #tpu.memory_space<vmem>> -> memref<1x80x128xf32, #tpu.memory_space<vmem>>
    %dma_wait3A_118 = tpu.memref_squeeze %dma_wait3A_117 : memref<1x80x128xf32, #tpu.memory_space<vmem>> -> memref<80x128xf32, #tpu.memory_space<vmem>>
    tpu.wait_dma2 semaphore(%arg13 : memref<!tpu.dma_semaphore, #tpu.memory_space<semaphore_mem>>) src(%dma_wait3A_118 : memref<80x128xf32, #tpu.memory_space<vmem>>) dst(%dma_wait3A_114 : memref<80x128xf32, #tpu.memory_space<hbm>>)
    return
  }
}

module attributes {stable_mosaic.version = 14 : i64} {
  func.func @_node_body(%arg0: i32, %arg1: memref<2000x128xf32, #tpu.memory_space<vmem>>, %arg2: memref<2x2000x128xf32, #tpu.memory_space<vmem>>, %arg3: memref<2000x1xi32, #tpu.memory_space<vmem>>, %arg4: memref<256x128xf32, #tpu.memory_space<vmem>>, %arg5: memref<1x128xf32, #tpu.memory_space<vmem>>, %arg6: memref<256x128xf32, #tpu.memory_space<vmem>>, %arg7: memref<1x128xf32, #tpu.memory_space<vmem>>, %arg8: memref<3x128x128xf32, #tpu.memory_space<vmem>>, %arg9: memref<3x128x128xf32, #tpu.memory_space<vmem>>, %arg10: memref<3x1x128xf32, #tpu.memory_space<vmem>>, %arg11: memref<2000x128xf32, #tpu.memory_space<vmem>>, %arg12: memref<3x2000x128xf32, #tpu.memory_space<vmem>>, %arg13: memref<3x2000x128xf32, #tpu.memory_space<vmem>>) attributes {dimension_semantics = [#tpu.dimension_semantics<arbitrary>], iteration_bounds = array<i64: 5>, scalar_prefetch = 0 : i64, scratch_operands = 0 : i64, tpu.core_type = #tpu.core_type<tc>, window_params = [{transform_indices = @transform_0, window_bounds = array<i64: 2000, 128>}, {transform_indices = @transform_1, window_bounds = array<i64: 2, 2000, 128>}, {transform_indices = @transform_2, window_bounds = array<i64: 2000, 1>}, {pipeline_mode = #tpu.pipeline_mode<synchronous>, transform_indices = @transform_3, window_bounds = array<i64: 256, 128>}, {pipeline_mode = #tpu.pipeline_mode<synchronous>, transform_indices = @transform_4, window_bounds = array<i64: 1, 128>}, {pipeline_mode = #tpu.pipeline_mode<synchronous>, transform_indices = @transform_5, window_bounds = array<i64: 256, 128>}, {pipeline_mode = #tpu.pipeline_mode<synchronous>, transform_indices = @transform_6, window_bounds = array<i64: 1, 128>}, {pipeline_mode = #tpu.pipeline_mode<synchronous>, transform_indices = @transform_7, window_bounds = array<i64: 3, 128, 128>}, {pipeline_mode = #tpu.pipeline_mode<synchronous>, transform_indices = @transform_8, window_bounds = array<i64: 3, 128, 128>}, {pipeline_mode = #tpu.pipeline_mode<synchronous>, transform_indices = @transform_9, window_bounds = array<i64: 3, 1, 128>}, {transform_indices = @transform_10, window_bounds = array<i64: 2000, 128>}, {transform_indices = @transform_11, window_bounds = array<i64: 3, 2000, 128>}, {transform_indices = @transform_12, window_bounds = array<i64: 3, 2000, 128>}]} {
    %get3A = arith.constant 0 : index
    %get3A_0 = arith.constant 0 : index
    %get3A_1 = vector.load %arg1[%get3A, %get3A_0] : memref<2000x128xf32, #tpu.memory_space<vmem>>, vector<2000x128xf32>
    %get3A_2 = arith.constant 0 : index
    %get3A_3 = arith.constant 0 : index
    %get3A_4 = arith.constant 0 : index
    %get3A_5 = vector.load %arg2[%get3A_2, %get3A_3, %get3A_4] : memref<2x2000x128xf32, #tpu.memory_space<vmem>>, vector<1x2000x128xf32>
    %get3A_6 = vector.shape_cast %get3A_5 : vector<1x2000x128xf32> to vector<2000x128xf32>
    %get3A_7 = arith.constant 1 : index
    %get3A_8 = arith.constant 0 : index
    %get3A_9 = arith.constant 0 : index
    %get3A_10 = vector.load %arg2[%get3A_7, %get3A_8, %get3A_9] : memref<2x2000x128xf32, #tpu.memory_space<vmem>>, vector<1x2000x128xf32>
    %get3A_11 = vector.shape_cast %get3A_10 : vector<1x2000x128xf32> to vector<2000x128xf32>
    %add3A = arith.addf %get3A_6, %get3A_11 : vector<2000x128xf32>
    %concatenate3A = tpu.concatenate %get3A_1, %add3A in 1 : vector<2000x128xf32>, vector<2000x128xf32> -> vector<2000x256xf32>
    %get3A_12 = arith.constant 0 : index
    %get3A_13 = arith.constant 0 : index
    %get3A_14 = vector.load %arg4[%get3A_12, %get3A_13] : memref<256x128xf32, #tpu.memory_space<vmem>>, vector<256x128xf32>
    %dot_general3A = arith.constant dense<0.000000e+00> : vector<2000x128xf32>
    %dot_general3A_15 = tpu.matmul %concatenate3A, %get3A_14, %dot_general3A {dimension_numbers = #tpu.dot_dimension_numbers<[1], [0], [0], [1], [0, 0, 1, 1], [], []>, transpose_lhs_hint = false} : vector<2000x256xf32>, vector<256x128xf32>, vector<2000x128xf32> -> vector<2000x128xf32>
    %get3A_16 = arith.constant 0 : index
    %get3A_17 = arith.constant 0 : index
    %get3A_18 = vector.load %arg5[%get3A_16, %get3A_17] : memref<1x128xf32, #tpu.memory_space<vmem>>, vector<1x128xf32>
    %add3A_19 = vector.broadcast %get3A_18 : vector<1x128xf32> to vector<2000x128xf32>
    %add3A_20 = arith.addf %dot_general3A_15, %add3A_19 : vector<2000x128xf32>
    %get3A_21 = arith.constant 0 : index
    %get3A_22 = arith.constant 0 : index
    %get3A_23 = vector.load %arg6[%get3A_21, %get3A_22] : memref<256x128xf32, #tpu.memory_space<vmem>>, vector<256x128xf32>
    %dot_general3A_24 = arith.constant dense<0.000000e+00> : vector<2000x128xf32>
    %dot_general3A_25 = tpu.matmul %concatenate3A, %get3A_23, %dot_general3A_24 {dimension_numbers = #tpu.dot_dimension_numbers<[1], [0], [0], [1], [0, 0, 1, 1], [], []>, transpose_lhs_hint = false} : vector<2000x256xf32>, vector<256x128xf32>, vector<2000x128xf32> -> vector<2000x128xf32>
    %get3A_26 = arith.constant 0 : index
    %get3A_27 = arith.constant 0 : index
    %get3A_28 = vector.load %arg7[%get3A_26, %get3A_27] : memref<1x128xf32, #tpu.memory_space<vmem>>, vector<1x128xf32>
    %add3A_29 = vector.broadcast %get3A_28 : vector<1x128xf32> to vector<2000x128xf32>
    %add3A_30 = arith.addf %dot_general3A_25, %add3A_29 : vector<2000x128xf32>
    %get3A_31 = arith.constant 0 : index
    %get3A_32 = arith.constant 0 : index
    %get3A_33 = vector.load %arg3[%get3A_31, %get3A_32] : memref<2000x1xi32, #tpu.memory_space<vmem>>, vector<2000x1xi32>
    %eq3A = arith.constant 0 : i32
    %eq3A_34 = vector.broadcast %eq3A : i32 to vector<2000x1xi32>
    %eq3A_35 = arith.cmpi eq, %get3A_33, %eq3A_34 : vector<2000x1xi32>
    %broadcast_in_dim3A = vector.shape_cast %eq3A_35 : vector<2000x1xi1> to vector<2000x1xi1>
    %broadcast_in_dim3A_36 = vector.broadcast %broadcast_in_dim3A : vector<2000x1xi1> to vector<2000x128xi1>
    %select_n3A = arith.select %broadcast_in_dim3A_36, %add3A_20, %add3A_30 : vector<2000x128xi1>, vector<2000x128xf32>
    %add3A_37 = arith.addf %select_n3A, %get3A_1 : vector<2000x128xf32>
    %swap3A = arith.constant 0 : index
    %swap3A_38 = arith.constant 0 : index
    %swap3A_39 = vector.load %arg11[%swap3A, %swap3A_38] : memref<2000x128xf32, #tpu.memory_space<vmem>>, vector<2000x128xf32>
    tpu.vector_store %arg11[%swap3A, %swap3A_38], %add3A_37 {strides = array<i32>} : memref<2000x128xf32, #tpu.memory_space<vmem>>, vector<2000x128xf32>,
    %get3A_40 = arith.constant 0 : index
    %get3A_41 = arith.constant 0 : index
    %get3A_42 = arith.constant 0 : index
    %get3A_43 = vector.load %arg8[%get3A_40, %get3A_41, %get3A_42] : memref<3x128x128xf32, #tpu.memory_space<vmem>>, vector<1x128x128xf32>
    %get3A_44 = vector.shape_cast %get3A_43 : vector<1x128x128xf32> to vector<128x128xf32>
    %dot_general3A_45 = arith.constant dense<0.000000e+00> : vector<2000x128xf32>
    %dot_general3A_46 = tpu.matmul %add3A_37, %get3A_44, %dot_general3A_45 {dimension_numbers = #tpu.dot_dimension_numbers<[1], [0], [0], [1], [0, 0, 1, 1], [], []>, transpose_lhs_hint = false} : vector<2000x128xf32>, vector<128x128xf32>, vector<2000x128xf32> -> vector<2000x128xf32>
    %get3A_47 = arith.constant 0 : index
    %get3A_48 = arith.constant 0 : index
    %get3A_49 = arith.constant 0 : index
    %get3A_50 = vector.load %arg10[%get3A_47, %get3A_48, %get3A_49] : memref<3x1x128xf32, #tpu.memory_space<vmem>>, vector<1x1x128xf32>
    %get3A_51 = vector.shape_cast %get3A_50 : vector<1x1x128xf32> to vector<1x128xf32>
    %add3A_52 = vector.broadcast %get3A_51 : vector<1x128xf32> to vector<2000x128xf32>
    %add3A_53 = arith.addf %dot_general3A_46, %add3A_52 : vector<2000x128xf32>
    %swap3A_54 = arith.constant 0 : index
    %swap3A_55 = arith.constant 0 : index
    %swap3A_56 = arith.constant 0 : index
    %swap3A_57 = vector.load %arg12[%swap3A_54, %swap3A_55, %swap3A_56] : memref<3x2000x128xf32, #tpu.memory_space<vmem>>, vector<1x2000x128xf32>
    %swap3A_58 = vector.shape_cast %swap3A_57 : vector<1x2000x128xf32> to vector<2000x128xf32>
    %swap3A_59 = vector.shape_cast %add3A_53 : vector<2000x128xf32> to vector<1x2000x128xf32>
    tpu.vector_store %arg12[%swap3A_54, %swap3A_55, %swap3A_56], %swap3A_59 {strides = array<i32>} : memref<3x2000x128xf32, #tpu.memory_space<vmem>>, vector<1x2000x128xf32>,
    %get3A_60 = arith.constant 0 : index
    %get3A_61 = arith.constant 0 : index
    %get3A_62 = arith.constant 0 : index
    %get3A_63 = vector.load %arg9[%get3A_60, %get3A_61, %get3A_62] : memref<3x128x128xf32, #tpu.memory_space<vmem>>, vector<1x128x128xf32>
    %get3A_64 = vector.shape_cast %get3A_63 : vector<1x128x128xf32> to vector<128x128xf32>
    %dot_general3A_65 = arith.constant dense<0.000000e+00> : vector<2000x128xf32>
    %dot_general3A_66 = tpu.matmul %add3A_37, %get3A_64, %dot_general3A_65 {dimension_numbers = #tpu.dot_dimension_numbers<[1], [0], [0], [1], [0, 0, 1, 1], [], []>, transpose_lhs_hint = false} : vector<2000x128xf32>, vector<128x128xf32>, vector<2000x128xf32> -> vector<2000x128xf32>
    %swap3A_67 = arith.constant 0 : index
    %swap3A_68 = arith.constant 0 : index
    %swap3A_69 = arith.constant 0 : index
    %swap3A_70 = vector.load %arg13[%swap3A_67, %swap3A_68, %swap3A_69] : memref<3x2000x128xf32, #tpu.memory_space<vmem>>, vector<1x2000x128xf32>
    %swap3A_71 = vector.shape_cast %swap3A_70 : vector<1x2000x128xf32> to vector<2000x128xf32>
    %swap3A_72 = vector.shape_cast %dot_general3A_66 : vector<2000x128xf32> to vector<1x2000x128xf32>
    tpu.vector_store %arg13[%swap3A_67, %swap3A_68, %swap3A_69], %swap3A_72 {strides = array<i32>} : memref<3x2000x128xf32, #tpu.memory_space<vmem>>, vector<1x2000x128xf32>,
    %get3A_73 = arith.constant 1 : index
    %get3A_74 = arith.constant 0 : index
    %get3A_75 = arith.constant 0 : index
    %get3A_76 = vector.load %arg8[%get3A_73, %get3A_74, %get3A_75] : memref<3x128x128xf32, #tpu.memory_space<vmem>>, vector<1x128x128xf32>
    %get3A_77 = vector.shape_cast %get3A_76 : vector<1x128x128xf32> to vector<128x128xf32>
    %dot_general3A_78 = arith.constant dense<0.000000e+00> : vector<2000x128xf32>
    %dot_general3A_79 = tpu.matmul %add3A_37, %get3A_77, %dot_general3A_78 {dimension_numbers = #tpu.dot_dimension_numbers<[1], [0], [0], [1], [0, 0, 1, 1], [], []>, transpose_lhs_hint = false} : vector<2000x128xf32>, vector<128x128xf32>, vector<2000x128xf32> -> vector<2000x128xf32>
    %get3A_80 = arith.constant 1 : index
    %get3A_81 = arith.constant 0 : index
    %get3A_82 = arith.constant 0 : index
    %get3A_83 = vector.load %arg10[%get3A_80, %get3A_81, %get3A_82] : memref<3x1x128xf32, #tpu.memory_space<vmem>>, vector<1x1x128xf32>
    %get3A_84 = vector.shape_cast %get3A_83 : vector<1x1x128xf32> to vector<1x128xf32>
    %add3A_85 = vector.broadcast %get3A_84 : vector<1x128xf32> to vector<2000x128xf32>
    %add3A_86 = arith.addf %dot_general3A_79, %add3A_85 : vector<2000x128xf32>
    %swap3A_87 = arith.constant 1 : index
    %swap3A_88 = arith.constant 0 : index
    %swap3A_89 = arith.constant 0 : index
    %swap3A_90 = vector.load %arg12[%swap3A_87, %swap3A_88, %swap3A_89] : memref<3x2000x128xf32, #tpu.memory_space<vmem>>, vector<1x2000x128xf32>
    %swap3A_91 = vector.shape_cast %swap3A_90 : vector<1x2000x128xf32> to vector<2000x128xf32>
    %swap3A_92 = vector.shape_cast %add3A_86 : vector<2000x128xf32> to vector<1x2000x128xf32>
    tpu.vector_store %arg12[%swap3A_87, %swap3A_88, %swap3A_89], %swap3A_92 {strides = array<i32>} : memref<3x2000x128xf32, #tpu.memory_space<vmem>>, vector<1x2000x128xf32>,
    %get3A_93 = arith.constant 1 : index
    %get3A_94 = arith.constant 0 : index
    %get3A_95 = arith.constant 0 : index
    %get3A_96 = vector.load %arg9[%get3A_93, %get3A_94, %get3A_95] : memref<3x128x128xf32, #tpu.memory_space<vmem>>, vector<1x128x128xf32>
    %get3A_97 = vector.shape_cast %get3A_96 : vector<1x128x128xf32> to vector<128x128xf32>
    %dot_general3A_98 = arith.constant dense<0.000000e+00> : vector<2000x128xf32>
    %dot_general3A_99 = tpu.matmul %add3A_37, %get3A_97, %dot_general3A_98 {dimension_numbers = #tpu.dot_dimension_numbers<[1], [0], [0], [1], [0, 0, 1, 1], [], []>, transpose_lhs_hint = false} : vector<2000x128xf32>, vector<128x128xf32>, vector<2000x128xf32> -> vector<2000x128xf32>
    %swap3A_100 = arith.constant 1 : index
    %swap3A_101 = arith.constant 0 : index
    %swap3A_102 = arith.constant 0 : index
    %swap3A_103 = vector.load %arg13[%swap3A_100, %swap3A_101, %swap3A_102] : memref<3x2000x128xf32, #tpu.memory_space<vmem>>, vector<1x2000x128xf32>
    %swap3A_104 = vector.shape_cast %swap3A_103 : vector<1x2000x128xf32> to vector<2000x128xf32>
    %swap3A_105 = vector.shape_cast %dot_general3A_99 : vector<2000x128xf32> to vector<1x2000x128xf32>
    tpu.vector_store %arg13[%swap3A_100, %swap3A_101, %swap3A_102], %swap3A_105 {strides = array<i32>} : memref<3x2000x128xf32, #tpu.memory_space<vmem>>, vector<1x2000x128xf32>,
    %get3A_106 = arith.constant 2 : index
    %get3A_107 = arith.constant 0 : index
    %get3A_108 = arith.constant 0 : index
    %get3A_109 = vector.load %arg8[%get3A_106, %get3A_107, %get3A_108] : memref<3x128x128xf32, #tpu.memory_space<vmem>>, vector<1x128x128xf32>
    %get3A_110 = vector.shape_cast %get3A_109 : vector<1x128x128xf32> to vector<128x128xf32>
    %dot_general3A_111 = arith.constant dense<0.000000e+00> : vector<2000x128xf32>
    %dot_general3A_112 = tpu.matmul %add3A_37, %get3A_110, %dot_general3A_111 {dimension_numbers = #tpu.dot_dimension_numbers<[1], [0], [0], [1], [0, 0, 1, 1], [], []>, transpose_lhs_hint = false} : vector<2000x128xf32>, vector<128x128xf32>, vector<2000x128xf32> -> vector<2000x128xf32>
    %get3A_113 = arith.constant 2 : index
    %get3A_114 = arith.constant 0 : index
    %get3A_115 = arith.constant 0 : index
    %get3A_116 = vector.load %arg10[%get3A_113, %get3A_114, %get3A_115] : memref<3x1x128xf32, #tpu.memory_space<vmem>>, vector<1x1x128xf32>
    %get3A_117 = vector.shape_cast %get3A_116 : vector<1x1x128xf32> to vector<1x128xf32>
    %add3A_118 = vector.broadcast %get3A_117 : vector<1x128xf32> to vector<2000x128xf32>
    %add3A_119 = arith.addf %dot_general3A_112, %add3A_118 : vector<2000x128xf32>
    %swap3A_120 = arith.constant 2 : index
    %swap3A_121 = arith.constant 0 : index
    %swap3A_122 = arith.constant 0 : index
    %swap3A_123 = vector.load %arg12[%swap3A_120, %swap3A_121, %swap3A_122] : memref<3x2000x128xf32, #tpu.memory_space<vmem>>, vector<1x2000x128xf32>
    %swap3A_124 = vector.shape_cast %swap3A_123 : vector<1x2000x128xf32> to vector<2000x128xf32>
    %swap3A_125 = vector.shape_cast %add3A_119 : vector<2000x128xf32> to vector<1x2000x128xf32>
    tpu.vector_store %arg12[%swap3A_120, %swap3A_121, %swap3A_122], %swap3A_125 {strides = array<i32>} : memref<3x2000x128xf32, #tpu.memory_space<vmem>>, vector<1x2000x128xf32>,
    %get3A_126 = arith.constant 2 : index
    %get3A_127 = arith.constant 0 : index
    %get3A_128 = arith.constant 0 : index
    %get3A_129 = vector.load %arg9[%get3A_126, %get3A_127, %get3A_128] : memref<3x128x128xf32, #tpu.memory_space<vmem>>, vector<1x128x128xf32>
    %get3A_130 = vector.shape_cast %get3A_129 : vector<1x128x128xf32> to vector<128x128xf32>
    %dot_general3A_131 = arith.constant dense<0.000000e+00> : vector<2000x128xf32>
    %dot_general3A_132 = tpu.matmul %add3A_37, %get3A_130, %dot_general3A_131 {dimension_numbers = #tpu.dot_dimension_numbers<[1], [0], [0], [1], [0, 0, 1, 1], [], []>, transpose_lhs_hint = false} : vector<2000x128xf32>, vector<128x128xf32>, vector<2000x128xf32> -> vector<2000x128xf32>
    %swap3A_133 = arith.constant 2 : index
    %swap3A_134 = arith.constant 0 : index
    %swap3A_135 = arith.constant 0 : index
    %swap3A_136 = vector.load %arg13[%swap3A_133, %swap3A_134, %swap3A_135] : memref<3x2000x128xf32, #tpu.memory_space<vmem>>, vector<1x2000x128xf32>
    %swap3A_137 = vector.shape_cast %swap3A_136 : vector<1x2000x128xf32> to vector<2000x128xf32>
    %swap3A_138 = vector.shape_cast %dot_general3A_132 : vector<2000x128xf32> to vector<1x2000x128xf32>
    tpu.vector_store %arg13[%swap3A_133, %swap3A_134, %swap3A_135], %swap3A_138 {strides = array<i32>} : memref<3x2000x128xf32, #tpu.memory_space<vmem>>, vector<1x2000x128xf32>,
    return
  }
  func.func @transform_0(%arg0: i32) -> (i32, i32) {
    %c0_i32 = arith.constant 0 : i32
    %c0_i32_0 = arith.constant 0 : i32
    return %arg0, %c0_i32 : i32, i32
  }
  func.func @transform_1(%arg0: i32) -> (i32, i32, i32) {
    %c0_i32 = arith.constant 0 : i32
    %c0_i32_0 = arith.constant 0 : i32
    %c0_i32_1 = arith.constant 0 : i32
    return %c0_i32, %arg0, %c0_i32_0 : i32, i32, i32
  }
  func.func @transform_2(%arg0: i32) -> (i32, i32) {
    %c0_i32 = arith.constant 0 : i32
    %c0_i32_0 = arith.constant 0 : i32
    return %arg0, %c0_i32 : i32, i32
  }
  func.func @transform_3(%arg0: i32) -> (i32, i32) {
    %c0_i32 = arith.constant 0 : i32
    %c0_i32_0 = arith.constant 0 : i32
    %c0_i32_1 = arith.constant 0 : i32
    return %c0_i32, %c0_i32_0 : i32, i32
  }
  func.func @transform_4(%arg0: i32) -> (i32, i32) {
    %c0_i32 = arith.constant 0 : i32
    %c0_i32_0 = arith.constant 0 : i32
    %c0_i32_1 = arith.constant 0 : i32
    return %c0_i32, %c0_i32_0 : i32, i32
  }
  func.func @transform_5(%arg0: i32) -> (i32, i32) {
    %c0_i32 = arith.constant 0 : i32
    %c0_i32_0 = arith.constant 0 : i32
    %c0_i32_1 = arith.constant 0 : i32
    return %c0_i32, %c0_i32_0 : i32, i32
  }
  func.func @transform_6(%arg0: i32) -> (i32, i32) {
    %c0_i32 = arith.constant 0 : i32
    %c0_i32_0 = arith.constant 0 : i32
    %c0_i32_1 = arith.constant 0 : i32
    return %c0_i32, %c0_i32_0 : i32, i32
  }
  func.func @transform_7(%arg0: i32) -> (i32, i32, i32) {
    %c0_i32 = arith.constant 0 : i32
    %c0_i32_0 = arith.constant 0 : i32
    %c0_i32_1 = arith.constant 0 : i32
    %c0_i32_2 = arith.constant 0 : i32
    return %c0_i32, %c0_i32_0, %c0_i32_1 : i32, i32, i32
  }
  func.func @transform_8(%arg0: i32) -> (i32, i32, i32) {
    %c0_i32 = arith.constant 0 : i32
    %c0_i32_0 = arith.constant 0 : i32
    %c0_i32_1 = arith.constant 0 : i32
    %c0_i32_2 = arith.constant 0 : i32
    return %c0_i32, %c0_i32_0, %c0_i32_1 : i32, i32, i32
  }
  func.func @transform_9(%arg0: i32) -> (i32, i32, i32) {
    %c0_i32 = arith.constant 0 : i32
    %c0_i32_0 = arith.constant 0 : i32
    %c0_i32_1 = arith.constant 0 : i32
    %c0_i32_2 = arith.constant 0 : i32
    return %c0_i32, %c0_i32_0, %c0_i32_1 : i32, i32, i32
  }
  func.func @transform_10(%arg0: i32) -> (i32, i32) {
    %c0_i32 = arith.constant 0 : i32
    %c0_i32_0 = arith.constant 0 : i32
    return %arg0, %c0_i32 : i32, i32
  }
  func.func @transform_11(%arg0: i32) -> (i32, i32, i32) {
    %c0_i32 = arith.constant 0 : i32
    %c0_i32_0 = arith.constant 0 : i32
    %c0_i32_1 = arith.constant 0 : i32
    return %c0_i32, %arg0, %c0_i32_0 : i32, i32, i32
  }
  func.func @transform_12(%arg0: i32) -> (i32, i32, i32) {
    %c0_i32 = arith.constant 0 : i32
    %c0_i32_0 = arith.constant 0 : i32
    %c0_i32_1 = arith.constant 0 : i32
    return %c0_i32, %arg0, %c0_i32_0 : i32, i32, i32
  }
}

module attributes {stable_mosaic.version = 14 : i64} {
  func.func @_edge_body(%arg0: i32, %arg1: memref<4000x128xf32, #tpu.memory_space<vmem>>, %arg2: memref<4000x128xf32, #tpu.memory_space<vmem>>, %arg3: memref<4000x1xi32, #tpu.memory_space<vmem>>, %arg4: memref<3x128x128xf32, #tpu.memory_space<vmem>>, %arg5: memref<4000x128xf32, #tpu.memory_space<vmem>>) attributes {dimension_semantics = [#tpu.dimension_semantics<arbitrary>], iteration_bounds = array<i64: 80>, scalar_prefetch = 0 : i64, scratch_operands = 0 : i64, tpu.core_type = #tpu.core_type<tc>, window_params = [{transform_indices = @transform_0, window_bounds = array<i64: 4000, 128>}, {transform_indices = @transform_1, window_bounds = array<i64: 4000, 128>}, {transform_indices = @transform_2, window_bounds = array<i64: 4000, 1>}, {pipeline_mode = #tpu.pipeline_mode<synchronous>, transform_indices = @transform_3, window_bounds = array<i64: 3, 128, 128>}, {transform_indices = @transform_4, window_bounds = array<i64: 4000, 128>}]} {
    %get3A = arith.constant 0 : index
    %get3A_0 = arith.constant 0 : index
    %get3A_1 = vector.load %arg1[%get3A, %get3A_0] : memref<4000x128xf32, #tpu.memory_space<vmem>>, vector<4000x128xf32>
    %convert_element_type3A = arith.truncf %get3A_1 : vector<4000x128xf32> to vector<4000x128xbf16>
    %get3A_2 = arith.constant 0 : index
    %get3A_3 = arith.constant 0 : index
    %get3A_4 = arith.constant 0 : index
    %get3A_5 = vector.load %arg4[%get3A_2, %get3A_3, %get3A_4] : memref<3x128x128xf32, #tpu.memory_space<vmem>>, vector<3x128x128xf32>
    %convert_element_type3A_6 = arith.truncf %get3A_5 : vector<3x128x128xf32> to vector<3x128x128xbf16>
    %slice3A = vector.extract_strided_slice %convert_element_type3A_6 {offsets = [0, 0, 0], sizes = [1, 128, 128], strides = [1, 1, 1]} : vector<3x128x128xbf16> to vector<1x128x128xbf16>
    %squeeze3A = vector.shape_cast %slice3A : vector<1x128x128xbf16> to vector<128x128xbf16>
    %dot_general3A = arith.constant dense<0.000000e+00> : vector<4000x128xf32>
    %dot_general3A_7 = tpu.matmul %convert_element_type3A, %squeeze3A, %dot_general3A {dimension_numbers = #tpu.dot_dimension_numbers<[1], [0], [0], [1], [0, 0, 1, 1], [], []>, transpose_lhs_hint = false} : vector<4000x128xbf16>, vector<128x128xbf16>, vector<4000x128xf32> -> vector<4000x128xf32>
    %slice3A_8 = vector.extract_strided_slice %convert_element_type3A_6 {offsets = [1, 0, 0], sizes = [1, 128, 128], strides = [1, 1, 1]} : vector<3x128x128xbf16> to vector<1x128x128xbf16>
    %squeeze3A_9 = vector.shape_cast %slice3A_8 : vector<1x128x128xbf16> to vector<128x128xbf16>
    %dot_general3A_10 = arith.constant dense<0.000000e+00> : vector<4000x128xf32>
    %dot_general3A_11 = tpu.matmul %convert_element_type3A, %squeeze3A_9, %dot_general3A_10 {dimension_numbers = #tpu.dot_dimension_numbers<[1], [0], [0], [1], [0, 0, 1, 1], [], []>, transpose_lhs_hint = false} : vector<4000x128xbf16>, vector<128x128xbf16>, vector<4000x128xf32> -> vector<4000x128xf32>
    %slice3A_12 = vector.extract_strided_slice %convert_element_type3A_6 {offsets = [2, 0, 0], sizes = [1, 128, 128], strides = [1, 1, 1]} : vector<3x128x128xbf16> to vector<1x128x128xbf16>
    %squeeze3A_13 = vector.shape_cast %slice3A_12 : vector<1x128x128xbf16> to vector<128x128xbf16>
    %dot_general3A_14 = arith.constant dense<0.000000e+00> : vector<4000x128xf32>
    %dot_general3A_15 = tpu.matmul %convert_element_type3A, %squeeze3A_13, %dot_general3A_14 {dimension_numbers = #tpu.dot_dimension_numbers<[1], [0], [0], [1], [0, 0, 1, 1], [], []>, transpose_lhs_hint = false} : vector<4000x128xbf16>, vector<128x128xbf16>, vector<4000x128xf32> -> vector<4000x128xf32>
    %get3A_16 = arith.constant 0 : index
    %get3A_17 = arith.constant 0 : index
    %get3A_18 = vector.load %arg3[%get3A_16, %get3A_17] : memref<4000x1xi32, #tpu.memory_space<vmem>>, vector<4000x1xi32>
    %eq3A = arith.constant 0 : i32
    %eq3A_19 = vector.broadcast %eq3A : i32 to vector<4000x1xi32>
    %eq3A_20 = arith.cmpi eq, %get3A_18, %eq3A_19 : vector<4000x1xi32>
    %eq3A_21 = arith.constant 1 : i32
    %eq3A_22 = vector.broadcast %eq3A_21 : i32 to vector<4000x1xi32>
    %eq3A_23 = arith.cmpi eq, %get3A_18, %eq3A_22 : vector<4000x1xi32>
    %broadcast_in_dim3A = vector.shape_cast %eq3A_23 : vector<4000x1xi1> to vector<4000x1xi1>
    %broadcast_in_dim3A_24 = vector.broadcast %broadcast_in_dim3A : vector<4000x1xi1> to vector<4000x128xi1>
    %select_n3A = arith.select %broadcast_in_dim3A_24, %dot_general3A_11, %dot_general3A_15 : vector<4000x128xi1>, vector<4000x128xf32>
    %broadcast_in_dim3A_25 = vector.shape_cast %eq3A_20 : vector<4000x1xi1> to vector<4000x1xi1>
    %broadcast_in_dim3A_26 = vector.broadcast %broadcast_in_dim3A_25 : vector<4000x1xi1> to vector<4000x128xi1>
    %select_n3A_27 = arith.select %broadcast_in_dim3A_26, %dot_general3A_7, %select_n3A : vector<4000x128xi1>, vector<4000x128xf32>
    %le3A = arith.constant 2 : i32
    %le3A_28 = vector.broadcast %le3A : i32 to vector<4000x1xi32>
    %le3A_29 = arith.cmpi sle, %get3A_18, %le3A_28 : vector<4000x1xi32>
    %get3A_30 = arith.constant 0 : index
    %get3A_31 = arith.constant 0 : index
    %get3A_32 = vector.load %arg2[%get3A_30, %get3A_31] : memref<4000x128xf32, #tpu.memory_space<vmem>>, vector<4000x128xf32>
    %add3A = arith.addf %get3A_32, %select_n3A_27 : vector<4000x128xf32>
    %jit3A = arith.constant 0.000000e+00 : f32
    %broadcast_in_dim3A_33 = vector.shape_cast %le3A_29 : vector<4000x1xi1> to vector<4000x1xi1>
    %broadcast_in_dim3A_34 = vector.broadcast %broadcast_in_dim3A_33 : vector<4000x1xi1> to vector<4000x128xi1>
    %broadcast_in_dim3A_35 = vector.broadcast %jit3A : f32 to vector<4000x128xf32>
    %select_n3A_36 = arith.select %broadcast_in_dim3A_34, %add3A, %broadcast_in_dim3A_35 : vector<4000x128xi1>, vector<4000x128xf32>
    %add3A_37 = arith.addf %get3A_1, %select_n3A_36 : vector<4000x128xf32>
    %swap3A = arith.constant 0 : index
    %swap3A_38 = arith.constant 0 : index
    %swap3A_39 = vector.load %arg5[%swap3A, %swap3A_38] : memref<4000x128xf32, #tpu.memory_space<vmem>>, vector<4000x128xf32>
    tpu.vector_store %arg5[%swap3A, %swap3A_38], %add3A_37 {strides = array<i32>} : memref<4000x128xf32, #tpu.memory_space<vmem>>, vector<4000x128xf32>,
    return
  }
  func.func @transform_0(%arg0: i32) -> (i32, i32) {
    %c0_i32 = arith.constant 0 : i32
    %c0_i32_0 = arith.constant 0 : i32
    return %arg0, %c0_i32 : i32, i32
  }
  func.func @transform_1(%arg0: i32) -> (i32, i32) {
    %c0_i32 = arith.constant 0 : i32
    %c0_i32_0 = arith.constant 0 : i32
    return %arg0, %c0_i32 : i32, i32
  }
  func.func @transform_2(%arg0: i32) -> (i32, i32) {
    %c0_i32 = arith.constant 0 : i32
    %c0_i32_0 = arith.constant 0 : i32
    return %arg0, %c0_i32 : i32, i32
  }
  func.func @transform_3(%arg0: i32) -> (i32, i32, i32) {
    %c0_i32 = arith.constant 0 : i32
    %c0_i32_0 = arith.constant 0 : i32
    %c0_i32_1 = arith.constant 0 : i32
    %c0_i32_2 = arith.constant 0 : i32
    return %c0_i32, %c0_i32_0, %c0_i32_1 : i32, i32, i32
  }
  func.func @transform_4(%arg0: i32) -> (i32, i32) {
    %c0_i32 = arith.constant 0 : i32
    %c0_i32_0 = arith.constant 0 : i32
    return %arg0, %c0_i32 : i32, i32
  }
}

</mosaic_0001>

<sc_bundles>
// kernel: kernel.6.cloned.1.call-start
scs
__scs_entry_jumppad:
0x0: {  	(pc) =	sbr.rel $0x88, $3  }
0x1: {  	(tag) =	ssettag $0x0;
	lr =	simm.s32 $0x1  }
0x2: {  	[smem:$0x3F93] =	sst lr;
	_ =	strace $0xD0000000  }
0x3: {  	_ = 	snop  }
0x4: {  	_ = 	snop  }
0x5: {  	_ = 	snop  }
0x6: {  	_ = 	snop  }
0x7: {  	_ = 	snop  }
__scs_overlays_trampoline_lowered:
0x8: {  	[smem:$0x3FA2] =	sst s0  }
0x9: {  	[smem:$0x3FA3] =	sst s1  }
0xa: {  	[smem:$0x3FA4] =	sst s2  }
0xb: {  	[smem:$0x3FA5] =	sst s3  }
0xc: {  	[smem:$0x3FA6] =	sst s4  }
0xd: {  	[smem:$0x3FA7] =	sst s5  }
0xe: {  	[smem:$0x3FA8] =	sst s6  }
0xf: {  	[smem:$0x3FA9] =	sst s7  }
0x10: {  	[smem:$0x3FAA] =	sst s8  }
0x11: {  	[smem:$0x3FAB] =	sst s9;
	s0 =	simm.s32 @!p0 $0x0  }
0x12: {  	s1 =	sld [smem:$0x3F91];
	s0 =	simm.s32 @p0 $0x1  }
0x13: {  	[smem:$0x3FAC] =	sst s0;
	s0 =	simm.s32 @!p1 $0x0  }
0x14: {  	s2 =	sld [smem:$0x3F90];
	s0 =	simm.s32 @p1 $0x1  }
0x15: {  	[smem:$0x3FAD] =	sst s0;
	s0 =	simm.s32 @!p2 $0x0  }
0x16: {  	s3 =	sld [smem:$0x3FDB];
	s0 =	simm.s32 @p2 $0x1  }
0x17: {  	s4 =	simm.s32 $0x1BF5;
	[smem:$0x3FAF] =	sst s0  }
0x18: {  	s0 =	sld [smem:$0x3F92];
	_ =	swait.ge [sflag:s4], $0x0  }
0x19: {  	s7 =	sld [smem:$0x3F93]  }
0x1a: {  	s8 =	sadd.s32 $0xFFFFE003, lr  }
0x1b: {  	s9 =	sadd.s32 $0xFFFFFEF7, lr;
	s5 =	simm.s32 $0xFFFFFFFF;
	p2 =	slt.u32 s8, $0xFFFFF086  }
0x1c: {  	p1 =	slt.u32 s9, $0xF7A;
	s5 =	simm.s32 @!p2 $0x0  }
0x1d: {  	s5 =	simm.s32 @p1 $0x1;
	p0 =	seq.s32 s7, s2  }
0x1e: {  	s7 =	smul.u32 @!p0 $0xF7A, s2;
	p2 =	seq.s32 @!p0 s5, $0x0  }
0x1f: {  	s9 =	smul.u32 $0xF7A, s1;
	s8 =	simm.s32 @!p0 $0x1BF5;
	p2 =	por !p2, p0  }
0x20: {  	[sflag:s8] =	ssyncset.s32 @!p0 $0xFFFFF086;
	s6 =	sadd.s32 @!p0 s3, s7;
	s7 =	simm.s32 @!p0 $0x108  }
0x21: {  	s3 =	sadd.s32 s3, s9;
	s6 =	sadd.s32 @!p0 $0x88, s6;
	s7 =	simm.s32 @p2 $0x1082  }
0x22: {  	[simem:s7], [sflag:s8] =	dma.local @!p0 [hbm:s6], $0xF7A  }
0x23: {  	s9 =	sor.u32 $0xD0000000, s2;
	s6 =	simm.s32 $0x108;
	_ =	swait.ge @!p0 [sflag:s8], $0x0  }
0x24: {  	s3 =	sadd.s32 $0x88, s3;
	s6 =	simm.s32 @!p1 $0x1082;
	[sflag:s4] =	ssyncset.s32 $0xFFFFF086  }
0x25: {  	[simem:s6], [sflag:s4] =	dma.local [hbm:s3], $0xF7A  }
0x26: {  	[smem:$0x3F93] =	sst s1;
	(tag) =	ssettag s2;
	_ =	strace s9  }
0x27: {  	s1 =	sld [smem:$0x3FA3]  }
0x28: {  	s2 =	sld [smem:$0x3FA4]  }
0x29: {  	s4 =	sld [smem:$0x3FA6]  }
0x2a: {  	p0 =	seq.s32 s5, $0x0;
	s5 =	sld [smem:$0x3FA7]  }
0x2b: {  	s6 =	sld [smem:$0x3FA8]  }
0x2c: {  	s7 =	sld [smem:$0x3FA9]  }
0x2d: {  	s3 =	simm.s32 $0x108;
	s8 =	sld [smem:$0x3FAA]  }
0x2e: {  	s3 =	simm.s32 @!p0 $0x1082;
	s9 =	sld [smem:$0x3FAB]  }
0x2f: {  	lr =	sadd.s32 s0, s3;
	s0 =	sld [smem:$0x3FA2]  }
0x30: {  	s3 =	sld [smem:$0x3FA5]  }
0x31: {  	[smem:$0x3FAE] =	sst s10  }
0x32: {  	s10 =	sld [smem:$0x3FAC];
	_ =	sdelay $0x3  }
0x33: {  	p0 =	seq.s32 s10, $0x1;
	s10 =	sld [smem:$0x3FAE];
	_ =	sdelay $0x3  }
0x34: {  	[smem:$0x3FAE] =	sst s10  }
0x35: {  	s10 =	sld [smem:$0x3FAD];
	_ =	sdelay $0x3  }
0x36: {  	p1 =	seq.s32 s10, $0x1;
	s10 =	sld [smem:$0x3FAE];
	_ =	sdelay $0x3  }
0x37: {  	[smem:$0x3FAE] =	sst s10  }
0x38: {  	s10 =	sld [smem:$0x3FAF]  }
0x39: {  	_ = 	snop;
	(pc) =	sbr.ind lr, $3  }
0x3a: {  	_ = 	snop  }
0x3b: {  	_ = 	snop  }
0x3c: {  	p2 =	seq.s32 s10, $0x1;
	s10 =	sld [smem:$0x3FAE]  }
0x3d: {  	_ =	shalt  }
0x3e: {  	_ =	shalt  }
0x3f: {  	_ =	shalt  }
0x40: {  	_ =	shalt  }
0x41: {  	_ =	shalt  }
0x42: {  	_ =	shalt  }
0x43: {  	_ =	shalt  }
0x44: {  	_ =	shalt  }
0x45: {  	_ =	shalt  }
0x46: {  	_ =	shalt  }
0x47: {  	_ =	shalt  }
0x48: {  	_ =	shalt  }
0x49: {  	_ =	shalt  }
0x4a: {  	_ =	shalt  }
0x4b: {  	_ =	shalt  }
0x4c: {  	_ =	shalt  }
0x4d: {  	_ =	shalt  }
0x4e: {  	_ =	shalt  }
0x4f: {  	_ =	shalt  }
0x50: {  	_ =	shalt  }
0x51: {  	_ =	shalt  }
0x52: {  	_ =	shalt  }
0x53: {  	_ =	shalt  }
0x54: {  	_ =	shalt  }
0x55: {  	_ =	shalt  }
0x56: {  	_ =	shalt  }
0x57: {  	_ =	shalt  }
0x58: {  	_ =	shalt  }
0x59: {  	_ =	shalt  }
0x5a: {  	_ =	shalt  }
0x5b: {  	_ =	shalt  }
0x5c: {  	_ =	shalt  }
0x5d: {  	_ =	shalt  }
0x5e: {  	_ =	shalt  }
0x5f: {  	_ =	shalt  }
0x60: {  	_ =	shalt  }
0x61: {  	_ =	shalt  }
0x62: {  	_ =	shalt  }
0x63: {  	_ =	shalt  }
0x64: {  	_ =	shalt  }
0x65: {  	_ =	shalt  }
0x66: {  	_ =	shalt  }
0x67: {  	_ =	shalt  }
0x68: {  	_ =	shalt  }
0x69: {  	_ =	shalt  }
0x6a: {  	_ =	shalt  }
0x6b: {  	_ =	shalt  }
0x6c: {  	_ =	shalt  }
0x6d: {  	_ =	shalt  }
0x6e: {  	_ =	shalt  }
0x6f: {  	_ =	shalt  }
0x70: {  	_ =	shalt  }
0x71: {  	_ =	shalt  }
0x72: {  	_ =	shalt  }
0x73: {  	_ =	shalt  }
0x74: {  	_ =	shalt  }
0x75: {  	_ =	shalt  }
0x76: {  	_ =	shalt  }
0x77: {  	_ =	shalt  }
0x78: {  	_ =	shalt  }
0x79: {  	_ =	shalt  }
0x7a: {  	_ =	shalt  }
0x7b: {  	_ =	shalt  }
0x7c: {  	_ =	shalt  }
0x7d: {  	_ =	shalt  }
0x7e: {  	_ =	shalt  }
0x7f: {  	_ =	shalt  }
0x80: {  	_ =	shalt  }
0x81: {  	_ =	shalt  }
0x82: {  	_ =	shalt  }
0x83: {  	_ =	shalt  }
0x84: {  	_ =	shalt  }
0x85: {  	_ =	shalt  }
0x86: {  	_ =	shalt  }
0x87: {  	_ =	shalt  }
.Lfunc_end0:
.L_simem_size_0:
called_computation_lowered:
.L_overlay_start_0:
0x88: {  	s2 =	sld [smem:$0x3FD9]  }
0x89: {  	s3 =	sld [smem:$0x3FFE];
	_ =	sdelay $0x1  }
0x8a: {  	s1 =	srdreg.scid  }
0x8b: {  	s0 =	sand.u32 $0x1, s1  }
0x8c: {  	s14 =	sshll.u32 s0, $0xA;
	s2 =	sadd.s32 s3, s2  }
0x8d: {  	s2 =	sadd.s32 s2, s14  }
0x8e: {  	[smem:$0x3FBA] =	sst s2  }
0x8f: {  	_ = 	snop  }
0x90: {  	s2 =	sld [smem:$0x3FD0];
	_ =	sdelay $0x1  }
0x91: {  	s15 =	sld [smem:$0x3FC7]  }
0x92: {  	s5 =	simm.s32 $0xA;
	s6 =	simm.s32 $0x10;
	s4 =	sld [smem:$0x3FC6]  }
0x93: {  	[smem:s6], [sflag:s5] =	dma.local [hbm:s2], $0x1  }
0x94: {  	_ =	swait.eq [sflag:s5], $0x1  }
0x95: {  	[sflag:s5] =	ssyncset.done $0x0  }
0x96: {  	s16 =	sld [smem:$0x10];
	[sflag:s5] =	ssyncadd.s32 $0xFFFFFFFF  }
0x97: {  	s17 =	sld [smem:$0x11];
	(tm) =	ssettm $0x1  }
0x98: {  	s18 =	sld [smem:$0x3FFB];
	_ =	sdelay $0x3  }
0x99: {  	_ =	strace s18  }
0x9a: {  	s6 =	sld [smem:$0x3FFC];
	_ =	sdelay $0x3  }
0x9b: {  	_ =	strace s6  }
0x9c: {  	s6 =	sld [smem:$0x3FFD];
	_ =	sdelay $0x3  }
0x9d: {  	_ =	strace s6  }
0x9e: {  	_ =	strace $0x8FFFFFFF  }
0x9f: {  	s19 =	sld [smem:$0x3FDB];
	_ =	sdelay $0x1  }
0xa0: {  	s7 =	simm.s32 $_scs_section_size  }
0xa1: {  	s8 =	simm.s32 $_size__tile_overlayer_lowered;
	s9 =	simm.s32 $_tile_overlayer_lowered  }
0xa2: {  	s22 =	simm.s32 $0x1BFF;
	s21 =	sshll.u32 s9, $0x1;
	s6 =	sadd.s32 s7, s19  }
0xa3: {  	s10 =	simm.s32 $0x0;
	s20 =	sshll.u32 s8, $0x1;
	s8 =	sadd.s32 s21, s6  }
0xa4: {  	[timem:s10], [sflag:s22] =	dma.local [hbm:s8], s20  }
0xa5: {  	_ =	swait.ge [sflag:s22], s20  }
0xa6: {  	s7 =	ssub.s32 $0x0, s20;
	[sflag:s22] =	ssyncset.done $0x0  }
0xa7: {  	[sflag:s22] =	ssyncadd.s32 s7;
	_ =	sdelay $0x1  }
0xa8: {  	s23 =	simm.s32 $0x1B8B  }
0xa9: {  	_ =	swait.ge [sflag:s23], $0x1  }
0xaa: {  	[sflag:s23] =	ssyncset.done $0x0  }
0xab: {  	s25 =	simm.s32 $0x1B8E;
	s24 =	sld [smem:$0x3FFE];
	[sflag:s23] =	ssyncadd.s32 $0xFFFFFFFF  }
0xac: {  	s26 =	simm.s32 $execute0_lowered;
	[smem:$0x3FD2] =	sst s25  }
0xad: {  	s8 =	sshll.u32 s26, $0x1;
	_ =	strace $0x80000046;
	[dreg:$0x1] =	wrdreg $0xFFFFFFFF  }
0xae: {  	s28 =	simm.s32 $_size_execute0_lowered;
	s6 =	sadd.s32 s6, s8;
	[dreg:$0x0] =	wrdreg $0x0  }
0xaf: {  	s8 =	sshll.u32 s28, $0x1;
	[dreg:$0x2] =	wrdreg s6  }
0xb0: {  	[dreg:$0x3] =	wrdreg s8  }
0xb1: {  	[dreg:$0x4] =	wrdreg $0xC0  }
0xb2: {  	_ =	task [dreg:s10], $0x5FFFF  }
0xb3: {  	[dreg:$0x1] =	wrdreg $0xFFFFFFFF  }
0xb4: {  	[dreg:$0x0] =	wrdreg $0x60  }
0xb5: {  	[dreg:$0x2] =	wrdreg s15  }
0xb6: {  	[dreg:$0x3] =	wrdreg s24  }
0xb7: {  	[dreg:$0x4] =	wrdreg s16  }
0xb8: {  	[dreg:$0x5] =	wrdreg s4  }
0xb9: {  	[dreg:$0x6] =	wrdreg s17  }
0xba: {  	[dreg:$0x7] =	wrdreg $0x94800  }
0xbb: {  	[dreg:$0x8] =	wrdreg $0x9  }
0xbc: {  	_ =	task.clear_ibuf [dreg:s10], $0x9FFFF;
	_ =	strace $0x90000046  }
0xbd: {  	s29 =	simm.s32 $0x9;
	_ =	strace $0x80000048  }
0xbe: {  	_ =	swait.ge [sflag:s29], $0x1  }
0xbf: {  	[sflag:s29] =	ssyncadd.s32 $0xFFFFFFFF  }
0xc0: {  	_ =	strace $0x90000048  }
0xc1: {  	_ =	sfence  }
0xc2: {  	s30 =	sld [smem:$0x0];
	_ =	sdelay $0x2  }
0xc3: {  	s31 =	sshll.u32 s1, $0xD;
	s1 =	sshrl.u32 s1, $0x2  }
0xc4: {  	s3 =	sand.u32 $0x4000, s31;
	s1 =	sadd.s32 s1, s30  }
0xc5: {  	s0 =	sor.u32 s3, s0;
	s1 =	sshll.u32 s1, $0x11  }
0xc6: {  	s0 =	sor.u32 s1, s0  }
0xc7: {  	s0 =	sadd.s32 $0x8F2B, s0  }
0xc8: {  	[sflag:s0] =	ssyncadd.remote.s32 $0x1  }
0xc9: {  	_ =	sfence.sel $0xFFFF  }
0xca: {  	[dreg:$0x0] =	wrdreg $0xFFFFFFFF;
	(pc) =	sbr.abs _section_cstart, $3  }
0xcb: {  	[dreg:$0x1] =	wrdreg $0xFFFFFFFF  }
0xcc: {  	_ =	task.clear_ibuf [dreg:s10], $0x2FFFF;
	_ =	strace $0x9FFFFFFF  }
0xcd: {  	(tm) =	ssettm $0x7FFFFFFF  }
tec
execute0_lowered:
.L_overlay_start_1:
0x0: {  	(tag) =	ssettag $0x1  }
0x1: {  	s2 =	rddreg [dreg:$0x0]  }
0x2: {  	s0 =	rddreg [dreg:$0x1]  }
0x3: {  	s8 =	rddreg [dreg:$0x2]  }
0x4: {  	s1 =	rddreg [dreg:$0x4]  }
0x5: {  	s4 =	rddreg [dreg:$0x5]  }
0x6: {  	s5 =	simm.s32 $0x0;
	s3 =	srdreg.scid;
	s16 =	stileid.u32  }
0x7: {  	s29 =	simm.s32 $0x7900;
	s30 =	simm.s32 $0x7980;
	s11 =	smul.u32 $0x4E000, s16  }
0x8: {  	s31 =	simm.s32 $0x7B80;
	[smem:$0x7FF] =	sst s5;
	s24 =	smul.u32 $0x2710, s16  }
0x9: {  	s6 =	sadd.s32 $0x3600, s0;
	s3 =	sand.u32 $0x1, s3;
	s26 =	smul.u32 $0x27100, s16  }
0xa: {  	s17 =	sadd.s32 $0xD400, s0;
	s9 =	sadd.s32 $0x17200, s0;
	s19 =	smul.u32 $0x138800, s3  }
0xb: {  	s10 =	sadd.s32 $0x21000, s0;
	s7 =	sshll.u32 s3, $0x4;
	s22 =	smul.u32 $0x271000, s3  }
0xc: {  	s18 =	ssub.s32 $0x2, s3;
	s3 =	smul.u32 $0x27100, s3;
	s14 =	sor.u32 s16, s7  }
0xd: {  	p0 =	sne.s32 s16, $0x0;
	s12 =	sshrl.u32 s11, $0x2;
	s11 =	smul.u32 $0x2710, s14  }
0xe: {  	_ =	strace $0x80000047;
	s13 =	sshrl.u32 s18, $0x1;
	s0 =	smul.u32 $0x27100, s14  }
0xf: {  	s15 =	sadd.s32 s12, s4;
	s7 =	ssub.s32 s18, s13;
	s14 =	smul.u32 $0x13800, s16  }
0x10: {  	s28 =	sadd.s32 s22, s2;
	s12 =	sadd.s32 $0x1800, s15;
	[dreg:$0x7] =	wrdreg s15  }
0x11: {  	s3 =	sadd.s32 s24, s3;
	s20 =	sadd.s32 $0x3000, s15;
	[dreg:$0x8] =	wrdreg s12  }
0x12: {  	s13 =	sadd.s32 $0xA0, s3;
	s16 =	sadd.s32 $0x6000, s15;
	[dreg:$0x9] =	wrdreg s20  }
0x13: {  	s22 =	sadd.s32 $0xF000, s15;
	s21 =	sshrl.u32 s11, $0x3;
	[dreg:$0x11] =	wrdreg s13  }
0x14: {  	s0 =	sadd.s32 s2, s0;
	s23 =	sadd.s32 s14, s19;
	[dreg:$0x13] =	wrdreg s16  }
0x15: {  	s12 =	sshrl.u32 s19, $0x3;
	s14 =	sadd.s32 $0x4800, s15;
	[dreg:$0x19] =	wrdreg s22  }
0x16: {  	s19 =	sadd.s32 $0xA800, s15;
	s20 =	sadd.s32 $0xC000, s15;
	[dreg:$0xc] =	wrdreg s0  }
0x17: {  	s22 =	simm.s32 $0x7A80;
	s18 =	sadd.s32 s6, s21;
	[dreg:$0x12] =	wrdreg s14  }
0x18: {  	s8 =	sadd.s32 s8, s21;
	s0 =	sshrl.u32 s23, $0x3;
	[dreg:$0x16] =	wrdreg s19  }
0x19: {  	s25 =	sadd.s32 s1, s12;
	s12 =	sshrl.u32 s3, $0x3;
	[dreg:$0x17] =	wrdreg s20  }
0x1a: {  	s21 =	sadd.s32 $0xD800, s15;
	s19 =	simm.s32 $0x2780;
	s20 =	simm.s32 $0x1  }
0x1b: {  	s14 =	simm.s32 $0x3;
	s3 =	simm.s32 $0x0;
	[dreg:$0xa] =	wrdreg s18  }
0x1c: {  	[dreg:$0xb] =	wrdreg s8;
	s0 =	sadd.s32 s1, s0;
	s8 =	smax.u32 s7, $0x1  }
0x1d: {  	s23 =	sadd.s32 s12, s10;
	s24 =	sadd.s32 s12, s9;
	[dreg:$0x18] =	wrdreg s21  }
0x1e: {  	s18 =	sadd.s32 $0x9000, s15;
	s7 =	sadd.s32 $0x138000, s4;
	[dreg:$0xd] =	wrdreg s0  }
0x1f: {  	s21 =	simm.s32 $0x4F80;
	s0 =	sadd.s32 $0x27000, s25;
	[dreg:$0xf] =	wrdreg s8  }
0x20: {  	s8 =	smov.u32 s10;
	s10 =	smov.u32 s9;
	[dreg:$0x15] =	wrdreg s18  }
0x21: {  	s9 =	smov.u32 s17;
	s25 =	sadd.s32 s12, s17;
	[dreg:$0x1c] =	wrdreg s7  }
.Ltmp0:
0x22: {  	s17 =	sadd.s32 $0x7800, s15;
	[dreg:$0xe] =	wrdreg s0;
	(pc) =	sbr.rel .LBB2_1-.Ltmp0, $4  }
0x23: {  	s0 =	sadd.s32 s26, s28;
	[dreg:$0x14] =	wrdreg s17;
	s26 =	sadd.s32 $0x10800, s15  }
0x24: {  	s1 =	simm.s32 $0x2;
	s28 =	sadd.s32 $0x12000, s15;
	[dreg:$0x1a] =	wrdreg s26  }
0x25: {  	s18 =	simm.s32 $0x7880;
	s0 =	sadd.s32 $0xA00, s0;
	[dreg:$0x1b] =	wrdreg s28  }
0x26: {  	v0 =	vimm.f32 $0.0e+00;
	s17 =	simm.s32 $0x4;
	s26 =	simm.s32 $0x50;
	[dreg:$0x10] =	wrdreg s0  }
.LBB2_9:
0x27: {  	_ =	swait.ge [sflag:s1], $0x2800  }
0x28: {  	[sflag:s1] =	ssyncset.done $0x0  }
0x29: {  	[sflag:s1] =	ssyncadd.s32 $0xFFFFD800  }
0x2a: {  	_ =	swait.ge [sflag:s14], $0x50  }
0x2b: {  	[sflag:s14] =	ssyncset.done $0x0  }
0x2c: {  	[sflag:s14] =	ssyncadd.s32 $0xFFFFFFB0  }
0x2d: {  	_ =	swait.ge [sflag:s14], $0x50  }
0x2e: {  	[sflag:s14] =	ssyncset.done $0x0  }
0x2f: {  	[sflag:s14] =	ssyncadd.s32 $0xFFFFFFB0  }
0x30: {  	_ =	swait.ge [sflag:s14], $0x50  }
0x31: {  	[sflag:s14] =	ssyncset.done $0x0  }
0x32: {  	[sflag:s14] =	ssyncadd.s32 $0xFFFFFFB0  }
0x33: {  	_ =	swait.ge [sflag:s14], $0x50  }
0x34: {  	[sflag:s14] =	ssyncset.done $0x0  }
0x35: {  	[sflag:s14] =	ssyncadd.s32 $0xFFFFFFB0  }
0x36: {  	_ =	swait.ge [sflag:s14], $0x50  }
0x37: {  	[sflag:s14] =	ssyncset.done $0x0  }
0x38: {  	[sflag:s14] =	ssyncadd.s32 $0xFFFFFFB0  }
0x39: {  	_ =	swait.ge [sflag:s14], $0x50  }
0x3a: {  	[sflag:s14] =	ssyncset.done $0x0  }
0x3b: {  	[sflag:s14] =	ssyncadd.s32 $0xFFFFFFB0  }
0x3c: {  	s0 =	stileid.u32;
	[bflag:$0x0] =	sbarrier.arrive $0xFFFF  }
0x3d: {  	s0 =	sshll.u32 s0, $0x6;
	s15 =	rddreg [dreg:$0x7]  }
0x3e: {  	s0 =	sor.u32 $0x1C04, s0;
	s3 =	rddreg [dreg:$0xd];
	s2 =	sshrl.u32 s15, $0x3  }
0x3f: {  	[hbm:s3], [sflag:s0] =	dma.local [spmem:s2], $0x2700  }
0x40: {  	_ =	swait.ge [sflag:s17], $0x2700  }
0x41: {  	[sflag:s17] =	ssyncset.done $0x0;
	s7 =	rddreg [dreg:$0x1c]  }
0x42: {  	s3 =	rddreg [dreg:$0xe];
	[sflag:s17] =	ssyncadd.s32 $0xFFFFD900;
	s2 =	sshrl.u32 @!p0 s7, $0x3  }
0x43: {  	[hbm:s3], [sflag:s0] =	dma.local @!p0 [spmem:s2], $0x100  }
0x44: {  	s0 =	simm.s32 @!p0 $0x4  }
0x45: {  	_ =	swait.ge @!p0 [sflag:s0], $0x100  }
0x46: {  	s16 =	rddreg [dreg:$0x1d]  }
0x47: {  	s28 =	rddreg [dreg:$0xf];
	s3 =	sadd.s32 $0x1, s16  }
0x48: {  	p1 =	sne.s32 s3, s28  }
.Ltmp1:
0x49: {  	_ = 	snop;
	(pc) =	sbr.rel @!p1 .LBB2_10-.Ltmp1, $3  }
0x4a: {  	_ =	sdelay $0x1  }
0x4b: {  	[sflag:s0] =	ssyncset.done @!p0 $0x0  }
0x4c: {  	[sflag:s0] =	ssyncadd.s32 @!p0 $0xFFFFFF00  }
.LBB2_1:
0x4d: {  	[tilespmem:$0x7C80] =	vst v0  }
0x4e: {  	[tilespmem:$0x7C90] =	vst v0  }
0x4f: {  	[tilespmem:$0x7CA0] =	vst v0  }
0x50: {  	[tilespmem:$0x7CB0] =	vst v0  }
0x51: {  	[tilespmem:$0x7CC0] =	vst v0  }
0x52: {  	[tilespmem:$0x7CD0] =	vst v0  }
0x53: {  	[tilespmem:$0x7CE0] =	vst v0  }
0x54: {  	[tilespmem:$0x7CF0] =	vst v0  }
0x55: {  	[tilespmem:$0x7D00] =	vst v0  }
0x56: {  	[tilespmem:$0x7D10] =	vst v0  }
0x57: {  	[tilespmem:$0x7D20] =	vst v0  }
0x58: {  	[tilespmem:$0x7D30] =	vst v0  }
0x59: {  	[tilespmem:$0x7D40] =	vst v0  }
0x5a: {  	[tilespmem:$0x7D50] =	vst v0  }
0x5b: {  	[tilespmem:$0x7D60] =	vst v0  }
0x5c: {  	[tilespmem:$0x7D70] =	vst v0  }
0x5d: {  	[tilespmem:$0x7D80] =	vst v0  }
0x5e: {  	[tilespmem:$0x7D90] =	vst v0  }
0x5f: {  	[tilespmem:$0x7DA0] =	vst v0  }
0x60: {  	[tilespmem:$0x7DB0] =	vst v0  }
0x61: {  	[tilespmem:$0x7DC0] =	vst v0  }
0x62: {  	[tilespmem:$0x7DD0] =	vst v0  }
0x63: {  	[tilespmem:$0x7DE0] =	vst v0  }
0x64: {  	[tilespmem:$0x7DF0] =	vst v0  }
0x65: {  	[tilespmem:$0x7E00] =	vst v0  }
0x66: {  	[tilespmem:$0x7E10] =	vst v0  }
0x67: {  	[tilespmem:$0x7E20] =	vst v0  }
0x68: {  	[tilespmem:$0x7E30] =	vst v0  }
0x69: {  	[tilespmem:$0x7E40] =	vst v0  }
0x6a: {  	[tilespmem:$0x7E50] =	vst v0  }
0x6b: {  	[tilespmem:$0x7E60] =	vst v0  }
0x6c: {  	[tilespmem:$0x7E70] =	vst v0  }
0x6d: {  	[tilespmem:$0x7E80] =	vst v0  }
0x6e: {  	[tilespmem:$0x7E90] =	vst v0  }
0x6f: {  	[tilespmem:$0x7EA0] =	vst v0  }
0x70: {  	[tilespmem:$0x7EB0] =	vst v0  }
0x71: {  	[tilespmem:$0x7EC0] =	vst v0  }
0x72: {  	[tilespmem:$0x7ED0] =	vst v0  }
0x73: {  	[tilespmem:$0x7EE0] =	vst v0  }
0x74: {  	[tilespmem:$0x7EF0] =	vst v0  }
0x75: {  	[tilespmem:$0x7F00] =	vst v0  }
0x76: {  	[tilespmem:$0x7F10] =	vst v0  }
0x77: {  	[tilespmem:$0x7F20] =	vst v0  }
0x78: {  	[tilespmem:$0x7F30] =	vst v0  }
0x79: {  	[tilespmem:$0x7F40] =	vst v0  }
0x7a: {  	[tilespmem:$0x7F50] =	vst v0  }
0x7b: {  	[tilespmem:$0x7F60] =	vst v0  }
0x7c: {  	[tilespmem:$0x7F70] =	vst v0  }
0x7d: {  	[tilespmem:$0x7F80] =	vst v0  }
0x7e: {  	[tilespmem:$0x7F90] =	vst v0  }
0x7f: {  	[tilespmem:$0x7FA0] =	vst v0  }
0x80: {  	[tilespmem:$0x7FB0] =	vst v0  }
0x81: {  	[tilespmem:$0x7FC0] =	vst v0  }
0x82: {  	[tilespmem:$0x7FD0] =	vst v0  }
0x83: {  	[tilespmem:$0x7FE0] =	vst v0  }
0x84: {  	[tilespmem:$0x7FF0] =	vst v0  }
0x85: {  	[tilespmem:$0x8000] =	vst v0  }
0x86: {  	[tilespmem:$0x8010] =	vst v0  }
0x87: {  	[tilespmem:$0x8020] =	vst v0  }
0x88: {  	[tilespmem:$0x8030] =	vst v0  }
0x89: {  	[tilespmem:$0x8040] =	vst v0  }
0x8a: {  	[tilespmem:$0x8050] =	vst v0  }
0x8b: {  	[tilespmem:$0x8060] =	vst v0  }
0x8c: {  	[tilespmem:$0x8070] =	vst v0  }
0x8d: {  	[tilespmem:$0x8080] =	vst v0  }
0x8e: {  	[tilespmem:$0x8090] =	vst v0  }
0x8f: {  	[tilespmem:$0x80A0] =	vst v0  }
0x90: {  	[tilespmem:$0x80B0] =	vst v0  }
0x91: {  	[tilespmem:$0x80C0] =	vst v0  }
0x92: {  	[tilespmem:$0x80D0] =	vst v0  }
0x93: {  	[tilespmem:$0x80E0] =	vst v0  }
0x94: {  	[tilespmem:$0x80F0] =	vst v0  }
0x95: {  	[tilespmem:$0x8100] =	vst v0  }
0x96: {  	[tilespmem:$0x8110] =	vst v0  }
0x97: {  	[tilespmem:$0x8120] =	vst v0  }
0x98: {  	[tilespmem:$0x8130] =	vst v0  }
0x99: {  	[tilespmem:$0x8140] =	vst v0  }
0x9a: {  	[tilespmem:$0x8150] =	vst v0  }
0x9b: {  	[tilespmem:$0x8160] =	vst v0  }
0x9c: {  	[tilespmem:$0x8170] =	vst v0  }
0x9d: {  	[tilespmem:$0x8180] =	vst v0  }
0x9e: {  	[tilespmem:$0x8190] =	vst v0  }
0x9f: {  	[tilespmem:$0x81A0] =	vst v0  }
0xa0: {  	[tilespmem:$0x81B0] =	vst v0  }
0xa1: {  	[tilespmem:$0x81C0] =	vst v0  }
0xa2: {  	[tilespmem:$0x81D0] =	vst v0  }
0xa3: {  	[tilespmem:$0x81E0] =	vst v0  }
0xa4: {  	[tilespmem:$0x81F0] =	vst v0  }
0xa5: {  	[tilespmem:$0x8200] =	vst v0  }
0xa6: {  	[tilespmem:$0x8210] =	vst v0  }
0xa7: {  	[tilespmem:$0x8220] =	vst v0  }
0xa8: {  	[tilespmem:$0x8230] =	vst v0  }
0xa9: {  	[tilespmem:$0x8240] =	vst v0  }
0xaa: {  	[tilespmem:$0x8250] =	vst v0  }
0xab: {  	[tilespmem:$0x8260] =	vst v0  }
0xac: {  	[tilespmem:$0x8270] =	vst v0  }
0xad: {  	[tilespmem:$0x8280] =	vst v0  }
0xae: {  	[tilespmem:$0x8290] =	vst v0  }
0xaf: {  	[tilespmem:$0x82A0] =	vst v0  }
0xb0: {  	[tilespmem:$0x82B0] =	vst v0  }
0xb1: {  	[tilespmem:$0x82C0] =	vst v0  }
0xb2: {  	[tilespmem:$0x82D0] =	vst v0  }
0xb3: {  	[tilespmem:$0x82E0] =	vst v0  }
0xb4: {  	[tilespmem:$0x82F0] =	vst v0  }
0xb5: {  	[tilespmem:$0x8300] =	vst v0  }
0xb6: {  	[tilespmem:$0x8310] =	vst v0  }
0xb7: {  	[tilespmem:$0x8320] =	vst v0  }
0xb8: {  	[tilespmem:$0x8330] =	vst v0  }
0xb9: {  	[tilespmem:$0x8340] =	vst v0  }
0xba: {  	[tilespmem:$0x8350] =	vst v0  }
0xbb: {  	[tilespmem:$0x8360] =	vst v0  }
0xbc: {  	[tilespmem:$0x8370] =	vst v0  }
0xbd: {  	[tilespmem:$0x8380] =	vst v0  }
0xbe: {  	[tilespmem:$0x8390] =	vst v0  }
0xbf: {  	[tilespmem:$0x83A0] =	vst v0  }
0xc0: {  	[tilespmem:$0x83B0] =	vst v0  }
0xc1: {  	[tilespmem:$0x83C0] =	vst v0  }
0xc2: {  	[tilespmem:$0x83D0] =	vst v0  }
0xc3: {  	[tilespmem:$0x83E0] =	vst v0  }
0xc4: {  	[tilespmem:$0x83F0] =	vst v0  }
0xc5: {  	[tilespmem:$0x8400] =	vst v0  }
0xc6: {  	[tilespmem:$0x8410] =	vst v0  }
0xc7: {  	[tilespmem:$0x8420] =	vst v0  }
0xc8: {  	[tilespmem:$0x8430] =	vst v0  }
0xc9: {  	[tilespmem:$0x8440] =	vst v0  }
0xca: {  	[tilespmem:$0x8450] =	vst v0  }
0xcb: {  	[tilespmem:$0x8460] =	vst v0  }
0xcc: {  	[tilespmem:$0x8470] =	vst v0  }
0xcd: {  	[tilespmem:$0x8480] =	vst v0  }
0xce: {  	[tilespmem:$0x8490] =	vst v0  }
0xcf: {  	[tilespmem:$0x84A0] =	vst v0  }
0xd0: {  	[tilespmem:$0x84B0] =	vst v0  }
0xd1: {  	[tilespmem:$0x84C0] =	vst v0  }
0xd2: {  	[tilespmem:$0x84D0] =	vst v0  }
0xd3: {  	[tilespmem:$0x84E0] =	vst v0  }
0xd4: {  	[tilespmem:$0x84F0] =	vst v0  }
0xd5: {  	[tilespmem:$0x8500] =	vst v0  }
0xd6: {  	[tilespmem:$0x8510] =	vst v0  }
0xd7: {  	[tilespmem:$0x8520] =	vst v0  }
0xd8: {  	[tilespmem:$0x8530] =	vst v0  }
0xd9: {  	[tilespmem:$0x8540] =	vst v0  }
0xda: {  	[tilespmem:$0x8550] =	vst v0  }
0xdb: {  	[tilespmem:$0x8560] =	vst v0  }
0xdc: {  	[tilespmem:$0x8570] =	vst v0  }
0xdd: {  	[tilespmem:$0x8580] =	vst v0  }
0xde: {  	[tilespmem:$0x8590] =	vst v0  }
0xdf: {  	[tilespmem:$0x85A0] =	vst v0  }
0xe0: {  	[tilespmem:$0x85B0] =	vst v0  }
0xe1: {  	[tilespmem:$0x85C0] =	vst v0  }
0xe2: {  	[tilespmem:$0x85D0] =	vst v0  }
0xe3: {  	[tilespmem:$0x85E0] =	vst v0  }
0xe4: {  	[tilespmem:$0x85F0] =	vst v0  }
0xe5: {  	[tilespmem:$0x8600] =	vst v0  }
0xe6: {  	[tilespmem:$0x8610] =	vst v0  }
0xe7: {  	[tilespmem:$0x8620] =	vst v0  }
0xe8: {  	[tilespmem:$0x8630] =	vst v0  }
0xe9: {  	[tilespmem:$0x8640] =	vst v0  }
0xea: {  	[tilespmem:$0x8650] =	vst v0  }
0xeb: {  	[tilespmem:$0x8660] =	vst v0  }
0xec: {  	[tilespmem:$0x8670] =	vst v0  }
0xed: {  	[tilespmem:$0x8680] =	vst v0  }
0xee: {  	[tilespmem:$0x8690] =	vst v0  }
0xef: {  	[tilespmem:$0x86A0] =	vst v0  }
0xf0: {  	[tilespmem:$0x86B0] =	vst v0  }
0xf1: {  	[tilespmem:$0x86C0] =	vst v0  }
0xf2: {  	[tilespmem:$0x86D0] =	vst v0  }
0xf3: {  	[tilespmem:$0x86E0] =	vst v0  }
0xf4: {  	[tilespmem:$0x86F0] =	vst v0  }
0xf5: {  	[tilespmem:$0x8700] =	vst v0  }
0xf6: {  	[tilespmem:$0x8710] =	vst v0  }
0xf7: {  	[tilespmem:$0x8720] =	vst v0  }
0xf8: {  	[tilespmem:$0x8730] =	vst v0  }
0xf9: {  	[tilespmem:$0x8740] =	vst v0  }
0xfa: {  	[tilespmem:$0x8750] =	vst v0  }
0xfb: {  	[tilespmem:$0x8760] =	vst v0  }
0xfc: {  	[tilespmem:$0x8770] =	vst v0  }
0xfd: {  	[tilespmem:$0x8780] =	vst v0  }
0xfe: {  	[tilespmem:$0x8790] =	vst v0  }
0xff: {  	[tilespmem:$0x87A0] =	vst v0  }
0x100: {  	[tilespmem:$0x87B0] =	vst v0  }
0x101: {  	[tilespmem:$0x87C0] =	vst v0  }
0x102: {  	[tilespmem:$0x87D0] =	vst v0  }
0x103: {  	[tilespmem:$0x87E0] =	vst v0  }
0x104: {  	[tilespmem:$0x87F0] =	vst v0  }
0x105: {  	[tilespmem:$0x8800] =	vst v0  }
0x106: {  	[tilespmem:$0x8810] =	vst v0  }
0x107: {  	[tilespmem:$0x8820] =	vst v0  }
0x108: {  	[tilespmem:$0x8830] =	vst v0  }
0x109: {  	[tilespmem:$0x8840] =	vst v0  }
0x10a: {  	[tilespmem:$0x8850] =	vst v0  }
0x10b: {  	[tilespmem:$0x8860] =	vst v0  }
0x10c: {  	[tilespmem:$0x8870] =	vst v0  }
0x10d: {  	[tilespmem:$0x8880] =	vst v0  }
0x10e: {  	[tilespmem:$0x8890] =	vst v0  }
0x10f: {  	[tilespmem:$0x88A0] =	vst v0  }
0x110: {  	[tilespmem:$0x88B0] =	vst v0  }
0x111: {  	[tilespmem:$0x88C0] =	vst v0  }
0x112: {  	[tilespmem:$0x88D0] =	vst v0  }
0x113: {  	[tilespmem:$0x88E0] =	vst v0  }
0x114: {  	[tilespmem:$0x88F0] =	vst v0  }
0x115: {  	[tilespmem:$0x8900] =	vst v0  }
0x116: {  	[tilespmem:$0x8910] =	vst v0  }
0x117: {  	[tilespmem:$0x8920] =	vst v0  }
0x118: {  	[tilespmem:$0x8930] =	vst v0  }
0x119: {  	[tilespmem:$0x8940] =	vst v0  }
0x11a: {  	[tilespmem:$0x8950] =	vst v0  }
0x11b: {  	[tilespmem:$0x8960] =	vst v0  }
0x11c: {  	[tilespmem:$0x8970] =	vst v0  }
0x11d: {  	[tilespmem:$0x8980] =	vst v0  }
0x11e: {  	[tilespmem:$0x8990] =	vst v0  }
0x11f: {  	[tilespmem:$0x89A0] =	vst v0  }
0x120: {  	[tilespmem:$0x89B0] =	vst v0  }
0x121: {  	[tilespmem:$0x89C0] =	vst v0  }
0x122: {  	[tilespmem:$0x89D0] =	vst v0  }
0x123: {  	[tilespmem:$0x89E0] =	vst v0  }
0x124: {  	[tilespmem:$0x89F0] =	vst v0  }
0x125: {  	[tilespmem:$0x8A00] =	vst v0  }
0x126: {  	[tilespmem:$0x8A10] =	vst v0  }
0x127: {  	[tilespmem:$0x8A20] =	vst v0  }
0x128: {  	[tilespmem:$0x8A30] =	vst v0  }
0x129: {  	[tilespmem:$0x8A40] =	vst v0  }
0x12a: {  	[tilespmem:$0x8A50] =	vst v0  }
0x12b: {  	[tilespmem:$0x8A60] =	vst v0  }
0x12c: {  	[tilespmem:$0x8A70] =	vst v0  }
0x12d: {  	[tilespmem:$0x8A80] =	vst v0  }
0x12e: {  	[tilespmem:$0x8A90] =	vst v0  }
0x12f: {  	[tilespmem:$0x8AA0] =	vst v0  }
0x130: {  	[tilespmem:$0x8AB0] =	vst v0  }
0x131: {  	[tilespmem:$0x8AC0] =	vst v0  }
0x132: {  	[tilespmem:$0x8AD0] =	vst v0  }
0x133: {  	[tilespmem:$0x8AE0] =	vst v0  }
0x134: {  	[tilespmem:$0x8AF0] =	vst v0  }
0x135: {  	[tilespmem:$0x8B00] =	vst v0  }
0x136: {  	[tilespmem:$0x8B10] =	vst v0  }
0x137: {  	[tilespmem:$0x8B20] =	vst v0  }
0x138: {  	[tilespmem:$0x8B30] =	vst v0  }
0x139: {  	[tilespmem:$0x8B40] =	vst v0  }
0x13a: {  	[tilespmem:$0x8B50] =	vst v0  }
0x13b: {  	[tilespmem:$0x8B60] =	vst v0  }
0x13c: {  	[tilespmem:$0x8B70] =	vst v0  }
0x13d: {  	[tilespmem:$0x8B80] =	vst v0  }
0x13e: {  	[tilespmem:$0x8B90] =	vst v0  }
0x13f: {  	[tilespmem:$0x8BA0] =	vst v0  }
0x140: {  	[tilespmem:$0x8BB0] =	vst v0  }
0x141: {  	[tilespmem:$0x8BC0] =	vst v0  }
0x142: {  	[tilespmem:$0x8BD0] =	vst v0  }
0x143: {  	[tilespmem:$0x8BE0] =	vst v0  }
0x144: {  	[tilespmem:$0x8BF0] =	vst v0  }
0x145: {  	[tilespmem:$0x8C00] =	vst v0  }
0x146: {  	[tilespmem:$0x8C10] =	vst v0  }
0x147: {  	[tilespmem:$0x8C20] =	vst v0  }
0x148: {  	[tilespmem:$0x8C30] =	vst v0  }
0x149: {  	[tilespmem:$0x8C40] =	vst v0  }
0x14a: {  	[tilespmem:$0x8C50] =	vst v0  }
0x14b: {  	[tilespmem:$0x9460] =	vst v0  }
0x14c: {  	[tilespmem:$0x9470] =	vst v0  }
0x14d: {  	[tilespmem:$0x8C70] =	vst v0  }
0x14e: {  	[tilespmem:$0x8C80] =	vst v0  }
0x14f: {  	[tilespmem:$0x8C90] =	vst v0  }
0x150: {  	[tilespmem:$0x8CA0] =	vst v0  }
0x151: {  	[tilespmem:$0x8CB0] =	vst v0  }
0x152: {  	[tilespmem:$0x8CC0] =	vst v0  }
0x153: {  	[tilespmem:$0x8CD0] =	vst v0  }
0x154: {  	[tilespmem:$0x8CE0] =	vst v0  }
0x155: {  	[tilespmem:$0x8CF0] =	vst v0  }
0x156: {  	[tilespmem:$0x8D00] =	vst v0  }
0x157: {  	[tilespmem:$0x8D10] =	vst v0  }
0x158: {  	[tilespmem:$0x8D20] =	vst v0  }
0x159: {  	[tilespmem:$0x8D30] =	vst v0  }
0x15a: {  	[tilespmem:$0x8D40] =	vst v0  }
0x15b: {  	[tilespmem:$0x8D50] =	vst v0  }
0x15c: {  	[tilespmem:$0x8D60] =	vst v0  }
0x15d: {  	[tilespmem:$0x8D70] =	vst v0  }
0x15e: {  	[tilespmem:$0x8D80] =	vst v0  }
0x15f: {  	[tilespmem:$0x8D90] =	vst v0  }
0x160: {  	[tilespmem:$0x8DA0] =	vst v0  }
0x161: {  	[tilespmem:$0x8DB0] =	vst v0  }
0x162: {  	[tilespmem:$0x8DC0] =	vst v0  }
0x163: {  	[tilespmem:$0x8DD0] =	vst v0  }
0x164: {  	[tilespmem:$0x8DE0] =	vst v0  }
0x165: {  	[tilespmem:$0x8DF0] =	vst v0  }
0x166: {  	[tilespmem:$0x8E00] =	vst v0  }
0x167: {  	[tilespmem:$0x8E10] =	vst v0  }
0x168: {  	[tilespmem:$0x8E20] =	vst v0  }
0x169: {  	[tilespmem:$0x8E30] =	vst v0  }
0x16a: {  	[tilespmem:$0x8E40] =	vst v0  }
0x16b: {  	[tilespmem:$0x8E50] =	vst v0  }
0x16c: {  	[tilespmem:$0x8E60] =	vst v0  }
0x16d: {  	[tilespmem:$0x8E70] =	vst v0  }
0x16e: {  	[tilespmem:$0x8E80] =	vst v0  }
0x16f: {  	[tilespmem:$0x8E90] =	vst v0  }
0x170: {  	[tilespmem:$0x8EA0] =	vst v0  }
0x171: {  	[tilespmem:$0x8EB0] =	vst v0  }
0x172: {  	[tilespmem:$0x8EC0] =	vst v0  }
0x173: {  	[tilespmem:$0x8ED0] =	vst v0  }
0x174: {  	[tilespmem:$0x8EE0] =	vst v0  }
0x175: {  	[tilespmem:$0x8EF0] =	vst v0  }
0x176: {  	[tilespmem:$0x8F00] =	vst v0  }
0x177: {  	[tilespmem:$0x8F10] =	vst v0  }
0x178: {  	[tilespmem:$0x8F20] =	vst v0  }
0x179: {  	[tilespmem:$0x8F30] =	vst v0  }
0x17a: {  	[tilespmem:$0x8F40] =	vst v0  }
0x17b: {  	[tilespmem:$0x8F50] =	vst v0  }
0x17c: {  	[tilespmem:$0x8F60] =	vst v0  }
0x17d: {  	[tilespmem:$0x8F70] =	vst v0  }
0x17e: {  	[tilespmem:$0x8F80] =	vst v0  }
0x17f: {  	[tilespmem:$0x8F90] =	vst v0  }
0x180: {  	[tilespmem:$0x8FA0] =	vst v0  }
0x181: {  	[tilespmem:$0x8FB0] =	vst v0  }
0x182: {  	[tilespmem:$0x8FC0] =	vst v0  }
0x183: {  	[tilespmem:$0x8FD0] =	vst v0  }
0x184: {  	[tilespmem:$0x8FE0] =	vst v0  }
0x185: {  	[tilespmem:$0x8FF0] =	vst v0  }
0x186: {  	[tilespmem:$0x9000] =	vst v0  }
0x187: {  	[tilespmem:$0x9010] =	vst v0  }
0x188: {  	[tilespmem:$0x9020] =	vst v0  }
0x189: {  	[tilespmem:$0x9030] =	vst v0  }
0x18a: {  	[tilespmem:$0x9040] =	vst v0  }
0x18b: {  	[tilespmem:$0x9050] =	vst v0  }
0x18c: {  	[tilespmem:$0x9060] =	vst v0  }
0x18d: {  	[tilespmem:$0x9070] =	vst v0  }
0x18e: {  	[tilespmem:$0x9080] =	vst v0  }
0x18f: {  	[tilespmem:$0x9090] =	vst v0  }
0x190: {  	[tilespmem:$0x90A0] =	vst v0  }
0x191: {  	[tilespmem:$0x90B0] =	vst v0  }
0x192: {  	[tilespmem:$0x90C0] =	vst v0  }
0x193: {  	[tilespmem:$0x90D0] =	vst v0  }
0x194: {  	[tilespmem:$0x90E0] =	vst v0  }
0x195: {  	[tilespmem:$0x90F0] =	vst v0  }
0x196: {  	[tilespmem:$0x9100] =	vst v0  }
0x197: {  	[tilespmem:$0x9110] =	vst v0  }
0x198: {  	[tilespmem:$0x9120] =	vst v0  }
0x199: {  	[tilespmem:$0x9130] =	vst v0  }
0x19a: {  	[tilespmem:$0x9140] =	vst v0  }
0x19b: {  	[tilespmem:$0x9150] =	vst v0  }
0x19c: {  	[tilespmem:$0x9160] =	vst v0  }
0x19d: {  	[tilespmem:$0x9170] =	vst v0  }
0x19e: {  	[tilespmem:$0x9180] =	vst v0  }
0x19f: {  	[tilespmem:$0x9190] =	vst v0  }
0x1a0: {  	[tilespmem:$0x91A0] =	vst v0  }
0x1a1: {  	[tilespmem:$0x91B0] =	vst v0  }
0x1a2: {  	[tilespmem:$0x91C0] =	vst v0  }
0x1a3: {  	[tilespmem:$0x91D0] =	vst v0  }
0x1a4: {  	[tilespmem:$0x91E0] =	vst v0  }
0x1a5: {  	[tilespmem:$0x91F0] =	vst v0  }
0x1a6: {  	[tilespmem:$0x9200] =	vst v0  }
0x1a7: {  	[tilespmem:$0x9210] =	vst v0  }
0x1a8: {  	[tilespmem:$0x9220] =	vst v0  }
0x1a9: {  	[tilespmem:$0x9230] =	vst v0  }
0x1aa: {  	[tilespmem:$0x9240] =	vst v0  }
0x1ab: {  	[tilespmem:$0x9250] =	vst v0  }
0x1ac: {  	[tilespmem:$0x9260] =	vst v0  }
0x1ad: {  	[tilespmem:$0x9270] =	vst v0  }
0x1ae: {  	[tilespmem:$0x9280] =	vst v0  }
0x1af: {  	[tilespmem:$0x9290] =	vst v0  }
0x1b0: {  	[tilespmem:$0x92A0] =	vst v0  }
0x1b1: {  	[tilespmem:$0x92B0] =	vst v0  }
0x1b2: {  	[tilespmem:$0x92C0] =	vst v0  }
0x1b3: {  	[tilespmem:$0x92D0] =	vst v0  }
0x1b4: {  	[tilespmem:$0x92E0] =	vst v0  }
0x1b5: {  	[tilespmem:$0x92F0] =	vst v0  }
0x1b6: {  	[tilespmem:$0x9300] =	vst v0  }
0x1b7: {  	[tilespmem:$0x9310] =	vst v0  }
0x1b8: {  	[tilespmem:$0x9320] =	vst v0  }
0x1b9: {  	[tilespmem:$0x9330] =	vst v0  }
0x1ba: {  	[tilespmem:$0x9340] =	vst v0  }
0x1bb: {  	[tilespmem:$0x9350] =	vst v0  }
0x1bc: {  	[tilespmem:$0x9360] =	vst v0  }
0x1bd: {  	[tilespmem:$0x9370] =	vst v0  }
0x1be: {  	[tilespmem:$0x9380] =	vst v0  }
0x1bf: {  	[tilespmem:$0x9390] =	vst v0  }
0x1c0: {  	[tilespmem:$0x93A0] =	vst v0  }
0x1c1: {  	[tilespmem:$0x93B0] =	vst v0  }
0x1c2: {  	[tilespmem:$0x93C0] =	vst v0  }
0x1c3: {  	[tilespmem:$0x93D0] =	vst v0  }
0x1c4: {  	[tilespmem:$0x93E0] =	vst v0  }
0x1c5: {  	[tilespmem:$0x93F0] =	vst v0  }
0x1c6: {  	[tilespmem:$0x9400] =	vst v0  }
0x1c7: {  	[tilespmem:$0x9410] =	vst v0  }
0x1c8: {  	[tilespmem:$0x9420] =	vst v0  }
0x1c9: {  	[tilespmem:$0x9430] =	vst v0  }
0x1ca: {  	[tilespmem:$0x9440] =	vst v0  }
0x1cb: {  	[tilespmem:$0x9450] =	vst v0  }
0x1cc: {  	[dreg:$0x1d] =	wrdreg s3;
	[tilespmem:$0x8C60] =	vst v0;
	s2 =	simm.s32 $0x7C80  }
0x1cd: {  	[spmem:s15] =	stream.linear.scatter [tilespmem:s2], [sflag:$0x4], $0x1800, $0x38;
	[tilespmem:$0x1CD00] =	vst v63  }
0x1ce: {  	_ =	swait.ge [sflag:s17], $0x1800  }
0x1cf: {  	[sflag:s17] =	ssyncset.done $0x0  }
0x1d0: {  	s0 =	rddreg [dreg:$0x8];
	[sflag:s17] =	ssyncadd.s32 $0xFFFFE800  }
0x1d1: {  	[spmem:s0] =	stream.linear.scatter [tilespmem:s2], [sflag:$0x4], $0x1800, $0x38;
	[tilespmem:$0x1CD00] =	vst v63  }
0x1d2: {  	_ =	swait.ge [sflag:s17], $0x1800  }
0x1d3: {  	[sflag:s17] =	ssyncset.done $0x0  }
0x1d4: {  	s15 =	rddreg [dreg:$0x9];
	[sflag:s17] =	ssyncadd.s32 $0xFFFFE800  }
0x1d5: {  	[spmem:s15] =	stream.linear.scatter [tilespmem:s2], [sflag:$0x4], $0x1800, $0x38;
	[tilespmem:$0x1CD00] =	vst v63  }
0x1d6: {  	_ =	swait.ge [sflag:s17], $0x1800  }
0x1d7: {  	[sflag:s17] =	ssyncset.done $0x0  }
0x1d8: {  	s16 =	rddreg [dreg:$0x12];
	[sflag:s17] =	ssyncadd.s32 $0xFFFFE800  }
0x1d9: {  	[spmem:s16] =	stream.linear.scatter [tilespmem:s2], [sflag:$0x4], $0x1800, $0x38;
	[tilespmem:$0x1CD00] =	vst v63  }
0x1da: {  	_ =	swait.ge [sflag:s17], $0x1800  }
0x1db: {  	[sflag:s17] =	ssyncset.done $0x0  }
0x1dc: {  	s28 =	rddreg [dreg:$0x13];
	[sflag:s17] =	ssyncadd.s32 $0xFFFFE800  }
0x1dd: {  	[spmem:s28] =	stream.linear.scatter [tilespmem:s2], [sflag:$0x4], $0x1800, $0x38;
	[tilespmem:$0x1CD00] =	vst v63  }
0x1de: {  	_ =	swait.ge [sflag:s17], $0x1800  }
0x1df: {  	[sflag:s17] =	ssyncset.done $0x0  }
0x1e0: {  	s3 =	rddreg [dreg:$0x14];
	[sflag:s17] =	ssyncadd.s32 $0xFFFFE800  }
0x1e1: {  	[spmem:s3] =	stream.linear.scatter [tilespmem:s2], [sflag:$0x4], $0x1800, $0x38;
	[tilespmem:$0x1CD00] =	vst v63  }
0x1e2: {  	_ =	swait.ge [sflag:s17], $0x1800  }
0x1e3: {  	[sflag:s17] =	ssyncset.done $0x0  }
0x1e4: {  	s12 =	rddreg [dreg:$0x15];
	[sflag:s17] =	ssyncadd.s32 $0xFFFFE800  }
0x1e5: {  	[spmem:s12] =	stream.linear.scatter [tilespmem:s2], [sflag:$0x4], $0x1800, $0x38;
	[tilespmem:$0x1CD00] =	vst v63  }
0x1e6: {  	_ =	swait.ge [sflag:s17], $0x1800  }
0x1e7: {  	[sflag:s17] =	ssyncset.done $0x0  }
0x1e8: {  	s13 =	rddreg [dreg:$0x16];
	[sflag:s17] =	ssyncadd.s32 $0xFFFFE800  }
0x1e9: {  	[spmem:s13] =	stream.linear.scatter [tilespmem:s2], [sflag:$0x4], $0x1800, $0x38;
	[tilespmem:$0x1CD00] =	vst v63  }
0x1ea: {  	_ =	swait.ge [sflag:s17], $0x1800  }
0x1eb: {  	[sflag:s17] =	ssyncset.done $0x0  }
0x1ec: {  	s15 =	rddreg [dreg:$0x17];
	[sflag:s17] =	ssyncadd.s32 $0xFFFFE800  }
0x1ed: {  	[spmem:s15] =	stream.linear.scatter [tilespmem:s2], [sflag:$0x4], $0x1800, $0x38;
	[tilespmem:$0x1CD00] =	vst v63  }
0x1ee: {  	_ =	swait.ge [sflag:s17], $0x1800  }
0x1ef: {  	[sflag:s17] =	ssyncset.done $0x0  }
0x1f0: {  	s16 =	rddreg [dreg:$0x18];
	[sflag:s17] =	ssyncadd.s32 $0xFFFFE800  }
0x1f1: {  	[spmem:s16] =	stream.linear.scatter [tilespmem:s2], [sflag:$0x4], $0x1800, $0x38;
	[tilespmem:$0x1CD00] =	vst v63  }
0x1f2: {  	_ =	swait.ge [sflag:s17], $0x1800  }
0x1f3: {  	[sflag:s17] =	ssyncset.done $0x0  }
0x1f4: {  	s28 =	rddreg [dreg:$0x19];
	[sflag:s17] =	ssyncadd.s32 $0xFFFFE800  }
0x1f5: {  	[spmem:s28] =	stream.linear.scatter [tilespmem:s2], [sflag:$0x4], $0x1800, $0x38;
	[tilespmem:$0x1CD00] =	vst v63  }
0x1f6: {  	_ =	swait.ge [sflag:s17], $0x1800  }
0x1f7: {  	[sflag:s17] =	ssyncset.done $0x0  }
0x1f8: {  	s3 =	rddreg [dreg:$0x1a];
	[sflag:s17] =	ssyncadd.s32 $0xFFFFE800  }
0x1f9: {  	[spmem:s3] =	stream.linear.scatter [tilespmem:s2], [sflag:$0x4], $0x1800, $0x38;
	[tilespmem:$0x1CD00] =	vst v63  }
0x1fa: {  	_ =	swait.ge [sflag:s17], $0x1800  }
0x1fb: {  	[sflag:s17] =	ssyncset.done $0x0  }
0x1fc: {  	s12 =	rddreg [dreg:$0x1b];
	[sflag:s17] =	ssyncadd.s32 $0xFFFFE800  }
0x1fd: {  	[spmem:s12] =	stream.linear.scatter [tilespmem:s2], [sflag:$0x4], $0x1800, $0x38;
	[tilespmem:$0x1CD00] =	vst v63  }
0x1fe: {  	_ =	swait.ge [sflag:s17], $0x1800  }
0x1ff: {  	[sflag:s17] =	ssyncset.done $0x0  }
0x200: {  	s0 =	simm.s32 @!p0 $0x7C80;
	[sflag:s17] =	ssyncadd.s32 $0xFFFFE800  }
0x201: {  	[spmem:s7] =	stream.linear.scatter @!p0 [tilespmem:s0], [sflag:$0x4], $0x800, $0x38;
	[tilespmem:$0x1CD00] =	vst v63  }
0x202: {  	s0 =	simm.s32 @!p0 $0x4  }
0x203: {  	_ =	swait.ge @!p0 [sflag:s0], $0x800  }
0x204: {  	[sflag:s0] =	ssyncset.done @!p0 $0x0  }
0x205: {  	[sflag:s0] =	ssyncadd.s32 @!p0 $0xFFFFF800  }
0x206: {  	s0 =	rddreg [dreg:$0x3]  }
0x207: {  	[tilespmem:s5], [sflag:$0x4] =	stream.linear.gather [hbm4b:s0+s5], $0x2780, $0x38;
	[tilespmem:$0x1CD00] =	vst v63  }
0x208: {  	_ =	swait.ge [sflag:s17], $0x2780  }
0x209: {  	[sflag:s17] =	ssyncset.done $0x0  }
0x20a: {  	[sflag:s17] =	ssyncadd.s32 $0xFFFFD880  }
0x20b: {  	[bflag:$0x0] =	sbarrier.arrive $0xFFFF  }
0x20c: {  	s13 =	rddreg [dreg:$0xa]  }
0x20d: {  	s15 =	simm.s32 $0x7780;
	s16 =	rddreg [dreg:$0xb]  }
0x20e: {  	[tilespmem:s15], [sflag:$0x1] =	stream.linear.gather [hbm4b:s13+s5], $0x50, $0x38;
	[tilespmem:$0x1CD00] =	vst v63  }
.Ltmp2:
0x20f: {  	s28 =	rddreg [dreg:$0xc];
	(pc) =	sbr.rel .LBB2_2-.Ltmp2, $4  }
0x210: {  	s12 =	rddreg [dreg:$0x11]  }
0x211: {  	[tilespmem:s18], [sflag:$0x1] =	stream.linear.gather [hbm4b:s16+s5], $0x50, $0x38;
	[tilespmem:$0x1CD00] =	vst v63  }
0x212: {  	s0 =	simm.s32 $0x1;
	s15 =	simm.s32 $0x0;
	s16 =	rddreg [dreg:$0x10]  }
0x213: {  	[tilespmem:s19], [sflag:$0x1] =	stream.linear.gather [hbm4b:s28+s5], $0x2800, $0x38;
	[tilespmem:$0x1CD00] =	vst v63  }
.LBB2_8:
0x214: {  	s15 =	sadd.s32 $0x14, s15  }
0x215: {  	p1 =	sne.s32 s15, $0x4EC  }
.Ltmp3:
0x216: {  	_ = 	snop;
	(pc) =	sbr.rel @!p1 .LBB2_9-.Ltmp3, $2  }
0x217: {  	_ =	sdelay $0x2  }
0x218: {  	s0 =	sadd.s32 $0x2, s0;
	s16 =	sadd.s32 $0xA00, s16;
	s12 =	sadd.s32 $0xA0, s12  }
.LBB2_2:
0x219: {  	_ =	swait.ge [sflag:s20], $0x50  }
0x21a: {  	[sflag:s20] =	ssyncset.done $0x0  }
0x21b: {  	[sflag:s20] =	ssyncadd.s32 $0xFFFFFFB0  }
0x21c: {  	_ =	swait.ge [sflag:s20], $0x50  }
0x21d: {  	[sflag:s20] =	ssyncset.done $0x0  }
0x21e: {  	p2 =	seq.s32 s15, $0x0;
	[sflag:s20] =	ssyncadd.s32 $0xFFFFFFB0  }
0x21f: {  	p1 =	sgt.u32 @!p2 s0, $0x7C;
	_ =	swait.ge [sflag:s20], $0x2800  }
0x220: {  	p1 =	por p2, !p1;
	[sflag:s20] =	ssyncset.done $0x0  }
.Ltmp4:
0x221: {  	s28 =	simm.s32 @!p2 $0x2;
	[sflag:s20] =	ssyncadd.s32 $0xFFFFD800;
	(pc) =	sbr.rel @!p1 .LBB2_3-.Ltmp4, $4  }
0x222: {  	[spmem:s4] =	stream.indirect.scatter.add.f32 [tilespmem:s19], [sflag:$0x2], $0x80, s18, s26, $0xb8;
	[tilespmem:$0x1CD00] =	vst v63  }
0x223: {  	_ =	swait.ge @!p2 [sflag:s28], $0x2800  }
0x224: {  	[sflag:s28] =	ssyncset.done @!p2 $0x0  }
0x225: {  	[sflag:s28] =	ssyncadd.s32 @!p2 $0xFFFFD800  }
0x226: {  	s28 =	smov.u32 s0  }
0x227: {  	s28 =	simm.s32 @p2 $0x1  }
0x228: {  	s3 =	smul.u32 $0x50, s28;
	_ =	sdelay $0x1  }
0x229: {  	s3 =	sadd.s32 s11, s3  }
0x22a: {  	s7 =	sshrl.u32 s3, $0x3  }
0x22b: {  	s2 =	simm.s32 $0x7800;
	s13 =	sadd.s32 s6, s7  }
0x22c: {  	[tilespmem:s2], [sflag:$0x1] =	stream.linear.gather [hbm4b:s13+s5], $0x50, $0x38;
	[tilespmem:$0x1CD00] =	vst v63  }
.Ltmp5:
0x22d: {  	s3 =	sshll.u32 s3, $0x4;
	s13 =	rddreg [dreg:$0x2];
	(pc) =	sbr.rel @!p2 .LBB2_5-.Ltmp5, $4  }
.Ltmp6:
0x22e: {  	s7 =	sadd.s32 s13, s7;
	s13 =	rddreg [dreg:$0x0];
	(pc) =	sbr.rel @p2 .LBB2_6-.Ltmp6, $4  }
0x22f: {  	[tilespmem:s29], [sflag:$0x1] =	stream.linear.gather [hbm4b:s7+s5], $0x50, $0x38;
	[tilespmem:$0x1CD00] =	vst v63  }
0x230: {  	p1 =	por $0x1, $0x1;
	s3 =	sadd.s32 s13, s3  }
0x231: {  	[tilespmem:s21], [sflag:$0x1] =	stream.linear.gather [hbm4b:s3+s5], $0x2800, $0x38;
	[tilespmem:$0x1CD00] =	vst v63  }
0x232: {  	_ = 	snop  }
.LBB2_3:
0x233: {  	p1 =	por @!p2 $0x0, $0x0;
	s28 =	simm.s32 @!p2 $0x7D  }
.LBB2_5:
0x234: {  	_ =	swait.ge [sflag:s14], $0x50  }
0x235: {  	[sflag:s14] =	ssyncset.done $0x0  }
0x236: {  	[sflag:s14] =	ssyncadd.s32 $0xFFFFFFB0  }
0x237: {  	_ =	swait.ge [sflag:s14], $0x50  }
0x238: {  	[sflag:s14] =	ssyncset.done $0x0  }
0x239: {  	[sflag:s14] =	ssyncadd.s32 $0xFFFFFFB0  }
0x23a: {  	_ =	swait.ge [sflag:s14], $0x50  }
0x23b: {  	[sflag:s14] =	ssyncset.done $0x0  }
0x23c: {  	[sflag:s14] =	ssyncadd.s32 $0xFFFFFFB0  }
.LBB2_6:
0x23d: {  	v1 =	vld [tilespmem:$0x7780]  }
0x23e: {  	v2 =	vld [tilespmem:$0x7880];
	_ =	sdelay $0x6  }
0x23f: {  	v3 =	vld.idx.msk [tilespmem:v1+s5+$0x0], $0xffff  }
0x240: {  	v4 =	vld.idx.msk [tilespmem:v2+s5+$0x0], $0xffff;
	_ =	sdelay $0x3  }
0x241: {  	v3 =	vshll.u32 v3, $0x1  }
0x242: {  	v3 =	vadd.s32 v4, v3  }
0x243: {  	vm0 =	veq.s32 v3, $0x2  }
0x244: {  	v55 =	vld [tilespmem:$0x7790];
	vm1 =	veq.s32 v3, $0x3;
	v3 =	vsel vm0, $0x3, v3  }
0x245: {  	v5 =	vld [tilespmem:$0x7890];
	v3 =	vsel vm1, $0x2, v3  }
0x246: {  	v6 =	vmul.u32 $0x2710, v3  }
0x247: {  	vm15 =	veq.s32 v3, $0x3  }
0x248: {  	v6 =	vsel vm15, $0x0, v6  }
0x249: {  	[tilespmem:$0x7980] =	vst v3;
	v1 =	vadd.s32 v1, v6  }
0x24a: {  	[tilespmem:$0x7A80] =	vst v1;
	v1 =	vadd.s32 v2, v6  }
0x24b: {  	[tilespmem:$0x7B80] =	vst v1  }
0x24c: {  	v1 =	vld.idx.msk [tilespmem:v55+s5+$0x0], $0xffff  }
0x24d: {  	v2 =	vld.idx.msk [tilespmem:v5+s5+$0x0], $0xffff;
	_ =	sdelay $0x3  }
0x24e: {  	v1 =	vshll.u32 v1, $0x1  }
0x24f: {  	v1 =	vadd.s32 v2, v1  }
0x250: {  	vm4 =	veq.s32 v1, $0x2  }
0x251: {  	v2 =	vld [tilespmem:$0x77A0];
	vm5 =	veq.s32 v1, $0x3;
	v1 =	vsel vm4, $0x3, v1  }
0x252: {  	v3 =	vld [tilespmem:$0x78A0];
	v1 =	vsel vm5, $0x2, v1  }
0x253: {  	v56 =	vmul.u32 $0x2710, v1  }
0x254: {  	vm6 =	veq.s32 v1, $0x3  }
0x255: {  	v6 =	vsel vm6, $0x0, v56  }
0x256: {  	[tilespmem:$0x7990] =	vst v1;
	v1 =	vadd.s32 v55, v6  }
0x257: {  	[tilespmem:$0x7A90] =	vst v1;
	v1 =	vadd.s32 v5, v6  }
0x258: {  	[tilespmem:$0x7B90] =	vst v1  }
0x259: {  	v1 =	vld.idx.msk [tilespmem:v2+s5+$0x0], $0xffff  }
0x25a: {  	v57 =	vld.idx.msk [tilespmem:v3+s5+$0x0], $0xffff;
	_ =	sdelay $0x3  }
0x25b: {  	v1 =	vshll.u32 v1, $0x1  }
0x25c: {  	v1 =	vadd.s32 v57, v1  }
0x25d: {  	vm7 =	veq.s32 v1, $0x2  }
0x25e: {  	v58 =	vld [tilespmem:$0x77B0];
	vm8 =	veq.s32 v1, $0x3;
	v1 =	vsel vm7, $0x3, v1  }
0x25f: {  	v59 =	vld [tilespmem:$0x78B0];
	v1 =	vsel vm8, $0x2, v1  }
0x260: {  	v60 =	vmul.u32 $0x2710, v1  }
0x261: {  	vm9 =	veq.s32 v1, $0x3  }
0x262: {  	v6 =	vsel vm9, $0x0, v60  }
0x263: {  	[tilespmem:$0x79A0] =	vst v1;
	v1 =	vadd.s32 v2, v6  }
0x264: {  	[tilespmem:$0x7AA0] =	vst v1;
	v1 =	vadd.s32 v3, v6  }
0x265: {  	[tilespmem:$0x7BA0] =	vst v1  }
0x266: {  	v1 =	vld.idx.msk [tilespmem:v58+s5+$0x0], $0xffff  }
0x267: {  	v2 =	vld.idx.msk [tilespmem:v59+s5+$0x0], $0xffff;
	_ =	sdelay $0x3  }
0x268: {  	v1 =	vshll.u32 v1, $0x1  }
0x269: {  	v1 =	vadd.s32 v2, v1  }
0x26a: {  	vm10 =	veq.s32 v1, $0x2  }
0x26b: {  	v2 =	vld [tilespmem:$0x77C0];
	vm11 =	veq.s32 v1, $0x3;
	v1 =	vsel vm10, $0x3, v1  }
0x26c: {  	v3 =	vld [tilespmem:$0x78C0];
	v1 =	vsel vm11, $0x2, v1  }
0x26d: {  	v61 =	vmul.u32 $0x2710, v1  }
0x26e: {  	vm12 =	veq.s32 v1, $0x3  }
0x26f: {  	v6 =	vsel vm12, $0x0, v61  }
0x270: {  	[tilespmem:$0x79B0] =	vst v1;
	v1 =	vadd.s32 v58, v6  }
0x271: {  	[tilespmem:$0x7AB0] =	vst v1;
	v1 =	vadd.s32 v59, v6  }
0x272: {  	[tilespmem:$0x7BB0] =	vst v1  }
0x273: {  	v1 =	vld.idx.msk [tilespmem:v2+s5+$0x0], $0xffff  }
0x274: {  	v62 =	vld.idx.msk [tilespmem:v3+s5+$0x0], $0xffff;
	_ =	sdelay $0x3  }
0x275: {  	v1 =	vshll.u32 v1, $0x1  }
0x276: {  	v1 =	vadd.s32 v62, v1  }
0x277: {  	vm13 =	veq.s32 v1, $0x2  }
0x278: {  	vm14 =	veq.s32 v1, $0x3;
	v1 =	vsel vm13, $0x3, v1  }
0x279: {  	v1 =	vsel vm14, $0x2, v1  }
0x27a: {  	v63 =	vmul.u32 $0x2710, v1  }
0x27b: {  	vm15 =	veq.s32 v1, $0x3  }
0x27c: {  	v4 =	vsel vm15, $0x0, v63  }
0x27d: {  	[tilespmem:$0x79C0] =	vst v1;
	v1 =	vadd.s32 v2, v4  }
0x27e: {  	[tilespmem:$0x7AC0] =	vst v1;
	v1 =	vadd.s32 v3, v4  }
0x27f: {  	s3 =	sadd.s32 s15, s25;
	[tilespmem:$0x7BC0] =	vst v1  }
0x280: {  	[hbm4b:s3+s5] =	stream.linear.scatter [tilespmem:s30], [sflag:$0x3], $0x50, $0x38;
	[tilespmem:$0x1CD00] =	vst v63  }
.Ltmp7:
0x281: {  	_ = 	snop;
	(pc) =	sbr.rel @!p1 .LBB2_8-.Ltmp7, $4  }
0x282: {  	s7 =	sadd.s32 s15, s24  }
0x283: {  	[hbm4b:s7+s5] =	stream.linear.scatter [tilespmem:s22], [sflag:$0x3], $0x50, $0x38;
	[tilespmem:$0x1CD00] =	vst v63  }
0x284: {  	s13 =	sadd.s32 s15, s23  }
0x285: {  	[hbm4b:s13+s5] =	stream.linear.scatter [tilespmem:s31], [sflag:$0x3], $0x50, $0x38;
	[tilespmem:$0x1CD00] =	vst v63  }
0x286: {  	_ =	swait.ge [sflag:s20], $0x50  }
0x287: {  	[sflag:s20] =	ssyncset.done $0x0  }
0x288: {  	[sflag:s20] =	ssyncadd.s32 $0xFFFFFFB0  }
0x289: {  	_ =	swait.ge [sflag:s20], $0x50  }
0x28a: {  	[sflag:s20] =	ssyncset.done $0x0  }
0x28b: {  	[sflag:s20] =	ssyncadd.s32 $0xFFFFFFB0  }
0x28c: {  	_ =	swait.ge [sflag:s20], $0x2800  }
0x28d: {  	[sflag:s20] =	ssyncset.done $0x0  }
0x28e: {  	[sflag:s20] =	ssyncadd.s32 $0xFFFFD800  }
0x28f: {  	[spmem:s4] =	stream.indirect.scatter.add.f32 [tilespmem:s21], [sflag:$0x2], $0x80, s29, s26, $0xb8;
	[tilespmem:$0x1CD00] =	vst v63  }
0x290: {  	p1 =	seq.s32 s15, $0x4D8;
	_ =	swait.ge [sflag:s1], $0x2800  }
0x291: {  	s3 =	sshrl.u32 @!p1 s12, $0x3;
	s13 =	simm.s32 @!p1 $0x0;
	[sflag:s1] =	ssyncset.done $0x0  }
0x292: {  	s2 =	simm.s32 @!p1 $0x7780;
	s7 =	sadd.s32 @!p1 s6, s3;
	[sflag:s1] =	ssyncadd.s32 $0xFFFFD800  }
0x293: {  	[tilespmem:s2], [sflag:$0x1] =	stream.linear.gather @!p1 [hbm4b:s7+s13], $0x50, $0x38;
	[tilespmem:$0x1CD00] =	vst v63  }
0x294: {  	s2 =	rddreg [dreg:$0x2]  }
0x295: {  	s2 =	sadd.s32 @!p1 s2, s3;
	s3 =	simm.s32 @!p1 $0x7880  }
0x296: {  	[tilespmem:s3], [sflag:$0x1] =	stream.linear.gather @!p1 [hbm4b:s2+s13], $0x50, $0x38;
	[tilespmem:$0x1CD00] =	vst v63  }
0x297: {  	p2 =	seq.s32 @!p1 s15, $0x0;
	s2 =	simm.s32 @!p1 $0x2780  }
0x298: {  	[tilespmem:s2], [sflag:$0x1] =	stream.linear.gather @!p1 [hbm4b:s16+s13], $0x2800, $0x38;
	[tilespmem:$0x1CD00] =	vst v63  }
0x299: {  	p1 =	por p1, !p2  }
0x29a: {  	_ =	swait.ge @p1 [sflag:s14], $0x50  }
0x29b: {  	[sflag:s14] =	ssyncset.done @p1 $0x0  }
0x29c: {  	[sflag:s14] =	ssyncadd.s32 @p1 $0xFFFFFFB0  }
0x29d: {  	_ =	swait.ge @p1 [sflag:s14], $0x50  }
0x29e: {  	[sflag:s14] =	ssyncset.done @p1 $0x0  }
0x29f: {  	[sflag:s14] =	ssyncadd.s32 @p1 $0xFFFFFFB0  }
0x2a0: {  	_ =	swait.ge @p1 [sflag:s14], $0x50  }
0x2a1: {  	[sflag:s14] =	ssyncset.done @p1 $0x0  }
0x2a2: {  	[sflag:s14] =	ssyncadd.s32 @p1 $0xFFFFFFB0  }
0x2a3: {  	v1 =	vld [tilespmem:$0x7800]  }
0x2a4: {  	v2 =	vld [tilespmem:$0x7900];
	_ =	sdelay $0x6  }
0x2a5: {  	v3 =	vld.idx.msk [tilespmem:v1+s5+$0x0], $0xffff  }
0x2a6: {  	v4 =	vld.idx.msk [tilespmem:v2+s5+$0x0], $0xffff;
	_ =	sdelay $0x3  }
0x2a7: {  	v3 =	vshll.u32 v3, $0x1  }
0x2a8: {  	v3 =	vadd.s32 v4, v3  }
0x2a9: {  	vm0 =	veq.s32 v3, $0x2  }
0x2aa: {  	v55 =	vld [tilespmem:$0x7810];
	vm1 =	veq.s32 v3, $0x3;
	v3 =	vsel vm0, $0x3, v3  }
0x2ab: {  	v5 =	vld [tilespmem:$0x7910];
	v3 =	vsel vm1, $0x2, v3  }
0x2ac: {  	v6 =	vmul.u32 $0x2710, v3  }
0x2ad: {  	vm15 =	veq.s32 v3, $0x3  }
0x2ae: {  	v6 =	vsel vm15, $0x0, v6  }
0x2af: {  	[tilespmem:$0x7A00] =	vst v3;
	v1 =	vadd.s32 v1, v6  }
0x2b0: {  	[tilespmem:$0x7B00] =	vst v1;
	v1 =	vadd.s32 v2, v6  }
0x2b1: {  	[tilespmem:$0x7C00] =	vst v1  }
0x2b2: {  	v1 =	vld.idx.msk [tilespmem:v55+s5+$0x0], $0xffff  }
0x2b3: {  	v2 =	vld.idx.msk [tilespmem:v5+s5+$0x0], $0xffff;
	_ =	sdelay $0x3  }
0x2b4: {  	v1 =	vshll.u32 v1, $0x1  }
0x2b5: {  	v1 =	vadd.s32 v2, v1  }
0x2b6: {  	vm4 =	veq.s32 v1, $0x2  }
0x2b7: {  	v2 =	vld [tilespmem:$0x7820];
	vm5 =	veq.s32 v1, $0x3;
	v1 =	vsel vm4, $0x3, v1  }
0x2b8: {  	v3 =	vld [tilespmem:$0x7920];
	v1 =	vsel vm5, $0x2, v1  }
0x2b9: {  	v56 =	vmul.u32 $0x2710, v1  }
0x2ba: {  	vm6 =	veq.s32 v1, $0x3  }
0x2bb: {  	v6 =	vsel vm6, $0x0, v56  }
0x2bc: {  	[tilespmem:$0x7A10] =	vst v1;
	v1 =	vadd.s32 v55, v6  }
0x2bd: {  	[tilespmem:$0x7B10] =	vst v1;
	v1 =	vadd.s32 v5, v6  }
0x2be: {  	[tilespmem:$0x7C10] =	vst v1  }
0x2bf: {  	v1 =	vld.idx.msk [tilespmem:v2+s5+$0x0], $0xffff  }
0x2c0: {  	v57 =	vld.idx.msk [tilespmem:v3+s5+$0x0], $0xffff;
	_ =	sdelay $0x3  }
0x2c1: {  	v1 =	vshll.u32 v1, $0x1  }
0x2c2: {  	v1 =	vadd.s32 v57, v1  }
0x2c3: {  	vm7 =	veq.s32 v1, $0x2  }
0x2c4: {  	v58 =	vld [tilespmem:$0x7830];
	vm8 =	veq.s32 v1, $0x3;
	v1 =	vsel vm7, $0x3, v1  }
0x2c5: {  	v59 =	vld [tilespmem:$0x7930];
	v1 =	vsel vm8, $0x2, v1  }
0x2c6: {  	v60 =	vmul.u32 $0x2710, v1  }
0x2c7: {  	vm9 =	veq.s32 v1, $0x3  }
0x2c8: {  	v6 =	vsel vm9, $0x0, v60  }
0x2c9: {  	[tilespmem:$0x7A20] =	vst v1;
	v1 =	vadd.s32 v2, v6  }
0x2ca: {  	[tilespmem:$0x7B20] =	vst v1;
	v1 =	vadd.s32 v3, v6  }
0x2cb: {  	[tilespmem:$0x7C20] =	vst v1  }
0x2cc: {  	v1 =	vld.idx.msk [tilespmem:v58+s5+$0x0], $0xffff  }
0x2cd: {  	v2 =	vld.idx.msk [tilespmem:v59+s5+$0x0], $0xffff;
	_ =	sdelay $0x3  }
0x2ce: {  	v1 =	vshll.u32 v1, $0x1  }
0x2cf: {  	v1 =	vadd.s32 v2, v1  }
0x2d0: {  	vm10 =	veq.s32 v1, $0x2  }
0x2d1: {  	v2 =	vld [tilespmem:$0x7840];
	vm11 =	veq.s32 v1, $0x3;
	v1 =	vsel vm10, $0x3, v1  }
0x2d2: {  	v3 =	vld [tilespmem:$0x7940];
	v1 =	vsel vm11, $0x2, v1  }
0x2d3: {  	v61 =	vmul.u32 $0x2710, v1  }
0x2d4: {  	vm12 =	veq.s32 v1, $0x3  }
0x2d5: {  	v6 =	vsel vm12, $0x0, v61  }
0x2d6: {  	[tilespmem:$0x7A30] =	vst v1;
	v1 =	vadd.s32 v58, v6  }
0x2d7: {  	[tilespmem:$0x7B30] =	vst v1;
	v1 =	vadd.s32 v59, v6  }
0x2d8: {  	[tilespmem:$0x7C30] =	vst v1  }
0x2d9: {  	v1 =	vld.idx.msk [tilespmem:v2+s5+$0x0], $0xffff  }
0x2da: {  	v62 =	vld.idx.msk [tilespmem:v3+s5+$0x0], $0xffff;
	_ =	sdelay $0x3  }
0x2db: {  	v1 =	vshll.u32 v1, $0x1  }
0x2dc: {  	v1 =	vadd.s32 v62, v1  }
0x2dd: {  	vm13 =	veq.s32 v1, $0x2  }
0x2de: {  	vm14 =	veq.s32 v1, $0x3;
	v1 =	vsel vm13, $0x3, v1  }
0x2df: {  	v1 =	vsel vm14, $0x2, v1  }
0x2e0: {  	v63 =	vmul.u32 $0x2710, v1  }
0x2e1: {  	s7 =	smul.u32 $0x50, s28;
	vm15 =	veq.s32 v1, $0x3  }
0x2e2: {  	v4 =	vsel vm15, $0x0, v63  }
0x2e3: {  	s2 =	sadd.s32 s11, s7;
	[tilespmem:$0x7A40] =	vst v1;
	v1 =	vadd.s32 v2, v4  }
0x2e4: {  	s2 =	sshrl.u32 s2, $0x3;
	[tilespmem:$0x7B40] =	vst v1;
	v1 =	vadd.s32 v3, v4  }
0x2e5: {  	s28 =	simm.s32 $0x7A00;
	s13 =	sadd.s32 s9, s2;
	[tilespmem:$0x7C40] =	vst v1  }
0x2e6: {  	[hbm4b:s13+s5] =	stream.linear.scatter [tilespmem:s28], [sflag:$0x3], $0x50, $0x38;
	[tilespmem:$0x1CD00] =	vst v63  }
.Ltmp8:
0x2e7: {  	_ = 	snop;
	(pc) =	sbr.rel .LBB2_8-.Ltmp8, $4  }
0x2e8: {  	s7 =	sadd.s32 s10, s2;
	s13 =	simm.s32 $0x7B00  }
0x2e9: {  	[hbm4b:s7+s5] =	stream.linear.scatter [tilespmem:s13], [sflag:$0x3], $0x50, $0x38;
	[tilespmem:$0x1CD00] =	vst v63  }
0x2ea: {  	s2 =	sadd.s32 s8, s2;
	s28 =	simm.s32 $0x7C00  }
0x2eb: {  	[hbm4b:s2+s5] =	stream.linear.scatter [tilespmem:s28], [sflag:$0x3], $0x50, $0x38;
	[tilespmem:$0x1CD00] =	vst v63  }
.LBB2_10:
0x2ec: {  	_ =	sfence.sel $0x180000  }
0x2ed: {  	[bflag:$0x0] =	sbarrier.arrive $0xFFFF  }
0x2ee: {  	_ =	strace $0x90000047  }
0x2ef: {  	[bflag:$0x2] =	sbarrier.arrive $0xFFFF  }
0x2f0: {  	s0 =	rddreg [dreg:$0x6]  }
0x2f1: {  	s0 =	sadd.s32 @!p0 $0x100000, s0  }
0x2f2: {  	[sflag:s0] =	ssyncadd.tile.s32 @!p0 $0x1;
	_ =	shalt  }
.Lfunc_end2:
_tile_overlayer_lowered:
.L_overlay_start_2:
0x2f3: {  	(tag) =	ssettag $0x2  }
0x2f4: {  	s0 =	rddreg [dreg:$0x0];
	s2 =	stileid.u32  }
0x2f5: {  	s1 =	rddreg [dreg:$0x1];
	p0 =	sne.s32 s2, $0x0  }
0x2f6: {  	s3 =	rddreg [dreg:$0x2];
	[bflag:$0x3] =	sbarrier.arrive $0xFFFF;
	s2 =	simm.s32 @!p0 $0x1C04  }
0x2f7: {  	[timem:s3], [sflag:s2] =	dma.local @!p0 [hbm:s0], s1  }
0x2f8: {  	s0 =	simm.s32 @!p0 $0x4  }
0x2f9: {  	_ =	swait.ge @!p0 [sflag:s0], s1  }
0x2fa: {  	s1 =	ssub.s32 @!p0 $0x0, s1;
	[sflag:s0] =	ssyncset.done @!p0 $0x0  }
0x2fb: {  	[sflag:s0] =	ssyncadd.s32 @!p0 s1  }
0x2fc: {  	[bflag:$0x3] =	sbarrier.arrive $0xFFFF  }
0x2fd: {  	_ =	shalt  }

// kernel: kernel.9.cloned.1.call-start
scs
__scs_entry_jumppad:
0x0: {  	(pc) =	sbr.rel $0x88, $3  }
0x1: {  	(tag) =	ssettag $0x0;
	lr =	simm.s32 $0x1  }
0x2: {  	[smem:$0x3F93] =	sst lr;
	_ =	strace $0xD0000000  }
0x3: {  	_ = 	snop  }
0x4: {  	_ = 	snop  }
0x5: {  	_ = 	snop  }
0x6: {  	_ = 	snop  }
0x7: {  	_ = 	snop  }
__scs_overlays_trampoline_lowered:
0x8: {  	[smem:$0x3FA2] =	sst s0  }
0x9: {  	[smem:$0x3FA3] =	sst s1  }
0xa: {  	[smem:$0x3FA4] =	sst s2  }
0xb: {  	[smem:$0x3FA5] =	sst s3  }
0xc: {  	[smem:$0x3FA6] =	sst s4  }
0xd: {  	[smem:$0x3FA7] =	sst s5  }
0xe: {  	[smem:$0x3FA8] =	sst s6  }
0xf: {  	[smem:$0x3FA9] =	sst s7  }
0x10: {  	[smem:$0x3FAA] =	sst s8  }
0x11: {  	[smem:$0x3FAB] =	sst s9;
	s0 =	simm.s32 @!p0 $0x0  }
0x12: {  	s1 =	sld [smem:$0x3F91];
	s0 =	simm.s32 @p0 $0x1  }
0x13: {  	[smem:$0x3FAC] =	sst s0;
	s0 =	simm.s32 @!p1 $0x0  }
0x14: {  	s2 =	sld [smem:$0x3F90];
	s0 =	simm.s32 @p1 $0x1  }
0x15: {  	[smem:$0x3FAD] =	sst s0;
	s0 =	simm.s32 @!p2 $0x0  }
0x16: {  	s3 =	sld [smem:$0x3FDB];
	s0 =	simm.s32 @p2 $0x1  }
0x17: {  	s4 =	simm.s32 $0x1BF5;
	[smem:$0x3FAF] =	sst s0  }
0x18: {  	s0 =	sld [smem:$0x3F92];
	_ =	swait.ge [sflag:s4], $0x0  }
0x19: {  	s7 =	sld [smem:$0x3F93]  }
0x1a: {  	s8 =	sadd.s32 $0xFFFFE003, lr  }
0x1b: {  	s9 =	sadd.s32 $0xFFFFFEF7, lr;
	s5 =	simm.s32 $0xFFFFFFFF;
	p2 =	slt.u32 s8, $0xFFFFF086  }
0x1c: {  	p1 =	slt.u32 s9, $0xF7A;
	s5 =	simm.s32 @!p2 $0x0  }
0x1d: {  	s5 =	simm.s32 @p1 $0x1;
	p0 =	seq.s32 s7, s2  }
0x1e: {  	s7 =	smul.u32 @!p0 $0xF7A, s2;
	p2 =	seq.s32 @!p0 s5, $0x0  }
0x1f: {  	s9 =	smul.u32 $0xF7A, s1;
	s8 =	simm.s32 @!p0 $0x1BF5;
	p2 =	por !p2, p0  }
0x20: {  	[sflag:s8] =	ssyncset.s32 @!p0 $0xFFFFF086;
	s6 =	sadd.s32 @!p0 s3, s7;
	s7 =	simm.s32 @!p0 $0x108  }
0x21: {  	s3 =	sadd.s32 s3, s9;
	s6 =	sadd.s32 @!p0 $0x88, s6;
	s7 =	simm.s32 @p2 $0x1082  }
0x22: {  	[simem:s7], [sflag:s8] =	dma.local @!p0 [hbm:s6], $0xF7A  }
0x23: {  	s9 =	sor.u32 $0xD0000000, s2;
	s6 =	simm.s32 $0x108;
	_ =	swait.ge @!p0 [sflag:s8], $0x0  }
0x24: {  	s3 =	sadd.s32 $0x88, s3;
	s6 =	simm.s32 @!p1 $0x1082;
	[sflag:s4] =	ssyncset.s32 $0xFFFFF086  }
0x25: {  	[simem:s6], [sflag:s4] =	dma.local [hbm:s3], $0xF7A  }
0x26: {  	[smem:$0x3F93] =	sst s1;
	(tag) =	ssettag s2;
	_ =	strace s9  }
0x27: {  	s1 =	sld [smem:$0x3FA3]  }
0x28: {  	s2 =	sld [smem:$0x3FA4]  }
0x29: {  	s4 =	sld [smem:$0x3FA6]  }
0x2a: {  	p0 =	seq.s32 s5, $0x0;
	s5 =	sld [smem:$0x3FA7]  }
0x2b: {  	s6 =	sld [smem:$0x3FA8]  }
0x2c: {  	s7 =	sld [smem:$0x3FA9]  }
0x2d: {  	s3 =	simm.s32 $0x108;
	s8 =	sld [smem:$0x3FAA]  }
0x2e: {  	s3 =	simm.s32 @!p0 $0x1082;
	s9 =	sld [smem:$0x3FAB]  }
0x2f: {  	lr =	sadd.s32 s0, s3;
	s0 =	sld [smem:$0x3FA2]  }
0x30: {  	s3 =	sld [smem:$0x3FA5]  }
0x31: {  	[smem:$0x3FAE] =	sst s10  }
0x32: {  	s10 =	sld [smem:$0x3FAC];
	_ =	sdelay $0x3  }
0x33: {  	p0 =	seq.s32 s10, $0x1;
	s10 =	sld [smem:$0x3FAE];
	_ =	sdelay $0x3  }
0x34: {  	[smem:$0x3FAE] =	sst s10  }
0x35: {  	s10 =	sld [smem:$0x3FAD];
	_ =	sdelay $0x3  }
0x36: {  	p1 =	seq.s32 s10, $0x1;
	s10 =	sld [smem:$0x3FAE];
	_ =	sdelay $0x3  }
0x37: {  	[smem:$0x3FAE] =	sst s10  }
0x38: {  	s10 =	sld [smem:$0x3FAF]  }
0x39: {  	_ = 	snop;
	(pc) =	sbr.ind lr, $3  }
0x3a: {  	_ = 	snop  }
0x3b: {  	_ = 	snop  }
0x3c: {  	p2 =	seq.s32 s10, $0x1;
	s10 =	sld [smem:$0x3FAE]  }
0x3d: {  	_ =	shalt  }
0x3e: {  	_ =	shalt  }
0x3f: {  	_ =	shalt  }
0x40: {  	_ =	shalt  }
0x41: {  	_ =	shalt  }
0x42: {  	_ =	shalt  }
0x43: {  	_ =	shalt  }
0x44: {  	_ =	shalt  }
0x45: {  	_ =	shalt  }
0x46: {  	_ =	shalt  }
0x47: {  	_ =	shalt  }
0x48: {  	_ =	shalt  }
0x49: {  	_ =	shalt  }
0x4a: {  	_ =	shalt  }
0x4b: {  	_ =	shalt  }
0x4c: {  	_ =	shalt  }
0x4d: {  	_ =	shalt  }
0x4e: {  	_ =	shalt  }
0x4f: {  	_ =	shalt  }
0x50: {  	_ =	shalt  }
0x51: {  	_ =	shalt  }
0x52: {  	_ =	shalt  }
0x53: {  	_ =	shalt  }
0x54: {  	_ =	shalt  }
0x55: {  	_ =	shalt  }
0x56: {  	_ =	shalt  }
0x57: {  	_ =	shalt  }
0x58: {  	_ =	shalt  }
0x59: {  	_ =	shalt  }
0x5a: {  	_ =	shalt  }
0x5b: {  	_ =	shalt  }
0x5c: {  	_ =	shalt  }
0x5d: {  	_ =	shalt  }
0x5e: {  	_ =	shalt  }
0x5f: {  	_ =	shalt  }
0x60: {  	_ =	shalt  }
0x61: {  	_ =	shalt  }
0x62: {  	_ =	shalt  }
0x63: {  	_ =	shalt  }
0x64: {  	_ =	shalt  }
0x65: {  	_ =	shalt  }
0x66: {  	_ =	shalt  }
0x67: {  	_ =	shalt  }
0x68: {  	_ =	shalt  }
0x69: {  	_ =	shalt  }
0x6a: {  	_ =	shalt  }
0x6b: {  	_ =	shalt  }
0x6c: {  	_ =	shalt  }
0x6d: {  	_ =	shalt  }
0x6e: {  	_ =	shalt  }
0x6f: {  	_ =	shalt  }
0x70: {  	_ =	shalt  }
0x71: {  	_ =	shalt  }
0x72: {  	_ =	shalt  }
0x73: {  	_ =	shalt  }
0x74: {  	_ =	shalt  }
0x75: {  	_ =	shalt  }
0x76: {  	_ =	shalt  }
0x77: {  	_ =	shalt  }
0x78: {  	_ =	shalt  }
0x79: {  	_ =	shalt  }
0x7a: {  	_ =	shalt  }
0x7b: {  	_ =	shalt  }
0x7c: {  	_ =	shalt  }
0x7d: {  	_ =	shalt  }
0x7e: {  	_ =	shalt  }
0x7f: {  	_ =	shalt  }
0x80: {  	_ =	shalt  }
0x81: {  	_ =	shalt  }
0x82: {  	_ =	shalt  }
0x83: {  	_ =	shalt  }
0x84: {  	_ =	shalt  }
0x85: {  	_ =	shalt  }
0x86: {  	_ =	shalt  }
0x87: {  	_ =	shalt  }
.Lfunc_end0:
.L_simem_size_0:
called_computation.1_lowered:
.L_overlay_start_0:
0x88: {  	s2 =	sld [smem:$0x3FD9]  }
0x89: {  	s3 =	sld [smem:$0x3FFE];
	_ =	sdelay $0x1  }
0x8a: {  	s1 =	srdreg.scid  }
0x8b: {  	s0 =	sand.u32 $0x1, s1  }
0x8c: {  	s14 =	sshll.u32 s0, $0xA;
	s2 =	sadd.s32 s3, s2  }
0x8d: {  	s2 =	sadd.s32 s2, s14  }
0x8e: {  	[smem:$0x3FBA] =	sst s2  }
0x8f: {  	_ = 	snop  }
0x90: {  	s2 =	sld [smem:$0x3FD0];
	_ =	sdelay $0x2  }
0x91: {  	s15 =	simm.s32 $0xA;
	s4 =	simm.s32 $0x10  }
0x92: {  	[smem:s4], [sflag:s15] =	dma.local [hbm:s2], $0x1  }
0x93: {  	_ =	swait.eq [sflag:s15], $0x1  }
0x94: {  	[sflag:s15] =	ssyncset.done $0x0  }
0x95: {  	[sflag:s15] =	ssyncadd.s32 $0xFFFFFFFF  }
0x96: {  	s16 =	sld [smem:$0x11];
	(tm) =	ssettm $0x1  }
0x97: {  	s17 =	sld [smem:$0x3FFB];
	_ =	sdelay $0x3  }
0x98: {  	_ =	strace s17  }
0x99: {  	s3 =	sld [smem:$0x3FFC];
	_ =	sdelay $0x3  }
0x9a: {  	_ =	strace s3  }
0x9b: {  	s3 =	sld [smem:$0x3FFD];
	_ =	sdelay $0x3  }
0x9c: {  	_ =	strace s3  }
0x9d: {  	_ =	strace $0x8FFFFFFF  }
0x9e: {  	s18 =	sld [smem:$0x3FDB];
	_ =	sdelay $0x1  }
0x9f: {  	s19 =	simm.s32 $_scs_section_size  }
0xa0: {  	s5 =	simm.s32 $_size__tile_overlayer_lowered;
	s6 =	simm.s32 $_tile_overlayer_lowered  }
0xa1: {  	s22 =	simm.s32 $0x1BFF;
	s21 =	sshll.u32 s6, $0x1;
	s3 =	sadd.s32 s19, s18  }
0xa2: {  	s7 =	simm.s32 $0x0;
	s20 =	sshll.u32 s5, $0x1;
	s5 =	sadd.s32 s21, s3  }
0xa3: {  	[timem:s7], [sflag:s22] =	dma.local [hbm:s5], s20  }
0xa4: {  	_ =	swait.ge [sflag:s22], s20  }
0xa5: {  	s4 =	ssub.s32 $0x0, s20;
	[sflag:s22] =	ssyncset.done $0x0  }
0xa6: {  	[sflag:s22] =	ssyncadd.s32 s4;
	_ =	sdelay $0x1  }
0xa7: {  	s23 =	simm.s32 $0x1B8B  }
0xa8: {  	_ =	swait.ge [sflag:s23], $0x1  }
0xa9: {  	[sflag:s23] =	ssyncset.done $0x0  }
0xaa: {  	s25 =	simm.s32 $0x1B8E;
	s24 =	sld [smem:$0x3FFE];
	[sflag:s23] =	ssyncadd.s32 $0xFFFFFFFF  }
0xab: {  	s26 =	simm.s32 $execute0_lowered;
	[smem:$0x3FD2] =	sst s25  }
0xac: {  	s5 =	sshll.u32 s26, $0x1;
	_ =	strace $0x80000049;
	[dreg:$0x1] =	wrdreg $0xFFFFFFFF  }
0xad: {  	s28 =	simm.s32 $_size_execute0_lowered;
	s3 =	sadd.s32 s3, s5;
	[dreg:$0x0] =	wrdreg $0x0  }
0xae: {  	s5 =	sshll.u32 s28, $0x1;
	[dreg:$0x2] =	wrdreg s3  }
0xaf: {  	[dreg:$0x3] =	wrdreg s5  }
0xb0: {  	[dreg:$0x4] =	wrdreg $0xC0  }
0xb1: {  	_ =	task [dreg:s7], $0x5FFFF  }
0xb2: {  	[dreg:$0x1] =	wrdreg $0xFFFFFFFF  }
0xb3: {  	[dreg:$0x0] =	wrdreg $0x60  }
0xb4: {  	[dreg:$0x2] =	wrdreg s16  }
0xb5: {  	[dreg:$0x3] =	wrdreg s24  }
0xb6: {  	[dreg:$0x4] =	wrdreg $0x9  }
0xb7: {  	_ =	task.clear_ibuf [dreg:s7], $0x5FFFF;
	_ =	strace $0x90000049  }
0xb8: {  	s29 =	simm.s32 $0x9;
	_ =	strace $0x8000004B  }
0xb9: {  	_ =	swait.ge [sflag:s29], $0x1  }
0xba: {  	[sflag:s29] =	ssyncadd.s32 $0xFFFFFFFF  }
0xbb: {  	_ =	strace $0x9000004B  }
0xbc: {  	_ =	sfence  }
0xbd: {  	s30 =	sld [smem:$0x0];
	_ =	sdelay $0x2  }
0xbe: {  	s31 =	sshll.u32 s1, $0xD;
	s1 =	sshrl.u32 s1, $0x2  }
0xbf: {  	s3 =	sand.u32 $0x4000, s31;
	s1 =	sadd.s32 s1, s30  }
0xc0: {  	s0 =	sor.u32 s3, s0;
	s1 =	sshll.u32 s1, $0x11  }
0xc1: {  	s0 =	sor.u32 s1, s0  }
0xc2: {  	s0 =	sadd.s32 $0x8F2B, s0  }
0xc3: {  	[sflag:s0] =	ssyncadd.remote.s32 $0x1  }
0xc4: {  	_ =	sfence.sel $0xFFFF  }
0xc5: {  	[dreg:$0x0] =	wrdreg $0xFFFFFFFF;
	(pc) =	sbr.abs _section_cstart, $3  }
0xc6: {  	[dreg:$0x1] =	wrdreg $0xFFFFFFFF  }
0xc7: {  	_ =	task.clear_ibuf [dreg:s7], $0x2FFFF;
	_ =	strace $0x9FFFFFFF  }
0xc8: {  	(tm) =	ssettm $0x7FFFFFFF  }
0xc9: {  	_ =	shalt  }
tec
execute0_lowered:
.L_overlay_start_1:
0x0: {  	(tag) =	ssettag $0x1  }
0x1: {  	s1 =	rddreg [dreg:$0x0]  }
0x2: {  	s0 =	rddreg [dreg:$0x1];
	s2 =	srdreg.scid;
	s3 =	simm.s32 $0x0  }
0x3: {  	s11 =	stileid.u32;
	s17 =	simm.s32 $0x50;
	s18 =	simm.s32 $0x200  }
0x4: {  	s21 =	simm.s32 $0x1;
	s22 =	simm.s32 $0x2;
	s23 =	simm.s32 $0x4  }
0x5: {  	s24 =	simm.s32 $0x0;
	s2 =	sand.u32 $0x1, s2;
	[smem:$0x7FF] =	sst s3  }
0x6: {  	s4 =	sadd.s32 $0x2C600, s0;
	s7 =	sadd.s32 $0x21000, s0;
	s14 =	smul.u32 $0x2710, s11  }
0x7: {  	s8 =	sadd.s32 $0xA1A00, s0;
	s16 =	smul.u32 $0x27100, s11;
	s5 =	sshll.u32 s2, $0x4  }
0x8: {  	_ =	strace $0x8000004A;
	s9 =	ssub.s32 $0x2, s2;
	s13 =	smul.u32 $0x27100, s2  }
0x9: {  	s2 =	smul.u32 $0x271000, s2;
	s6 =	sor.u32 s11, s5;
	s5 =	sadd.s32 $0x17200, s0  }
0xa: {  	s25 =	sshrl.u32 s9, $0x1;
	s6 =	smul.u32 $0x2710, s6;
	s14 =	sadd.s32 s14, s13  }
0xb: {  	s0 =	ssub.s32 s9, s25;
	s2 =	sadd.s32 s2, s8;
	s31 =	sadd.s32 $0xA0, s14  }
0xc: {  	s10 =	sshrl.u32 s6, $0x3;
	s15 =	sadd.s32 $0xF0, s6;
	[dreg:$0x3] =	wrdreg s31  }
0xd: {  	s13 =	smax.u32 s0, $0x1;
	s26 =	sadd.s32 s5, s10;
	[dreg:$0x4] =	wrdreg s15  }
0xe: {  	s12 =	sadd.s32 $0xA, s10;
	s28 =	sadd.s32 s7, s10;
	[dreg:$0x5] =	wrdreg s26  }
0xf: {  	s2 =	sadd.s32 s16, s2;
	[dreg:$0x6] =	wrdreg s28;
	s29 =	sadd.s32 s5, s12  }
0x10: {  	s16 =	simm.s32 $0x3;
	s30 =	sadd.s32 s7, s12;
	[dreg:$0x7] =	wrdreg s29  }
0x11: {  	s14 =	sadd.s32 $0x500, s2;
	s15 =	simm.s32 $0x100;
	[dreg:$0x8] =	wrdreg s30  }
.LBB2_1:
0x12: {  	s0 =	rddreg [dreg:$0x5]  }
0x13: {  	[tilespmem:s3], [sflag:$0x3] =	stream.linear.gather [hbm4b:s0+s3], $0x50, $0x38;
	[tilespmem:$0x5200] =	vst v63  }
0x14: {  	s2 =	rddreg [dreg:$0x6]  }
0x15: {  	[tilespmem:s15], [sflag:$0x3] =	stream.linear.gather [hbm4b:s2+s3], $0x50, $0x38;
	[tilespmem:$0x5200] =	vst v63  }
0x16: {  	_ =	swait.ge [sflag:s16], $0x50  }
0x17: {  	[sflag:s16] =	ssyncset.done $0x0  }
0x18: {  	[sflag:s16] =	ssyncadd.s32 $0xFFFFFFB0  }
0x19: {  	_ =	swait.ge [sflag:s16], $0x50  }
0x1a: {  	[sflag:s16] =	ssyncset.done $0x0  }
0x1b: {  	[sflag:s16] =	ssyncadd.s32 $0xFFFFFFB0  }
0x1c: {  	[tilespmem:s18], [sflag:$0x1] =	stream.indirect.gather [hbm4b:s1+s17], $0x80, s3, s17, $0xb8;
	[tilespmem:$0x5200] =	vst v63  }
0x1d: {  	s2 =	simm.s32 $0x80;
	s9 =	rddreg [dreg:$0x7]  }
0x1e: {  	[tilespmem:s2], [sflag:$0x3] =	stream.linear.gather [hbm4b:s9+s3], $0x50, $0x38;
	[tilespmem:$0x5200] =	vst v63  }
0x1f: {  	s11 =	simm.s32 $0x180;
	s10 =	rddreg [dreg:$0x8]  }
0x20: {  	[tilespmem:s11], [sflag:$0x3] =	stream.linear.gather [hbm4b:s10+s3], $0x50, $0x38;
	[tilespmem:$0x5200] =	vst v63  }
0x21: {  	_ =	swait.ge [sflag:s21], $0x2800  }
0x22: {  	p0 =	por $0x0, $0x0;
	[sflag:s21] =	ssyncset.done $0x0  }
0x23: {  	s0 =	simm.s32 @!p0 $0x3;
	[sflag:s21] =	ssyncadd.s32 $0xFFFFD800  }
0x24: {  	[tilespmem:s18], [sflag:$0x2] =	stream.indirect.gather.add.f32 [hbm:s4], $0x80, s15, s17, $0xb8;
	[tilespmem:$0x5200] =	vst v63  }
0x25: {  	_ =	swait.ge @!p0 [sflag:s0], $0x50  }
0x26: {  	[sflag:s0] =	ssyncset.done @!p0 $0x0  }
0x27: {  	[sflag:s0] =	ssyncadd.s32 @!p0 $0xFFFFFFB0  }
0x28: {  	p1 =	por @!p0 $0x1, $0x1;
	_ =	swait.ge @!p0 [sflag:s0], $0x50  }
0x29: {  	p1 =	por p1, p0;
	[sflag:s0] =	ssyncset.done @!p0 $0x0  }
0x2a: {  	s2 =	simm.s32 @!p1 $0x4;
	[sflag:s0] =	ssyncadd.s32 @!p0 $0xFFFFFFB0  }
0x2b: {  	_ =	swait.ge @!p1 [sflag:s2], $0x2800  }
0x2c: {  	s25 =	simm.s32 @!p0 $0x2A00;
	[sflag:s2] =	ssyncset.done @!p1 $0x0  }
0x2d: {  	s19 =	simm.s32 @!p0 $0x50;
	s20 =	simm.s32 @!p0 $0x80;
	[sflag:s2] =	ssyncadd.s32 @!p1 $0xFFFFD800  }
0x2e: {  	[tilespmem:s25], [sflag:$0x1] =	stream.indirect.gather @!p0 [hbm4b:s1+s19], $0x80, s20, s19, $0xb8;
	[tilespmem:$0x5200] =	vst v63  }
0x2f: {  	_ =	swait.ge [sflag:s22], $0x2800  }
0x30: {  	p1 =	por $0x0, $0x0;
	s2 =	rddreg [dreg:$0x3]  }
0x31: {  	s20 =	simm.s32 $0x0;
	s26 =	simm.s32 @!p1 $0x0;
	s2 =	sadd.s32 @!p1 $0x0, s2  }
0x32: {  	s20 =	simm.s32 @p1 $0x26C0;
	[sflag:s22] =	ssyncset.done $0x0;
	s2 =	sshrl.u32 @!p1 s2, $0x3  }
0x33: {  	s29 =	sadd.s32 s6, s20;
	[sflag:s22] =	ssyncadd.s32 $0xFFFFD800;
	s28 =	sadd.s32 @!p1 s5, s2  }
0x34: {  	[tilespmem:s26], [sflag:$0x3] =	stream.linear.gather @!p1 [hbm4b:s28+s26], $0x50, $0x38;
	[tilespmem:$0x5200] =	vst v63  }
0x35: {  	s29 =	sshll.u32 s29, $0x4;
	s2 =	sadd.s32 @!p1 s7, s2;
	s28 =	simm.s32 @!p1 $0x100  }
0x36: {  	[tilespmem:s28], [sflag:$0x3] =	stream.linear.gather @!p1 [hbm4b:s2+s26], $0x50, $0x38;
	[tilespmem:$0x5200] =	vst v63  }
0x37: {  	s12 =	sadd.s32 s8, s29;
	s26 =	simm.s32 @!p0 $0x1  }
0x38: {  	[hbm4b:s12+s3] =	stream.linear.scatter [tilespmem:s18], [sflag:$0x4], $0x2800, $0x38;
	[tilespmem:$0x5200] =	vst v63  }
0x39: {  	_ =	swait.ge @!p0 [sflag:s26], $0x2800  }
0x3a: {  	[sflag:s26] =	ssyncset.done @!p0 $0x0  }
0x3b: {  	s2 =	simm.s32 @!p0 $0x180;
	[sflag:s26] =	ssyncadd.s32 @!p0 $0xFFFFD800  }
0x3c: {  	[tilespmem:s25], [sflag:$0x2] =	stream.indirect.gather.add.f32 @!p0 [hbm:s4], $0x80, s2, s19, $0xb8;
	[tilespmem:$0x5200] =	vst v63  }
0x3d: {  	_ =	swait.ge @!p0 [sflag:s0], $0x50  }
0x3e: {  	[sflag:s0] =	ssyncset.done @!p0 $0x0  }
0x3f: {  	[sflag:s0] =	ssyncadd.s32 @!p0 $0xFFFFFFB0  }
0x40: {  	_ =	swait.ge @!p0 [sflag:s0], $0x50  }
0x41: {  	[sflag:s0] =	ssyncset.done @!p0 $0x0  }
0x42: {  	s26 =	simm.s32 @!p0 $0x4;
	[sflag:s0] =	ssyncadd.s32 @!p0 $0xFFFFFFB0  }
0x43: {  	_ =	swait.ge @!p0 [sflag:s26], $0x2800  }
0x44: {  	s2 =	simm.s32 @!p0 $0x0;
	[sflag:s26] =	ssyncset.done @!p0 $0x0  }
0x45: {  	s0 =	simm.s32 @!p0 $0x200;
	[sflag:s26] =	ssyncadd.s32 @!p0 $0xFFFFD800;
	s26 =	simm.s32 @!p0 $0x2  }
0x46: {  	[tilespmem:s0], [sflag:$0x1] =	stream.indirect.gather @!p0 [hbm4b:s1+s19], $0x80, s2, s19, $0xb8;
	[tilespmem:$0x5200] =	vst v63  }
0x47: {  	s30 =	simm.s32 $0x3;
	p1 =	por @!p0 $0x0, $0x0;
	_ =	swait.ge @!p0 [sflag:s26], $0x2800  }
0x48: {  	s31 =	smov.u32 s14;
	p2 =	por p1, p0;
	s0 =	rddreg [dreg:$0x4]  }
0x49: {  	s29 =	sadd.s32 $0xA00, s14;
	s28 =	simm.s32 $0x1;
	s0 =	sadd.s32 @!p2 s20, s0  }
0x4a: {  	s19 =	simm.s32 @!p2 $0x80;
	[sflag:s26] =	ssyncset.done @!p0 $0x0;
	s20 =	sshrl.u32 @!p2 s0, $0x3  }
0x4b: {  	[sflag:s26] =	ssyncadd.s32 @!p0 $0xFFFFD800;
	s0 =	simm.s32 @!p2 $0x0;
	s26 =	sadd.s32 @!p2 s5, s20  }
0x4c: {  	[tilespmem:s19], [sflag:$0x3] =	stream.linear.gather @!p2 [hbm4b:s26+s0], $0x50, $0x38;
	[tilespmem:$0x5200] =	vst v63  }
0x4d: {  	s26 =	simm.s32 $0xA0;
	s19 =	sadd.s32 @!p2 s7, s20;
	s20 =	simm.s32 @!p2 $0x180  }
.LBB2_2:
0x4e: {  	[tilespmem:s20], [sflag:$0x3] =	stream.linear.gather @!p2 [hbm4b:s19+s0], $0x50, $0x38;
	[tilespmem:$0x5200] =	vst v63  }
0x4f: {  	_ = 	snop  }
0x50: {  	[hbm4b:s31+s2] =	stream.linear.scatter @!p0 [tilespmem:s25], [sflag:$0x4], $0x2800, $0x38;
	[tilespmem:$0x5200] =	vst v63  }
0x51: {  	_ =	swait.ge [sflag:s21], $0x2800  }
0x52: {  	p0 =	sgt.u32 s30, $0x7C;
	[sflag:s21] =	ssyncset.done $0x0  }
0x53: {  	s2 =	simm.s32 @!p0 $0x3;
	[sflag:s21] =	ssyncadd.s32 $0xFFFFD800  }
0x54: {  	[tilespmem:s18], [sflag:$0x2] =	stream.indirect.gather.add.f32 [hbm:s4], $0x80, s15, s17, $0xb8;
	[tilespmem:$0x5200] =	vst v63  }
0x55: {  	_ =	swait.ge @!p0 [sflag:s2], $0x50  }
0x56: {  	[sflag:s2] =	ssyncset.done @!p0 $0x0  }
0x57: {  	s0 =	smov.u32 s26;
	[sflag:s2] =	ssyncadd.s32 @!p0 $0xFFFFFFB0  }
0x58: {  	p3 =	seq.s32 @!p0 s0, $0x0;
	_ =	swait.ge @!p0 [sflag:s2], $0x50  }
0x59: {  	p3 =	por p3, p0;
	[sflag:s2] =	ssyncset.done @!p0 $0x0  }
0x5a: {  	s20 =	simm.s32 @!p3 $0x4;
	[sflag:s2] =	ssyncadd.s32 @!p0 $0xFFFFFFB0  }
0x5b: {  	_ =	swait.ge @!p3 [sflag:s20], $0x2800  }
0x5c: {  	s25 =	simm.s32 @!p0 $0x2A00;
	[sflag:s20] =	ssyncset.done @!p3 $0x0  }
0x5d: {  	s19 =	simm.s32 @!p0 $0x50;
	s9 =	simm.s32 @!p0 $0x80;
	[sflag:s20] =	ssyncadd.s32 @!p3 $0xFFFFD800  }
0x5e: {  	[tilespmem:s25], [sflag:$0x1] =	stream.indirect.gather @!p0 [hbm4b:s1+s19], $0x80, s9, s19, $0xb8;
	[tilespmem:$0x5200] =	vst v63  }
0x5f: {  	_ =	swait.ge [sflag:s22], $0x2800  }
0x60: {  	p3 =	seq.s32 s0, $0x26C0;
	s9 =	rddreg [dreg:$0x3]  }
0x61: {  	s20 =	simm.s32 @!p3 $0x0;
	s9 =	sadd.s32 @!p3 s0, s9  }
0x62: {  	[sflag:s22] =	ssyncset.done $0x0;
	s0 =	simm.s32 @p3 $0x26C0;
	s9 =	sshrl.u32 @!p3 s9, $0x3  }
0x63: {  	[sflag:s22] =	ssyncadd.s32 $0xFFFFD800;
	s12 =	sadd.s32 s6, s0;
	s11 =	sadd.s32 @!p3 s5, s9  }
0x64: {  	[tilespmem:s20], [sflag:$0x3] =	stream.linear.gather @!p3 [hbm4b:s11+s20], $0x50, $0x38;
	[tilespmem:$0x5200] =	vst v63  }
0x65: {  	s10 =	simm.s32 @!p3 $0x100;
	s9 =	sadd.s32 @!p3 s7, s9;
	s12 =	sshll.u32 s12, $0x4  }
0x66: {  	[tilespmem:s10], [sflag:$0x3] =	stream.linear.gather @!p3 [hbm4b:s9+s20], $0x50, $0x38;
	[tilespmem:$0x5200] =	vst v63  }
0x67: {  	s20 =	sadd.s32 s8, s12;
	s10 =	simm.s32 @!p0 $0x1  }
0x68: {  	[hbm4b:s20+s3] =	stream.linear.scatter [tilespmem:s18], [sflag:$0x4], $0x2800, $0x38;
	[tilespmem:$0x5200] =	vst v63  }
0x69: {  	_ =	swait.ge @!p0 [sflag:s10], $0x2800  }
0x6a: {  	[sflag:s10] =	ssyncset.done @!p0 $0x0  }
0x6b: {  	s9 =	simm.s32 @!p0 $0x180;
	[sflag:s10] =	ssyncadd.s32 @!p0 $0xFFFFD800  }
0x6c: {  	[tilespmem:s25], [sflag:$0x2] =	stream.indirect.gather.add.f32 @!p0 [hbm:s4], $0x80, s9, s19, $0xb8;
	[tilespmem:$0x5200] =	vst v63  }
0x6d: {  	_ =	swait.ge @!p0 [sflag:s2], $0x50  }
0x6e: {  	[sflag:s2] =	ssyncset.done @!p0 $0x0  }
0x6f: {  	[sflag:s2] =	ssyncadd.s32 @!p0 $0xFFFFFFB0  }
0x70: {  	_ =	swait.ge @!p0 [sflag:s2], $0x50  }
0x71: {  	s26 =	sadd.s32 $0xA0, s26;
	[sflag:s2] =	ssyncset.done @!p0 $0x0  }
0x72: {  	p1 =	sne.s32 s26, $0x2760;
	s9 =	simm.s32 @!p0 $0x4;
	[sflag:s2] =	ssyncadd.s32 @!p0 $0xFFFFFFB0  }
0x73: {  	s31 =	smov.u32 s29;
	s29 =	sadd.s32 $0xA00, s29;
	_ =	swait.ge @!p0 [sflag:s9], $0x2800  }
0x74: {  	s30 =	sadd.s32 $0x2, s30;
	s10 =	simm.s32 @!p0 $0x200;
	[sflag:s9] =	ssyncset.done @!p0 $0x0  }
0x75: {  	s2 =	simm.s32 @!p0 $0x0;
	[sflag:s9] =	ssyncadd.s32 @!p0 $0xFFFFD800;
	s9 =	simm.s32 @!p0 $0x2  }
0x76: {  	[tilespmem:s10], [sflag:$0x1] =	stream.indirect.gather @!p0 [hbm4b:s1+s19], $0x80, s2, s19, $0xb8;
	[tilespmem:$0x5200] =	vst v63  }
0x77: {  	p2 =	sgt.u32 @!p0 s28, $0x3C;
	s28 =	sadd.s32 $0x1, s28;
	_ =	swait.ge @!p0 [sflag:s9], $0x2800  }
.Ltmp0:
0x78: {  	p2 =	por p2, p0;
	s10 =	rddreg [dreg:$0x4];
	(pc) =	sbr.rel @p1 .LBB2_2-.Ltmp0, $4  }
0x79: {  	s11 =	simm.s32 @!p2 $0x80;
	[sflag:s9] =	ssyncset.done @!p0 $0x0;
	s0 =	sadd.s32 @!p2 s0, s10  }
0x7a: {  	s20 =	simm.s32 @!p2 $0x180;
	[sflag:s9] =	ssyncadd.s32 @!p0 $0xFFFFD800;
	s9 =	sshrl.u32 @!p2 s0, $0x3  }
0x7b: {  	s0 =	simm.s32 @!p2 $0x0;
	s10 =	sadd.s32 @!p2 s5, s9;
	s19 =	sadd.s32 @!p2 s7, s9  }
0x7c: {  	[tilespmem:s11], [sflag:$0x3] =	stream.linear.gather @!p2 [hbm4b:s10+s0], $0x50, $0x38;
	[tilespmem:$0x5200] =	vst v63  }
0x7d: {  	[tilespmem:s20], [sflag:$0x3] =	stream.linear.gather @!p2 [hbm4b:s19+s0], $0x50, $0x38;
	[tilespmem:$0x5200] =	vst v63  }
0x7e: {  	s24 =	sadd.s32 $0x1, s24  }
0x7f: {  	[hbm4b:s31+s2] =	stream.linear.scatter @!p0 [tilespmem:s25], [sflag:$0x4], $0x2800, $0x38;
	[tilespmem:$0x5200] =	vst v63  }
0x80: {  	p0 =	sne.s32 s24, s13;
	_ =	swait.ge [sflag:s23], $0x2800  }
.Ltmp1:
0x81: {  	[sflag:s23] =	ssyncset.done $0x0;
	(pc) =	sbr.rel @p0 .LBB2_1-.Ltmp1, $4  }
0x82: {  	[sflag:s23] =	ssyncadd.s32 $0xFFFFD800  }
0x83: {  	_ =	swait.ge [sflag:s23], $0x2800  }
0x84: {  	[sflag:s23] =	ssyncset.done $0x0  }
0x85: {  	[sflag:s23] =	ssyncadd.s32 $0xFFFFD800  }
0x86: {  	_ =	sfence.sel $0x180000  }
0x87: {  	[bflag:$0x0] =	sbarrier.arrive $0xFFFF  }
0x88: {  	_ =	strace $0x9000004A  }
0x89: {  	s0 =	stileid.u32;
	[bflag:$0x2] =	sbarrier.arrive $0xFFFF  }
0x8a: {  	p0 =	sne.s32 s0, $0x0;
	s0 =	rddreg [dreg:$0x2]  }
0x8b: {  	s0 =	sadd.s32 @!p0 $0x100000, s0  }
0x8c: {  	[sflag:s0] =	ssyncadd.tile.s32 @!p0 $0x1;
	_ =	shalt  }
.Lfunc_end2:
_tile_overlayer_lowered:
.L_overlay_start_2:
0x8d: {  	(tag) =	ssettag $0x2  }
0x8e: {  	s0 =	rddreg [dreg:$0x0];
	s2 =	stileid.u32  }
0x8f: {  	s1 =	rddreg [dreg:$0x1];
	p0 =	sne.s32 s2, $0x0  }
0x90: {  	s3 =	rddreg [dreg:$0x2];
	[bflag:$0x3] =	sbarrier.arrive $0xFFFF;
	s2 =	simm.s32 @!p0 $0x1C05  }
0x91: {  	[timem:s3], [sflag:s2] =	dma.local @!p0 [hbm:s0], s1  }
0x92: {  	s0 =	simm.s32 @!p0 $0x5  }
0x93: {  	_ =	swait.ge @!p0 [sflag:s0], s1  }
0x94: {  	s1 =	ssub.s32 @!p0 $0x0, s1;
	[sflag:s0] =	ssyncset.done @!p0 $0x0  }
0x95: {  	[sflag:s0] =	ssyncadd.s32 @!p0 s1  }
0x96: {  	[bflag:$0x3] =	sbarrier.arrive $0xFFFF  }
0x97: {  	_ =	shalt  }

</sc_bundles>
